<compile_context>
chip_gen: v7x
topology: tpu7x:2x2x1
jax: 0.10.2.dev20260603
libtpu: 0.0.44.dev20260713+nightly
codegen_flags: <defaults>
</compile_context>

<pallas_src>
import jax
import jax.numpy as jnp
from jax import lax
from jax.experimental import pallas as pl
from jax.experimental.pallas import tpu as pltpu
from jax.experimental.pallas import tpu_sc as plsc

NUM_CLASSES = 1000000
HIDDEN_SIZE = 32
DROPOUT_PROB = 0.1
BATCH = 16384

_NW = 32
_CW = 1024
_TAIL_LO = 999424
_TAIL_N = NUM_CLASSES + 1 - _TAIL_LO
_CAP = 64
_DUMP = BATCH
_RING = 2


def _body(lbl_hbm, tableT_hbm, tail_hbm, out_hbm, labels_v, llist_v, cbkt_v,
          ccnt_v, cbuf_v, tail_v, stag_v, csem, ssem):
    w = lax.axis_index("s") * 2 + lax.axis_index("c")
    i16 = lax.iota(jnp.int32, 16)
    zeros16 = jnp.zeros((16,), jnp.int32)
    nfull = jnp.where(w < 16, 31, 30)

    def fire(c):
        par = lax.rem(c, 2)
        start = pl.multiple_of(c * (_NW * _CW) + w * _CW, _CW)
        pltpu.async_copy(
            tableT_hbm.at[:, pl.ds(start, _CW)],
            cbuf_v.at[pl.ds(pl.multiple_of(par * 32, 32), 32)],
            csem,
        )

    def wait_chunk():
        pltpu.make_async_copy(
            tableT_hbm.at[:, pl.ds(0, _CW)],
            cbuf_v.at[pl.ds(0, 32)],
            csem,
        ).wait()

    def wait_scat():
        pltpu.make_async_copy(
            stag_v.at[pl.ds(0, 16)],
            out_hbm.at[pl.ds(0, 16)],
            ssem,
        ).wait()

    fire(0)
    pltpu.sync_copy(lbl_hbm, labels_v)

    @pl.loop(0, 4)
    def _(j):
        ccnt_v[pl.ds(j * 16, 16)] = zeros16

    cal = plsc.scan_count(zeros16)[0] - i16

    def routea(g, ptr):
        lbl = labels_v[pl.ds(pl.multiple_of(g * 16, 16), 16)]
        own = ((lbl >> 10) & (_NW - 1)) == w
        c = lbl >> 15
        packed = (c << 24) | ((lbl & (_CW - 1)) << 14) | (g * 16 + i16)
        pc = plsc.cumsum(jnp.where(own, 1, 0))
        tgt = jnp.where(own, ptr + pc - 1, BATCH + i16)
        plsc.store_scatter(llist_v, [tgt], packed)
        return ptr + pc[15]

    lcnt = lax.fori_loop(0, BATCH // 16, routea, jnp.int32(0))

    def routeb(g, x):
        v = llist_v[pl.ds(pl.multiple_of(g * 16, 16), 16)]
        valid = g * 16 + i16 < lcnt
        c = jnp.clip(v >> 24, 0, 31)
        rank, last = plsc.scan_count(c, mask=valid)
        rank0 = rank - cal
        base = plsc.load_gather(ccnt_v, [c])
        idx0 = base + rank0
        ok = valid & (idx0 < _CAP)
        tgtb = jnp.where(ok, c * _CAP + idx0, 32 * _CAP + i16)
        plsc.store_scatter(cbkt_v, [tgtb], v)
        tgtc = jnp.where(valid & last, c, 32 + i16)
        plsc.store_scatter(ccnt_v, [tgtc], idx0 + 1)
        return x

    lax.fori_loop(0, lax.div(lcnt + 15, jnp.int32(16)), routeb, jnp.int32(0))

    def process(buf_v, row0, c, gctr):
        cbase = pl.multiple_of((c >> 4) << 4, 16)
        grp = ccnt_v[pl.ds(cbase, 16)]
        scnt = jnp.sum(jnp.where(i16 == (c & 15), grp, 0))

        def emit(col, pos, gctr):
            @pl.when(gctr >= _RING)
            def _():
                wait_scat()

            slot = lax.rem(gctr, jnp.int32(_RING))
            srow = slot * 16
            for h in range(HIDDEN_SIZE):
                vals = plsc.load_gather(buf_v, [zeros16 + row0 + h, col])
                plsc.store_scatter(
                    stag_v, [srow + i16, zeros16 + h], vals)
            pltpu.async_copy(
                stag_v.at[pl.ds(pl.multiple_of(srow, 16), 16)],
                out_hbm.at[pos],
                ssem,
            )
            return gctr + 1

        def fast(gctr):
            def group(g, gctr):
                v = cbkt_v[pl.ds(pl.multiple_of(c * _CAP, _CAP)
                                 + pl.multiple_of(g * 16, 16), 16)]
                lm = g * 16 + i16 < scnt
                col = jnp.where(lm, (v >> 14) & (_CW - 1), 0)
                pos = jnp.where(lm, v & 0x3FFF, _DUMP + w)
                return emit(col, pos, gctr)

            return lax.fori_loop(0, lax.div(scnt + 15, jnp.int32(16)),
                                 group, gctr)

        def slow(gctr):
            def group(g, gctr):
                lbl = labels_v[pl.ds(pl.multiple_of(g * 16, 16), 16)]
                m = (((lbl >> 10) & (_NW - 1)) == w) & ((lbl >> 15) == c)
                col = jnp.where(m, lbl & (_CW - 1), 0)
                pos = jnp.where(m, g * 16 + i16, _DUMP + w)
                return emit(col, pos, gctr)

            return lax.fori_loop(0, BATCH // 16, group, gctr)

        return lax.cond(scnt <= _CAP, fast, slow, gctr)

    def chunk_body(c, gctr):
        @pl.when(c + 1 < nfull)
        def _():
            fire(c + 1)
        wait_chunk()
        return process(cbuf_v, lax.rem(c, 2) * 32, c, gctr)

    gctr = lax.fori_loop(0, nfull, chunk_body, jnp.int32(0))

    def tail(g):
        pltpu.sync_copy(tail_hbm, tail_v)
        return process(tail_v, 0, jnp.int32(30), g)

    gctr = lax.cond(w == 16, tail, lambda g: g, gctr)

    def drain(i, x):
        wait_scat()
        return x

    lax.fori_loop(0, jnp.minimum(gctr, _RING), drain, jnp.int32(0))


@jax.jit
def _sc_stream_gather(idx, tableT, tailT):
    mesh = plsc.VectorSubcoreMesh(core_axis_name="c", subcore_axis_name="s")
    return pl.kernel(
        _body,
        out_type=jax.ShapeDtypeStruct((BATCH + _NW, 128), jnp.float32),
        mesh=mesh,
        scratch_types=[
            pltpu.VMEM((BATCH,), jnp.int32),
            pltpu.VMEM((BATCH + 16,), jnp.int32),
            pltpu.VMEM((32 * _CAP + 16,), jnp.int32),
            pltpu.VMEM((48,), jnp.int32),
            pltpu.VMEM((64, _CW), jnp.float32),
            pltpu.VMEM((32, _TAIL_N), jnp.float32),
            pltpu.VMEM((_RING * 16, 128), jnp.float32),
            pltpu.SemaphoreType.DMA,
            pltpu.SemaphoreType.DMA,
        ],
        compiler_params=pltpu.CompilerParams(use_tc_tiling_on_sc=True,
                                             needs_layout_passes=False),
    )(idx, tableT, tailT)


def kernel(labels, train, embedding_table):
    active = jnp.logical_and(train, DROPOUT_PROB > 0)
    drop = jax.random.uniform(jax.random.key(1), (labels.shape[0],)) < DROPOUT_PROB
    drop = drop & (labels != NUM_CLASSES) & active
    labels = jnp.where(drop, jnp.full_like(labels, NUM_CLASSES), labels)
    idx = labels.astype(jnp.int32)
    tableT = embedding_table.T
    out_k = _sc_stream_gather(idx, tableT, tableT[:, _TAIL_LO:])
    return out_k[:BATCH, :HIDDEN_SIZE]

# --- scband reference (transcript-rebuilt; emitter-appended) ---
"""Pipeline reference for scband-label-embedder-45354854645860 (READ-ONLY COPY).

The authoritative reference and input builder live on the scoring server;
editing this copy changes nothing except your own understanding.
"""

import jax, jax.numpy as jnp
import numpy as np

NUM_CLASSES = 1000000
HIDDEN_SIZE = 32
DROPOUT_PROB = 0.1
BATCH = 16384

def setup_inputs(seed: int = 0) -> dict:
    key = jax.random.key(seed)
    k1, k2 = jax.random.split(key)
    labels = jax.random.randint(k1, (BATCH,), 0, NUM_CLASSES, dtype=jnp.int64 if jax.config.jax_enable_x64 else jnp.int32)
    # embedding table has num_classes + 1 rows (last row is the 'null'/dropped class)
    embedding_table = jax.random.normal(k2, (NUM_CLASSES + 1, HIDDEN_SIZE), dtype=jnp.float32)
    return {"labels": labels, "train": False, "embedding_table": embedding_table}

def _maybe_drop(labels, train, key):
    active = jnp.logical_and(train, DROPOUT_PROB > 0)
    drop_ids = jax.random.uniform(key, (labels.shape[0],)) < DROPOUT_PROB
    drop_ids = drop_ids & (labels != NUM_CLASSES) & active
    return jnp.where(drop_ids, jnp.full_like(labels, NUM_CLASSES), labels)

def reference(labels, train, embedding_table):
    # classifier-free guidance style label dropout (inactive when train=False)
    labels = _maybe_drop(labels, train, jax.random.key(1))
    # embedding lookup: gather rows from table
    return jnp.take(embedding_table, labels, axis=0)

if __name__ == "__main__":
    import jax
    _d = setup_inputs()
    print(jax.jit(kernel)(*tuple(_d.values())))

</pallas_src>

<mosaic_0001>
#map = affine_map<(d0, d1) -> (0)>
#map1 = affine_map<(d0, d1) -> (0, 0)>
module attributes {stable_mosaic.version = 14 : i64} {
  func.func @_body(%arg0: i32, %arg1: i32, %arg2: memref<16384xi32, #tpu.memory_space<hbm>>, %arg3: memref<32x1000001xf32, #tpu.memory_space<hbm>>, %arg4: memref<32x577xf32, #tpu.memory_space<hbm>>, %arg5: memref<16416x128xf32, #tpu.memory_space<hbm>>, %arg6: memref<16384xi32, #tpu.memory_space<vmem>>, %arg7: memref<16400xi32, #tpu.memory_space<vmem>>, %arg8: memref<2064xi32, #tpu.memory_space<vmem>>, %arg9: memref<48xi32, #tpu.memory_space<vmem>>, %arg10: memref<64x1024xf32, #tpu.memory_space<vmem>>, %arg11: memref<32x577xf32, #tpu.memory_space<vmem>>, %arg12: memref<32x128xf32, #tpu.memory_space<vmem>>, %arg13: memref<!tpu.dma_semaphore, #tpu.memory_space<semaphore_mem>>, %arg14: memref<!tpu.dma_semaphore, #tpu.memory_space<semaphore_mem>>) attributes {dimension_semantics = [#tpu.dimension_semantics<core_parallel>, #tpu.dimension_semantics<subcore_parallel>], iteration_bounds = array<i64: 2, 16>, scalar_prefetch = 0 : i64, scratch_operands = 9 : i64, tpu.core_type = #tpu.core_type<sc_vector_subcore>, window_params = [{transform_indices = #map}, {transform_indices = #map1}, {transform_indices = #map1}, {transform_indices = #map1}]} {
    %mul3A = arith.constant 2 : i32
    %mul3A_0 = arith.muli %arg1, %mul3A : i32
    %add3A = arith.addi %mul3A_0, %arg0 : i32
    %iota3A = tpu.iota {dimensions = array<i32: 0>} : vector<16xi32>
    %broadcast_in_dim3A = arith.constant 0 : i32
    %broadcast_in_dim3A_1 = vector.broadcast %broadcast_in_dim3A : i32 to vector<16xi32>
    %lt3A = arith.constant 16 : i32
    %lt3A_2 = arith.cmpi slt, %add3A, %lt3A : i32
    %jit3A = arith.constant 31 : i32
    %jit3A_3 = arith.constant 30 : i32
    %select_n3A = arith.select %lt3A_2, %jit3A, %jit3A_3 : i32
    %rem3A = arith.constant 0 : i32
    %rem3A_4 = arith.constant 2 : i32
    %rem3A_5 = arith.remsi %rem3A, %rem3A_4 : i32
    %mul3A_6 = arith.constant 1024 : i32
    %mul3A_7 = arith.muli %add3A, %mul3A_6 : i32
    %add3A_8 = arith.constant 0 : i32
    %add3A_9 = arith.addi %add3A_8, %mul3A_7 : i32
    %multiple_of3A = tpu.assume_multiple %add3A_9, 1024 : i32
    %mul3A_10 = arith.constant 32 : i32
    %mul3A_11 = arith.muli %rem3A_5, %mul3A_10 : i32
    %multiple_of3A_12 = tpu.assume_multiple %mul3A_11, 32 : i32
    %dma_start3A = arith.constant 0 : i32
    %dma_start3A_13 = tpu.memref_slice %arg10[%multiple_of3A_12, %dma_start3A] : memref<64x1024xf32, #tpu.memory_space<vmem>> -> memref<32x1024xf32, #tpu.memory_space<vmem>>
    %dma_start3A_14 = arith.constant 0 : i32
    %dma_start3A_15 = tpu.memref_slice %arg3[%dma_start3A_14, %multiple_of3A] : memref<32x1000001xf32, #tpu.memory_space<hbm>> -> memref<32x1024xf32, #tpu.memory_space<hbm>>
    %dma_start3A_16 = arith.constant 0 : i32
    %dma_start3A_17 = tpu.memref_slice %arg10[%multiple_of3A_12, %dma_start3A_16] : memref<64x1024xf32, #tpu.memory_space<vmem>> -> memref<32x1024xf32, #tpu.memory_space<vmem>>
    %dma_start3A_18 = arith.constant 0 : i32
    %dma_start3A_19 = tpu.memref_slice %arg3[%dma_start3A_18, %multiple_of3A] : memref<32x1000001xf32, #tpu.memory_space<hbm>> -> memref<32x1024xf32, #tpu.memory_space<hbm>>
    tpu.enqueue_dma source(%dma_start3A_19 : memref<32x1024xf32, #tpu.memory_space<hbm>>) target(%dma_start3A_17 : memref<32x1024xf32, #tpu.memory_space<vmem>>) target_semaphore(%arg13 : memref<!tpu.dma_semaphore, #tpu.memory_space<semaphore_mem>>)
    "tpu.region"() ({
      %run_scoped3A = tpu.sem_alloc : memref<!tpu.dma_semaphore, #tpu.memory_space<semaphore_mem>>
      tpu.enqueue_dma source(%arg2 : memref<16384xi32, #tpu.memory_space<hbm>>) target(%arg6 : memref<16384xi32, #tpu.memory_space<vmem>>) target_semaphore(%run_scoped3A : memref<!tpu.dma_semaphore, #tpu.memory_space<semaphore_mem>>)
      tpu.wait_dma2 semaphore(%run_scoped3A : memref<!tpu.dma_semaphore, #tpu.memory_space<semaphore_mem>>) src(%arg2 : memref<16384xi32, #tpu.memory_space<hbm>>) dst(%arg6 : memref<16384xi32, #tpu.memory_space<vmem>>)
      tpu.yield
    }) : () -> ()
    %scan3A = arith.constant 0 : i32
    %scan3A_20 = arith.constant 4 : i32
    %scan3A_21 = arith.addi %scan3A, %scan3A_20 : i32
    %scan3A_22 = arith.constant 1 : i32
    scf.for %scan3A_72 = %scan3A to %scan3A_21 step %scan3A_22  : i32 {
      %mul3A_73 = arith.constant 1 : i32
      %mul3A_74 = arith.muli %scan3A_72, %mul3A_73 : i32
      %add3A_75 = arith.constant 0 : i32
      %add3A_76 = arith.addi %add3A_75, %mul3A_74 : i32
      %mul3A_77 = arith.constant 16 : i32
      %mul3A_78 = arith.muli %add3A_76, %mul3A_77 : i32
      %swap3A = arith.index_cast %mul3A_78 : i32 to index
      %swap3A_79 = tpu.vector_load %arg9[%swap3A] {strides = array<i32>} : memref<48xi32, #tpu.memory_space<vmem>>, vector<16xi32>,
      tpu.vector_store %arg9[%swap3A], %broadcast_in_dim3A_1 {strides = array<i32>} : memref<48xi32, #tpu.memory_space<vmem>>, vector<16xi32>,
    }
    %scan3A_23 = arith.constant 4 : i32
    %broadcast_in_dim3A_24 = arith.constant true
    %broadcast_in_dim3A_25 = vector.broadcast %broadcast_in_dim3A_24 : i1 to vector<16xi1>
    %unique3A, %unique3A_26 = tpu.scan_count mask(%broadcast_in_dim3A_25 : vector<16xi1>) value(%broadcast_in_dim3A_1 : vector<16xi32>) : vector<16xi1>, vector<16xi32>
    %sub3A = arith.subi %unique3A_26, %iota3A : vector<16xi32>
    %scan3A_27 = arith.constant 0 : i32
    %scan3A_28 = arith.constant 0 : i32
    %scan3A_29 = arith.constant 1024 : i32
    %scan3A_30 = arith.addi %scan3A_28, %scan3A_29 : i32
    %scan3A_31 = arith.constant 1 : i32
    %scan3A_32 = scf.for %scan3A_72 = %scan3A_28 to %scan3A_30 step %scan3A_31 iter_args(%scan3A_73 = %scan3A_27) -> (i32)  : i32 {
      %mul3A_74 = arith.constant 16 : i32
      %mul3A_75 = arith.muli %scan3A_72, %mul3A_74 : i32
      %multiple_of3A_76 = tpu.assume_multiple %mul3A_75, 16 : i32
      %get3A = arith.index_cast %multiple_of3A_76 : i32 to index
      %get3A_77 = tpu.vector_load %arg6[%get3A] {strides = array<i32>} : memref<16384xi32, #tpu.memory_space<vmem>>, vector<16xi32>,
      %shift_right_arithmetic3A = arith.constant 10 : i32
      %shift_right_arithmetic3A_78 = vector.broadcast %shift_right_arithmetic3A : i32 to vector<16xi32>
      %shift_right_arithmetic3A_79 = arith.shrsi %get3A_77, %shift_right_arithmetic3A_78 : vector<16xi32>
      %and3A = arith.constant 31 : i32
      %and3A_80 = vector.broadcast %and3A : i32 to vector<16xi32>
      %and3A_81 = arith.andi %shift_right_arithmetic3A_79, %and3A_80 : vector<16xi32>
      %eq3A_82 = vector.broadcast %add3A : i32 to vector<16xi32>
      %eq3A_83 = arith.cmpi eq, %and3A_81, %eq3A_82 : vector<16xi32>
      %shift_right_arithmetic3A_84 = arith.constant 15 : i32
      %shift_right_arithmetic3A_85 = vector.broadcast %shift_right_arithmetic3A_84 : i32 to vector<16xi32>
      %shift_right_arithmetic3A_86 = arith.shrsi %get3A_77, %shift_right_arithmetic3A_85 : vector<16xi32>
      %shift_left3A = arith.constant 24 : i32
      %shift_left3A_87 = vector.broadcast %shift_left3A : i32 to vector<16xi32>
      %shift_left3A_88 = arith.shli %shift_right_arithmetic3A_86, %shift_left3A_87 : vector<16xi32>
      %and3A_89 = arith.constant 1023 : i32
      %and3A_90 = vector.broadcast %and3A_89 : i32 to vector<16xi32>
      %and3A_91 = arith.andi %get3A_77, %and3A_90 : vector<16xi32>
      %shift_left3A_92 = arith.constant 14 : i32
      %shift_left3A_93 = vector.broadcast %shift_left3A_92 : i32 to vector<16xi32>
      %shift_left3A_94 = arith.shli %and3A_91, %shift_left3A_93 : vector<16xi32>
      %or3A = arith.ori %shift_left3A_88, %shift_left3A_94 : vector<16xi32>
      %mul3A_95 = arith.constant 16 : i32
      %mul3A_96 = arith.muli %scan3A_72, %mul3A_95 : i32
      %add3A_97 = vector.broadcast %mul3A_96 : i32 to vector<16xi32>
      %add3A_98 = arith.addi %add3A_97, %iota3A : vector<16xi32>
      %or3A_99 = arith.ori %or3A, %add3A_98 : vector<16xi32>
      %jit3A_100 = arith.constant 1 : i32
      %jit3A_101 = arith.constant 0 : i32
      %broadcast_in_dim3A_102 = vector.broadcast %jit3A_100 : i32 to vector<16xi32>
      %broadcast_in_dim3A_103 = vector.broadcast %jit3A_101 : i32 to vector<16xi32>
      %select_n3A_104 = arith.select %eq3A_83, %broadcast_in_dim3A_102, %broadcast_in_dim3A_103 : vector<16xi1>, vector<16xi32>
      %broadcast_in_dim3A_105 = arith.constant true
      %broadcast_in_dim3A_106 = vector.broadcast %broadcast_in_dim3A_105 : i1 to vector<16xi1>
      %masked_cumsum3A = tpu.scan <sum>, %select_n3A_104 masked %broadcast_in_dim3A_106 : vector<16xi32>, vector<16xi1> -> vector<16xi32>
      %add3A_107 = vector.broadcast %scan3A_73 : i32 to vector<16xi32>
      %add3A_108 = arith.addi %add3A_107, %masked_cumsum3A : vector<16xi32>
      %sub3A_109 = arith.constant 1 : i32
      %sub3A_110 = vector.broadcast %sub3A_109 : i32 to vector<16xi32>
      %sub3A_111 = arith.subi %add3A_108, %sub3A_110 : vector<16xi32>
      %add3A_112 = arith.constant 16384 : i32
      %add3A_113 = vector.broadcast %add3A_112 : i32 to vector<16xi32>
      %add3A_114 = arith.addi %add3A_113, %iota3A : vector<16xi32>
      %select_n3A_115 = arith.select %eq3A_83, %sub3A_111, %add3A_114 : vector<16xi1>, vector<16xi32>
      tpu.vector_store_idx %arg7[%select_n3A_115], %or3A_99 : memref<16400xi32, #tpu.memory_space<vmem>>[vector<16xi32>], vector<16xi32>,
      %slice3A = vector.extract_strided_slice %masked_cumsum3A {offsets = [15], sizes = [1], strides = [1]} : vector<16xi32> to vector<1xi32>
      %squeeze3A = vector.extract %slice3A[0] : i32 from vector<1xi32>
      %add3A_116 = arith.addi %scan3A_73, %squeeze3A : i32
      scf.yield %add3A_116 : i32
    }
    %scan3A_33 = arith.constant 1024 : i32
    %add3A_34 = arith.constant 15 : i32
    %add3A_35 = arith.addi %scan3A_32, %add3A_34 : i32
    %div3A = arith.constant 16 : i32
    %div3A_36 = arith.divsi %add3A_35, %div3A : i32
    %while3A = arith.constant 0 : i32
    %while3A_37 = arith.constant 0 : i32
    %while3A_38 = arith.subi %div3A_36, %while3A_37 : i32
    %while3A_39 = arith.addi %while3A_37, %while3A_38 : i32
    %while3A_40 = arith.constant 1 : i32
    %while3A_41 = arith.divsi %while3A_38, %while3A_40 : i32
    %while3A_42 = arith.muli %while3A_41, %while3A_40 : i32
    %while3A_43 = arith.addi %while3A_37, %while3A_42 : i32
    %while3A_44 = arith.constant 1 : i32
    scf.for %while3A_72 = %while3A_37 to %while3A_43 step %while3A_44  : i32 {
      %mul3A_73 = arith.constant 16 : i32
      %mul3A_74 = arith.muli %while3A_72, %mul3A_73 : i32
      %multiple_of3A_75 = tpu.assume_multiple %mul3A_74, 16 : i32
      %get3A = arith.index_cast %multiple_of3A_75 : i32 to index
      %get3A_76 = tpu.vector_load %arg7[%get3A] {strides = array<i32>} : memref<16400xi32, #tpu.memory_space<vmem>>, vector<16xi32>,
      %mul3A_77 = arith.constant 16 : i32
      %mul3A_78 = arith.muli %while3A_72, %mul3A_77 : i32
      %add3A_79 = vector.broadcast %mul3A_78 : i32 to vector<16xi32>
      %add3A_80 = arith.addi %add3A_79, %iota3A : vector<16xi32>
      %lt3A_81 = vector.broadcast %scan3A_32 : i32 to vector<16xi32>
      %lt3A_82 = arith.cmpi slt, %add3A_80, %lt3A_81 : vector<16xi32>
      %shift_right_arithmetic3A = arith.constant 24 : i32
      %shift_right_arithmetic3A_83 = vector.broadcast %shift_right_arithmetic3A : i32 to vector<16xi32>
      %shift_right_arithmetic3A_84 = arith.shrsi %get3A_76, %shift_right_arithmetic3A_83 : vector<16xi32>
      %jit3A_85 = arith.constant 0 : i32
      %jit3A_86 = arith.constant 31 : i32
      %max3A = vector.broadcast %jit3A_85 : i32 to vector<16xi32>
      %max3A_87 = arith.maxsi %max3A, %shift_right_arithmetic3A_84 : vector<16xi32>
      %min3A_88 = vector.broadcast %jit3A_86 : i32 to vector<16xi32>
      %min3A_89 = arith.minsi %min3A_88, %max3A_87 : vector<16xi32>
      %unique3A_90, %unique3A_91 = tpu.scan_count mask(%lt3A_82 : vector<16xi1>) value(%min3A_89 : vector<16xi32>) : vector<16xi1>, vector<16xi32>
      %sub3A_92 = arith.subi %unique3A_91, %sub3A : vector<16xi32>
      %gather3A = tpu.vector_load_idx %arg9[%min3A_89] : memref<48xi32, #tpu.memory_space<vmem>>[vector<16xi32>], vector<16xi32>,
      %add3A_93 = arith.addi %gather3A, %sub3A_92 : vector<16xi32>
      %lt3A_94 = arith.constant 64 : i32
      %lt3A_95 = vector.broadcast %lt3A_94 : i32 to vector<16xi32>
      %lt3A_96 = arith.cmpi slt, %add3A_93, %lt3A_95 : vector<16xi32>
      %and3A = arith.andi %lt3A_82, %lt3A_96 : vector<16xi1>
      %mul3A_97 = arith.constant 64 : i32
      %mul3A_98 = vector.broadcast %mul3A_97 : i32 to vector<16xi32>
      %mul3A_99 = arith.muli %min3A_89, %mul3A_98 : vector<16xi32>
      %add3A_100 = arith.addi %mul3A_99, %add3A_93 : vector<16xi32>
      %add3A_101 = arith.constant 2048 : i32
      %add3A_102 = vector.broadcast %add3A_101 : i32 to vector<16xi32>
      %add3A_103 = arith.addi %add3A_102, %iota3A : vector<16xi32>
      %select_n3A_104 = arith.select %and3A, %add3A_100, %add3A_103 : vector<16xi1>, vector<16xi32>
      tpu.vector_store_idx %arg8[%select_n3A_104], %get3A_76 : memref<2064xi32, #tpu.memory_space<vmem>>[vector<16xi32>], vector<16xi32>,
      %and3A_105 = arith.andi %lt3A_82, %unique3A_90 : vector<16xi1>
      %add3A_106 = arith.constant 32 : i32
      %add3A_107 = vector.broadcast %add3A_106 : i32 to vector<16xi32>
      %add3A_108 = arith.addi %add3A_107, %iota3A : vector<16xi32>
      %select_n3A_109 = arith.select %and3A_105, %min3A_89, %add3A_108 : vector<16xi1>, vector<16xi32>
      %add3A_110 = arith.constant 1 : i32
      %add3A_111 = vector.broadcast %add3A_110 : i32 to vector<16xi32>
      %add3A_112 = arith.addi %add3A_93, %add3A_111 : vector<16xi32>
      tpu.vector_store_idx %arg9[%select_n3A_109], %add3A_112 : memref<48xi32, #tpu.memory_space<vmem>>[vector<16xi32>], vector<16xi32>,
    }
    %while3A_45 = arith.constant 1 : i32
    scf.for %while3A_72 = %while3A_43 to %while3A_39 step %while3A_45  : i32 {
      %mul3A_73 = arith.constant 16 : i32
      %mul3A_74 = arith.muli %while3A_72, %mul3A_73 : i32
      %multiple_of3A_75 = tpu.assume_multiple %mul3A_74, 16 : i32
      %get3A = arith.index_cast %multiple_of3A_75 : i32 to index
      %get3A_76 = tpu.vector_load %arg7[%get3A] {strides = array<i32>} : memref<16400xi32, #tpu.memory_space<vmem>>, vector<16xi32>,
      %mul3A_77 = arith.constant 16 : i32
      %mul3A_78 = arith.muli %while3A_72, %mul3A_77 : i32
      %add3A_79 = vector.broadcast %mul3A_78 : i32 to vector<16xi32>
      %add3A_80 = arith.addi %add3A_79, %iota3A : vector<16xi32>
      %lt3A_81 = vector.broadcast %scan3A_32 : i32 to vector<16xi32>
      %lt3A_82 = arith.cmpi slt, %add3A_80, %lt3A_81 : vector<16xi32>
      %shift_right_arithmetic3A = arith.constant 24 : i32
      %shift_right_arithmetic3A_83 = vector.broadcast %shift_right_arithmetic3A : i32 to vector<16xi32>
      %shift_right_arithmetic3A_84 = arith.shrsi %get3A_76, %shift_right_arithmetic3A_83 : vector<16xi32>
      %jit3A_85 = arith.constant 0 : i32
      %jit3A_86 = arith.constant 31 : i32
      %max3A = vector.broadcast %jit3A_85 : i32 to vector<16xi32>
      %max3A_87 = arith.maxsi %max3A, %shift_right_arithmetic3A_84 : vector<16xi32>
      %min3A_88 = vector.broadcast %jit3A_86 : i32 to vector<16xi32>
      %min3A_89 = arith.minsi %min3A_88, %max3A_87 : vector<16xi32>
      %unique3A_90, %unique3A_91 = tpu.scan_count mask(%lt3A_82 : vector<16xi1>) value(%min3A_89 : vector<16xi32>) : vector<16xi1>, vector<16xi32>
      %sub3A_92 = arith.subi %unique3A_91, %sub3A : vector<16xi32>
      %gather3A = tpu.vector_load_idx %arg9[%min3A_89] : memref<48xi32, #tpu.memory_space<vmem>>[vector<16xi32>], vector<16xi32>,
      %add3A_93 = arith.addi %gather3A, %sub3A_92 : vector<16xi32>
      %lt3A_94 = arith.constant 64 : i32
      %lt3A_95 = vector.broadcast %lt3A_94 : i32 to vector<16xi32>
      %lt3A_96 = arith.cmpi slt, %add3A_93, %lt3A_95 : vector<16xi32>
      %and3A = arith.andi %lt3A_82, %lt3A_96 : vector<16xi1>
      %mul3A_97 = arith.constant 64 : i32
      %mul3A_98 = vector.broadcast %mul3A_97 : i32 to vector<16xi32>
      %mul3A_99 = arith.muli %min3A_89, %mul3A_98 : vector<16xi32>
      %add3A_100 = arith.addi %mul3A_99, %add3A_93 : vector<16xi32>
      %add3A_101 = arith.constant 2048 : i32
      %add3A_102 = vector.broadcast %add3A_101 : i32 to vector<16xi32>
      %add3A_103 = arith.addi %add3A_102, %iota3A : vector<16xi32>
      %select_n3A_104 = arith.select %and3A, %add3A_100, %add3A_103 : vector<16xi1>, vector<16xi32>
      tpu.vector_store_idx %arg8[%select_n3A_104], %get3A_76 : memref<2064xi32, #tpu.memory_space<vmem>>[vector<16xi32>], vector<16xi32>,
      %and3A_105 = arith.andi %lt3A_82, %unique3A_90 : vector<16xi1>
      %add3A_106 = arith.constant 32 : i32
      %add3A_107 = vector.broadcast %add3A_106 : i32 to vector<16xi32>
      %add3A_108 = arith.addi %add3A_107, %iota3A : vector<16xi32>
      %select_n3A_109 = arith.select %and3A_105, %min3A_89, %add3A_108 : vector<16xi1>, vector<16xi32>
      %add3A_110 = arith.constant 1 : i32
      %add3A_111 = vector.broadcast %add3A_110 : i32 to vector<16xi32>
      %add3A_112 = arith.addi %add3A_93, %add3A_111 : vector<16xi32>
      tpu.vector_store_idx %arg9[%select_n3A_109], %add3A_112 : memref<48xi32, #tpu.memory_space<vmem>>[vector<16xi32>], vector<16xi32>,
    }
    %while3A_46 = arith.constant 0 : i32
    %while3A_47 = arith.constant 0 : i32
    %while3A_48 = arith.subi %select_n3A, %while3A_46 : i32
    %while3A_49 = arith.addi %while3A_46, %while3A_48 : i32
    %while3A_50 = arith.constant 1 : i32
    %while3A_51 = arith.divsi %while3A_48, %while3A_50 : i32
    %while3A_52 = arith.muli %while3A_51, %while3A_50 : i32
    %while3A_53 = arith.addi %while3A_46, %while3A_52 : i32
    %while3A_54 = arith.constant 1 : i32
    %while3A_55 = scf.for %while3A_72 = %while3A_46 to %while3A_53 step %while3A_54 iter_args(%while3A_73 = %while3A_47) -> (i32)  : i32 {
      %add3A_74 = arith.constant 1 : i32
      %add3A_75 = arith.addi %while3A_72, %add3A_74 : i32
      %lt3A_76 = arith.cmpi slt, %add3A_75, %select_n3A : i32
      %convert_element_type3A_77 = arith.extui %lt3A_76 : i1 to i32
      %cond3A_78 = arith.constant 0 : i32
      %cond3A_79 = arith.cmpi ne, %convert_element_type3A_77, %cond3A_78 : i32
      scf.if %cond3A_79 {
        %add3A_113 = arith.constant 1 : i32
        %add3A_114 = arith.addi %while3A_72, %add3A_113 : i32
        %rem3A_115 = arith.constant 2 : i32
        %rem3A_116 = arith.remsi %add3A_114, %rem3A_115 : i32
        %mul3A_117 = arith.constant 32768 : i32
        %mul3A_118 = arith.muli %add3A_114, %mul3A_117 : i32
        %mul3A_119 = arith.constant 1024 : i32
        %mul3A_120 = arith.muli %add3A, %mul3A_119 : i32
        %add3A_121 = arith.addi %mul3A_118, %mul3A_120 : i32
        %multiple_of3A_122 = tpu.assume_multiple %add3A_121, 1024 : i32
        %mul3A_123 = arith.constant 32 : i32
        %mul3A_124 = arith.muli %rem3A_116, %mul3A_123 : i32
        %multiple_of3A_125 = tpu.assume_multiple %mul3A_124, 32 : i32
        %dma_start3A_126 = arith.constant 0 : i32
        %dma_start3A_127 = tpu.memref_slice %arg10[%multiple_of3A_125, %dma_start3A_126] : memref<64x1024xf32, #tpu.memory_space<vmem>> -> memref<32x1024xf32, #tpu.memory_space<vmem>>
        %dma_start3A_128 = arith.constant 0 : i32
        %dma_start3A_129 = tpu.memref_slice %arg3[%dma_start3A_128, %multiple_of3A_122] : memref<32x1000001xf32, #tpu.memory_space<hbm>> -> memref<32x1024xf32, #tpu.memory_space<hbm>>
        %dma_start3A_130 = arith.constant 0 : i32
        %dma_start3A_131 = tpu.memref_slice %arg10[%multiple_of3A_125, %dma_start3A_130] : memref<64x1024xf32, #tpu.memory_space<vmem>> -> memref<32x1024xf32, #tpu.memory_space<vmem>>
        %dma_start3A_132 = arith.constant 0 : i32
        %dma_start3A_133 = tpu.memref_slice %arg3[%dma_start3A_132, %multiple_of3A_122] : memref<32x1000001xf32, #tpu.memory_space<hbm>> -> memref<32x1024xf32, #tpu.memory_space<hbm>>
        tpu.enqueue_dma source(%dma_start3A_133 : memref<32x1024xf32, #tpu.memory_space<hbm>>) target(%dma_start3A_131 : memref<32x1024xf32, #tpu.memory_space<vmem>>) target_semaphore(%arg13 : memref<!tpu.dma_semaphore, #tpu.memory_space<semaphore_mem>>)
      } else {
      }
      %dma_wait3A = arith.constant 0 : i32
      %dma_wait3A_80 = arith.constant 0 : i32
      %dma_wait3A_81 = tpu.memref_slice %arg10[%dma_wait3A, %dma_wait3A_80] : memref<64x1024xf32, #tpu.memory_space<vmem>> -> memref<32x1024xf32, #tpu.memory_space<vmem>>
      %dma_wait3A_82 = arith.constant 0 : i32
      %dma_wait3A_83 = arith.constant 0 : i32
      %dma_wait3A_84 = tpu.memref_slice %arg3[%dma_wait3A_82, %dma_wait3A_83] : memref<32x1000001xf32, #tpu.memory_space<hbm>> -> memref<32x1024xf32, #tpu.memory_space<hbm>>
      %dma_wait3A_85 = arith.constant 0 : i32
      %dma_wait3A_86 = arith.constant 0 : i32
      %dma_wait3A_87 = tpu.memref_slice %arg10[%dma_wait3A_85, %dma_wait3A_86] : memref<64x1024xf32, #tpu.memory_space<vmem>> -> memref<32x1024xf32, #tpu.memory_space<vmem>>
      %dma_wait3A_88 = arith.constant 0 : i32
      %dma_wait3A_89 = arith.constant 0 : i32
      %dma_wait3A_90 = tpu.memref_slice %arg3[%dma_wait3A_88, %dma_wait3A_89] : memref<32x1000001xf32, #tpu.memory_space<hbm>> -> memref<32x1024xf32, #tpu.memory_space<hbm>>
      tpu.wait_dma2 semaphore(%arg13 : memref<!tpu.dma_semaphore, #tpu.memory_space<semaphore_mem>>) src(%dma_wait3A_90 : memref<32x1024xf32, #tpu.memory_space<hbm>>) dst(%dma_wait3A_87 : memref<32x1024xf32, #tpu.memory_space<vmem>>)
      %rem3A_91 = arith.constant 2 : i32
      %rem3A_92 = arith.remsi %while3A_72, %rem3A_91 : i32
      %mul3A_93 = arith.constant 32 : i32
      %mul3A_94 = arith.muli %rem3A_92, %mul3A_93 : i32
      %shift_right_arithmetic3A = arith.constant 4 : i32
      %shift_right_arithmetic3A_95 = arith.shrsi %while3A_72, %shift_right_arithmetic3A : i32
      %shift_left3A = arith.constant 4 : i32
      %shift_left3A_96 = arith.shli %shift_right_arithmetic3A_95, %shift_left3A : i32
      %multiple_of3A_97 = tpu.assume_multiple %shift_left3A_96, 16 : i32
      %get3A = arith.index_cast %multiple_of3A_97 : i32 to index
      %get3A_98 = tpu.vector_load %arg9[%get3A] {strides = array<i32>} : memref<48xi32, #tpu.memory_space<vmem>>, vector<16xi32>,
      %and3A = arith.constant 15 : i32
      %and3A_99 = arith.andi %while3A_72, %and3A : i32
      %eq3A_100 = vector.broadcast %and3A_99 : i32 to vector<16xi32>
      %eq3A_101 = arith.cmpi eq, %iota3A, %eq3A_100 : vector<16xi32>
      %jit3A_102 = arith.constant 0 : i32
      %broadcast_in_dim3A_103 = vector.broadcast %jit3A_102 : i32 to vector<16xi32>
      %select_n3A_104 = arith.select %eq3A_101, %get3A_98, %broadcast_in_dim3A_103 : vector<16xi1>, vector<16xi32>
      %reduce_sum3A = arith.constant true
      %reduce_sum3A_105 = vector.broadcast %reduce_sum3A : i1 to vector<16xi1>
      %reduce_sum3A_106 = tpu.scan <sum>, %select_n3A_104 masked %reduce_sum3A_105 : vector<16xi32>, vector<16xi1> -> vector<16xi32>
      %reduce_sum3A_107 = vector.extract %reduce_sum3A_106[15] : i32 from vector<16xi32>
      %le3A = arith.constant 64 : i32
      %le3A_108 = arith.cmpi sle, %reduce_sum3A_107, %le3A : i32
      %convert_element_type3A_109 = arith.extui %le3A_108 : i1 to i32
      %cond3A_110 = arith.constant 0 : i32
      %cond3A_111 = arith.cmpi ne, %convert_element_type3A_109, %cond3A_110 : i32
      %cond3A_112 = scf.if %cond3A_111 -> (i32) {
        %add3A_113 = arith.constant 15 : i32
        %add3A_114 = arith.addi %reduce_sum3A_107, %add3A_113 : i32
        %div3A_115 = arith.constant 16 : i32
        %div3A_116 = arith.divsi %add3A_114, %div3A_115 : i32
        %while3A_117 = arith.constant 0 : i32
        %while3A_118 = arith.subi %div3A_116, %while3A_117 : i32
        %while3A_119 = arith.addi %while3A_117, %while3A_118 : i32
        %while3A_120 = arith.constant 1 : i32
        %while3A_121 = arith.divsi %while3A_118, %while3A_120 : i32
        %while3A_122 = arith.muli %while3A_121, %while3A_120 : i32
        %while3A_123 = arith.addi %while3A_117, %while3A_122 : i32
        %while3A_124 = arith.constant 1 : i32
        %while3A_125 = scf.for %while3A_128 = %while3A_117 to %while3A_123 step %while3A_124 iter_args(%while3A_129 = %while3A_73) -> (i32)  : i32 {
          %mul3A_130 = arith.constant 64 : i32
          %mul3A_131 = arith.muli %while3A_72, %mul3A_130 : i32
          %multiple_of3A_132 = tpu.assume_multiple %mul3A_131, 64 : i32
          %mul3A_133 = arith.constant 16 : i32
          %mul3A_134 = arith.muli %while3A_128, %mul3A_133 : i32
          %multiple_of3A_135 = tpu.assume_multiple %mul3A_134, 16 : i32
          %add3A_136 = arith.addi %multiple_of3A_132, %multiple_of3A_135 : i32
          %get3A_137 = arith.index_cast %add3A_136 : i32 to index
          %get3A_138 = tpu.vector_load %arg8[%get3A_137] {strides = array<i32>} : memref<2064xi32, #tpu.memory_space<vmem>>, vector<16xi32>,
          %mul3A_139 = arith.constant 16 : i32
          %mul3A_140 = arith.muli %while3A_128, %mul3A_139 : i32
          %add3A_141 = vector.broadcast %mul3A_140 : i32 to vector<16xi32>
          %add3A_142 = arith.addi %add3A_141, %iota3A : vector<16xi32>
          %lt3A_143 = vector.broadcast %reduce_sum3A_107 : i32 to vector<16xi32>
          %lt3A_144 = arith.cmpi slt, %add3A_142, %lt3A_143 : vector<16xi32>
          %shift_right_arithmetic3A_145 = arith.constant 14 : i32
          %shift_right_arithmetic3A_146 = vector.broadcast %shift_right_arithmetic3A_145 : i32 to vector<16xi32>
          %shift_right_arithmetic3A_147 = arith.shrsi %get3A_138, %shift_right_arithmetic3A_146 : vector<16xi32>
          %and3A_148 = arith.constant 1023 : i32
          %and3A_149 = vector.broadcast %and3A_148 : i32 to vector<16xi32>
          %and3A_150 = arith.andi %shift_right_arithmetic3A_147, %and3A_149 : vector<16xi32>
          %jit3A_151 = arith.constant 0 : i32
          %broadcast_in_dim3A_152 = vector.broadcast %jit3A_151 : i32 to vector<16xi32>
          %select_n3A_153 = arith.select %lt3A_144, %and3A_150, %broadcast_in_dim3A_152 : vector<16xi1>, vector<16xi32>
          %and3A_154 = arith.constant 16383 : i32
          %and3A_155 = vector.broadcast %and3A_154 : i32 to vector<16xi32>
          %and3A_156 = arith.andi %get3A_138, %and3A_155 : vector<16xi32>
          %add3A_157 = arith.constant 16384 : i32
          %add3A_158 = arith.addi %add3A_157, %add3A : i32
          %broadcast_in_dim3A_159 = vector.broadcast %add3A_158 : i32 to vector<16xi32>
          %select_n3A_160 = arith.select %lt3A_144, %and3A_156, %broadcast_in_dim3A_159 : vector<16xi1>, vector<16xi32>
          %ge3A = arith.constant 2 : i32
          %ge3A_161 = arith.cmpi sge, %while3A_129, %ge3A : i32
          %convert_element_type3A_162 = arith.extui %ge3A_161 : i1 to i32
          %cond3A_163 = arith.constant 0 : i32
          %cond3A_164 = arith.cmpi ne, %convert_element_type3A_162, %cond3A_163 : i32
          scf.if %cond3A_164 {
            %dma_wait3A_528 = arith.constant 0 : i32
            %dma_wait3A_529 = arith.constant 0 : i32
            %dma_wait3A_530 = tpu.memref_slice %arg12[%dma_wait3A_528, %dma_wait3A_529] : memref<32x128xf32, #tpu.memory_space<vmem>> -> memref<16x128xf32, #tpu.memory_space<vmem>>
            %dma_wait3A_531 = arith.constant 0 : i32
            %dma_wait3A_532 = arith.constant 0 : i32
            %dma_wait3A_533 = tpu.memref_slice %arg5[%dma_wait3A_531, %dma_wait3A_532] : memref<16416x128xf32, #tpu.memory_space<hbm>> -> memref<16x128xf32, #tpu.memory_space<hbm>>
            %dma_wait3A_534 = arith.constant 0 : i32
            %dma_wait3A_535 = arith.constant 0 : i32
            %dma_wait3A_536 = tpu.memref_slice %arg5[%dma_wait3A_534, %dma_wait3A_535] : memref<16416x128xf32, #tpu.memory_space<hbm>> -> memref<16x128xf32, #tpu.memory_space<hbm>>
            %dma_wait3A_537 = arith.constant 0 : i32
            %dma_wait3A_538 = arith.constant 0 : i32
            %dma_wait3A_539 = tpu.memref_slice %arg12[%dma_wait3A_537, %dma_wait3A_538] : memref<32x128xf32, #tpu.memory_space<vmem>> -> memref<16x128xf32, #tpu.memory_space<vmem>>
            tpu.wait_dma2 semaphore(%arg14 : memref<!tpu.dma_semaphore, #tpu.memory_space<semaphore_mem>>) src(%dma_wait3A_539 : memref<16x128xf32, #tpu.memory_space<vmem>>) dst(%dma_wait3A_536 : memref<16x128xf32, #tpu.memory_space<hbm>>)
          } else {
          }
          %rem3A_165 = arith.constant 2 : i32
          %rem3A_166 = arith.remsi %while3A_129, %rem3A_165 : i32
          %mul3A_167 = arith.constant 16 : i32
          %mul3A_168 = arith.muli %rem3A_166, %mul3A_167 : i32
          %add3A_169 = vector.broadcast %mul3A_94 : i32 to vector<16xi32>
          %add3A_170 = arith.addi %broadcast_in_dim3A_1, %add3A_169 : vector<16xi32>
          %add3A_171 = arith.constant 0 : i32
          %add3A_172 = vector.broadcast %add3A_171 : i32 to vector<16xi32>
          %add3A_173 = arith.addi %add3A_170, %add3A_172 : vector<16xi32>
          %gather3A = tpu.vector_load_idx %arg10[%add3A_173, %select_n3A_153] : memref<64x1024xf32, #tpu.memory_space<vmem>>[vector<16xi32>, vector<16xi32>], vector<16xf32>,
          %add3A_174 = vector.broadcast %mul3A_168 : i32 to vector<16xi32>
          %add3A_175 = arith.addi %add3A_174, %iota3A : vector<16xi32>
          %add3A_176 = arith.constant 0 : i32
          %add3A_177 = vector.broadcast %add3A_176 : i32 to vector<16xi32>
          %add3A_178 = arith.addi %broadcast_in_dim3A_1, %add3A_177 : vector<16xi32>
          tpu.vector_store_idx %arg12[%add3A_175, %add3A_178], %gather3A : memref<32x128xf32, #tpu.memory_space<vmem>>[vector<16xi32>, vector<16xi32>], vector<16xf32>,
          %add3A_179 = vector.broadcast %mul3A_94 : i32 to vector<16xi32>
          %add3A_180 = arith.addi %broadcast_in_dim3A_1, %add3A_179 : vector<16xi32>
          %add3A_181 = arith.constant 1 : i32
          %add3A_182 = vector.broadcast %add3A_181 : i32 to vector<16xi32>
          %add3A_183 = arith.addi %add3A_180, %add3A_182 : vector<16xi32>
          %gather3A_184 = tpu.vector_load_idx %arg10[%add3A_183, %select_n3A_153] : memref<64x1024xf32, #tpu.memory_space<vmem>>[vector<16xi32>, vector<16xi32>], vector<16xf32>,
          %add3A_185 = vector.broadcast %mul3A_168 : i32 to vector<16xi32>
          %add3A_186 = arith.addi %add3A_185, %iota3A : vector<16xi32>
          %add3A_187 = arith.constant 1 : i32
          %add3A_188 = vector.broadcast %add3A_187 : i32 to vector<16xi32>
          %add3A_189 = arith.addi %broadcast_in_dim3A_1, %add3A_188 : vector<16xi32>
          tpu.vector_store_idx %arg12[%add3A_186, %add3A_189], %gather3A_184 : memref<32x128xf32, #tpu.memory_space<vmem>>[vector<16xi32>, vector<16xi32>], vector<16xf32>,
          %add3A_190 = vector.broadcast %mul3A_94 : i32 to vector<16xi32>
          %add3A_191 = arith.addi %broadcast_in_dim3A_1, %add3A_190 : vector<16xi32>
          %add3A_192 = arith.constant 2 : i32
          %add3A_193 = vector.broadcast %add3A_192 : i32 to vector<16xi32>
          %add3A_194 = arith.addi %add3A_191, %add3A_193 : vector<16xi32>
          %gather3A_195 = tpu.vector_load_idx %arg10[%add3A_194, %select_n3A_153] : memref<64x1024xf32, #tpu.memory_space<vmem>>[vector<16xi32>, vector<16xi32>], vector<16xf32>,
          %add3A_196 = vector.broadcast %mul3A_168 : i32 to vector<16xi32>
          %add3A_197 = arith.addi %add3A_196, %iota3A : vector<16xi32>
          %add3A_198 = arith.constant 2 : i32
          %add3A_199 = vector.broadcast %add3A_198 : i32 to vector<16xi32>
          %add3A_200 = arith.addi %broadcast_in_dim3A_1, %add3A_199 : vector<16xi32>
          tpu.vector_store_idx %arg12[%add3A_197, %add3A_200], %gather3A_195 : memref<32x128xf32, #tpu.memory_space<vmem>>[vector<16xi32>, vector<16xi32>], vector<16xf32>,
          %add3A_201 = vector.broadcast %mul3A_94 : i32 to vector<16xi32>
          %add3A_202 = arith.addi %broadcast_in_dim3A_1, %add3A_201 : vector<16xi32>
          %add3A_203 = arith.constant 3 : i32
          %add3A_204 = vector.broadcast %add3A_203 : i32 to vector<16xi32>
          %add3A_205 = arith.addi %add3A_202, %add3A_204 : vector<16xi32>
          %gather3A_206 = tpu.vector_load_idx %arg10[%add3A_205, %select_n3A_153] : memref<64x1024xf32, #tpu.memory_space<vmem>>[vector<16xi32>, vector<16xi32>], vector<16xf32>,
          %add3A_207 = vector.broadcast %mul3A_168 : i32 to vector<16xi32>
          %add3A_208 = arith.addi %add3A_207, %iota3A : vector<16xi32>
          %add3A_209 = arith.constant 3 : i32
          %add3A_210 = vector.broadcast %add3A_209 : i32 to vector<16xi32>
          %add3A_211 = arith.addi %broadcast_in_dim3A_1, %add3A_210 : vector<16xi32>
          tpu.vector_store_idx %arg12[%add3A_208, %add3A_211], %gather3A_206 : memref<32x128xf32, #tpu.memory_space<vmem>>[vector<16xi32>, vector<16xi32>], vector<16xf32>,
          %add3A_212 = vector.broadcast %mul3A_94 : i32 to vector<16xi32>
          %add3A_213 = arith.addi %broadcast_in_dim3A_1, %add3A_212 : vector<16xi32>
          %add3A_214 = arith.constant 4 : i32
          %add3A_215 = vector.broadcast %add3A_214 : i32 to vector<16xi32>
          %add3A_216 = arith.addi %add3A_213, %add3A_215 : vector<16xi32>
          %gather3A_217 = tpu.vector_load_idx %arg10[%add3A_216, %select_n3A_153] : memref<64x1024xf32, #tpu.memory_space<vmem>>[vector<16xi32>, vector<16xi32>], vector<16xf32>,
          %add3A_218 = vector.broadcast %mul3A_168 : i32 to vector<16xi32>
          %add3A_219 = arith.addi %add3A_218, %iota3A : vector<16xi32>
          %add3A_220 = arith.constant 4 : i32
          %add3A_221 = vector.broadcast %add3A_220 : i32 to vector<16xi32>
          %add3A_222 = arith.addi %broadcast_in_dim3A_1, %add3A_221 : vector<16xi32>
          tpu.vector_store_idx %arg12[%add3A_219, %add3A_222], %gather3A_217 : memref<32x128xf32, #tpu.memory_space<vmem>>[vector<16xi32>, vector<16xi32>], vector<16xf32>,
          %add3A_223 = vector.broadcast %mul3A_94 : i32 to vector<16xi32>
          %add3A_224 = arith.addi %broadcast_in_dim3A_1, %add3A_223 : vector<16xi32>
          %add3A_225 = arith.constant 5 : i32
          %add3A_226 = vector.broadcast %add3A_225 : i32 to vector<16xi32>
          %add3A_227 = arith.addi %add3A_224, %add3A_226 : vector<16xi32>
          %gather3A_228 = tpu.vector_load_idx %arg10[%add3A_227, %select_n3A_153] : memref<64x1024xf32, #tpu.memory_space<vmem>>[vector<16xi32>, vector<16xi32>], vector<16xf32>,
          %add3A_229 = vector.broadcast %mul3A_168 : i32 to vector<16xi32>
          %add3A_230 = arith.addi %add3A_229, %iota3A : vector<16xi32>
          %add3A_231 = arith.constant 5 : i32
          %add3A_232 = vector.broadcast %add3A_231 : i32 to vector<16xi32>
          %add3A_233 = arith.addi %broadcast_in_dim3A_1, %add3A_232 : vector<16xi32>
          tpu.vector_store_idx %arg12[%add3A_230, %add3A_233], %gather3A_228 : memref<32x128xf32, #tpu.memory_space<vmem>>[vector<16xi32>, vector<16xi32>], vector<16xf32>,
          %add3A_234 = vector.broadcast %mul3A_94 : i32 to vector<16xi32>
          %add3A_235 = arith.addi %broadcast_in_dim3A_1, %add3A_234 : vector<16xi32>
          %add3A_236 = arith.constant 6 : i32
          %add3A_237 = vector.broadcast %add3A_236 : i32 to vector<16xi32>
          %add3A_238 = arith.addi %add3A_235, %add3A_237 : vector<16xi32>
          %gather3A_239 = tpu.vector_load_idx %arg10[%add3A_238, %select_n3A_153] : memref<64x1024xf32, #tpu.memory_space<vmem>>[vector<16xi32>, vector<16xi32>], vector<16xf32>,
          %add3A_240 = vector.broadcast %mul3A_168 : i32 to vector<16xi32>
          %add3A_241 = arith.addi %add3A_240, %iota3A : vector<16xi32>
          %add3A_242 = arith.constant 6 : i32
          %add3A_243 = vector.broadcast %add3A_242 : i32 to vector<16xi32>
          %add3A_244 = arith.addi %broadcast_in_dim3A_1, %add3A_243 : vector<16xi32>
          tpu.vector_store_idx %arg12[%add3A_241, %add3A_244], %gather3A_239 : memref<32x128xf32, #tpu.memory_space<vmem>>[vector<16xi32>, vector<16xi32>], vector<16xf32>,
          %add3A_245 = vector.broadcast %mul3A_94 : i32 to vector<16xi32>
          %add3A_246 = arith.addi %broadcast_in_dim3A_1, %add3A_245 : vector<16xi32>
          %add3A_247 = arith.constant 7 : i32
          %add3A_248 = vector.broadcast %add3A_247 : i32 to vector<16xi32>
          %add3A_249 = arith.addi %add3A_246, %add3A_248 : vector<16xi32>
          %gather3A_250 = tpu.vector_load_idx %arg10[%add3A_249, %select_n3A_153] : memref<64x1024xf32, #tpu.memory_space<vmem>>[vector<16xi32>, vector<16xi32>], vector<16xf32>,
          %add3A_251 = vector.broadcast %mul3A_168 : i32 to vector<16xi32>
          %add3A_252 = arith.addi %add3A_251, %iota3A : vector<16xi32>
          %add3A_253 = arith.constant 7 : i32
          %add3A_254 = vector.broadcast %add3A_253 : i32 to vector<16xi32>
          %add3A_255 = arith.addi %broadcast_in_dim3A_1, %add3A_254 : vector<16xi32>
          tpu.vector_store_idx %arg12[%add3A_252, %add3A_255], %gather3A_250 : memref<32x128xf32, #tpu.memory_space<vmem>>[vector<16xi32>, vector<16xi32>], vector<16xf32>,
          %add3A_256 = vector.broadcast %mul3A_94 : i32 to vector<16xi32>
          %add3A_257 = arith.addi %broadcast_in_dim3A_1, %add3A_256 : vector<16xi32>
          %add3A_258 = arith.constant 8 : i32
          %add3A_259 = vector.broadcast %add3A_258 : i32 to vector<16xi32>
          %add3A_260 = arith.addi %add3A_257, %add3A_259 : vector<16xi32>
          %gather3A_261 = tpu.vector_load_idx %arg10[%add3A_260, %select_n3A_153] : memref<64x1024xf32, #tpu.memory_space<vmem>>[vector<16xi32>, vector<16xi32>], vector<16xf32>,
          %add3A_262 = vector.broadcast %mul3A_168 : i32 to vector<16xi32>
          %add3A_263 = arith.addi %add3A_262, %iota3A : vector<16xi32>
          %add3A_264 = arith.constant 8 : i32
          %add3A_265 = vector.broadcast %add3A_264 : i32 to vector<16xi32>
          %add3A_266 = arith.addi %broadcast_in_dim3A_1, %add3A_265 : vector<16xi32>
          tpu.vector_store_idx %arg12[%add3A_263, %add3A_266], %gather3A_261 : memref<32x128xf32, #tpu.memory_space<vmem>>[vector<16xi32>, vector<16xi32>], vector<16xf32>,
          %add3A_267 = vector.broadcast %mul3A_94 : i32 to vector<16xi32>
          %add3A_268 = arith.addi %broadcast_in_dim3A_1, %add3A_267 : vector<16xi32>
          %add3A_269 = arith.constant 9 : i32
          %add3A_270 = vector.broadcast %add3A_269 : i32 to vector<16xi32>
          %add3A_271 = arith.addi %add3A_268, %add3A_270 : vector<16xi32>
          %gather3A_272 = tpu.vector_load_idx %arg10[%add3A_271, %select_n3A_153] : memref<64x1024xf32, #tpu.memory_space<vmem>>[vector<16xi32>, vector<16xi32>], vector<16xf32>,
          %add3A_273 = vector.broadcast %mul3A_168 : i32 to vector<16xi32>
          %add3A_274 = arith.addi %add3A_273, %iota3A : vector<16xi32>
          %add3A_275 = arith.constant 9 : i32
          %add3A_276 = vector.broadcast %add3A_275 : i32 to vector<16xi32>
          %add3A_277 = arith.addi %broadcast_in_dim3A_1, %add3A_276 : vector<16xi32>
          tpu.vector_store_idx %arg12[%add3A_274, %add3A_277], %gather3A_272 : memref<32x128xf32, #tpu.memory_space<vmem>>[vector<16xi32>, vector<16xi32>], vector<16xf32>,
          %add3A_278 = vector.broadcast %mul3A_94 : i32 to vector<16xi32>
          %add3A_279 = arith.addi %broadcast_in_dim3A_1, %add3A_278 : vector<16xi32>
          %add3A_280 = arith.constant 10 : i32
          %add3A_281 = vector.broadcast %add3A_280 : i32 to vector<16xi32>
          %add3A_282 = arith.addi %add3A_279, %add3A_281 : vector<16xi32>
          %gather3A_283 = tpu.vector_load_idx %arg10[%add3A_282, %select_n3A_153] : memref<64x1024xf32, #tpu.memory_space<vmem>>[vector<16xi32>, vector<16xi32>], vector<16xf32>,
          %add3A_284 = vector.broadcast %mul3A_168 : i32 to vector<16xi32>
          %add3A_285 = arith.addi %add3A_284, %iota3A : vector<16xi32>
          %add3A_286 = arith.constant 10 : i32
          %add3A_287 = vector.broadcast %add3A_286 : i32 to vector<16xi32>
          %add3A_288 = arith.addi %broadcast_in_dim3A_1, %add3A_287 : vector<16xi32>
          tpu.vector_store_idx %arg12[%add3A_285, %add3A_288], %gather3A_283 : memref<32x128xf32, #tpu.memory_space<vmem>>[vector<16xi32>, vector<16xi32>], vector<16xf32>,
          %add3A_289 = vector.broadcast %mul3A_94 : i32 to vector<16xi32>
          %add3A_290 = arith.addi %broadcast_in_dim3A_1, %add3A_289 : vector<16xi32>
          %add3A_291 = arith.constant 11 : i32
          %add3A_292 = vector.broadcast %add3A_291 : i32 to vector<16xi32>
          %add3A_293 = arith.addi %add3A_290, %add3A_292 : vector<16xi32>
          %gather3A_294 = tpu.vector_load_idx %arg10[%add3A_293, %select_n3A_153] : memref<64x1024xf32, #tpu.memory_space<vmem>>[vector<16xi32>, vector<16xi32>], vector<16xf32>,
          %add3A_295 = vector.broadcast %mul3A_168 : i32 to vector<16xi32>
          %add3A_296 = arith.addi %add3A_295, %iota3A : vector<16xi32>
          %add3A_297 = arith.constant 11 : i32
          %add3A_298 = vector.broadcast %add3A_297 : i32 to vector<16xi32>
          %add3A_299 = arith.addi %broadcast_in_dim3A_1, %add3A_298 : vector<16xi32>
          tpu.vector_store_idx %arg12[%add3A_296, %add3A_299], %gather3A_294 : memref<32x128xf32, #tpu.memory_space<vmem>>[vector<16xi32>, vector<16xi32>], vector<16xf32>,
          %add3A_300 = vector.broadcast %mul3A_94 : i32 to vector<16xi32>
          %add3A_301 = arith.addi %broadcast_in_dim3A_1, %add3A_300 : vector<16xi32>
          %add3A_302 = arith.constant 12 : i32
          %add3A_303 = vector.broadcast %add3A_302 : i32 to vector<16xi32>
          %add3A_304 = arith.addi %add3A_301, %add3A_303 : vector<16xi32>
          %gather3A_305 = tpu.vector_load_idx %arg10[%add3A_304, %select_n3A_153] : memref<64x1024xf32, #tpu.memory_space<vmem>>[vector<16xi32>, vector<16xi32>], vector<16xf32>,
          %add3A_306 = vector.broadcast %mul3A_168 : i32 to vector<16xi32>
          %add3A_307 = arith.addi %add3A_306, %iota3A : vector<16xi32>
          %add3A_308 = arith.constant 12 : i32
          %add3A_309 = vector.broadcast %add3A_308 : i32 to vector<16xi32>
          %add3A_310 = arith.addi %broadcast_in_dim3A_1, %add3A_309 : vector<16xi32>
          tpu.vector_store_idx %arg12[%add3A_307, %add3A_310], %gather3A_305 : memref<32x128xf32, #tpu.memory_space<vmem>>[vector<16xi32>, vector<16xi32>], vector<16xf32>,
          %add3A_311 = vector.broadcast %mul3A_94 : i32 to vector<16xi32>
          %add3A_312 = arith.addi %broadcast_in_dim3A_1, %add3A_311 : vector<16xi32>
          %add3A_313 = arith.constant 13 : i32
          %add3A_314 = vector.broadcast %add3A_313 : i32 to vector<16xi32>
          %add3A_315 = arith.addi %add3A_312, %add3A_314 : vector<16xi32>
          %gather3A_316 = tpu.vector_load_idx %arg10[%add3A_315, %select_n3A_153] : memref<64x1024xf32, #tpu.memory_space<vmem>>[vector<16xi32>, vector<16xi32>], vector<16xf32>,
          %add3A_317 = vector.broadcast %mul3A_168 : i32 to vector<16xi32>
          %add3A_318 = arith.addi %add3A_317, %iota3A : vector<16xi32>
          %add3A_319 = arith.constant 13 : i32
          %add3A_320 = vector.broadcast %add3A_319 : i32 to vector<16xi32>
          %add3A_321 = arith.addi %broadcast_in_dim3A_1, %add3A_320 : vector<16xi32>
          tpu.vector_store_idx %arg12[%add3A_318, %add3A_321], %gather3A_316 : memref<32x128xf32, #tpu.memory_space<vmem>>[vector<16xi32>, vector<16xi32>], vector<16xf32>,
          %add3A_322 = vector.broadcast %mul3A_94 : i32 to vector<16xi32>
          %add3A_323 = arith.addi %broadcast_in_dim3A_1, %add3A_322 : vector<16xi32>
          %add3A_324 = arith.constant 14 : i32
          %add3A_325 = vector.broadcast %add3A_324 : i32 to vector<16xi32>
          %add3A_326 = arith.addi %add3A_323, %add3A_325 : vector<16xi32>
          %gather3A_327 = tpu.vector_load_idx %arg10[%add3A_326, %select_n3A_153] : memref<64x1024xf32, #tpu.memory_space<vmem>>[vector<16xi32>, vector<16xi32>], vector<16xf32>,
          %add3A_328 = vector.broadcast %mul3A_168 : i32 to vector<16xi32>
          %add3A_329 = arith.addi %add3A_328, %iota3A : vector<16xi32>
          %add3A_330 = arith.constant 14 : i32
          %add3A_331 = vector.broadcast %add3A_330 : i32 to vector<16xi32>
          %add3A_332 = arith.addi %broadcast_in_dim3A_1, %add3A_331 : vector<16xi32>
          tpu.vector_store_idx %arg12[%add3A_329, %add3A_332], %gather3A_327 : memref<32x128xf32, #tpu.memory_space<vmem>>[vector<16xi32>, vector<16xi32>], vector<16xf32>,
          %add3A_333 = vector.broadcast %mul3A_94 : i32 to vector<16xi32>
          %add3A_334 = arith.addi %broadcast_in_dim3A_1, %add3A_333 : vector<16xi32>
          %add3A_335 = arith.constant 15 : i32
          %add3A_336 = vector.broadcast %add3A_335 : i32 to vector<16xi32>
          %add3A_337 = arith.addi %add3A_334, %add3A_336 : vector<16xi32>
          %gather3A_338 = tpu.vector_load_idx %arg10[%add3A_337, %select_n3A_153] : memref<64x1024xf32, #tpu.memory_space<vmem>>[vector<16xi32>, vector<16xi32>], vector<16xf32>,
          %add3A_339 = vector.broadcast %mul3A_168 : i32 to vector<16xi32>
          %add3A_340 = arith.addi %add3A_339, %iota3A : vector<16xi32>
          %add3A_341 = arith.constant 15 : i32
          %add3A_342 = vector.broadcast %add3A_341 : i32 to vector<16xi32>
          %add3A_343 = arith.addi %broadcast_in_dim3A_1, %add3A_342 : vector<16xi32>
          tpu.vector_store_idx %arg12[%add3A_340, %add3A_343], %gather3A_338 : memref<32x128xf32, #tpu.memory_space<vmem>>[vector<16xi32>, vector<16xi32>], vector<16xf32>,
          %add3A_344 = vector.broadcast %mul3A_94 : i32 to vector<16xi32>
          %add3A_345 = arith.addi %broadcast_in_dim3A_1, %add3A_344 : vector<16xi32>
          %add3A_346 = arith.constant 16 : i32
          %add3A_347 = vector.broadcast %add3A_346 : i32 to vector<16xi32>
          %add3A_348 = arith.addi %add3A_345, %add3A_347 : vector<16xi32>
          %gather3A_349 = tpu.vector_load_idx %arg10[%add3A_348, %select_n3A_153] : memref<64x1024xf32, #tpu.memory_space<vmem>>[vector<16xi32>, vector<16xi32>], vector<16xf32>,
          %add3A_350 = vector.broadcast %mul3A_168 : i32 to vector<16xi32>
          %add3A_351 = arith.addi %add3A_350, %iota3A : vector<16xi32>
          %add3A_352 = arith.constant 16 : i32
          %add3A_353 = vector.broadcast %add3A_352 : i32 to vector<16xi32>
          %add3A_354 = arith.addi %broadcast_in_dim3A_1, %add3A_353 : vector<16xi32>
          tpu.vector_store_idx %arg12[%add3A_351, %add3A_354], %gather3A_349 : memref<32x128xf32, #tpu.memory_space<vmem>>[vector<16xi32>, vector<16xi32>], vector<16xf32>,
          %add3A_355 = vector.broadcast %mul3A_94 : i32 to vector<16xi32>
          %add3A_356 = arith.addi %broadcast_in_dim3A_1, %add3A_355 : vector<16xi32>
          %add3A_357 = arith.constant 17 : i32
          %add3A_358 = vector.broadcast %add3A_357 : i32 to vector<16xi32>
          %add3A_359 = arith.addi %add3A_356, %add3A_358 : vector<16xi32>
          %gather3A_360 = tpu.vector_load_idx %arg10[%add3A_359, %select_n3A_153] : memref<64x1024xf32, #tpu.memory_space<vmem>>[vector<16xi32>, vector<16xi32>], vector<16xf32>,
          %add3A_361 = vector.broadcast %mul3A_168 : i32 to vector<16xi32>
          %add3A_362 = arith.addi %add3A_361, %iota3A : vector<16xi32>
          %add3A_363 = arith.constant 17 : i32
          %add3A_364 = vector.broadcast %add3A_363 : i32 to vector<16xi32>
          %add3A_365 = arith.addi %broadcast_in_dim3A_1, %add3A_364 : vector<16xi32>
          tpu.vector_store_idx %arg12[%add3A_362, %add3A_365], %gather3A_360 : memref<32x128xf32, #tpu.memory_space<vmem>>[vector<16xi32>, vector<16xi32>], vector<16xf32>,
          %add3A_366 = vector.broadcast %mul3A_94 : i32 to vector<16xi32>
          %add3A_367 = arith.addi %broadcast_in_dim3A_1, %add3A_366 : vector<16xi32>
          %add3A_368 = arith.constant 18 : i32
          %add3A_369 = vector.broadcast %add3A_368 : i32 to vector<16xi32>
          %add3A_370 = arith.addi %add3A_367, %add3A_369 : vector<16xi32>
          %gather3A_371 = tpu.vector_load_idx %arg10[%add3A_370, %select_n3A_153] : memref<64x1024xf32, #tpu.memory_space<vmem>>[vector<16xi32>, vector<16xi32>], vector<16xf32>,
          %add3A_372 = vector.broadcast %mul3A_168 : i32 to vector<16xi32>
          %add3A_373 = arith.addi %add3A_372, %iota3A : vector<16xi32>
          %add3A_374 = arith.constant 18 : i32
          %add3A_375 = vector.broadcast %add3A_374 : i32 to vector<16xi32>
          %add3A_376 = arith.addi %broadcast_in_dim3A_1, %add3A_375 : vector<16xi32>
          tpu.vector_store_idx %arg12[%add3A_373, %add3A_376], %gather3A_371 : memref<32x128xf32, #tpu.memory_space<vmem>>[vector<16xi32>, vector<16xi32>], vector<16xf32>,
          %add3A_377 = vector.broadcast %mul3A_94 : i32 to vector<16xi32>
          %add3A_378 = arith.addi %broadcast_in_dim3A_1, %add3A_377 : vector<16xi32>
          %add3A_379 = arith.constant 19 : i32
          %add3A_380 = vector.broadcast %add3A_379 : i32 to vector<16xi32>
          %add3A_381 = arith.addi %add3A_378, %add3A_380 : vector<16xi32>
          %gather3A_382 = tpu.vector_load_idx %arg10[%add3A_381, %select_n3A_153] : memref<64x1024xf32, #tpu.memory_space<vmem>>[vector<16xi32>, vector<16xi32>], vector<16xf32>,
          %add3A_383 = vector.broadcast %mul3A_168 : i32 to vector<16xi32>
          %add3A_384 = arith.addi %add3A_383, %iota3A : vector<16xi32>
          %add3A_385 = arith.constant 19 : i32
          %add3A_386 = vector.broadcast %add3A_385 : i32 to vector<16xi32>
          %add3A_387 = arith.addi %broadcast_in_dim3A_1, %add3A_386 : vector<16xi32>
          tpu.vector_store_idx %arg12[%add3A_384, %add3A_387], %gather3A_382 : memref<32x128xf32, #tpu.memory_space<vmem>>[vector<16xi32>, vector<16xi32>], vector<16xf32>,
          %add3A_388 = vector.broadcast %mul3A_94 : i32 to vector<16xi32>
          %add3A_389 = arith.addi %broadcast_in_dim3A_1, %add3A_388 : vector<16xi32>
          %add3A_390 = arith.constant 20 : i32
          %add3A_391 = vector.broadcast %add3A_390 : i32 to vector<16xi32>
          %add3A_392 = arith.addi %add3A_389, %add3A_391 : vector<16xi32>
          %gather3A_393 = tpu.vector_load_idx %arg10[%add3A_392, %select_n3A_153] : memref<64x1024xf32, #tpu.memory_space<vmem>>[vector<16xi32>, vector<16xi32>], vector<16xf32>,
          %add3A_394 = vector.broadcast %mul3A_168 : i32 to vector<16xi32>
          %add3A_395 = arith.addi %add3A_394, %iota3A : vector<16xi32>
          %add3A_396 = arith.constant 20 : i32
          %add3A_397 = vector.broadcast %add3A_396 : i32 to vector<16xi32>
          %add3A_398 = arith.addi %broadcast_in_dim3A_1, %add3A_397 : vector<16xi32>
          tpu.vector_store_idx %arg12[%add3A_395, %add3A_398], %gather3A_393 : memref<32x128xf32, #tpu.memory_space<vmem>>[vector<16xi32>, vector<16xi32>], vector<16xf32>,
          %add3A_399 = vector.broadcast %mul3A_94 : i32 to vector<16xi32>
          %add3A_400 = arith.addi %broadcast_in_dim3A_1, %add3A_399 : vector<16xi32>
          %add3A_401 = arith.constant 21 : i32
          %add3A_402 = vector.broadcast %add3A_401 : i32 to vector<16xi32>
          %add3A_403 = arith.addi %add3A_400, %add3A_402 : vector<16xi32>
          %gather3A_404 = tpu.vector_load_idx %arg10[%add3A_403, %select_n3A_153] : memref<64x1024xf32, #tpu.memory_space<vmem>>[vector<16xi32>, vector<16xi32>], vector<16xf32>,
          %add3A_405 = vector.broadcast %mul3A_168 : i32 to vector<16xi32>
          %add3A_406 = arith.addi %add3A_405, %iota3A : vector<16xi32>
          %add3A_407 = arith.constant 21 : i32
          %add3A_408 = vector.broadcast %add3A_407 : i32 to vector<16xi32>
          %add3A_409 = arith.addi %broadcast_in_dim3A_1, %add3A_408 : vector<16xi32>
          tpu.vector_store_idx %arg12[%add3A_406, %add3A_409], %gather3A_404 : memref<32x128xf32, #tpu.memory_space<vmem>>[vector<16xi32>, vector<16xi32>], vector<16xf32>,
          %add3A_410 = vector.broadcast %mul3A_94 : i32 to vector<16xi32>
          %add3A_411 = arith.addi %broadcast_in_dim3A_1, %add3A_410 : vector<16xi32>
          %add3A_412 = arith.constant 22 : i32
          %add3A_413 = vector.broadcast %add3A_412 : i32 to vector<16xi32>
          %add3A_414 = arith.addi %add3A_411, %add3A_413 : vector<16xi32>
          %gather3A_415 = tpu.vector_load_idx %arg10[%add3A_414, %select_n3A_153] : memref<64x1024xf32, #tpu.memory_space<vmem>>[vector<16xi32>, vector<16xi32>], vector<16xf32>,
          %add3A_416 = vector.broadcast %mul3A_168 : i32 to vector<16xi32>
          %add3A_417 = arith.addi %add3A_416, %iota3A : vector<16xi32>
          %add3A_418 = arith.constant 22 : i32
          %add3A_419 = vector.broadcast %add3A_418 : i32 to vector<16xi32>
          %add3A_420 = arith.addi %broadcast_in_dim3A_1, %add3A_419 : vector<16xi32>
          tpu.vector_store_idx %arg12[%add3A_417, %add3A_420], %gather3A_415 : memref<32x128xf32, #tpu.memory_space<vmem>>[vector<16xi32>, vector<16xi32>], vector<16xf32>,
          %add3A_421 = vector.broadcast %mul3A_94 : i32 to vector<16xi32>
          %add3A_422 = arith.addi %broadcast_in_dim3A_1, %add3A_421 : vector<16xi32>
          %add3A_423 = arith.constant 23 : i32
          %add3A_424 = vector.broadcast %add3A_423 : i32 to vector<16xi32>
          %add3A_425 = arith.addi %add3A_422, %add3A_424 : vector<16xi32>
          %gather3A_426 = tpu.vector_load_idx %arg10[%add3A_425, %select_n3A_153] : memref<64x1024xf32, #tpu.memory_space<vmem>>[vector<16xi32>, vector<16xi32>], vector<16xf32>,
          %add3A_427 = vector.broadcast %mul3A_168 : i32 to vector<16xi32>
          %add3A_428 = arith.addi %add3A_427, %iota3A : vector<16xi32>
          %add3A_429 = arith.constant 23 : i32
          %add3A_430 = vector.broadcast %add3A_429 : i32 to vector<16xi32>
          %add3A_431 = arith.addi %broadcast_in_dim3A_1, %add3A_430 : vector<16xi32>
          tpu.vector_store_idx %arg12[%add3A_428, %add3A_431], %gather3A_426 : memref<32x128xf32, #tpu.memory_space<vmem>>[vector<16xi32>, vector<16xi32>], vector<16xf32>,
          %add3A_432 = vector.broadcast %mul3A_94 : i32 to vector<16xi32>
          %add3A_433 = arith.addi %broadcast_in_dim3A_1, %add3A_432 : vector<16xi32>
          %add3A_434 = arith.constant 24 : i32
          %add3A_435 = vector.broadcast %add3A_434 : i32 to vector<16xi32>
          %add3A_436 = arith.addi %add3A_433, %add3A_435 : vector<16xi32>
          %gather3A_437 = tpu.vector_load_idx %arg10[%add3A_436, %select_n3A_153] : memref<64x1024xf32, #tpu.memory_space<vmem>>[vector<16xi32>, vector<16xi32>], vector<16xf32>,
          %add3A_438 = vector.broadcast %mul3A_168 : i32 to vector<16xi32>
          %add3A_439 = arith.addi %add3A_438, %iota3A : vector<16xi32>
          %add3A_440 = arith.constant 24 : i32
          %add3A_441 = vector.broadcast %add3A_440 : i32 to vector<16xi32>
          %add3A_442 = arith.addi %broadcast_in_dim3A_1, %add3A_441 : vector<16xi32>
          tpu.vector_store_idx %arg12[%add3A_439, %add3A_442], %gather3A_437 : memref<32x128xf32, #tpu.memory_space<vmem>>[vector<16xi32>, vector<16xi32>], vector<16xf32>,
          %add3A_443 = vector.broadcast %mul3A_94 : i32 to vector<16xi32>
          %add3A_444 = arith.addi %broadcast_in_dim3A_1, %add3A_443 : vector<16xi32>
          %add3A_445 = arith.constant 25 : i32
          %add3A_446 = vector.broadcast %add3A_445 : i32 to vector<16xi32>
          %add3A_447 = arith.addi %add3A_444, %add3A_446 : vector<16xi32>
          %gather3A_448 = tpu.vector_load_idx %arg10[%add3A_447, %select_n3A_153] : memref<64x1024xf32, #tpu.memory_space<vmem>>[vector<16xi32>, vector<16xi32>], vector<16xf32>,
          %add3A_449 = vector.broadcast %mul3A_168 : i32 to vector<16xi32>
          %add3A_450 = arith.addi %add3A_449, %iota3A : vector<16xi32>
          %add3A_451 = arith.constant 25 : i32
          %add3A_452 = vector.broadcast %add3A_451 : i32 to vector<16xi32>
          %add3A_453 = arith.addi %broadcast_in_dim3A_1, %add3A_452 : vector<16xi32>
          tpu.vector_store_idx %arg12[%add3A_450, %add3A_453], %gather3A_448 : memref<32x128xf32, #tpu.memory_space<vmem>>[vector<16xi32>, vector<16xi32>], vector<16xf32>,
          %add3A_454 = vector.broadcast %mul3A_94 : i32 to vector<16xi32>
          %add3A_455 = arith.addi %broadcast_in_dim3A_1, %add3A_454 : vector<16xi32>
          %add3A_456 = arith.constant 26 : i32
          %add3A_457 = vector.broadcast %add3A_456 : i32 to vector<16xi32>
          %add3A_458 = arith.addi %add3A_455, %add3A_457 : vector<16xi32>
          %gather3A_459 = tpu.vector_load_idx %arg10[%add3A_458, %select_n3A_153] : memref<64x1024xf32, #tpu.memory_space<vmem>>[vector<16xi32>, vector<16xi32>], vector<16xf32>,
          %add3A_460 = vector.broadcast %mul3A_168 : i32 to vector<16xi32>
          %add3A_461 = arith.addi %add3A_460, %iota3A : vector<16xi32>
          %add3A_462 = arith.constant 26 : i32
          %add3A_463 = vector.broadcast %add3A_462 : i32 to vector<16xi32>
          %add3A_464 = arith.addi %broadcast_in_dim3A_1, %add3A_463 : vector<16xi32>
          tpu.vector_store_idx %arg12[%add3A_461, %add3A_464], %gather3A_459 : memref<32x128xf32, #tpu.memory_space<vmem>>[vector<16xi32>, vector<16xi32>], vector<16xf32>,
          %add3A_465 = vector.broadcast %mul3A_94 : i32 to vector<16xi32>
          %add3A_466 = arith.addi %broadcast_in_dim3A_1, %add3A_465 : vector<16xi32>
          %add3A_467 = arith.constant 27 : i32
          %add3A_468 = vector.broadcast %add3A_467 : i32 to vector<16xi32>
          %add3A_469 = arith.addi %add3A_466, %add3A_468 : vector<16xi32>
          %gather3A_470 = tpu.vector_load_idx %arg10[%add3A_469, %select_n3A_153] : memref<64x1024xf32, #tpu.memory_space<vmem>>[vector<16xi32>, vector<16xi32>], vector<16xf32>,
          %add3A_471 = vector.broadcast %mul3A_168 : i32 to vector<16xi32>
          %add3A_472 = arith.addi %add3A_471, %iota3A : vector<16xi32>
          %add3A_473 = arith.constant 27 : i32
          %add3A_474 = vector.broadcast %add3A_473 : i32 to vector<16xi32>
          %add3A_475 = arith.addi %broadcast_in_dim3A_1, %add3A_474 : vector<16xi32>
          tpu.vector_store_idx %arg12[%add3A_472, %add3A_475], %gather3A_470 : memref<32x128xf32, #tpu.memory_space<vmem>>[vector<16xi32>, vector<16xi32>], vector<16xf32>,
          %add3A_476 = vector.broadcast %mul3A_94 : i32 to vector<16xi32>
          %add3A_477 = arith.addi %broadcast_in_dim3A_1, %add3A_476 : vector<16xi32>
          %add3A_478 = arith.constant 28 : i32
          %add3A_479 = vector.broadcast %add3A_478 : i32 to vector<16xi32>
          %add3A_480 = arith.addi %add3A_477, %add3A_479 : vector<16xi32>
          %gather3A_481 = tpu.vector_load_idx %arg10[%add3A_480, %select_n3A_153] : memref<64x1024xf32, #tpu.memory_space<vmem>>[vector<16xi32>, vector<16xi32>], vector<16xf32>,
          %add3A_482 = vector.broadcast %mul3A_168 : i32 to vector<16xi32>
          %add3A_483 = arith.addi %add3A_482, %iota3A : vector<16xi32>
          %add3A_484 = arith.constant 28 : i32
          %add3A_485 = vector.broadcast %add3A_484 : i32 to vector<16xi32>
          %add3A_486 = arith.addi %broadcast_in_dim3A_1, %add3A_485 : vector<16xi32>
          tpu.vector_store_idx %arg12[%add3A_483, %add3A_486], %gather3A_481 : memref<32x128xf32, #tpu.memory_space<vmem>>[vector<16xi32>, vector<16xi32>], vector<16xf32>,
          %add3A_487 = vector.broadcast %mul3A_94 : i32 to vector<16xi32>
          %add3A_488 = arith.addi %broadcast_in_dim3A_1, %add3A_487 : vector<16xi32>
          %add3A_489 = arith.constant 29 : i32
          %add3A_490 = vector.broadcast %add3A_489 : i32 to vector<16xi32>
          %add3A_491 = arith.addi %add3A_488, %add3A_490 : vector<16xi32>
          %gather3A_492 = tpu.vector_load_idx %arg10[%add3A_491, %select_n3A_153] : memref<64x1024xf32, #tpu.memory_space<vmem>>[vector<16xi32>, vector<16xi32>], vector<16xf32>,
          %add3A_493 = vector.broadcast %mul3A_168 : i32 to vector<16xi32>
          %add3A_494 = arith.addi %add3A_493, %iota3A : vector<16xi32>
          %add3A_495 = arith.constant 29 : i32
          %add3A_496 = vector.broadcast %add3A_495 : i32 to vector<16xi32>
          %add3A_497 = arith.addi %broadcast_in_dim3A_1, %add3A_496 : vector<16xi32>
          tpu.vector_store_idx %arg12[%add3A_494, %add3A_497], %gather3A_492 : memref<32x128xf32, #tpu.memory_space<vmem>>[vector<16xi32>, vector<16xi32>], vector<16xf32>,
          %add3A_498 = vector.broadcast %mul3A_94 : i32 to vector<16xi32>
          %add3A_499 = arith.addi %broadcast_in_dim3A_1, %add3A_498 : vector<16xi32>
          %add3A_500 = arith.constant 30 : i32
          %add3A_501 = vector.broadcast %add3A_500 : i32 to vector<16xi32>
          %add3A_502 = arith.addi %add3A_499, %add3A_501 : vector<16xi32>
          %gather3A_503 = tpu.vector_load_idx %arg10[%add3A_502, %select_n3A_153] : memref<64x1024xf32, #tpu.memory_space<vmem>>[vector<16xi32>, vector<16xi32>], vector<16xf32>,
          %add3A_504 = vector.broadcast %mul3A_168 : i32 to vector<16xi32>
          %add3A_505 = arith.addi %add3A_504, %iota3A : vector<16xi32>
          %add3A_506 = arith.constant 30 : i32
          %add3A_507 = vector.broadcast %add3A_506 : i32 to vector<16xi32>
          %add3A_508 = arith.addi %broadcast_in_dim3A_1, %add3A_507 : vector<16xi32>
          tpu.vector_store_idx %arg12[%add3A_505, %add3A_508], %gather3A_503 : memref<32x128xf32, #tpu.memory_space<vmem>>[vector<16xi32>, vector<16xi32>], vector<16xf32>,
          %add3A_509 = vector.broadcast %mul3A_94 : i32 to vector<16xi32>
          %add3A_510 = arith.addi %broadcast_in_dim3A_1, %add3A_509 : vector<16xi32>
          %add3A_511 = arith.constant 31 : i32
          %add3A_512 = vector.broadcast %add3A_511 : i32 to vector<16xi32>
          %add3A_513 = arith.addi %add3A_510, %add3A_512 : vector<16xi32>
          %gather3A_514 = tpu.vector_load_idx %arg10[%add3A_513, %select_n3A_153] : memref<64x1024xf32, #tpu.memory_space<vmem>>[vector<16xi32>, vector<16xi32>], vector<16xf32>,
          %add3A_515 = vector.broadcast %mul3A_168 : i32 to vector<16xi32>
          %add3A_516 = arith.addi %add3A_515, %iota3A : vector<16xi32>
          %add3A_517 = arith.constant 31 : i32
          %add3A_518 = vector.broadcast %add3A_517 : i32 to vector<16xi32>
          %add3A_519 = arith.addi %broadcast_in_dim3A_1, %add3A_518 : vector<16xi32>
          tpu.vector_store_idx %arg12[%add3A_516, %add3A_519], %gather3A_514 : memref<32x128xf32, #tpu.memory_space<vmem>>[vector<16xi32>, vector<16xi32>], vector<16xf32>,
          %multiple_of3A_520 = tpu.assume_multiple %mul3A_168, 16 : i32
          %dma_start3A_521 = arith.constant 0 : i32
          %dma_start3A_522 = tpu.memref_slice %arg12[%multiple_of3A_520, %dma_start3A_521] : memref<32x128xf32, #tpu.memory_space<vmem>> -> memref<16x128xf32, #tpu.memory_space<vmem>>
          %dma_start3A_523 = arith.constant 0 : i32
          %dma_start3A_524 = arith.constant 0 : i32
          %dma_start3A_525 = tpu.memref_slice %arg5[%dma_start3A_523, %dma_start3A_524] : memref<16416x128xf32, #tpu.memory_space<hbm>> -> memref<16416x128xf32, #tpu.memory_space<hbm>>
          tpu.enqueue_indirect_dma source(%dma_start3A_522 : memref<16x128xf32, #tpu.memory_space<vmem>>) target(%dma_start3A_525 : memref<16416x128xf32, #tpu.memory_space<hbm>>) offsets(%select_n3A_160 : vector<16xi32>) semaphore(%arg14 : memref<!tpu.dma_semaphore, #tpu.memory_space<semaphore_mem>>)
          %add3A_526 = arith.constant 1 : i32
          %add3A_527 = arith.addi %while3A_129, %add3A_526 : i32
          scf.yield %add3A_527 : i32
        }
        %while3A_126 = arith.constant 1 : i32
        %while3A_127 = scf.for %while3A_128 = %while3A_123 to %while3A_119 step %while3A_126 iter_args(%while3A_129 = %while3A_125) -> (i32)  : i32 {
          %mul3A_130 = arith.constant 64 : i32
          %mul3A_131 = arith.muli %while3A_72, %mul3A_130 : i32
          %multiple_of3A_132 = tpu.assume_multiple %mul3A_131, 64 : i32
          %mul3A_133 = arith.constant 16 : i32
          %mul3A_134 = arith.muli %while3A_128, %mul3A_133 : i32
          %multiple_of3A_135 = tpu.assume_multiple %mul3A_134, 16 : i32
          %add3A_136 = arith.addi %multiple_of3A_132, %multiple_of3A_135 : i32
          %get3A_137 = arith.index_cast %add3A_136 : i32 to index
          %get3A_138 = tpu.vector_load %arg8[%get3A_137] {strides = array<i32>} : memref<2064xi32, #tpu.memory_space<vmem>>, vector<16xi32>,
          %mul3A_139 = arith.constant 16 : i32
          %mul3A_140 = arith.muli %while3A_128, %mul3A_139 : i32
          %add3A_141 = vector.broadcast %mul3A_140 : i32 to vector<16xi32>
          %add3A_142 = arith.addi %add3A_141, %iota3A : vector<16xi32>
          %lt3A_143 = vector.broadcast %reduce_sum3A_107 : i32 to vector<16xi32>
          %lt3A_144 = arith.cmpi slt, %add3A_142, %lt3A_143 : vector<16xi32>
          %shift_right_arithmetic3A_145 = arith.constant 14 : i32
          %shift_right_arithmetic3A_146 = vector.broadcast %shift_right_arithmetic3A_145 : i32 to vector<16xi32>
          %shift_right_arithmetic3A_147 = arith.shrsi %get3A_138, %shift_right_arithmetic3A_146 : vector<16xi32>
          %and3A_148 = arith.constant 1023 : i32
          %and3A_149 = vector.broadcast %and3A_148 : i32 to vector<16xi32>
          %and3A_150 = arith.andi %shift_right_arithmetic3A_147, %and3A_149 : vector<16xi32>
          %jit3A_151 = arith.constant 0 : i32
          %broadcast_in_dim3A_152 = vector.broadcast %jit3A_151 : i32 to vector<16xi32>
          %select_n3A_153 = arith.select %lt3A_144, %and3A_150, %broadcast_in_dim3A_152 : vector<16xi1>, vector<16xi32>
          %and3A_154 = arith.constant 16383 : i32
          %and3A_155 = vector.broadcast %and3A_154 : i32 to vector<16xi32>
          %and3A_156 = arith.andi %get3A_138, %and3A_155 : vector<16xi32>
          %add3A_157 = arith.constant 16384 : i32
          %add3A_158 = arith.addi %add3A_157, %add3A : i32
          %broadcast_in_dim3A_159 = vector.broadcast %add3A_158 : i32 to vector<16xi32>
          %select_n3A_160 = arith.select %lt3A_144, %and3A_156, %broadcast_in_dim3A_159 : vector<16xi1>, vector<16xi32>
          %ge3A = arith.constant 2 : i32
          %ge3A_161 = arith.cmpi sge, %while3A_129, %ge3A : i32
          %convert_element_type3A_162 = arith.extui %ge3A_161 : i1 to i32
          %cond3A_163 = arith.constant 0 : i32
          %cond3A_164 = arith.cmpi ne, %convert_element_type3A_162, %cond3A_163 : i32
          scf.if %cond3A_164 {
            %dma_wait3A_528 = arith.constant 0 : i32
            %dma_wait3A_529 = arith.constant 0 : i32
            %dma_wait3A_530 = tpu.memref_slice %arg12[%dma_wait3A_528, %dma_wait3A_529] : memref<32x128xf32, #tpu.memory_space<vmem>> -> memref<16x128xf32, #tpu.memory_space<vmem>>
            %dma_wait3A_531 = arith.constant 0 : i32
            %dma_wait3A_532 = arith.constant 0 : i32
            %dma_wait3A_533 = tpu.memref_slice %arg5[%dma_wait3A_531, %dma_wait3A_532] : memref<16416x128xf32, #tpu.memory_space<hbm>> -> memref<16x128xf32, #tpu.memory_space<hbm>>
            %dma_wait3A_534 = arith.constant 0 : i32
            %dma_wait3A_535 = arith.constant 0 : i32
            %dma_wait3A_536 = tpu.memref_slice %arg5[%dma_wait3A_534, %dma_wait3A_535] : memref<16416x128xf32, #tpu.memory_space<hbm>> -> memref<16x128xf32, #tpu.memory_space<hbm>>
            %dma_wait3A_537 = arith.constant 0 : i32
            %dma_wait3A_538 = arith.constant 0 : i32
            %dma_wait3A_539 = tpu.memref_slice %arg12[%dma_wait3A_537, %dma_wait3A_538] : memref<32x128xf32, #tpu.memory_space<vmem>> -> memref<16x128xf32, #tpu.memory_space<vmem>>
            tpu.wait_dma2 semaphore(%arg14 : memref<!tpu.dma_semaphore, #tpu.memory_space<semaphore_mem>>) src(%dma_wait3A_539 : memref<16x128xf32, #tpu.memory_space<vmem>>) dst(%dma_wait3A_536 : memref<16x128xf32, #tpu.memory_space<hbm>>)
          } else {
          }
          %rem3A_165 = arith.constant 2 : i32
          %rem3A_166 = arith.remsi %while3A_129, %rem3A_165 : i32
          %mul3A_167 = arith.constant 16 : i32
          %mul3A_168 = arith.muli %rem3A_166, %mul3A_167 : i32
          %add3A_169 = vector.broadcast %mul3A_94 : i32 to vector<16xi32>
          %add3A_170 = arith.addi %broadcast_in_dim3A_1, %add3A_169 : vector<16xi32>
          %add3A_171 = arith.constant 0 : i32
          %add3A_172 = vector.broadcast %add3A_171 : i32 to vector<16xi32>
          %add3A_173 = arith.addi %add3A_170, %add3A_172 : vector<16xi32>
          %gather3A = tpu.vector_load_idx %arg10[%add3A_173, %select_n3A_153] : memref<64x1024xf32, #tpu.memory_space<vmem>>[vector<16xi32>, vector<16xi32>], vector<16xf32>,
          %add3A_174 = vector.broadcast %mul3A_168 : i32 to vector<16xi32>
          %add3A_175 = arith.addi %add3A_174, %iota3A : vector<16xi32>
          %add3A_176 = arith.constant 0 : i32
          %add3A_177 = vector.broadcast %add3A_176 : i32 to vector<16xi32>
          %add3A_178 = arith.addi %broadcast_in_dim3A_1, %add3A_177 : vector<16xi32>
          tpu.vector_store_idx %arg12[%add3A_175, %add3A_178], %gather3A : memref<32x128xf32, #tpu.memory_space<vmem>>[vector<16xi32>, vector<16xi32>], vector<16xf32>,
          %add3A_179 = vector.broadcast %mul3A_94 : i32 to vector<16xi32>
          %add3A_180 = arith.addi %broadcast_in_dim3A_1, %add3A_179 : vector<16xi32>
          %add3A_181 = arith.constant 1 : i32
          %add3A_182 = vector.broadcast %add3A_181 : i32 to vector<16xi32>
          %add3A_183 = arith.addi %add3A_180, %add3A_182 : vector<16xi32>
          %gather3A_184 = tpu.vector_load_idx %arg10[%add3A_183, %select_n3A_153] : memref<64x1024xf32, #tpu.memory_space<vmem>>[vector<16xi32>, vector<16xi32>], vector<16xf32>,
          %add3A_185 = vector.broadcast %mul3A_168 : i32 to vector<16xi32>
          %add3A_186 = arith.addi %add3A_185, %iota3A : vector<16xi32>
          %add3A_187 = arith.constant 1 : i32
          %add3A_188 = vector.broadcast %add3A_187 : i32 to vector<16xi32>
          %add3A_189 = arith.addi %broadcast_in_dim3A_1, %add3A_188 : vector<16xi32>
          tpu.vector_store_idx %arg12[%add3A_186, %add3A_189], %gather3A_184 : memref<32x128xf32, #tpu.memory_space<vmem>>[vector<16xi32>, vector<16xi32>], vector<16xf32>,
          %add3A_190 = vector.broadcast %mul3A_94 : i32 to vector<16xi32>
          %add3A_191 = arith.addi %broadcast_in_dim3A_1, %add3A_190 : vector<16xi32>
          %add3A_192 = arith.constant 2 : i32
          %add3A_193 = vector.broadcast %add3A_192 : i32 to vector<16xi32>
          %add3A_194 = arith.addi %add3A_191, %add3A_193 : vector<16xi32>
          %gather3A_195 = tpu.vector_load_idx %arg10[%add3A_194, %select_n3A_153] : memref<64x1024xf32, #tpu.memory_space<vmem>>[vector<16xi32>, vector<16xi32>], vector<16xf32>,
          %add3A_196 = vector.broadcast %mul3A_168 : i32 to vector<16xi32>
          %add3A_197 = arith.addi %add3A_196, %iota3A : vector<16xi32>
          %add3A_198 = arith.constant 2 : i32
          %add3A_199 = vector.broadcast %add3A_198 : i32 to vector<16xi32>
          %add3A_200 = arith.addi %broadcast_in_dim3A_1, %add3A_199 : vector<16xi32>
          tpu.vector_store_idx %arg12[%add3A_197, %add3A_200], %gather3A_195 : memref<32x128xf32, #tpu.memory_space<vmem>>[vector<16xi32>, vector<16xi32>], vector<16xf32>,
          %add3A_201 = vector.broadcast %mul3A_94 : i32 to vector<16xi32>
          %add3A_202 = arith.addi %broadcast_in_dim3A_1, %add3A_201 : vector<16xi32>
          %add3A_203 = arith.constant 3 : i32
          %add3A_204 = vector.broadcast %add3A_203 : i32 to vector<16xi32>
          %add3A_205 = arith.addi %add3A_202, %add3A_204 : vector<16xi32>
          %gather3A_206 = tpu.vector_load_idx %arg10[%add3A_205, %select_n3A_153] : memref<64x1024xf32, #tpu.memory_space<vmem>>[vector<16xi32>, vector<16xi32>], vector<16xf32>,
          %add3A_207 = vector.broadcast %mul3A_168 : i32 to vector<16xi32>
          %add3A_208 = arith.addi %add3A_207, %iota3A : vector<16xi32>
          %add3A_209 = arith.constant 3 : i32
          %add3A_210 = vector.broadcast %add3A_209 : i32 to vector<16xi32>
          %add3A_211 = arith.addi %broadcast_in_dim3A_1, %add3A_210 : vector<16xi32>
          tpu.vector_store_idx %arg12[%add3A_208, %add3A_211], %gather3A_206 : memref<32x128xf32, #tpu.memory_space<vmem>>[vector<16xi32>, vector<16xi32>], vector<16xf32>,
          %add3A_212 = vector.broadcast %mul3A_94 : i32 to vector<16xi32>
          %add3A_213 = arith.addi %broadcast_in_dim3A_1, %add3A_212 : vector<16xi32>
          %add3A_214 = arith.constant 4 : i32
          %add3A_215 = vector.broadcast %add3A_214 : i32 to vector<16xi32>
          %add3A_216 = arith.addi %add3A_213, %add3A_215 : vector<16xi32>
          %gather3A_217 = tpu.vector_load_idx %arg10[%add3A_216, %select_n3A_153] : memref<64x1024xf32, #tpu.memory_space<vmem>>[vector<16xi32>, vector<16xi32>], vector<16xf32>,
          %add3A_218 = vector.broadcast %mul3A_168 : i32 to vector<16xi32>
          %add3A_219 = arith.addi %add3A_218, %iota3A : vector<16xi32>
          %add3A_220 = arith.constant 4 : i32
          %add3A_221 = vector.broadcast %add3A_220 : i32 to vector<16xi32>
          %add3A_222 = arith.addi %broadcast_in_dim3A_1, %add3A_221 : vector<16xi32>
          tpu.vector_store_idx %arg12[%add3A_219, %add3A_222], %gather3A_217 : memref<32x128xf32, #tpu.memory_space<vmem>>[vector<16xi32>, vector<16xi32>], vector<16xf32>,
          %add3A_223 = vector.broadcast %mul3A_94 : i32 to vector<16xi32>
          %add3A_224 = arith.addi %broadcast_in_dim3A_1, %add3A_223 : vector<16xi32>
          %add3A_225 = arith.constant 5 : i32
          %add3A_226 = vector.broadcast %add3A_225 : i32 to vector<16xi32>
          %add3A_227 = arith.addi %add3A_224, %add3A_226 : vector<16xi32>
          %gather3A_228 = tpu.vector_load_idx %arg10[%add3A_227, %select_n3A_153] : memref<64x1024xf32, #tpu.memory_space<vmem>>[vector<16xi32>, vector<16xi32>], vector<16xf32>,
          %add3A_229 = vector.broadcast %mul3A_168 : i32 to vector<16xi32>
          %add3A_230 = arith.addi %add3A_229, %iota3A : vector<16xi32>
          %add3A_231 = arith.constant 5 : i32
          %add3A_232 = vector.broadcast %add3A_231 : i32 to vector<16xi32>
          %add3A_233 = arith.addi %broadcast_in_dim3A_1, %add3A_232 : vector<16xi32>
          tpu.vector_store_idx %arg12[%add3A_230, %add3A_233], %gather3A_228 : memref<32x128xf32, #tpu.memory_space<vmem>>[vector<16xi32>, vector<16xi32>], vector<16xf32>,
          %add3A_234 = vector.broadcast %mul3A_94 : i32 to vector<16xi32>
          %add3A_235 = arith.addi %broadcast_in_dim3A_1, %add3A_234 : vector<16xi32>
          %add3A_236 = arith.constant 6 : i32
          %add3A_237 = vector.broadcast %add3A_236 : i32 to vector<16xi32>
          %add3A_238 = arith.addi %add3A_235, %add3A_237 : vector<16xi32>
          %gather3A_239 = tpu.vector_load_idx %arg10[%add3A_238, %select_n3A_153] : memref<64x1024xf32, #tpu.memory_space<vmem>>[vector<16xi32>, vector<16xi32>], vector<16xf32>,
          %add3A_240 = vector.broadcast %mul3A_168 : i32 to vector<16xi32>
          %add3A_241 = arith.addi %add3A_240, %iota3A : vector<16xi32>
          %add3A_242 = arith.constant 6 : i32
          %add3A_243 = vector.broadcast %add3A_242 : i32 to vector<16xi32>
          %add3A_244 = arith.addi %broadcast_in_dim3A_1, %add3A_243 : vector<16xi32>
          tpu.vector_store_idx %arg12[%add3A_241, %add3A_244], %gather3A_239 : memref<32x128xf32, #tpu.memory_space<vmem>>[vector<16xi32>, vector<16xi32>], vector<16xf32>,
          %add3A_245 = vector.broadcast %mul3A_94 : i32 to vector<16xi32>
          %add3A_246 = arith.addi %broadcast_in_dim3A_1, %add3A_245 : vector<16xi32>
          %add3A_247 = arith.constant 7 : i32
          %add3A_248 = vector.broadcast %add3A_247 : i32 to vector<16xi32>
          %add3A_249 = arith.addi %add3A_246, %add3A_248 : vector<16xi32>
          %gather3A_250 = tpu.vector_load_idx %arg10[%add3A_249, %select_n3A_153] : memref<64x1024xf32, #tpu.memory_space<vmem>>[vector<16xi32>, vector<16xi32>], vector<16xf32>,
          %add3A_251 = vector.broadcast %mul3A_168 : i32 to vector<16xi32>
          %add3A_252 = arith.addi %add3A_251, %iota3A : vector<16xi32>
          %add3A_253 = arith.constant 7 : i32
          %add3A_254 = vector.broadcast %add3A_253 : i32 to vector<16xi32>
          %add3A_255 = arith.addi %broadcast_in_dim3A_1, %add3A_254 : vector<16xi32>
          tpu.vector_store_idx %arg12[%add3A_252, %add3A_255], %gather3A_250 : memref<32x128xf32, #tpu.memory_space<vmem>>[vector<16xi32>, vector<16xi32>], vector<16xf32>,
          %add3A_256 = vector.broadcast %mul3A_94 : i32 to vector<16xi32>
          %add3A_257 = arith.addi %broadcast_in_dim3A_1, %add3A_256 : vector<16xi32>
          %add3A_258 = arith.constant 8 : i32
          %add3A_259 = vector.broadcast %add3A_258 : i32 to vector<16xi32>
          %add3A_260 = arith.addi %add3A_257, %add3A_259 : vector<16xi32>
          %gather3A_261 = tpu.vector_load_idx %arg10[%add3A_260, %select_n3A_153] : memref<64x1024xf32, #tpu.memory_space<vmem>>[vector<16xi32>, vector<16xi32>], vector<16xf32>,
          %add3A_262 = vector.broadcast %mul3A_168 : i32 to vector<16xi32>
          %add3A_263 = arith.addi %add3A_262, %iota3A : vector<16xi32>
          %add3A_264 = arith.constant 8 : i32
          %add3A_265 = vector.broadcast %add3A_264 : i32 to vector<16xi32>
          %add3A_266 = arith.addi %broadcast_in_dim3A_1, %add3A_265 : vector<16xi32>
          tpu.vector_store_idx %arg12[%add3A_263, %add3A_266], %gather3A_261 : memref<32x128xf32, #tpu.memory_space<vmem>>[vector<16xi32>, vector<16xi32>], vector<16xf32>,
          %add3A_267 = vector.broadcast %mul3A_94 : i32 to vector<16xi32>
          %add3A_268 = arith.addi %broadcast_in_dim3A_1, %add3A_267 : vector<16xi32>
          %add3A_269 = arith.constant 9 : i32
          %add3A_270 = vector.broadcast %add3A_269 : i32 to vector<16xi32>
          %add3A_271 = arith.addi %add3A_268, %add3A_270 : vector<16xi32>
          %gather3A_272 = tpu.vector_load_idx %arg10[%add3A_271, %select_n3A_153] : memref<64x1024xf32, #tpu.memory_space<vmem>>[vector<16xi32>, vector<16xi32>], vector<16xf32>,
          %add3A_273 = vector.broadcast %mul3A_168 : i32 to vector<16xi32>
          %add3A_274 = arith.addi %add3A_273, %iota3A : vector<16xi32>
          %add3A_275 = arith.constant 9 : i32
          %add3A_276 = vector.broadcast %add3A_275 : i32 to vector<16xi32>
          %add3A_277 = arith.addi %broadcast_in_dim3A_1, %add3A_276 : vector<16xi32>
          tpu.vector_store_idx %arg12[%add3A_274, %add3A_277], %gather3A_272 : memref<32x128xf32, #tpu.memory_space<vmem>>[vector<16xi32>, vector<16xi32>], vector<16xf32>,
          %add3A_278 = vector.broadcast %mul3A_94 : i32 to vector<16xi32>
          %add3A_279 = arith.addi %broadcast_in_dim3A_1, %add3A_278 : vector<16xi32>
          %add3A_280 = arith.constant 10 : i32
          %add3A_281 = vector.broadcast %add3A_280 : i32 to vector<16xi32>
          %add3A_282 = arith.addi %add3A_279, %add3A_281 : vector<16xi32>
          %gather3A_283 = tpu.vector_load_idx %arg10[%add3A_282, %select_n3A_153] : memref<64x1024xf32, #tpu.memory_space<vmem>>[vector<16xi32>, vector<16xi32>], vector<16xf32>,
          %add3A_284 = vector.broadcast %mul3A_168 : i32 to vector<16xi32>
          %add3A_285 = arith.addi %add3A_284, %iota3A : vector<16xi32>
          %add3A_286 = arith.constant 10 : i32
          %add3A_287 = vector.broadcast %add3A_286 : i32 to vector<16xi32>
          %add3A_288 = arith.addi %broadcast_in_dim3A_1, %add3A_287 : vector<16xi32>
          tpu.vector_store_idx %arg12[%add3A_285, %add3A_288], %gather3A_283 : memref<32x128xf32, #tpu.memory_space<vmem>>[vector<16xi32>, vector<16xi32>], vector<16xf32>,
          %add3A_289 = vector.broadcast %mul3A_94 : i32 to vector<16xi32>
          %add3A_290 = arith.addi %broadcast_in_dim3A_1, %add3A_289 : vector<16xi32>
          %add3A_291 = arith.constant 11 : i32
          %add3A_292 = vector.broadcast %add3A_291 : i32 to vector<16xi32>
          %add3A_293 = arith.addi %add3A_290, %add3A_292 : vector<16xi32>
          %gather3A_294 = tpu.vector_load_idx %arg10[%add3A_293, %select_n3A_153] : memref<64x1024xf32, #tpu.memory_space<vmem>>[vector<16xi32>, vector<16xi32>], vector<16xf32>,
          %add3A_295 = vector.broadcast %mul3A_168 : i32 to vector<16xi32>
          %add3A_296 = arith.addi %add3A_295, %iota3A : vector<16xi32>
          %add3A_297 = arith.constant 11 : i32
          %add3A_298 = vector.broadcast %add3A_297 : i32 to vector<16xi32>
          %add3A_299 = arith.addi %broadcast_in_dim3A_1, %add3A_298 : vector<16xi32>
          tpu.vector_store_idx %arg12[%add3A_296, %add3A_299], %gather3A_294 : memref<32x128xf32, #tpu.memory_space<vmem>>[vector<16xi32>, vector<16xi32>], vector<16xf32>,
          %add3A_300 = vector.broadcast %mul3A_94 : i32 to vector<16xi32>
          %add3A_301 = arith.addi %broadcast_in_dim3A_1, %add3A_300 : vector<16xi32>
          %add3A_302 = arith.constant 12 : i32
          %add3A_303 = vector.broadcast %add3A_302 : i32 to vector<16xi32>
          %add3A_304 = arith.addi %add3A_301, %add3A_303 : vector<16xi32>
          %gather3A_305 = tpu.vector_load_idx %arg10[%add3A_304, %select_n3A_153] : memref<64x1024xf32, #tpu.memory_space<vmem>>[vector<16xi32>, vector<16xi32>], vector<16xf32>,
          %add3A_306 = vector.broadcast %mul3A_168 : i32 to vector<16xi32>
          %add3A_307 = arith.addi %add3A_306, %iota3A : vector<16xi32>
          %add3A_308 = arith.constant 12 : i32
          %add3A_309 = vector.broadcast %add3A_308 : i32 to vector<16xi32>
          %add3A_310 = arith.addi %broadcast_in_dim3A_1, %add3A_309 : vector<16xi32>
          tpu.vector_store_idx %arg12[%add3A_307, %add3A_310], %gather3A_305 : memref<32x128xf32, #tpu.memory_space<vmem>>[vector<16xi32>, vector<16xi32>], vector<16xf32>,
          %add3A_311 = vector.broadcast %mul3A_94 : i32 to vector<16xi32>
          %add3A_312 = arith.addi %broadcast_in_dim3A_1, %add3A_311 : vector<16xi32>
          %add3A_313 = arith.constant 13 : i32
          %add3A_314 = vector.broadcast %add3A_313 : i32 to vector<16xi32>
          %add3A_315 = arith.addi %add3A_312, %add3A_314 : vector<16xi32>
          %gather3A_316 = tpu.vector_load_idx %arg10[%add3A_315, %select_n3A_153] : memref<64x1024xf32, #tpu.memory_space<vmem>>[vector<16xi32>, vector<16xi32>], vector<16xf32>,
          %add3A_317 = vector.broadcast %mul3A_168 : i32 to vector<16xi32>
          %add3A_318 = arith.addi %add3A_317, %iota3A : vector<16xi32>
          %add3A_319 = arith.constant 13 : i32
          %add3A_320 = vector.broadcast %add3A_319 : i32 to vector<16xi32>
          %add3A_321 = arith.addi %broadcast_in_dim3A_1, %add3A_320 : vector<16xi32>
          tpu.vector_store_idx %arg12[%add3A_318, %add3A_321], %gather3A_316 : memref<32x128xf32, #tpu.memory_space<vmem>>[vector<16xi32>, vector<16xi32>], vector<16xf32>,
          %add3A_322 = vector.broadcast %mul3A_94 : i32 to vector<16xi32>
          %add3A_323 = arith.addi %broadcast_in_dim3A_1, %add3A_322 : vector<16xi32>
          %add3A_324 = arith.constant 14 : i32
          %add3A_325 = vector.broadcast %add3A_324 : i32 to vector<16xi32>
          %add3A_326 = arith.addi %add3A_323, %add3A_325 : vector<16xi32>
          %gather3A_327 = tpu.vector_load_idx %arg10[%add3A_326, %select_n3A_153] : memref<64x1024xf32, #tpu.memory_space<vmem>>[vector<16xi32>, vector<16xi32>], vector<16xf32>,
          %add3A_328 = vector.broadcast %mul3A_168 : i32 to vector<16xi32>
          %add3A_329 = arith.addi %add3A_328, %iota3A : vector<16xi32>
          %add3A_330 = arith.constant 14 : i32
          %add3A_331 = vector.broadcast %add3A_330 : i32 to vector<16xi32>
          %add3A_332 = arith.addi %broadcast_in_dim3A_1, %add3A_331 : vector<16xi32>
          tpu.vector_store_idx %arg12[%add3A_329, %add3A_332], %gather3A_327 : memref<32x128xf32, #tpu.memory_space<vmem>>[vector<16xi32>, vector<16xi32>], vector<16xf32>,
          %add3A_333 = vector.broadcast %mul3A_94 : i32 to vector<16xi32>
          %add3A_334 = arith.addi %broadcast_in_dim3A_1, %add3A_333 : vector<16xi32>
          %add3A_335 = arith.constant 15 : i32
          %add3A_336 = vector.broadcast %add3A_335 : i32 to vector<16xi32>
          %add3A_337 = arith.addi %add3A_334, %add3A_336 : vector<16xi32>
          %gather3A_338 = tpu.vector_load_idx %arg10[%add3A_337, %select_n3A_153] : memref<64x1024xf32, #tpu.memory_space<vmem>>[vector<16xi32>, vector<16xi32>], vector<16xf32>,
          %add3A_339 = vector.broadcast %mul3A_168 : i32 to vector<16xi32>
          %add3A_340 = arith.addi %add3A_339, %iota3A : vector<16xi32>
          %add3A_341 = arith.constant 15 : i32
          %add3A_342 = vector.broadcast %add3A_341 : i32 to vector<16xi32>
          %add3A_343 = arith.addi %broadcast_in_dim3A_1, %add3A_342 : vector<16xi32>
          tpu.vector_store_idx %arg12[%add3A_340, %add3A_343], %gather3A_338 : memref<32x128xf32, #tpu.memory_space<vmem>>[vector<16xi32>, vector<16xi32>], vector<16xf32>,
          %add3A_344 = vector.broadcast %mul3A_94 : i32 to vector<16xi32>
          %add3A_345 = arith.addi %broadcast_in_dim3A_1, %add3A_344 : vector<16xi32>
          %add3A_346 = arith.constant 16 : i32
          %add3A_347 = vector.broadcast %add3A_346 : i32 to vector<16xi32>
          %add3A_348 = arith.addi %add3A_345, %add3A_347 : vector<16xi32>
          %gather3A_349 = tpu.vector_load_idx %arg10[%add3A_348, %select_n3A_153] : memref<64x1024xf32, #tpu.memory_space<vmem>>[vector<16xi32>, vector<16xi32>], vector<16xf32>,
          %add3A_350 = vector.broadcast %mul3A_168 : i32 to vector<16xi32>
          %add3A_351 = arith.addi %add3A_350, %iota3A : vector<16xi32>
          %add3A_352 = arith.constant 16 : i32
          %add3A_353 = vector.broadcast %add3A_352 : i32 to vector<16xi32>
          %add3A_354 = arith.addi %broadcast_in_dim3A_1, %add3A_353 : vector<16xi32>
          tpu.vector_store_idx %arg12[%add3A_351, %add3A_354], %gather3A_349 : memref<32x128xf32, #tpu.memory_space<vmem>>[vector<16xi32>, vector<16xi32>], vector<16xf32>,
          %add3A_355 = vector.broadcast %mul3A_94 : i32 to vector<16xi32>
          %add3A_356 = arith.addi %broadcast_in_dim3A_1, %add3A_355 : vector<16xi32>
          %add3A_357 = arith.constant 17 : i32
          %add3A_358 = vector.broadcast %add3A_357 : i32 to vector<16xi32>
          %add3A_359 = arith.addi %add3A_356, %add3A_358 : vector<16xi32>
          %gather3A_360 = tpu.vector_load_idx %arg10[%add3A_359, %select_n3A_153] : memref<64x1024xf32, #tpu.memory_space<vmem>>[vector<16xi32>, vector<16xi32>], vector<16xf32>,
          %add3A_361 = vector.broadcast %mul3A_168 : i32 to vector<16xi32>
          %add3A_362 = arith.addi %add3A_361, %iota3A : vector<16xi32>
          %add3A_363 = arith.constant 17 : i32
          %add3A_364 = vector.broadcast %add3A_363 : i32 to vector<16xi32>
          %add3A_365 = arith.addi %broadcast_in_dim3A_1, %add3A_364 : vector<16xi32>
          tpu.vector_store_idx %arg12[%add3A_362, %add3A_365], %gather3A_360 : memref<32x128xf32, #tpu.memory_space<vmem>>[vector<16xi32>, vector<16xi32>], vector<16xf32>,
          %add3A_366 = vector.broadcast %mul3A_94 : i32 to vector<16xi32>
          %add3A_367 = arith.addi %broadcast_in_dim3A_1, %add3A_366 : vector<16xi32>
          %add3A_368 = arith.constant 18 : i32
          %add3A_369 = vector.broadcast %add3A_368 : i32 to vector<16xi32>
          %add3A_370 = arith.addi %add3A_367, %add3A_369 : vector<16xi32>
          %gather3A_371 = tpu.vector_load_idx %arg10[%add3A_370, %select_n3A_153] : memref<64x1024xf32, #tpu.memory_space<vmem>>[vector<16xi32>, vector<16xi32>], vector<16xf32>,
          %add3A_372 = vector.broadcast %mul3A_168 : i32 to vector<16xi32>
          %add3A_373 = arith.addi %add3A_372, %iota3A : vector<16xi32>
          %add3A_374 = arith.constant 18 : i32
          %add3A_375 = vector.broadcast %add3A_374 : i32 to vector<16xi32>
          %add3A_376 = arith.addi %broadcast_in_dim3A_1, %add3A_375 : vector<16xi32>
          tpu.vector_store_idx %arg12[%add3A_373, %add3A_376], %gather3A_371 : memref<32x128xf32, #tpu.memory_space<vmem>>[vector<16xi32>, vector<16xi32>], vector<16xf32>,
          %add3A_377 = vector.broadcast %mul3A_94 : i32 to vector<16xi32>
          %add3A_378 = arith.addi %broadcast_in_dim3A_1, %add3A_377 : vector<16xi32>
          %add3A_379 = arith.constant 19 : i32
          %add3A_380 = vector.broadcast %add3A_379 : i32 to vector<16xi32>
          %add3A_381 = arith.addi %add3A_378, %add3A_380 : vector<16xi32>
          %gather3A_382 = tpu.vector_load_idx %arg10[%add3A_381, %select_n3A_153] : memref<64x1024xf32, #tpu.memory_space<vmem>>[vector<16xi32>, vector<16xi32>], vector<16xf32>,
          %add3A_383 = vector.broadcast %mul3A_168 : i32 to vector<16xi32>
          %add3A_384 = arith.addi %add3A_383, %iota3A : vector<16xi32>
          %add3A_385 = arith.constant 19 : i32
          %add3A_386 = vector.broadcast %add3A_385 : i32 to vector<16xi32>
          %add3A_387 = arith.addi %broadcast_in_dim3A_1, %add3A_386 : vector<16xi32>
          tpu.vector_store_idx %arg12[%add3A_384, %add3A_387], %gather3A_382 : memref<32x128xf32, #tpu.memory_space<vmem>>[vector<16xi32>, vector<16xi32>], vector<16xf32>,
          %add3A_388 = vector.broadcast %mul3A_94 : i32 to vector<16xi32>
          %add3A_389 = arith.addi %broadcast_in_dim3A_1, %add3A_388 : vector<16xi32>
          %add3A_390 = arith.constant 20 : i32
          %add3A_391 = vector.broadcast %add3A_390 : i32 to vector<16xi32>
          %add3A_392 = arith.addi %add3A_389, %add3A_391 : vector<16xi32>
          %gather3A_393 = tpu.vector_load_idx %arg10[%add3A_392, %select_n3A_153] : memref<64x1024xf32, #tpu.memory_space<vmem>>[vector<16xi32>, vector<16xi32>], vector<16xf32>,
          %add3A_394 = vector.broadcast %mul3A_168 : i32 to vector<16xi32>
          %add3A_395 = arith.addi %add3A_394, %iota3A : vector<16xi32>
          %add3A_396 = arith.constant 20 : i32
          %add3A_397 = vector.broadcast %add3A_396 : i32 to vector<16xi32>
          %add3A_398 = arith.addi %broadcast_in_dim3A_1, %add3A_397 : vector<16xi32>
          tpu.vector_store_idx %arg12[%add3A_395, %add3A_398], %gather3A_393 : memref<32x128xf32, #tpu.memory_space<vmem>>[vector<16xi32>, vector<16xi32>], vector<16xf32>,
          %add3A_399 = vector.broadcast %mul3A_94 : i32 to vector<16xi32>
          %add3A_400 = arith.addi %broadcast_in_dim3A_1, %add3A_399 : vector<16xi32>
          %add3A_401 = arith.constant 21 : i32
          %add3A_402 = vector.broadcast %add3A_401 : i32 to vector<16xi32>
          %add3A_403 = arith.addi %add3A_400, %add3A_402 : vector<16xi32>
          %gather3A_404 = tpu.vector_load_idx %arg10[%add3A_403, %select_n3A_153] : memref<64x1024xf32, #tpu.memory_space<vmem>>[vector<16xi32>, vector<16xi32>], vector<16xf32>,
          %add3A_405 = vector.broadcast %mul3A_168 : i32 to vector<16xi32>
          %add3A_406 = arith.addi %add3A_405, %iota3A : vector<16xi32>
          %add3A_407 = arith.constant 21 : i32
          %add3A_408 = vector.broadcast %add3A_407 : i32 to vector<16xi32>
          %add3A_409 = arith.addi %broadcast_in_dim3A_1, %add3A_408 : vector<16xi32>
          tpu.vector_store_idx %arg12[%add3A_406, %add3A_409], %gather3A_404 : memref<32x128xf32, #tpu.memory_space<vmem>>[vector<16xi32>, vector<16xi32>], vector<16xf32>,
          %add3A_410 = vector.broadcast %mul3A_94 : i32 to vector<16xi32>
          %add3A_411 = arith.addi %broadcast_in_dim3A_1, %add3A_410 : vector<16xi32>
          %add3A_412 = arith.constant 22 : i32
          %add3A_413 = vector.broadcast %add3A_412 : i32 to vector<16xi32>
          %add3A_414 = arith.addi %add3A_411, %add3A_413 : vector<16xi32>
          %gather3A_415 = tpu.vector_load_idx %arg10[%add3A_414, %select_n3A_153] : memref<64x1024xf32, #tpu.memory_space<vmem>>[vector<16xi32>, vector<16xi32>], vector<16xf32>,
          %add3A_416 = vector.broadcast %mul3A_168 : i32 to vector<16xi32>
          %add3A_417 = arith.addi %add3A_416, %iota3A : vector<16xi32>
          %add3A_418 = arith.constant 22 : i32
          %add3A_419 = vector.broadcast %add3A_418 : i32 to vector<16xi32>
          %add3A_420 = arith.addi %broadcast_in_dim3A_1, %add3A_419 : vector<16xi32>
          tpu.vector_store_idx %arg12[%add3A_417, %add3A_420], %gather3A_415 : memref<32x128xf32, #tpu.memory_space<vmem>>[vector<16xi32>, vector<16xi32>], vector<16xf32>,
          %add3A_421 = vector.broadcast %mul3A_94 : i32 to vector<16xi32>
          %add3A_422 = arith.addi %broadcast_in_dim3A_1, %add3A_421 : vector<16xi32>
          %add3A_423 = arith.constant 23 : i32
          %add3A_424 = vector.broadcast %add3A_423 : i32 to vector<16xi32>
          %add3A_425 = arith.addi %add3A_422, %add3A_424 : vector<16xi32>
          %gather3A_426 = tpu.vector_load_idx %arg10[%add3A_425, %select_n3A_153] : memref<64x1024xf32, #tpu.memory_space<vmem>>[vector<16xi32>, vector<16xi32>], vector<16xf32>,
          %add3A_427 = vector.broadcast %mul3A_168 : i32 to vector<16xi32>
          %add3A_428 = arith.addi %add3A_427, %iota3A : vector<16xi32>
          %add3A_429 = arith.constant 23 : i32
          %add3A_430 = vector.broadcast %add3A_429 : i32 to vector<16xi32>
          %add3A_431 = arith.addi %broadcast_in_dim3A_1, %add3A_430 : vector<16xi32>
          tpu.vector_store_idx %arg12[%add3A_428, %add3A_431], %gather3A_426 : memref<32x128xf32, #tpu.memory_space<vmem>>[vector<16xi32>, vector<16xi32>], vector<16xf32>,
          %add3A_432 = vector.broadcast %mul3A_94 : i32 to vector<16xi32>
          %add3A_433 = arith.addi %broadcast_in_dim3A_1, %add3A_432 : vector<16xi32>
          %add3A_434 = arith.constant 24 : i32
          %add3A_435 = vector.broadcast %add3A_434 : i32 to vector<16xi32>
          %add3A_436 = arith.addi %add3A_433, %add3A_435 : vector<16xi32>
          %gather3A_437 = tpu.vector_load_idx %arg10[%add3A_436, %select_n3A_153] : memref<64x1024xf32, #tpu.memory_space<vmem>>[vector<16xi32>, vector<16xi32>], vector<16xf32>,
          %add3A_438 = vector.broadcast %mul3A_168 : i32 to vector<16xi32>
          %add3A_439 = arith.addi %add3A_438, %iota3A : vector<16xi32>
          %add3A_440 = arith.constant 24 : i32
          %add3A_441 = vector.broadcast %add3A_440 : i32 to vector<16xi32>
          %add3A_442 = arith.addi %broadcast_in_dim3A_1, %add3A_441 : vector<16xi32>
          tpu.vector_store_idx %arg12[%add3A_439, %add3A_442], %gather3A_437 : memref<32x128xf32, #tpu.memory_space<vmem>>[vector<16xi32>, vector<16xi32>], vector<16xf32>,
          %add3A_443 = vector.broadcast %mul3A_94 : i32 to vector<16xi32>
          %add3A_444 = arith.addi %broadcast_in_dim3A_1, %add3A_443 : vector<16xi32>
          %add3A_445 = arith.constant 25 : i32
          %add3A_446 = vector.broadcast %add3A_445 : i32 to vector<16xi32>
          %add3A_447 = arith.addi %add3A_444, %add3A_446 : vector<16xi32>
          %gather3A_448 = tpu.vector_load_idx %arg10[%add3A_447, %select_n3A_153] : memref<64x1024xf32, #tpu.memory_space<vmem>>[vector<16xi32>, vector<16xi32>], vector<16xf32>,
          %add3A_449 = vector.broadcast %mul3A_168 : i32 to vector<16xi32>
          %add3A_450 = arith.addi %add3A_449, %iota3A : vector<16xi32>
          %add3A_451 = arith.constant 25 : i32
          %add3A_452 = vector.broadcast %add3A_451 : i32 to vector<16xi32>
          %add3A_453 = arith.addi %broadcast_in_dim3A_1, %add3A_452 : vector<16xi32>
          tpu.vector_store_idx %arg12[%add3A_450, %add3A_453], %gather3A_448 : memref<32x128xf32, #tpu.memory_space<vmem>>[vector<16xi32>, vector<16xi32>], vector<16xf32>,
          %add3A_454 = vector.broadcast %mul3A_94 : i32 to vector<16xi32>
          %add3A_455 = arith.addi %broadcast_in_dim3A_1, %add3A_454 : vector<16xi32>
          %add3A_456 = arith.constant 26 : i32
          %add3A_457 = vector.broadcast %add3A_456 : i32 to vector<16xi32>
          %add3A_458 = arith.addi %add3A_455, %add3A_457 : vector<16xi32>
          %gather3A_459 = tpu.vector_load_idx %arg10[%add3A_458, %select_n3A_153] : memref<64x1024xf32, #tpu.memory_space<vmem>>[vector<16xi32>, vector<16xi32>], vector<16xf32>,
          %add3A_460 = vector.broadcast %mul3A_168 : i32 to vector<16xi32>
          %add3A_461 = arith.addi %add3A_460, %iota3A : vector<16xi32>
          %add3A_462 = arith.constant 26 : i32
          %add3A_463 = vector.broadcast %add3A_462 : i32 to vector<16xi32>
          %add3A_464 = arith.addi %broadcast_in_dim3A_1, %add3A_463 : vector<16xi32>
          tpu.vector_store_idx %arg12[%add3A_461, %add3A_464], %gather3A_459 : memref<32x128xf32, #tpu.memory_space<vmem>>[vector<16xi32>, vector<16xi32>], vector<16xf32>,
          %add3A_465 = vector.broadcast %mul3A_94 : i32 to vector<16xi32>
          %add3A_466 = arith.addi %broadcast_in_dim3A_1, %add3A_465 : vector<16xi32>
          %add3A_467 = arith.constant 27 : i32
          %add3A_468 = vector.broadcast %add3A_467 : i32 to vector<16xi32>
          %add3A_469 = arith.addi %add3A_466, %add3A_468 : vector<16xi32>
          %gather3A_470 = tpu.vector_load_idx %arg10[%add3A_469, %select_n3A_153] : memref<64x1024xf32, #tpu.memory_space<vmem>>[vector<16xi32>, vector<16xi32>], vector<16xf32>,
          %add3A_471 = vector.broadcast %mul3A_168 : i32 to vector<16xi32>
          %add3A_472 = arith.addi %add3A_471, %iota3A : vector<16xi32>
          %add3A_473 = arith.constant 27 : i32
          %add3A_474 = vector.broadcast %add3A_473 : i32 to vector<16xi32>
          %add3A_475 = arith.addi %broadcast_in_dim3A_1, %add3A_474 : vector<16xi32>
          tpu.vector_store_idx %arg12[%add3A_472, %add3A_475], %gather3A_470 : memref<32x128xf32, #tpu.memory_space<vmem>>[vector<16xi32>, vector<16xi32>], vector<16xf32>,
          %add3A_476 = vector.broadcast %mul3A_94 : i32 to vector<16xi32>
          %add3A_477 = arith.addi %broadcast_in_dim3A_1, %add3A_476 : vector<16xi32>
          %add3A_478 = arith.constant 28 : i32
          %add3A_479 = vector.broadcast %add3A_478 : i32 to vector<16xi32>
          %add3A_480 = arith.addi %add3A_477, %add3A_479 : vector<16xi32>
          %gather3A_481 = tpu.vector_load_idx %arg10[%add3A_480, %select_n3A_153] : memref<64x1024xf32, #tpu.memory_space<vmem>>[vector<16xi32>, vector<16xi32>], vector<16xf32>,
          %add3A_482 = vector.broadcast %mul3A_168 : i32 to vector<16xi32>
          %add3A_483 = arith.addi %add3A_482, %iota3A : vector<16xi32>
          %add3A_484 = arith.constant 28 : i32
          %add3A_485 = vector.broadcast %add3A_484 : i32 to vector<16xi32>
          %add3A_486 = arith.addi %broadcast_in_dim3A_1, %add3A_485 : vector<16xi32>
          tpu.vector_store_idx %arg12[%add3A_483, %add3A_486], %gather3A_481 : memref<32x128xf32, #tpu.memory_space<vmem>>[vector<16xi32>, vector<16xi32>], vector<16xf32>,
          %add3A_487 = vector.broadcast %mul3A_94 : i32 to vector<16xi32>
          %add3A_488 = arith.addi %broadcast_in_dim3A_1, %add3A_487 : vector<16xi32>
          %add3A_489 = arith.constant 29 : i32
          %add3A_490 = vector.broadcast %add3A_489 : i32 to vector<16xi32>
          %add3A_491 = arith.addi %add3A_488, %add3A_490 : vector<16xi32>
          %gather3A_492 = tpu.vector_load_idx %arg10[%add3A_491, %select_n3A_153] : memref<64x1024xf32, #tpu.memory_space<vmem>>[vector<16xi32>, vector<16xi32>], vector<16xf32>,
          %add3A_493 = vector.broadcast %mul3A_168 : i32 to vector<16xi32>
          %add3A_494 = arith.addi %add3A_493, %iota3A : vector<16xi32>
          %add3A_495 = arith.constant 29 : i32
          %add3A_496 = vector.broadcast %add3A_495 : i32 to vector<16xi32>
          %add3A_497 = arith.addi %broadcast_in_dim3A_1, %add3A_496 : vector<16xi32>
          tpu.vector_store_idx %arg12[%add3A_494, %add3A_497], %gather3A_492 : memref<32x128xf32, #tpu.memory_space<vmem>>[vector<16xi32>, vector<16xi32>], vector<16xf32>,
          %add3A_498 = vector.broadcast %mul3A_94 : i32 to vector<16xi32>
          %add3A_499 = arith.addi %broadcast_in_dim3A_1, %add3A_498 : vector<16xi32>
          %add3A_500 = arith.constant 30 : i32
          %add3A_501 = vector.broadcast %add3A_500 : i32 to vector<16xi32>
          %add3A_502 = arith.addi %add3A_499, %add3A_501 : vector<16xi32>
          %gather3A_503 = tpu.vector_load_idx %arg10[%add3A_502, %select_n3A_153] : memref<64x1024xf32, #tpu.memory_space<vmem>>[vector<16xi32>, vector<16xi32>], vector<16xf32>,
          %add3A_504 = vector.broadcast %mul3A_168 : i32 to vector<16xi32>
          %add3A_505 = arith.addi %add3A_504, %iota3A : vector<16xi32>
          %add3A_506 = arith.constant 30 : i32
          %add3A_507 = vector.broadcast %add3A_506 : i32 to vector<16xi32>
          %add3A_508 = arith.addi %broadcast_in_dim3A_1, %add3A_507 : vector<16xi32>
          tpu.vector_store_idx %arg12[%add3A_505, %add3A_508], %gather3A_503 : memref<32x128xf32, #tpu.memory_space<vmem>>[vector<16xi32>, vector<16xi32>], vector<16xf32>,
          %add3A_509 = vector.broadcast %mul3A_94 : i32 to vector<16xi32>
          %add3A_510 = arith.addi %broadcast_in_dim3A_1, %add3A_509 : vector<16xi32>
          %add3A_511 = arith.constant 31 : i32
          %add3A_512 = vector.broadcast %add3A_511 : i32 to vector<16xi32>
          %add3A_513 = arith.addi %add3A_510, %add3A_512 : vector<16xi32>
          %gather3A_514 = tpu.vector_load_idx %arg10[%add3A_513, %select_n3A_153] : memref<64x1024xf32, #tpu.memory_space<vmem>>[vector<16xi32>, vector<16xi32>], vector<16xf32>,
          %add3A_515 = vector.broadcast %mul3A_168 : i32 to vector<16xi32>
          %add3A_516 = arith.addi %add3A_515, %iota3A : vector<16xi32>
          %add3A_517 = arith.constant 31 : i32
          %add3A_518 = vector.broadcast %add3A_517 : i32 to vector<16xi32>
          %add3A_519 = arith.addi %broadcast_in_dim3A_1, %add3A_518 : vector<16xi32>
          tpu.vector_store_idx %arg12[%add3A_516, %add3A_519], %gather3A_514 : memref<32x128xf32, #tpu.memory_space<vmem>>[vector<16xi32>, vector<16xi32>], vector<16xf32>,
          %multiple_of3A_520 = tpu.assume_multiple %mul3A_168, 16 : i32
          %dma_start3A_521 = arith.constant 0 : i32
          %dma_start3A_522 = tpu.memref_slice %arg12[%multiple_of3A_520, %dma_start3A_521] : memref<32x128xf32, #tpu.memory_space<vmem>> -> memref<16x128xf32, #tpu.memory_space<vmem>>
          %dma_start3A_523 = arith.constant 0 : i32
          %dma_start3A_524 = arith.constant 0 : i32
          %dma_start3A_525 = tpu.memref_slice %arg5[%dma_start3A_523, %dma_start3A_524] : memref<16416x128xf32, #tpu.memory_space<hbm>> -> memref<16416x128xf32, #tpu.memory_space<hbm>>
          tpu.enqueue_indirect_dma source(%dma_start3A_522 : memref<16x128xf32, #tpu.memory_space<vmem>>) target(%dma_start3A_525 : memref<16416x128xf32, #tpu.memory_space<hbm>>) offsets(%select_n3A_160 : vector<16xi32>) semaphore(%arg14 : memref<!tpu.dma_semaphore, #tpu.memory_space<semaphore_mem>>)
          %add3A_526 = arith.constant 1 : i32
          %add3A_527 = arith.addi %while3A_129, %add3A_526 : i32
          scf.yield %add3A_527 : i32
        }
        scf.yield %while3A_127 : i32
      } else {
        %scan3A_113 = arith.constant 0 : i32
        %scan3A_114 = arith.constant 1024 : i32
        %scan3A_115 = arith.addi %scan3A_113, %scan3A_114 : i32
        %scan3A_116 = arith.constant 1 : i32
        %scan3A_117 = scf.for %scan3A_119 = %scan3A_113 to %scan3A_115 step %scan3A_116 iter_args(%scan3A_120 = %while3A_73) -> (i32)  : i32 {
          %mul3A_121 = arith.constant 16 : i32
          %mul3A_122 = arith.muli %scan3A_119, %mul3A_121 : i32
          %multiple_of3A_123 = tpu.assume_multiple %mul3A_122, 16 : i32
          %get3A_124 = arith.index_cast %multiple_of3A_123 : i32 to index
          %get3A_125 = tpu.vector_load %arg6[%get3A_124] {strides = array<i32>} : memref<16384xi32, #tpu.memory_space<vmem>>, vector<16xi32>,
          %shift_right_arithmetic3A_126 = arith.constant 10 : i32
          %shift_right_arithmetic3A_127 = vector.broadcast %shift_right_arithmetic3A_126 : i32 to vector<16xi32>
          %shift_right_arithmetic3A_128 = arith.shrsi %get3A_125, %shift_right_arithmetic3A_127 : vector<16xi32>
          %and3A_129 = arith.constant 31 : i32
          %and3A_130 = vector.broadcast %and3A_129 : i32 to vector<16xi32>
          %and3A_131 = arith.andi %shift_right_arithmetic3A_128, %and3A_130 : vector<16xi32>
          %eq3A_132 = vector.broadcast %add3A : i32 to vector<16xi32>
          %eq3A_133 = arith.cmpi eq, %and3A_131, %eq3A_132 : vector<16xi32>
          %shift_right_arithmetic3A_134 = arith.constant 15 : i32
          %shift_right_arithmetic3A_135 = vector.broadcast %shift_right_arithmetic3A_134 : i32 to vector<16xi32>
          %shift_right_arithmetic3A_136 = arith.shrsi %get3A_125, %shift_right_arithmetic3A_135 : vector<16xi32>
          %eq3A_137 = vector.broadcast %while3A_72 : i32 to vector<16xi32>
          %eq3A_138 = arith.cmpi eq, %shift_right_arithmetic3A_136, %eq3A_137 : vector<16xi32>
          %and3A_139 = arith.andi %eq3A_133, %eq3A_138 : vector<16xi1>
          %and3A_140 = arith.constant 1023 : i32
          %and3A_141 = vector.broadcast %and3A_140 : i32 to vector<16xi32>
          %and3A_142 = arith.andi %get3A_125, %and3A_141 : vector<16xi32>
          %jit3A_143 = arith.constant 0 : i32
          %broadcast_in_dim3A_144 = vector.broadcast %jit3A_143 : i32 to vector<16xi32>
          %select_n3A_145 = arith.select %and3A_139, %and3A_142, %broadcast_in_dim3A_144 : vector<16xi1>, vector<16xi32>
          %mul3A_146 = arith.constant 16 : i32
          %mul3A_147 = arith.muli %scan3A_119, %mul3A_146 : i32
          %add3A_148 = vector.broadcast %mul3A_147 : i32 to vector<16xi32>
          %add3A_149 = arith.addi %add3A_148, %iota3A : vector<16xi32>
          %add3A_150 = arith.constant 16384 : i32
          %add3A_151 = arith.addi %add3A_150, %add3A : i32
          %broadcast_in_dim3A_152 = vector.broadcast %add3A_151 : i32 to vector<16xi32>
          %select_n3A_153 = arith.select %and3A_139, %add3A_149, %broadcast_in_dim3A_152 : vector<16xi1>, vector<16xi32>
          %ge3A = arith.constant 2 : i32
          %ge3A_154 = arith.cmpi sge, %scan3A_120, %ge3A : i32
          %convert_element_type3A_155 = arith.extui %ge3A_154 : i1 to i32
          %cond3A_156 = arith.constant 0 : i32
          %cond3A_157 = arith.cmpi ne, %convert_element_type3A_155, %cond3A_156 : i32
          scf.if %cond3A_157 {
            %dma_wait3A_521 = arith.constant 0 : i32
            %dma_wait3A_522 = arith.constant 0 : i32
            %dma_wait3A_523 = tpu.memref_slice %arg12[%dma_wait3A_521, %dma_wait3A_522] : memref<32x128xf32, #tpu.memory_space<vmem>> -> memref<16x128xf32, #tpu.memory_space<vmem>>
            %dma_wait3A_524 = arith.constant 0 : i32
            %dma_wait3A_525 = arith.constant 0 : i32
            %dma_wait3A_526 = tpu.memref_slice %arg5[%dma_wait3A_524, %dma_wait3A_525] : memref<16416x128xf32, #tpu.memory_space<hbm>> -> memref<16x128xf32, #tpu.memory_space<hbm>>
            %dma_wait3A_527 = arith.constant 0 : i32
            %dma_wait3A_528 = arith.constant 0 : i32
            %dma_wait3A_529 = tpu.memref_slice %arg5[%dma_wait3A_527, %dma_wait3A_528] : memref<16416x128xf32, #tpu.memory_space<hbm>> -> memref<16x128xf32, #tpu.memory_space<hbm>>
            %dma_wait3A_530 = arith.constant 0 : i32
            %dma_wait3A_531 = arith.constant 0 : i32
            %dma_wait3A_532 = tpu.memref_slice %arg12[%dma_wait3A_530, %dma_wait3A_531] : memref<32x128xf32, #tpu.memory_space<vmem>> -> memref<16x128xf32, #tpu.memory_space<vmem>>
            tpu.wait_dma2 semaphore(%arg14 : memref<!tpu.dma_semaphore, #tpu.memory_space<semaphore_mem>>) src(%dma_wait3A_532 : memref<16x128xf32, #tpu.memory_space<vmem>>) dst(%dma_wait3A_529 : memref<16x128xf32, #tpu.memory_space<hbm>>)
          } else {
          }
          %rem3A_158 = arith.constant 2 : i32
          %rem3A_159 = arith.remsi %scan3A_120, %rem3A_158 : i32
          %mul3A_160 = arith.constant 16 : i32
          %mul3A_161 = arith.muli %rem3A_159, %mul3A_160 : i32
          %add3A_162 = vector.broadcast %mul3A_94 : i32 to vector<16xi32>
          %add3A_163 = arith.addi %broadcast_in_dim3A_1, %add3A_162 : vector<16xi32>
          %add3A_164 = arith.constant 0 : i32
          %add3A_165 = vector.broadcast %add3A_164 : i32 to vector<16xi32>
          %add3A_166 = arith.addi %add3A_163, %add3A_165 : vector<16xi32>
          %gather3A = tpu.vector_load_idx %arg10[%add3A_166, %select_n3A_145] : memref<64x1024xf32, #tpu.memory_space<vmem>>[vector<16xi32>, vector<16xi32>], vector<16xf32>,
          %add3A_167 = vector.broadcast %mul3A_161 : i32 to vector<16xi32>
          %add3A_168 = arith.addi %add3A_167, %iota3A : vector<16xi32>
          %add3A_169 = arith.constant 0 : i32
          %add3A_170 = vector.broadcast %add3A_169 : i32 to vector<16xi32>
          %add3A_171 = arith.addi %broadcast_in_dim3A_1, %add3A_170 : vector<16xi32>
          tpu.vector_store_idx %arg12[%add3A_168, %add3A_171], %gather3A : memref<32x128xf32, #tpu.memory_space<vmem>>[vector<16xi32>, vector<16xi32>], vector<16xf32>,
          %add3A_172 = vector.broadcast %mul3A_94 : i32 to vector<16xi32>
          %add3A_173 = arith.addi %broadcast_in_dim3A_1, %add3A_172 : vector<16xi32>
          %add3A_174 = arith.constant 1 : i32
          %add3A_175 = vector.broadcast %add3A_174 : i32 to vector<16xi32>
          %add3A_176 = arith.addi %add3A_173, %add3A_175 : vector<16xi32>
          %gather3A_177 = tpu.vector_load_idx %arg10[%add3A_176, %select_n3A_145] : memref<64x1024xf32, #tpu.memory_space<vmem>>[vector<16xi32>, vector<16xi32>], vector<16xf32>,
          %add3A_178 = vector.broadcast %mul3A_161 : i32 to vector<16xi32>
          %add3A_179 = arith.addi %add3A_178, %iota3A : vector<16xi32>
          %add3A_180 = arith.constant 1 : i32
          %add3A_181 = vector.broadcast %add3A_180 : i32 to vector<16xi32>
          %add3A_182 = arith.addi %broadcast_in_dim3A_1, %add3A_181 : vector<16xi32>
          tpu.vector_store_idx %arg12[%add3A_179, %add3A_182], %gather3A_177 : memref<32x128xf32, #tpu.memory_space<vmem>>[vector<16xi32>, vector<16xi32>], vector<16xf32>,
          %add3A_183 = vector.broadcast %mul3A_94 : i32 to vector<16xi32>
          %add3A_184 = arith.addi %broadcast_in_dim3A_1, %add3A_183 : vector<16xi32>
          %add3A_185 = arith.constant 2 : i32
          %add3A_186 = vector.broadcast %add3A_185 : i32 to vector<16xi32>
          %add3A_187 = arith.addi %add3A_184, %add3A_186 : vector<16xi32>
          %gather3A_188 = tpu.vector_load_idx %arg10[%add3A_187, %select_n3A_145] : memref<64x1024xf32, #tpu.memory_space<vmem>>[vector<16xi32>, vector<16xi32>], vector<16xf32>,
          %add3A_189 = vector.broadcast %mul3A_161 : i32 to vector<16xi32>
          %add3A_190 = arith.addi %add3A_189, %iota3A : vector<16xi32>
          %add3A_191 = arith.constant 2 : i32
          %add3A_192 = vector.broadcast %add3A_191 : i32 to vector<16xi32>
          %add3A_193 = arith.addi %broadcast_in_dim3A_1, %add3A_192 : vector<16xi32>
          tpu.vector_store_idx %arg12[%add3A_190, %add3A_193], %gather3A_188 : memref<32x128xf32, #tpu.memory_space<vmem>>[vector<16xi32>, vector<16xi32>], vector<16xf32>,
          %add3A_194 = vector.broadcast %mul3A_94 : i32 to vector<16xi32>
          %add3A_195 = arith.addi %broadcast_in_dim3A_1, %add3A_194 : vector<16xi32>
          %add3A_196 = arith.constant 3 : i32
          %add3A_197 = vector.broadcast %add3A_196 : i32 to vector<16xi32>
          %add3A_198 = arith.addi %add3A_195, %add3A_197 : vector<16xi32>
          %gather3A_199 = tpu.vector_load_idx %arg10[%add3A_198, %select_n3A_145] : memref<64x1024xf32, #tpu.memory_space<vmem>>[vector<16xi32>, vector<16xi32>], vector<16xf32>,
          %add3A_200 = vector.broadcast %mul3A_161 : i32 to vector<16xi32>
          %add3A_201 = arith.addi %add3A_200, %iota3A : vector<16xi32>
          %add3A_202 = arith.constant 3 : i32
          %add3A_203 = vector.broadcast %add3A_202 : i32 to vector<16xi32>
          %add3A_204 = arith.addi %broadcast_in_dim3A_1, %add3A_203 : vector<16xi32>
          tpu.vector_store_idx %arg12[%add3A_201, %add3A_204], %gather3A_199 : memref<32x128xf32, #tpu.memory_space<vmem>>[vector<16xi32>, vector<16xi32>], vector<16xf32>,
          %add3A_205 = vector.broadcast %mul3A_94 : i32 to vector<16xi32>
          %add3A_206 = arith.addi %broadcast_in_dim3A_1, %add3A_205 : vector<16xi32>
          %add3A_207 = arith.constant 4 : i32
          %add3A_208 = vector.broadcast %add3A_207 : i32 to vector<16xi32>
          %add3A_209 = arith.addi %add3A_206, %add3A_208 : vector<16xi32>
          %gather3A_210 = tpu.vector_load_idx %arg10[%add3A_209, %select_n3A_145] : memref<64x1024xf32, #tpu.memory_space<vmem>>[vector<16xi32>, vector<16xi32>], vector<16xf32>,
          %add3A_211 = vector.broadcast %mul3A_161 : i32 to vector<16xi32>
          %add3A_212 = arith.addi %add3A_211, %iota3A : vector<16xi32>
          %add3A_213 = arith.constant 4 : i32
          %add3A_214 = vector.broadcast %add3A_213 : i32 to vector<16xi32>
          %add3A_215 = arith.addi %broadcast_in_dim3A_1, %add3A_214 : vector<16xi32>
          tpu.vector_store_idx %arg12[%add3A_212, %add3A_215], %gather3A_210 : memref<32x128xf32, #tpu.memory_space<vmem>>[vector<16xi32>, vector<16xi32>], vector<16xf32>,
          %add3A_216 = vector.broadcast %mul3A_94 : i32 to vector<16xi32>
          %add3A_217 = arith.addi %broadcast_in_dim3A_1, %add3A_216 : vector<16xi32>
          %add3A_218 = arith.constant 5 : i32
          %add3A_219 = vector.broadcast %add3A_218 : i32 to vector<16xi32>
          %add3A_220 = arith.addi %add3A_217, %add3A_219 : vector<16xi32>
          %gather3A_221 = tpu.vector_load_idx %arg10[%add3A_220, %select_n3A_145] : memref<64x1024xf32, #tpu.memory_space<vmem>>[vector<16xi32>, vector<16xi32>], vector<16xf32>,
          %add3A_222 = vector.broadcast %mul3A_161 : i32 to vector<16xi32>
          %add3A_223 = arith.addi %add3A_222, %iota3A : vector<16xi32>
          %add3A_224 = arith.constant 5 : i32
          %add3A_225 = vector.broadcast %add3A_224 : i32 to vector<16xi32>
          %add3A_226 = arith.addi %broadcast_in_dim3A_1, %add3A_225 : vector<16xi32>
          tpu.vector_store_idx %arg12[%add3A_223, %add3A_226], %gather3A_221 : memref<32x128xf32, #tpu.memory_space<vmem>>[vector<16xi32>, vector<16xi32>], vector<16xf32>,
          %add3A_227 = vector.broadcast %mul3A_94 : i32 to vector<16xi32>
          %add3A_228 = arith.addi %broadcast_in_dim3A_1, %add3A_227 : vector<16xi32>
          %add3A_229 = arith.constant 6 : i32
          %add3A_230 = vector.broadcast %add3A_229 : i32 to vector<16xi32>
          %add3A_231 = arith.addi %add3A_228, %add3A_230 : vector<16xi32>
          %gather3A_232 = tpu.vector_load_idx %arg10[%add3A_231, %select_n3A_145] : memref<64x1024xf32, #tpu.memory_space<vmem>>[vector<16xi32>, vector<16xi32>], vector<16xf32>,
          %add3A_233 = vector.broadcast %mul3A_161 : i32 to vector<16xi32>
          %add3A_234 = arith.addi %add3A_233, %iota3A : vector<16xi32>
          %add3A_235 = arith.constant 6 : i32
          %add3A_236 = vector.broadcast %add3A_235 : i32 to vector<16xi32>
          %add3A_237 = arith.addi %broadcast_in_dim3A_1, %add3A_236 : vector<16xi32>
          tpu.vector_store_idx %arg12[%add3A_234, %add3A_237], %gather3A_232 : memref<32x128xf32, #tpu.memory_space<vmem>>[vector<16xi32>, vector<16xi32>], vector<16xf32>,
          %add3A_238 = vector.broadcast %mul3A_94 : i32 to vector<16xi32>
          %add3A_239 = arith.addi %broadcast_in_dim3A_1, %add3A_238 : vector<16xi32>
          %add3A_240 = arith.constant 7 : i32
          %add3A_241 = vector.broadcast %add3A_240 : i32 to vector<16xi32>
          %add3A_242 = arith.addi %add3A_239, %add3A_241 : vector<16xi32>
          %gather3A_243 = tpu.vector_load_idx %arg10[%add3A_242, %select_n3A_145] : memref<64x1024xf32, #tpu.memory_space<vmem>>[vector<16xi32>, vector<16xi32>], vector<16xf32>,
          %add3A_244 = vector.broadcast %mul3A_161 : i32 to vector<16xi32>
          %add3A_245 = arith.addi %add3A_244, %iota3A : vector<16xi32>
          %add3A_246 = arith.constant 7 : i32
          %add3A_247 = vector.broadcast %add3A_246 : i32 to vector<16xi32>
          %add3A_248 = arith.addi %broadcast_in_dim3A_1, %add3A_247 : vector<16xi32>
          tpu.vector_store_idx %arg12[%add3A_245, %add3A_248], %gather3A_243 : memref<32x128xf32, #tpu.memory_space<vmem>>[vector<16xi32>, vector<16xi32>], vector<16xf32>,
          %add3A_249 = vector.broadcast %mul3A_94 : i32 to vector<16xi32>
          %add3A_250 = arith.addi %broadcast_in_dim3A_1, %add3A_249 : vector<16xi32>
          %add3A_251 = arith.constant 8 : i32
          %add3A_252 = vector.broadcast %add3A_251 : i32 to vector<16xi32>
          %add3A_253 = arith.addi %add3A_250, %add3A_252 : vector<16xi32>
          %gather3A_254 = tpu.vector_load_idx %arg10[%add3A_253, %select_n3A_145] : memref<64x1024xf32, #tpu.memory_space<vmem>>[vector<16xi32>, vector<16xi32>], vector<16xf32>,
          %add3A_255 = vector.broadcast %mul3A_161 : i32 to vector<16xi32>
          %add3A_256 = arith.addi %add3A_255, %iota3A : vector<16xi32>
          %add3A_257 = arith.constant 8 : i32
          %add3A_258 = vector.broadcast %add3A_257 : i32 to vector<16xi32>
          %add3A_259 = arith.addi %broadcast_in_dim3A_1, %add3A_258 : vector<16xi32>
          tpu.vector_store_idx %arg12[%add3A_256, %add3A_259], %gather3A_254 : memref<32x128xf32, #tpu.memory_space<vmem>>[vector<16xi32>, vector<16xi32>], vector<16xf32>,
          %add3A_260 = vector.broadcast %mul3A_94 : i32 to vector<16xi32>
          %add3A_261 = arith.addi %broadcast_in_dim3A_1, %add3A_260 : vector<16xi32>
          %add3A_262 = arith.constant 9 : i32
          %add3A_263 = vector.broadcast %add3A_262 : i32 to vector<16xi32>
          %add3A_264 = arith.addi %add3A_261, %add3A_263 : vector<16xi32>
          %gather3A_265 = tpu.vector_load_idx %arg10[%add3A_264, %select_n3A_145] : memref<64x1024xf32, #tpu.memory_space<vmem>>[vector<16xi32>, vector<16xi32>], vector<16xf32>,
          %add3A_266 = vector.broadcast %mul3A_161 : i32 to vector<16xi32>
          %add3A_267 = arith.addi %add3A_266, %iota3A : vector<16xi32>
          %add3A_268 = arith.constant 9 : i32
          %add3A_269 = vector.broadcast %add3A_268 : i32 to vector<16xi32>
          %add3A_270 = arith.addi %broadcast_in_dim3A_1, %add3A_269 : vector<16xi32>
          tpu.vector_store_idx %arg12[%add3A_267, %add3A_270], %gather3A_265 : memref<32x128xf32, #tpu.memory_space<vmem>>[vector<16xi32>, vector<16xi32>], vector<16xf32>,
          %add3A_271 = vector.broadcast %mul3A_94 : i32 to vector<16xi32>
          %add3A_272 = arith.addi %broadcast_in_dim3A_1, %add3A_271 : vector<16xi32>
          %add3A_273 = arith.constant 10 : i32
          %add3A_274 = vector.broadcast %add3A_273 : i32 to vector<16xi32>
          %add3A_275 = arith.addi %add3A_272, %add3A_274 : vector<16xi32>
          %gather3A_276 = tpu.vector_load_idx %arg10[%add3A_275, %select_n3A_145] : memref<64x1024xf32, #tpu.memory_space<vmem>>[vector<16xi32>, vector<16xi32>], vector<16xf32>,
          %add3A_277 = vector.broadcast %mul3A_161 : i32 to vector<16xi32>
          %add3A_278 = arith.addi %add3A_277, %iota3A : vector<16xi32>
          %add3A_279 = arith.constant 10 : i32
          %add3A_280 = vector.broadcast %add3A_279 : i32 to vector<16xi32>
          %add3A_281 = arith.addi %broadcast_in_dim3A_1, %add3A_280 : vector<16xi32>
          tpu.vector_store_idx %arg12[%add3A_278, %add3A_281], %gather3A_276 : memref<32x128xf32, #tpu.memory_space<vmem>>[vector<16xi32>, vector<16xi32>], vector<16xf32>,
          %add3A_282 = vector.broadcast %mul3A_94 : i32 to vector<16xi32>
          %add3A_283 = arith.addi %broadcast_in_dim3A_1, %add3A_282 : vector<16xi32>
          %add3A_284 = arith.constant 11 : i32
          %add3A_285 = vector.broadcast %add3A_284 : i32 to vector<16xi32>
          %add3A_286 = arith.addi %add3A_283, %add3A_285 : vector<16xi32>
          %gather3A_287 = tpu.vector_load_idx %arg10[%add3A_286, %select_n3A_145] : memref<64x1024xf32, #tpu.memory_space<vmem>>[vector<16xi32>, vector<16xi32>], vector<16xf32>,
          %add3A_288 = vector.broadcast %mul3A_161 : i32 to vector<16xi32>
          %add3A_289 = arith.addi %add3A_288, %iota3A : vector<16xi32>
          %add3A_290 = arith.constant 11 : i32
          %add3A_291 = vector.broadcast %add3A_290 : i32 to vector<16xi32>
          %add3A_292 = arith.addi %broadcast_in_dim3A_1, %add3A_291 : vector<16xi32>
          tpu.vector_store_idx %arg12[%add3A_289, %add3A_292], %gather3A_287 : memref<32x128xf32, #tpu.memory_space<vmem>>[vector<16xi32>, vector<16xi32>], vector<16xf32>,
          %add3A_293 = vector.broadcast %mul3A_94 : i32 to vector<16xi32>
          %add3A_294 = arith.addi %broadcast_in_dim3A_1, %add3A_293 : vector<16xi32>
          %add3A_295 = arith.constant 12 : i32
          %add3A_296 = vector.broadcast %add3A_295 : i32 to vector<16xi32>
          %add3A_297 = arith.addi %add3A_294, %add3A_296 : vector<16xi32>
          %gather3A_298 = tpu.vector_load_idx %arg10[%add3A_297, %select_n3A_145] : memref<64x1024xf32, #tpu.memory_space<vmem>>[vector<16xi32>, vector<16xi32>], vector<16xf32>,
          %add3A_299 = vector.broadcast %mul3A_161 : i32 to vector<16xi32>
          %add3A_300 = arith.addi %add3A_299, %iota3A : vector<16xi32>
          %add3A_301 = arith.constant 12 : i32
          %add3A_302 = vector.broadcast %add3A_301 : i32 to vector<16xi32>
          %add3A_303 = arith.addi %broadcast_in_dim3A_1, %add3A_302 : vector<16xi32>
          tpu.vector_store_idx %arg12[%add3A_300, %add3A_303], %gather3A_298 : memref<32x128xf32, #tpu.memory_space<vmem>>[vector<16xi32>, vector<16xi32>], vector<16xf32>,
          %add3A_304 = vector.broadcast %mul3A_94 : i32 to vector<16xi32>
          %add3A_305 = arith.addi %broadcast_in_dim3A_1, %add3A_304 : vector<16xi32>
          %add3A_306 = arith.constant 13 : i32
          %add3A_307 = vector.broadcast %add3A_306 : i32 to vector<16xi32>
          %add3A_308 = arith.addi %add3A_305, %add3A_307 : vector<16xi32>
          %gather3A_309 = tpu.vector_load_idx %arg10[%add3A_308, %select_n3A_145] : memref<64x1024xf32, #tpu.memory_space<vmem>>[vector<16xi32>, vector<16xi32>], vector<16xf32>,
          %add3A_310 = vector.broadcast %mul3A_161 : i32 to vector<16xi32>
          %add3A_311 = arith.addi %add3A_310, %iota3A : vector<16xi32>
          %add3A_312 = arith.constant 13 : i32
          %add3A_313 = vector.broadcast %add3A_312 : i32 to vector<16xi32>
          %add3A_314 = arith.addi %broadcast_in_dim3A_1, %add3A_313 : vector<16xi32>
          tpu.vector_store_idx %arg12[%add3A_311, %add3A_314], %gather3A_309 : memref<32x128xf32, #tpu.memory_space<vmem>>[vector<16xi32>, vector<16xi32>], vector<16xf32>,
          %add3A_315 = vector.broadcast %mul3A_94 : i32 to vector<16xi32>
          %add3A_316 = arith.addi %broadcast_in_dim3A_1, %add3A_315 : vector<16xi32>
          %add3A_317 = arith.constant 14 : i32
          %add3A_318 = vector.broadcast %add3A_317 : i32 to vector<16xi32>
          %add3A_319 = arith.addi %add3A_316, %add3A_318 : vector<16xi32>
          %gather3A_320 = tpu.vector_load_idx %arg10[%add3A_319, %select_n3A_145] : memref<64x1024xf32, #tpu.memory_space<vmem>>[vector<16xi32>, vector<16xi32>], vector<16xf32>,
          %add3A_321 = vector.broadcast %mul3A_161 : i32 to vector<16xi32>
          %add3A_322 = arith.addi %add3A_321, %iota3A : vector<16xi32>
          %add3A_323 = arith.constant 14 : i32
          %add3A_324 = vector.broadcast %add3A_323 : i32 to vector<16xi32>
          %add3A_325 = arith.addi %broadcast_in_dim3A_1, %add3A_324 : vector<16xi32>
          tpu.vector_store_idx %arg12[%add3A_322, %add3A_325], %gather3A_320 : memref<32x128xf32, #tpu.memory_space<vmem>>[vector<16xi32>, vector<16xi32>], vector<16xf32>,
          %add3A_326 = vector.broadcast %mul3A_94 : i32 to vector<16xi32>
          %add3A_327 = arith.addi %broadcast_in_dim3A_1, %add3A_326 : vector<16xi32>
          %add3A_328 = arith.constant 15 : i32
          %add3A_329 = vector.broadcast %add3A_328 : i32 to vector<16xi32>
          %add3A_330 = arith.addi %add3A_327, %add3A_329 : vector<16xi32>
          %gather3A_331 = tpu.vector_load_idx %arg10[%add3A_330, %select_n3A_145] : memref<64x1024xf32, #tpu.memory_space<vmem>>[vector<16xi32>, vector<16xi32>], vector<16xf32>,
          %add3A_332 = vector.broadcast %mul3A_161 : i32 to vector<16xi32>
          %add3A_333 = arith.addi %add3A_332, %iota3A : vector<16xi32>
          %add3A_334 = arith.constant 15 : i32
          %add3A_335 = vector.broadcast %add3A_334 : i32 to vector<16xi32>
          %add3A_336 = arith.addi %broadcast_in_dim3A_1, %add3A_335 : vector<16xi32>
          tpu.vector_store_idx %arg12[%add3A_333, %add3A_336], %gather3A_331 : memref<32x128xf32, #tpu.memory_space<vmem>>[vector<16xi32>, vector<16xi32>], vector<16xf32>,
          %add3A_337 = vector.broadcast %mul3A_94 : i32 to vector<16xi32>
          %add3A_338 = arith.addi %broadcast_in_dim3A_1, %add3A_337 : vector<16xi32>
          %add3A_339 = arith.constant 16 : i32
          %add3A_340 = vector.broadcast %add3A_339 : i32 to vector<16xi32>
          %add3A_341 = arith.addi %add3A_338, %add3A_340 : vector<16xi32>
          %gather3A_342 = tpu.vector_load_idx %arg10[%add3A_341, %select_n3A_145] : memref<64x1024xf32, #tpu.memory_space<vmem>>[vector<16xi32>, vector<16xi32>], vector<16xf32>,
          %add3A_343 = vector.broadcast %mul3A_161 : i32 to vector<16xi32>
          %add3A_344 = arith.addi %add3A_343, %iota3A : vector<16xi32>
          %add3A_345 = arith.constant 16 : i32
          %add3A_346 = vector.broadcast %add3A_345 : i32 to vector<16xi32>
          %add3A_347 = arith.addi %broadcast_in_dim3A_1, %add3A_346 : vector<16xi32>
          tpu.vector_store_idx %arg12[%add3A_344, %add3A_347], %gather3A_342 : memref<32x128xf32, #tpu.memory_space<vmem>>[vector<16xi32>, vector<16xi32>], vector<16xf32>,
          %add3A_348 = vector.broadcast %mul3A_94 : i32 to vector<16xi32>
          %add3A_349 = arith.addi %broadcast_in_dim3A_1, %add3A_348 : vector<16xi32>
          %add3A_350 = arith.constant 17 : i32
          %add3A_351 = vector.broadcast %add3A_350 : i32 to vector<16xi32>
          %add3A_352 = arith.addi %add3A_349, %add3A_351 : vector<16xi32>
          %gather3A_353 = tpu.vector_load_idx %arg10[%add3A_352, %select_n3A_145] : memref<64x1024xf32, #tpu.memory_space<vmem>>[vector<16xi32>, vector<16xi32>], vector<16xf32>,
          %add3A_354 = vector.broadcast %mul3A_161 : i32 to vector<16xi32>
          %add3A_355 = arith.addi %add3A_354, %iota3A : vector<16xi32>
          %add3A_356 = arith.constant 17 : i32
          %add3A_357 = vector.broadcast %add3A_356 : i32 to vector<16xi32>
          %add3A_358 = arith.addi %broadcast_in_dim3A_1, %add3A_357 : vector<16xi32>
          tpu.vector_store_idx %arg12[%add3A_355, %add3A_358], %gather3A_353 : memref<32x128xf32, #tpu.memory_space<vmem>>[vector<16xi32>, vector<16xi32>], vector<16xf32>,
          %add3A_359 = vector.broadcast %mul3A_94 : i32 to vector<16xi32>
          %add3A_360 = arith.addi %broadcast_in_dim3A_1, %add3A_359 : vector<16xi32>
          %add3A_361 = arith.constant 18 : i32
          %add3A_362 = vector.broadcast %add3A_361 : i32 to vector<16xi32>
          %add3A_363 = arith.addi %add3A_360, %add3A_362 : vector<16xi32>
          %gather3A_364 = tpu.vector_load_idx %arg10[%add3A_363, %select_n3A_145] : memref<64x1024xf32, #tpu.memory_space<vmem>>[vector<16xi32>, vector<16xi32>], vector<16xf32>,
          %add3A_365 = vector.broadcast %mul3A_161 : i32 to vector<16xi32>
          %add3A_366 = arith.addi %add3A_365, %iota3A : vector<16xi32>
          %add3A_367 = arith.constant 18 : i32
          %add3A_368 = vector.broadcast %add3A_367 : i32 to vector<16xi32>
          %add3A_369 = arith.addi %broadcast_in_dim3A_1, %add3A_368 : vector<16xi32>
          tpu.vector_store_idx %arg12[%add3A_366, %add3A_369], %gather3A_364 : memref<32x128xf32, #tpu.memory_space<vmem>>[vector<16xi32>, vector<16xi32>], vector<16xf32>,
          %add3A_370 = vector.broadcast %mul3A_94 : i32 to vector<16xi32>
          %add3A_371 = arith.addi %broadcast_in_dim3A_1, %add3A_370 : vector<16xi32>
          %add3A_372 = arith.constant 19 : i32
          %add3A_373 = vector.broadcast %add3A_372 : i32 to vector<16xi32>
          %add3A_374 = arith.addi %add3A_371, %add3A_373 : vector<16xi32>
          %gather3A_375 = tpu.vector_load_idx %arg10[%add3A_374, %select_n3A_145] : memref<64x1024xf32, #tpu.memory_space<vmem>>[vector<16xi32>, vector<16xi32>], vector<16xf32>,
          %add3A_376 = vector.broadcast %mul3A_161 : i32 to vector<16xi32>
          %add3A_377 = arith.addi %add3A_376, %iota3A : vector<16xi32>
          %add3A_378 = arith.constant 19 : i32
          %add3A_379 = vector.broadcast %add3A_378 : i32 to vector<16xi32>
          %add3A_380 = arith.addi %broadcast_in_dim3A_1, %add3A_379 : vector<16xi32>
          tpu.vector_store_idx %arg12[%add3A_377, %add3A_380], %gather3A_375 : memref<32x128xf32, #tpu.memory_space<vmem>>[vector<16xi32>, vector<16xi32>], vector<16xf32>,
          %add3A_381 = vector.broadcast %mul3A_94 : i32 to vector<16xi32>
          %add3A_382 = arith.addi %broadcast_in_dim3A_1, %add3A_381 : vector<16xi32>
          %add3A_383 = arith.constant 20 : i32
          %add3A_384 = vector.broadcast %add3A_383 : i32 to vector<16xi32>
          %add3A_385 = arith.addi %add3A_382, %add3A_384 : vector<16xi32>
          %gather3A_386 = tpu.vector_load_idx %arg10[%add3A_385, %select_n3A_145] : memref<64x1024xf32, #tpu.memory_space<vmem>>[vector<16xi32>, vector<16xi32>], vector<16xf32>,
          %add3A_387 = vector.broadcast %mul3A_161 : i32 to vector<16xi32>
          %add3A_388 = arith.addi %add3A_387, %iota3A : vector<16xi32>
          %add3A_389 = arith.constant 20 : i32
          %add3A_390 = vector.broadcast %add3A_389 : i32 to vector<16xi32>
          %add3A_391 = arith.addi %broadcast_in_dim3A_1, %add3A_390 : vector<16xi32>
          tpu.vector_store_idx %arg12[%add3A_388, %add3A_391], %gather3A_386 : memref<32x128xf32, #tpu.memory_space<vmem>>[vector<16xi32>, vector<16xi32>], vector<16xf32>,
          %add3A_392 = vector.broadcast %mul3A_94 : i32 to vector<16xi32>
          %add3A_393 = arith.addi %broadcast_in_dim3A_1, %add3A_392 : vector<16xi32>
          %add3A_394 = arith.constant 21 : i32
          %add3A_395 = vector.broadcast %add3A_394 : i32 to vector<16xi32>
          %add3A_396 = arith.addi %add3A_393, %add3A_395 : vector<16xi32>
          %gather3A_397 = tpu.vector_load_idx %arg10[%add3A_396, %select_n3A_145] : memref<64x1024xf32, #tpu.memory_space<vmem>>[vector<16xi32>, vector<16xi32>], vector<16xf32>,
          %add3A_398 = vector.broadcast %mul3A_161 : i32 to vector<16xi32>
          %add3A_399 = arith.addi %add3A_398, %iota3A : vector<16xi32>
          %add3A_400 = arith.constant 21 : i32
          %add3A_401 = vector.broadcast %add3A_400 : i32 to vector<16xi32>
          %add3A_402 = arith.addi %broadcast_in_dim3A_1, %add3A_401 : vector<16xi32>
          tpu.vector_store_idx %arg12[%add3A_399, %add3A_402], %gather3A_397 : memref<32x128xf32, #tpu.memory_space<vmem>>[vector<16xi32>, vector<16xi32>], vector<16xf32>,
          %add3A_403 = vector.broadcast %mul3A_94 : i32 to vector<16xi32>
          %add3A_404 = arith.addi %broadcast_in_dim3A_1, %add3A_403 : vector<16xi32>
          %add3A_405 = arith.constant 22 : i32
          %add3A_406 = vector.broadcast %add3A_405 : i32 to vector<16xi32>
          %add3A_407 = arith.addi %add3A_404, %add3A_406 : vector<16xi32>
          %gather3A_408 = tpu.vector_load_idx %arg10[%add3A_407, %select_n3A_145] : memref<64x1024xf32, #tpu.memory_space<vmem>>[vector<16xi32>, vector<16xi32>], vector<16xf32>,
          %add3A_409 = vector.broadcast %mul3A_161 : i32 to vector<16xi32>
          %add3A_410 = arith.addi %add3A_409, %iota3A : vector<16xi32>
          %add3A_411 = arith.constant 22 : i32
          %add3A_412 = vector.broadcast %add3A_411 : i32 to vector<16xi32>
          %add3A_413 = arith.addi %broadcast_in_dim3A_1, %add3A_412 : vector<16xi32>
          tpu.vector_store_idx %arg12[%add3A_410, %add3A_413], %gather3A_408 : memref<32x128xf32, #tpu.memory_space<vmem>>[vector<16xi32>, vector<16xi32>], vector<16xf32>,
          %add3A_414 = vector.broadcast %mul3A_94 : i32 to vector<16xi32>
          %add3A_415 = arith.addi %broadcast_in_dim3A_1, %add3A_414 : vector<16xi32>
          %add3A_416 = arith.constant 23 : i32
          %add3A_417 = vector.broadcast %add3A_416 : i32 to vector<16xi32>
          %add3A_418 = arith.addi %add3A_415, %add3A_417 : vector<16xi32>
          %gather3A_419 = tpu.vector_load_idx %arg10[%add3A_418, %select_n3A_145] : memref<64x1024xf32, #tpu.memory_space<vmem>>[vector<16xi32>, vector<16xi32>], vector<16xf32>,
          %add3A_420 = vector.broadcast %mul3A_161 : i32 to vector<16xi32>
          %add3A_421 = arith.addi %add3A_420, %iota3A : vector<16xi32>
          %add3A_422 = arith.constant 23 : i32
          %add3A_423 = vector.broadcast %add3A_422 : i32 to vector<16xi32>
          %add3A_424 = arith.addi %broadcast_in_dim3A_1, %add3A_423 : vector<16xi32>
          tpu.vector_store_idx %arg12[%add3A_421, %add3A_424], %gather3A_419 : memref<32x128xf32, #tpu.memory_space<vmem>>[vector<16xi32>, vector<16xi32>], vector<16xf32>,
          %add3A_425 = vector.broadcast %mul3A_94 : i32 to vector<16xi32>
          %add3A_426 = arith.addi %broadcast_in_dim3A_1, %add3A_425 : vector<16xi32>
          %add3A_427 = arith.constant 24 : i32
          %add3A_428 = vector.broadcast %add3A_427 : i32 to vector<16xi32>
          %add3A_429 = arith.addi %add3A_426, %add3A_428 : vector<16xi32>
          %gather3A_430 = tpu.vector_load_idx %arg10[%add3A_429, %select_n3A_145] : memref<64x1024xf32, #tpu.memory_space<vmem>>[vector<16xi32>, vector<16xi32>], vector<16xf32>,
          %add3A_431 = vector.broadcast %mul3A_161 : i32 to vector<16xi32>
          %add3A_432 = arith.addi %add3A_431, %iota3A : vector<16xi32>
          %add3A_433 = arith.constant 24 : i32
          %add3A_434 = vector.broadcast %add3A_433 : i32 to vector<16xi32>
          %add3A_435 = arith.addi %broadcast_in_dim3A_1, %add3A_434 : vector<16xi32>
          tpu.vector_store_idx %arg12[%add3A_432, %add3A_435], %gather3A_430 : memref<32x128xf32, #tpu.memory_space<vmem>>[vector<16xi32>, vector<16xi32>], vector<16xf32>,
          %add3A_436 = vector.broadcast %mul3A_94 : i32 to vector<16xi32>
          %add3A_437 = arith.addi %broadcast_in_dim3A_1, %add3A_436 : vector<16xi32>
          %add3A_438 = arith.constant 25 : i32
          %add3A_439 = vector.broadcast %add3A_438 : i32 to vector<16xi32>
          %add3A_440 = arith.addi %add3A_437, %add3A_439 : vector<16xi32>
          %gather3A_441 = tpu.vector_load_idx %arg10[%add3A_440, %select_n3A_145] : memref<64x1024xf32, #tpu.memory_space<vmem>>[vector<16xi32>, vector<16xi32>], vector<16xf32>,
          %add3A_442 = vector.broadcast %mul3A_161 : i32 to vector<16xi32>
          %add3A_443 = arith.addi %add3A_442, %iota3A : vector<16xi32>
          %add3A_444 = arith.constant 25 : i32
          %add3A_445 = vector.broadcast %add3A_444 : i32 to vector<16xi32>
          %add3A_446 = arith.addi %broadcast_in_dim3A_1, %add3A_445 : vector<16xi32>
          tpu.vector_store_idx %arg12[%add3A_443, %add3A_446], %gather3A_441 : memref<32x128xf32, #tpu.memory_space<vmem>>[vector<16xi32>, vector<16xi32>], vector<16xf32>,
          %add3A_447 = vector.broadcast %mul3A_94 : i32 to vector<16xi32>
          %add3A_448 = arith.addi %broadcast_in_dim3A_1, %add3A_447 : vector<16xi32>
          %add3A_449 = arith.constant 26 : i32
          %add3A_450 = vector.broadcast %add3A_449 : i32 to vector<16xi32>
          %add3A_451 = arith.addi %add3A_448, %add3A_450 : vector<16xi32>
          %gather3A_452 = tpu.vector_load_idx %arg10[%add3A_451, %select_n3A_145] : memref<64x1024xf32, #tpu.memory_space<vmem>>[vector<16xi32>, vector<16xi32>], vector<16xf32>,
          %add3A_453 = vector.broadcast %mul3A_161 : i32 to vector<16xi32>
          %add3A_454 = arith.addi %add3A_453, %iota3A : vector<16xi32>
          %add3A_455 = arith.constant 26 : i32
          %add3A_456 = vector.broadcast %add3A_455 : i32 to vector<16xi32>
          %add3A_457 = arith.addi %broadcast_in_dim3A_1, %add3A_456 : vector<16xi32>
          tpu.vector_store_idx %arg12[%add3A_454, %add3A_457], %gather3A_452 : memref<32x128xf32, #tpu.memory_space<vmem>>[vector<16xi32>, vector<16xi32>], vector<16xf32>,
          %add3A_458 = vector.broadcast %mul3A_94 : i32 to vector<16xi32>
          %add3A_459 = arith.addi %broadcast_in_dim3A_1, %add3A_458 : vector<16xi32>
          %add3A_460 = arith.constant 27 : i32
          %add3A_461 = vector.broadcast %add3A_460 : i32 to vector<16xi32>
          %add3A_462 = arith.addi %add3A_459, %add3A_461 : vector<16xi32>
          %gather3A_463 = tpu.vector_load_idx %arg10[%add3A_462, %select_n3A_145] : memref<64x1024xf32, #tpu.memory_space<vmem>>[vector<16xi32>, vector<16xi32>], vector<16xf32>,
          %add3A_464 = vector.broadcast %mul3A_161 : i32 to vector<16xi32>
          %add3A_465 = arith.addi %add3A_464, %iota3A : vector<16xi32>
          %add3A_466 = arith.constant 27 : i32
          %add3A_467 = vector.broadcast %add3A_466 : i32 to vector<16xi32>
          %add3A_468 = arith.addi %broadcast_in_dim3A_1, %add3A_467 : vector<16xi32>
          tpu.vector_store_idx %arg12[%add3A_465, %add3A_468], %gather3A_463 : memref<32x128xf32, #tpu.memory_space<vmem>>[vector<16xi32>, vector<16xi32>], vector<16xf32>,
          %add3A_469 = vector.broadcast %mul3A_94 : i32 to vector<16xi32>
          %add3A_470 = arith.addi %broadcast_in_dim3A_1, %add3A_469 : vector<16xi32>
          %add3A_471 = arith.constant 28 : i32
          %add3A_472 = vector.broadcast %add3A_471 : i32 to vector<16xi32>
          %add3A_473 = arith.addi %add3A_470, %add3A_472 : vector<16xi32>
          %gather3A_474 = tpu.vector_load_idx %arg10[%add3A_473, %select_n3A_145] : memref<64x1024xf32, #tpu.memory_space<vmem>>[vector<16xi32>, vector<16xi32>], vector<16xf32>,
          %add3A_475 = vector.broadcast %mul3A_161 : i32 to vector<16xi32>
          %add3A_476 = arith.addi %add3A_475, %iota3A : vector<16xi32>
          %add3A_477 = arith.constant 28 : i32
          %add3A_478 = vector.broadcast %add3A_477 : i32 to vector<16xi32>
          %add3A_479 = arith.addi %broadcast_in_dim3A_1, %add3A_478 : vector<16xi32>
          tpu.vector_store_idx %arg12[%add3A_476, %add3A_479], %gather3A_474 : memref<32x128xf32, #tpu.memory_space<vmem>>[vector<16xi32>, vector<16xi32>], vector<16xf32>,
          %add3A_480 = vector.broadcast %mul3A_94 : i32 to vector<16xi32>
          %add3A_481 = arith.addi %broadcast_in_dim3A_1, %add3A_480 : vector<16xi32>
          %add3A_482 = arith.constant 29 : i32
          %add3A_483 = vector.broadcast %add3A_482 : i32 to vector<16xi32>
          %add3A_484 = arith.addi %add3A_481, %add3A_483 : vector<16xi32>
          %gather3A_485 = tpu.vector_load_idx %arg10[%add3A_484, %select_n3A_145] : memref<64x1024xf32, #tpu.memory_space<vmem>>[vector<16xi32>, vector<16xi32>], vector<16xf32>,
          %add3A_486 = vector.broadcast %mul3A_161 : i32 to vector<16xi32>
          %add3A_487 = arith.addi %add3A_486, %iota3A : vector<16xi32>
          %add3A_488 = arith.constant 29 : i32
          %add3A_489 = vector.broadcast %add3A_488 : i32 to vector<16xi32>
          %add3A_490 = arith.addi %broadcast_in_dim3A_1, %add3A_489 : vector<16xi32>
          tpu.vector_store_idx %arg12[%add3A_487, %add3A_490], %gather3A_485 : memref<32x128xf32, #tpu.memory_space<vmem>>[vector<16xi32>, vector<16xi32>], vector<16xf32>,
          %add3A_491 = vector.broadcast %mul3A_94 : i32 to vector<16xi32>
          %add3A_492 = arith.addi %broadcast_in_dim3A_1, %add3A_491 : vector<16xi32>
          %add3A_493 = arith.constant 30 : i32
          %add3A_494 = vector.broadcast %add3A_493 : i32 to vector<16xi32>
          %add3A_495 = arith.addi %add3A_492, %add3A_494 : vector<16xi32>
          %gather3A_496 = tpu.vector_load_idx %arg10[%add3A_495, %select_n3A_145] : memref<64x1024xf32, #tpu.memory_space<vmem>>[vector<16xi32>, vector<16xi32>], vector<16xf32>,
          %add3A_497 = vector.broadcast %mul3A_161 : i32 to vector<16xi32>
          %add3A_498 = arith.addi %add3A_497, %iota3A : vector<16xi32>
          %add3A_499 = arith.constant 30 : i32
          %add3A_500 = vector.broadcast %add3A_499 : i32 to vector<16xi32>
          %add3A_501 = arith.addi %broadcast_in_dim3A_1, %add3A_500 : vector<16xi32>
          tpu.vector_store_idx %arg12[%add3A_498, %add3A_501], %gather3A_496 : memref<32x128xf32, #tpu.memory_space<vmem>>[vector<16xi32>, vector<16xi32>], vector<16xf32>,
          %add3A_502 = vector.broadcast %mul3A_94 : i32 to vector<16xi32>
          %add3A_503 = arith.addi %broadcast_in_dim3A_1, %add3A_502 : vector<16xi32>
          %add3A_504 = arith.constant 31 : i32
          %add3A_505 = vector.broadcast %add3A_504 : i32 to vector<16xi32>
          %add3A_506 = arith.addi %add3A_503, %add3A_505 : vector<16xi32>
          %gather3A_507 = tpu.vector_load_idx %arg10[%add3A_506, %select_n3A_145] : memref<64x1024xf32, #tpu.memory_space<vmem>>[vector<16xi32>, vector<16xi32>], vector<16xf32>,
          %add3A_508 = vector.broadcast %mul3A_161 : i32 to vector<16xi32>
          %add3A_509 = arith.addi %add3A_508, %iota3A : vector<16xi32>
          %add3A_510 = arith.constant 31 : i32
          %add3A_511 = vector.broadcast %add3A_510 : i32 to vector<16xi32>
          %add3A_512 = arith.addi %broadcast_in_dim3A_1, %add3A_511 : vector<16xi32>
          tpu.vector_store_idx %arg12[%add3A_509, %add3A_512], %gather3A_507 : memref<32x128xf32, #tpu.memory_space<vmem>>[vector<16xi32>, vector<16xi32>], vector<16xf32>,
          %multiple_of3A_513 = tpu.assume_multiple %mul3A_161, 16 : i32
          %dma_start3A_514 = arith.constant 0 : i32
          %dma_start3A_515 = tpu.memref_slice %arg12[%multiple_of3A_513, %dma_start3A_514] : memref<32x128xf32, #tpu.memory_space<vmem>> -> memref<16x128xf32, #tpu.memory_space<vmem>>
          %dma_start3A_516 = arith.constant 0 : i32
          %dma_start3A_517 = arith.constant 0 : i32
          %dma_start3A_518 = tpu.memref_slice %arg5[%dma_start3A_516, %dma_start3A_517] : memref<16416x128xf32, #tpu.memory_space<hbm>> -> memref<16416x128xf32, #tpu.memory_space<hbm>>
          tpu.enqueue_indirect_dma source(%dma_start3A_515 : memref<16x128xf32, #tpu.memory_space<vmem>>) target(%dma_start3A_518 : memref<16416x128xf32, #tpu.memory_space<hbm>>) offsets(%select_n3A_153 : vector<16xi32>) semaphore(%arg14 : memref<!tpu.dma_semaphore, #tpu.memory_space<semaphore_mem>>)
          %add3A_519 = arith.constant 1 : i32
          %add3A_520 = arith.addi %scan3A_120, %add3A_519 : i32
          scf.yield %add3A_520 : i32
        }
        %scan3A_118 = arith.constant 1024 : i32
        scf.yield %scan3A_117 : i32
      }
      scf.yield %cond3A_112 : i32
    }
    %while3A_56 = arith.constant 1 : i32
    %while3A_57 = scf.for %while3A_72 = %while3A_53 to %while3A_49 step %while3A_56 iter_args(%while3A_73 = %while3A_55) -> (i32)  : i32 {
      %add3A_74 = arith.constant 1 : i32
      %add3A_75 = arith.addi %while3A_72, %add3A_74 : i32
      %lt3A_76 = arith.cmpi slt, %add3A_75, %select_n3A : i32
      %convert_element_type3A_77 = arith.extui %lt3A_76 : i1 to i32
      %cond3A_78 = arith.constant 0 : i32
      %cond3A_79 = arith.cmpi ne, %convert_element_type3A_77, %cond3A_78 : i32
      scf.if %cond3A_79 {
        %add3A_113 = arith.constant 1 : i32
        %add3A_114 = arith.addi %while3A_72, %add3A_113 : i32
        %rem3A_115 = arith.constant 2 : i32
        %rem3A_116 = arith.remsi %add3A_114, %rem3A_115 : i32
        %mul3A_117 = arith.constant 32768 : i32
        %mul3A_118 = arith.muli %add3A_114, %mul3A_117 : i32
        %mul3A_119 = arith.constant 1024 : i32
        %mul3A_120 = arith.muli %add3A, %mul3A_119 : i32
        %add3A_121 = arith.addi %mul3A_118, %mul3A_120 : i32
        %multiple_of3A_122 = tpu.assume_multiple %add3A_121, 1024 : i32
        %mul3A_123 = arith.constant 32 : i32
        %mul3A_124 = arith.muli %rem3A_116, %mul3A_123 : i32
        %multiple_of3A_125 = tpu.assume_multiple %mul3A_124, 32 : i32
        %dma_start3A_126 = arith.constant 0 : i32
        %dma_start3A_127 = tpu.memref_slice %arg10[%multiple_of3A_125, %dma_start3A_126] : memref<64x1024xf32, #tpu.memory_space<vmem>> -> memref<32x1024xf32, #tpu.memory_space<vmem>>
        %dma_start3A_128 = arith.constant 0 : i32
        %dma_start3A_129 = tpu.memref_slice %arg3[%dma_start3A_128, %multiple_of3A_122] : memref<32x1000001xf32, #tpu.memory_space<hbm>> -> memref<32x1024xf32, #tpu.memory_space<hbm>>
        %dma_start3A_130 = arith.constant 0 : i32
        %dma_start3A_131 = tpu.memref_slice %arg10[%multiple_of3A_125, %dma_start3A_130] : memref<64x1024xf32, #tpu.memory_space<vmem>> -> memref<32x1024xf32, #tpu.memory_space<vmem>>
        %dma_start3A_132 = arith.constant 0 : i32
        %dma_start3A_133 = tpu.memref_slice %arg3[%dma_start3A_132, %multiple_of3A_122] : memref<32x1000001xf32, #tpu.memory_space<hbm>> -> memref<32x1024xf32, #tpu.memory_space<hbm>>
        tpu.enqueue_dma source(%dma_start3A_133 : memref<32x1024xf32, #tpu.memory_space<hbm>>) target(%dma_start3A_131 : memref<32x1024xf32, #tpu.memory_space<vmem>>) target_semaphore(%arg13 : memref<!tpu.dma_semaphore, #tpu.memory_space<semaphore_mem>>)
      } else {
      }
      %dma_wait3A = arith.constant 0 : i32
      %dma_wait3A_80 = arith.constant 0 : i32
      %dma_wait3A_81 = tpu.memref_slice %arg10[%dma_wait3A, %dma_wait3A_80] : memref<64x1024xf32, #tpu.memory_space<vmem>> -> memref<32x1024xf32, #tpu.memory_space<vmem>>
      %dma_wait3A_82 = arith.constant 0 : i32
      %dma_wait3A_83 = arith.constant 0 : i32
      %dma_wait3A_84 = tpu.memref_slice %arg3[%dma_wait3A_82, %dma_wait3A_83] : memref<32x1000001xf32, #tpu.memory_space<hbm>> -> memref<32x1024xf32, #tpu.memory_space<hbm>>
      %dma_wait3A_85 = arith.constant 0 : i32
      %dma_wait3A_86 = arith.constant 0 : i32
      %dma_wait3A_87 = tpu.memref_slice %arg10[%dma_wait3A_85, %dma_wait3A_86] : memref<64x1024xf32, #tpu.memory_space<vmem>> -> memref<32x1024xf32, #tpu.memory_space<vmem>>
      %dma_wait3A_88 = arith.constant 0 : i32
      %dma_wait3A_89 = arith.constant 0 : i32
      %dma_wait3A_90 = tpu.memref_slice %arg3[%dma_wait3A_88, %dma_wait3A_89] : memref<32x1000001xf32, #tpu.memory_space<hbm>> -> memref<32x1024xf32, #tpu.memory_space<hbm>>
      tpu.wait_dma2 semaphore(%arg13 : memref<!tpu.dma_semaphore, #tpu.memory_space<semaphore_mem>>) src(%dma_wait3A_90 : memref<32x1024xf32, #tpu.memory_space<hbm>>) dst(%dma_wait3A_87 : memref<32x1024xf32, #tpu.memory_space<vmem>>)
      %rem3A_91 = arith.constant 2 : i32
      %rem3A_92 = arith.remsi %while3A_72, %rem3A_91 : i32
      %mul3A_93 = arith.constant 32 : i32
      %mul3A_94 = arith.muli %rem3A_92, %mul3A_93 : i32
      %shift_right_arithmetic3A = arith.constant 4 : i32
      %shift_right_arithmetic3A_95 = arith.shrsi %while3A_72, %shift_right_arithmetic3A : i32
      %shift_left3A = arith.constant 4 : i32
      %shift_left3A_96 = arith.shli %shift_right_arithmetic3A_95, %shift_left3A : i32
      %multiple_of3A_97 = tpu.assume_multiple %shift_left3A_96, 16 : i32
      %get3A = arith.index_cast %multiple_of3A_97 : i32 to index
      %get3A_98 = tpu.vector_load %arg9[%get3A] {strides = array<i32>} : memref<48xi32, #tpu.memory_space<vmem>>, vector<16xi32>,
      %and3A = arith.constant 15 : i32
      %and3A_99 = arith.andi %while3A_72, %and3A : i32
      %eq3A_100 = vector.broadcast %and3A_99 : i32 to vector<16xi32>
      %eq3A_101 = arith.cmpi eq, %iota3A, %eq3A_100 : vector<16xi32>
      %jit3A_102 = arith.constant 0 : i32
      %broadcast_in_dim3A_103 = vector.broadcast %jit3A_102 : i32 to vector<16xi32>
      %select_n3A_104 = arith.select %eq3A_101, %get3A_98, %broadcast_in_dim3A_103 : vector<16xi1>, vector<16xi32>
      %reduce_sum3A = arith.constant true
      %reduce_sum3A_105 = vector.broadcast %reduce_sum3A : i1 to vector<16xi1>
      %reduce_sum3A_106 = tpu.scan <sum>, %select_n3A_104 masked %reduce_sum3A_105 : vector<16xi32>, vector<16xi1> -> vector<16xi32>
      %reduce_sum3A_107 = vector.extract %reduce_sum3A_106[15] : i32 from vector<16xi32>
      %le3A = arith.constant 64 : i32
      %le3A_108 = arith.cmpi sle, %reduce_sum3A_107, %le3A : i32
      %convert_element_type3A_109 = arith.extui %le3A_108 : i1 to i32
      %cond3A_110 = arith.constant 0 : i32
      %cond3A_111 = arith.cmpi ne, %convert_element_type3A_109, %cond3A_110 : i32
      %cond3A_112 = scf.if %cond3A_111 -> (i32) {
        %add3A_113 = arith.constant 15 : i32
        %add3A_114 = arith.addi %reduce_sum3A_107, %add3A_113 : i32
        %div3A_115 = arith.constant 16 : i32
        %div3A_116 = arith.divsi %add3A_114, %div3A_115 : i32
        %while3A_117 = arith.constant 0 : i32
        %while3A_118 = arith.subi %div3A_116, %while3A_117 : i32
        %while3A_119 = arith.addi %while3A_117, %while3A_118 : i32
        %while3A_120 = arith.constant 1 : i32
        %while3A_121 = arith.divsi %while3A_118, %while3A_120 : i32
        %while3A_122 = arith.muli %while3A_121, %while3A_120 : i32
        %while3A_123 = arith.addi %while3A_117, %while3A_122 : i32
        %while3A_124 = arith.constant 1 : i32
        %while3A_125 = scf.for %while3A_128 = %while3A_117 to %while3A_123 step %while3A_124 iter_args(%while3A_129 = %while3A_73) -> (i32)  : i32 {
          %mul3A_130 = arith.constant 64 : i32
          %mul3A_131 = arith.muli %while3A_72, %mul3A_130 : i32
          %multiple_of3A_132 = tpu.assume_multiple %mul3A_131, 64 : i32
          %mul3A_133 = arith.constant 16 : i32
          %mul3A_134 = arith.muli %while3A_128, %mul3A_133 : i32
          %multiple_of3A_135 = tpu.assume_multiple %mul3A_134, 16 : i32
          %add3A_136 = arith.addi %multiple_of3A_132, %multiple_of3A_135 : i32
          %get3A_137 = arith.index_cast %add3A_136 : i32 to index
          %get3A_138 = tpu.vector_load %arg8[%get3A_137] {strides = array<i32>} : memref<2064xi32, #tpu.memory_space<vmem>>, vector<16xi32>,
          %mul3A_139 = arith.constant 16 : i32
          %mul3A_140 = arith.muli %while3A_128, %mul3A_139 : i32
          %add3A_141 = vector.broadcast %mul3A_140 : i32 to vector<16xi32>
          %add3A_142 = arith.addi %add3A_141, %iota3A : vector<16xi32>
          %lt3A_143 = vector.broadcast %reduce_sum3A_107 : i32 to vector<16xi32>
          %lt3A_144 = arith.cmpi slt, %add3A_142, %lt3A_143 : vector<16xi32>
          %shift_right_arithmetic3A_145 = arith.constant 14 : i32
          %shift_right_arithmetic3A_146 = vector.broadcast %shift_right_arithmetic3A_145 : i32 to vector<16xi32>
          %shift_right_arithmetic3A_147 = arith.shrsi %get3A_138, %shift_right_arithmetic3A_146 : vector<16xi32>
          %and3A_148 = arith.constant 1023 : i32
          %and3A_149 = vector.broadcast %and3A_148 : i32 to vector<16xi32>
          %and3A_150 = arith.andi %shift_right_arithmetic3A_147, %and3A_149 : vector<16xi32>
          %jit3A_151 = arith.constant 0 : i32
          %broadcast_in_dim3A_152 = vector.broadcast %jit3A_151 : i32 to vector<16xi32>
          %select_n3A_153 = arith.select %lt3A_144, %and3A_150, %broadcast_in_dim3A_152 : vector<16xi1>, vector<16xi32>
          %and3A_154 = arith.constant 16383 : i32
          %and3A_155 = vector.broadcast %and3A_154 : i32 to vector<16xi32>
          %and3A_156 = arith.andi %get3A_138, %and3A_155 : vector<16xi32>
          %add3A_157 = arith.constant 16384 : i32
          %add3A_158 = arith.addi %add3A_157, %add3A : i32
          %broadcast_in_dim3A_159 = vector.broadcast %add3A_158 : i32 to vector<16xi32>
          %select_n3A_160 = arith.select %lt3A_144, %and3A_156, %broadcast_in_dim3A_159 : vector<16xi1>, vector<16xi32>
          %ge3A = arith.constant 2 : i32
          %ge3A_161 = arith.cmpi sge, %while3A_129, %ge3A : i32
          %convert_element_type3A_162 = arith.extui %ge3A_161 : i1 to i32
          %cond3A_163 = arith.constant 0 : i32
          %cond3A_164 = arith.cmpi ne, %convert_element_type3A_162, %cond3A_163 : i32
          scf.if %cond3A_164 {
            %dma_wait3A_528 = arith.constant 0 : i32
            %dma_wait3A_529 = arith.constant 0 : i32
            %dma_wait3A_530 = tpu.memref_slice %arg12[%dma_wait3A_528, %dma_wait3A_529] : memref<32x128xf32, #tpu.memory_space<vmem>> -> memref<16x128xf32, #tpu.memory_space<vmem>>
            %dma_wait3A_531 = arith.constant 0 : i32
            %dma_wait3A_532 = arith.constant 0 : i32
            %dma_wait3A_533 = tpu.memref_slice %arg5[%dma_wait3A_531, %dma_wait3A_532] : memref<16416x128xf32, #tpu.memory_space<hbm>> -> memref<16x128xf32, #tpu.memory_space<hbm>>
            %dma_wait3A_534 = arith.constant 0 : i32
            %dma_wait3A_535 = arith.constant 0 : i32
            %dma_wait3A_536 = tpu.memref_slice %arg5[%dma_wait3A_534, %dma_wait3A_535] : memref<16416x128xf32, #tpu.memory_space<hbm>> -> memref<16x128xf32, #tpu.memory_space<hbm>>
            %dma_wait3A_537 = arith.constant 0 : i32
            %dma_wait3A_538 = arith.constant 0 : i32
            %dma_wait3A_539 = tpu.memref_slice %arg12[%dma_wait3A_537, %dma_wait3A_538] : memref<32x128xf32, #tpu.memory_space<vmem>> -> memref<16x128xf32, #tpu.memory_space<vmem>>
            tpu.wait_dma2 semaphore(%arg14 : memref<!tpu.dma_semaphore, #tpu.memory_space<semaphore_mem>>) src(%dma_wait3A_539 : memref<16x128xf32, #tpu.memory_space<vmem>>) dst(%dma_wait3A_536 : memref<16x128xf32, #tpu.memory_space<hbm>>)
          } else {
          }
          %rem3A_165 = arith.constant 2 : i32
          %rem3A_166 = arith.remsi %while3A_129, %rem3A_165 : i32
          %mul3A_167 = arith.constant 16 : i32
          %mul3A_168 = arith.muli %rem3A_166, %mul3A_167 : i32
          %add3A_169 = vector.broadcast %mul3A_94 : i32 to vector<16xi32>
          %add3A_170 = arith.addi %broadcast_in_dim3A_1, %add3A_169 : vector<16xi32>
          %add3A_171 = arith.constant 0 : i32
          %add3A_172 = vector.broadcast %add3A_171 : i32 to vector<16xi32>
          %add3A_173 = arith.addi %add3A_170, %add3A_172 : vector<16xi32>
          %gather3A = tpu.vector_load_idx %arg10[%add3A_173, %select_n3A_153] : memref<64x1024xf32, #tpu.memory_space<vmem>>[vector<16xi32>, vector<16xi32>], vector<16xf32>,
          %add3A_174 = vector.broadcast %mul3A_168 : i32 to vector<16xi32>
          %add3A_175 = arith.addi %add3A_174, %iota3A : vector<16xi32>
          %add3A_176 = arith.constant 0 : i32
          %add3A_177 = vector.broadcast %add3A_176 : i32 to vector<16xi32>
          %add3A_178 = arith.addi %broadcast_in_dim3A_1, %add3A_177 : vector<16xi32>
          tpu.vector_store_idx %arg12[%add3A_175, %add3A_178], %gather3A : memref<32x128xf32, #tpu.memory_space<vmem>>[vector<16xi32>, vector<16xi32>], vector<16xf32>,
          %add3A_179 = vector.broadcast %mul3A_94 : i32 to vector<16xi32>
          %add3A_180 = arith.addi %broadcast_in_dim3A_1, %add3A_179 : vector<16xi32>
          %add3A_181 = arith.constant 1 : i32
          %add3A_182 = vector.broadcast %add3A_181 : i32 to vector<16xi32>
          %add3A_183 = arith.addi %add3A_180, %add3A_182 : vector<16xi32>
          %gather3A_184 = tpu.vector_load_idx %arg10[%add3A_183, %select_n3A_153] : memref<64x1024xf32, #tpu.memory_space<vmem>>[vector<16xi32>, vector<16xi32>], vector<16xf32>,
          %add3A_185 = vector.broadcast %mul3A_168 : i32 to vector<16xi32>
          %add3A_186 = arith.addi %add3A_185, %iota3A : vector<16xi32>
          %add3A_187 = arith.constant 1 : i32
          %add3A_188 = vector.broadcast %add3A_187 : i32 to vector<16xi32>
          %add3A_189 = arith.addi %broadcast_in_dim3A_1, %add3A_188 : vector<16xi32>
          tpu.vector_store_idx %arg12[%add3A_186, %add3A_189], %gather3A_184 : memref<32x128xf32, #tpu.memory_space<vmem>>[vector<16xi32>, vector<16xi32>], vector<16xf32>,
          %add3A_190 = vector.broadcast %mul3A_94 : i32 to vector<16xi32>
          %add3A_191 = arith.addi %broadcast_in_dim3A_1, %add3A_190 : vector<16xi32>
          %add3A_192 = arith.constant 2 : i32
          %add3A_193 = vector.broadcast %add3A_192 : i32 to vector<16xi32>
          %add3A_194 = arith.addi %add3A_191, %add3A_193 : vector<16xi32>
          %gather3A_195 = tpu.vector_load_idx %arg10[%add3A_194, %select_n3A_153] : memref<64x1024xf32, #tpu.memory_space<vmem>>[vector<16xi32>, vector<16xi32>], vector<16xf32>,
          %add3A_196 = vector.broadcast %mul3A_168 : i32 to vector<16xi32>
          %add3A_197 = arith.addi %add3A_196, %iota3A : vector<16xi32>
          %add3A_198 = arith.constant 2 : i32
          %add3A_199 = vector.broadcast %add3A_198 : i32 to vector<16xi32>
          %add3A_200 = arith.addi %broadcast_in_dim3A_1, %add3A_199 : vector<16xi32>
          tpu.vector_store_idx %arg12[%add3A_197, %add3A_200], %gather3A_195 : memref<32x128xf32, #tpu.memory_space<vmem>>[vector<16xi32>, vector<16xi32>], vector<16xf32>,
          %add3A_201 = vector.broadcast %mul3A_94 : i32 to vector<16xi32>
          %add3A_202 = arith.addi %broadcast_in_dim3A_1, %add3A_201 : vector<16xi32>
          %add3A_203 = arith.constant 3 : i32
          %add3A_204 = vector.broadcast %add3A_203 : i32 to vector<16xi32>
          %add3A_205 = arith.addi %add3A_202, %add3A_204 : vector<16xi32>
          %gather3A_206 = tpu.vector_load_idx %arg10[%add3A_205, %select_n3A_153] : memref<64x1024xf32, #tpu.memory_space<vmem>>[vector<16xi32>, vector<16xi32>], vector<16xf32>,
          %add3A_207 = vector.broadcast %mul3A_168 : i32 to vector<16xi32>
          %add3A_208 = arith.addi %add3A_207, %iota3A : vector<16xi32>
          %add3A_209 = arith.constant 3 : i32
          %add3A_210 = vector.broadcast %add3A_209 : i32 to vector<16xi32>
          %add3A_211 = arith.addi %broadcast_in_dim3A_1, %add3A_210 : vector<16xi32>
          tpu.vector_store_idx %arg12[%add3A_208, %add3A_211], %gather3A_206 : memref<32x128xf32, #tpu.memory_space<vmem>>[vector<16xi32>, vector<16xi32>], vector<16xf32>,
          %add3A_212 = vector.broadcast %mul3A_94 : i32 to vector<16xi32>
          %add3A_213 = arith.addi %broadcast_in_dim3A_1, %add3A_212 : vector<16xi32>
          %add3A_214 = arith.constant 4 : i32
          %add3A_215 = vector.broadcast %add3A_214 : i32 to vector<16xi32>
          %add3A_216 = arith.addi %add3A_213, %add3A_215 : vector<16xi32>
          %gather3A_217 = tpu.vector_load_idx %arg10[%add3A_216, %select_n3A_153] : memref<64x1024xf32, #tpu.memory_space<vmem>>[vector<16xi32>, vector<16xi32>], vector<16xf32>,
          %add3A_218 = vector.broadcast %mul3A_168 : i32 to vector<16xi32>
          %add3A_219 = arith.addi %add3A_218, %iota3A : vector<16xi32>
          %add3A_220 = arith.constant 4 : i32
          %add3A_221 = vector.broadcast %add3A_220 : i32 to vector<16xi32>
          %add3A_222 = arith.addi %broadcast_in_dim3A_1, %add3A_221 : vector<16xi32>
          tpu.vector_store_idx %arg12[%add3A_219, %add3A_222], %gather3A_217 : memref<32x128xf32, #tpu.memory_space<vmem>>[vector<16xi32>, vector<16xi32>], vector<16xf32>,
          %add3A_223 = vector.broadcast %mul3A_94 : i32 to vector<16xi32>
          %add3A_224 = arith.addi %broadcast_in_dim3A_1, %add3A_223 : vector<16xi32>
          %add3A_225 = arith.constant 5 : i32
          %add3A_226 = vector.broadcast %add3A_225 : i32 to vector<16xi32>
          %add3A_227 = arith.addi %add3A_224, %add3A_226 : vector<16xi32>
          %gather3A_228 = tpu.vector_load_idx %arg10[%add3A_227, %select_n3A_153] : memref<64x1024xf32, #tpu.memory_space<vmem>>[vector<16xi32>, vector<16xi32>], vector<16xf32>,
          %add3A_229 = vector.broadcast %mul3A_168 : i32 to vector<16xi32>
          %add3A_230 = arith.addi %add3A_229, %iota3A : vector<16xi32>
          %add3A_231 = arith.constant 5 : i32
          %add3A_232 = vector.broadcast %add3A_231 : i32 to vector<16xi32>
          %add3A_233 = arith.addi %broadcast_in_dim3A_1, %add3A_232 : vector<16xi32>
          tpu.vector_store_idx %arg12[%add3A_230, %add3A_233], %gather3A_228 : memref<32x128xf32, #tpu.memory_space<vmem>>[vector<16xi32>, vector<16xi32>], vector<16xf32>,
          %add3A_234 = vector.broadcast %mul3A_94 : i32 to vector<16xi32>
          %add3A_235 = arith.addi %broadcast_in_dim3A_1, %add3A_234 : vector<16xi32>
          %add3A_236 = arith.constant 6 : i32
          %add3A_237 = vector.broadcast %add3A_236 : i32 to vector<16xi32>
          %add3A_238 = arith.addi %add3A_235, %add3A_237 : vector<16xi32>
          %gather3A_239 = tpu.vector_load_idx %arg10[%add3A_238, %select_n3A_153] : memref<64x1024xf32, #tpu.memory_space<vmem>>[vector<16xi32>, vector<16xi32>], vector<16xf32>,
          %add3A_240 = vector.broadcast %mul3A_168 : i32 to vector<16xi32>
          %add3A_241 = arith.addi %add3A_240, %iota3A : vector<16xi32>
          %add3A_242 = arith.constant 6 : i32
          %add3A_243 = vector.broadcast %add3A_242 : i32 to vector<16xi32>
          %add3A_244 = arith.addi %broadcast_in_dim3A_1, %add3A_243 : vector<16xi32>
          tpu.vector_store_idx %arg12[%add3A_241, %add3A_244], %gather3A_239 : memref<32x128xf32, #tpu.memory_space<vmem>>[vector<16xi32>, vector<16xi32>], vector<16xf32>,
          %add3A_245 = vector.broadcast %mul3A_94 : i32 to vector<16xi32>
          %add3A_246 = arith.addi %broadcast_in_dim3A_1, %add3A_245 : vector<16xi32>
          %add3A_247 = arith.constant 7 : i32
          %add3A_248 = vector.broadcast %add3A_247 : i32 to vector<16xi32>
          %add3A_249 = arith.addi %add3A_246, %add3A_248 : vector<16xi32>
          %gather3A_250 = tpu.vector_load_idx %arg10[%add3A_249, %select_n3A_153] : memref<64x1024xf32, #tpu.memory_space<vmem>>[vector<16xi32>, vector<16xi32>], vector<16xf32>,
          %add3A_251 = vector.broadcast %mul3A_168 : i32 to vector<16xi32>
          %add3A_252 = arith.addi %add3A_251, %iota3A : vector<16xi32>
          %add3A_253 = arith.constant 7 : i32
          %add3A_254 = vector.broadcast %add3A_253 : i32 to vector<16xi32>
          %add3A_255 = arith.addi %broadcast_in_dim3A_1, %add3A_254 : vector<16xi32>
          tpu.vector_store_idx %arg12[%add3A_252, %add3A_255], %gather3A_250 : memref<32x128xf32, #tpu.memory_space<vmem>>[vector<16xi32>, vector<16xi32>], vector<16xf32>,
          %add3A_256 = vector.broadcast %mul3A_94 : i32 to vector<16xi32>
          %add3A_257 = arith.addi %broadcast_in_dim3A_1, %add3A_256 : vector<16xi32>
          %add3A_258 = arith.constant 8 : i32
          %add3A_259 = vector.broadcast %add3A_258 : i32 to vector<16xi32>
          %add3A_260 = arith.addi %add3A_257, %add3A_259 : vector<16xi32>
          %gather3A_261 = tpu.vector_load_idx %arg10[%add3A_260, %select_n3A_153] : memref<64x1024xf32, #tpu.memory_space<vmem>>[vector<16xi32>, vector<16xi32>], vector<16xf32>,
          %add3A_262 = vector.broadcast %mul3A_168 : i32 to vector<16xi32>
          %add3A_263 = arith.addi %add3A_262, %iota3A : vector<16xi32>
          %add3A_264 = arith.constant 8 : i32
          %add3A_265 = vector.broadcast %add3A_264 : i32 to vector<16xi32>
          %add3A_266 = arith.addi %broadcast_in_dim3A_1, %add3A_265 : vector<16xi32>
          tpu.vector_store_idx %arg12[%add3A_263, %add3A_266], %gather3A_261 : memref<32x128xf32, #tpu.memory_space<vmem>>[vector<16xi32>, vector<16xi32>], vector<16xf32>,
          %add3A_267 = vector.broadcast %mul3A_94 : i32 to vector<16xi32>
          %add3A_268 = arith.addi %broadcast_in_dim3A_1, %add3A_267 : vector<16xi32>
          %add3A_269 = arith.constant 9 : i32
          %add3A_270 = vector.broadcast %add3A_269 : i32 to vector<16xi32>
          %add3A_271 = arith.addi %add3A_268, %add3A_270 : vector<16xi32>
          %gather3A_272 = tpu.vector_load_idx %arg10[%add3A_271, %select_n3A_153] : memref<64x1024xf32, #tpu.memory_space<vmem>>[vector<16xi32>, vector<16xi32>], vector<16xf32>,
          %add3A_273 = vector.broadcast %mul3A_168 : i32 to vector<16xi32>
          %add3A_274 = arith.addi %add3A_273, %iota3A : vector<16xi32>
          %add3A_275 = arith.constant 9 : i32
          %add3A_276 = vector.broadcast %add3A_275 : i32 to vector<16xi32>
          %add3A_277 = arith.addi %broadcast_in_dim3A_1, %add3A_276 : vector<16xi32>
          tpu.vector_store_idx %arg12[%add3A_274, %add3A_277], %gather3A_272 : memref<32x128xf32, #tpu.memory_space<vmem>>[vector<16xi32>, vector<16xi32>], vector<16xf32>,
          %add3A_278 = vector.broadcast %mul3A_94 : i32 to vector<16xi32>
          %add3A_279 = arith.addi %broadcast_in_dim3A_1, %add3A_278 : vector<16xi32>
          %add3A_280 = arith.constant 10 : i32
          %add3A_281 = vector.broadcast %add3A_280 : i32 to vector<16xi32>
          %add3A_282 = arith.addi %add3A_279, %add3A_281 : vector<16xi32>
          %gather3A_283 = tpu.vector_load_idx %arg10[%add3A_282, %select_n3A_153] : memref<64x1024xf32, #tpu.memory_space<vmem>>[vector<16xi32>, vector<16xi32>], vector<16xf32>,
          %add3A_284 = vector.broadcast %mul3A_168 : i32 to vector<16xi32>
          %add3A_285 = arith.addi %add3A_284, %iota3A : vector<16xi32>
          %add3A_286 = arith.constant 10 : i32
          %add3A_287 = vector.broadcast %add3A_286 : i32 to vector<16xi32>
          %add3A_288 = arith.addi %broadcast_in_dim3A_1, %add3A_287 : vector<16xi32>
          tpu.vector_store_idx %arg12[%add3A_285, %add3A_288], %gather3A_283 : memref<32x128xf32, #tpu.memory_space<vmem>>[vector<16xi32>, vector<16xi32>], vector<16xf32>,
          %add3A_289 = vector.broadcast %mul3A_94 : i32 to vector<16xi32>
          %add3A_290 = arith.addi %broadcast_in_dim3A_1, %add3A_289 : vector<16xi32>
          %add3A_291 = arith.constant 11 : i32
          %add3A_292 = vector.broadcast %add3A_291 : i32 to vector<16xi32>
          %add3A_293 = arith.addi %add3A_290, %add3A_292 : vector<16xi32>
          %gather3A_294 = tpu.vector_load_idx %arg10[%add3A_293, %select_n3A_153] : memref<64x1024xf32, #tpu.memory_space<vmem>>[vector<16xi32>, vector<16xi32>], vector<16xf32>,
          %add3A_295 = vector.broadcast %mul3A_168 : i32 to vector<16xi32>
          %add3A_296 = arith.addi %add3A_295, %iota3A : vector<16xi32>
          %add3A_297 = arith.constant 11 : i32
          %add3A_298 = vector.broadcast %add3A_297 : i32 to vector<16xi32>
          %add3A_299 = arith.addi %broadcast_in_dim3A_1, %add3A_298 : vector<16xi32>
          tpu.vector_store_idx %arg12[%add3A_296, %add3A_299], %gather3A_294 : memref<32x128xf32, #tpu.memory_space<vmem>>[vector<16xi32>, vector<16xi32>], vector<16xf32>,
          %add3A_300 = vector.broadcast %mul3A_94 : i32 to vector<16xi32>
          %add3A_301 = arith.addi %broadcast_in_dim3A_1, %add3A_300 : vector<16xi32>
          %add3A_302 = arith.constant 12 : i32
          %add3A_303 = vector.broadcast %add3A_302 : i32 to vector<16xi32>
          %add3A_304 = arith.addi %add3A_301, %add3A_303 : vector<16xi32>
          %gather3A_305 = tpu.vector_load_idx %arg10[%add3A_304, %select_n3A_153] : memref<64x1024xf32, #tpu.memory_space<vmem>>[vector<16xi32>, vector<16xi32>], vector<16xf32>,
          %add3A_306 = vector.broadcast %mul3A_168 : i32 to vector<16xi32>
          %add3A_307 = arith.addi %add3A_306, %iota3A : vector<16xi32>
          %add3A_308 = arith.constant 12 : i32
          %add3A_309 = vector.broadcast %add3A_308 : i32 to vector<16xi32>
          %add3A_310 = arith.addi %broadcast_in_dim3A_1, %add3A_309 : vector<16xi32>
          tpu.vector_store_idx %arg12[%add3A_307, %add3A_310], %gather3A_305 : memref<32x128xf32, #tpu.memory_space<vmem>>[vector<16xi32>, vector<16xi32>], vector<16xf32>,
          %add3A_311 = vector.broadcast %mul3A_94 : i32 to vector<16xi32>
          %add3A_312 = arith.addi %broadcast_in_dim3A_1, %add3A_311 : vector<16xi32>
          %add3A_313 = arith.constant 13 : i32
          %add3A_314 = vector.broadcast %add3A_313 : i32 to vector<16xi32>
          %add3A_315 = arith.addi %add3A_312, %add3A_314 : vector<16xi32>
          %gather3A_316 = tpu.vector_load_idx %arg10[%add3A_315, %select_n3A_153] : memref<64x1024xf32, #tpu.memory_space<vmem>>[vector<16xi32>, vector<16xi32>], vector<16xf32>,
          %add3A_317 = vector.broadcast %mul3A_168 : i32 to vector<16xi32>
          %add3A_318 = arith.addi %add3A_317, %iota3A : vector<16xi32>
          %add3A_319 = arith.constant 13 : i32
          %add3A_320 = vector.broadcast %add3A_319 : i32 to vector<16xi32>
          %add3A_321 = arith.addi %broadcast_in_dim3A_1, %add3A_320 : vector<16xi32>
          tpu.vector_store_idx %arg12[%add3A_318, %add3A_321], %gather3A_316 : memref<32x128xf32, #tpu.memory_space<vmem>>[vector<16xi32>, vector<16xi32>], vector<16xf32>,
          %add3A_322 = vector.broadcast %mul3A_94 : i32 to vector<16xi32>
          %add3A_323 = arith.addi %broadcast_in_dim3A_1, %add3A_322 : vector<16xi32>
          %add3A_324 = arith.constant 14 : i32
          %add3A_325 = vector.broadcast %add3A_324 : i32 to vector<16xi32>
          %add3A_326 = arith.addi %add3A_323, %add3A_325 : vector<16xi32>
          %gather3A_327 = tpu.vector_load_idx %arg10[%add3A_326, %select_n3A_153] : memref<64x1024xf32, #tpu.memory_space<vmem>>[vector<16xi32>, vector<16xi32>], vector<16xf32>,
          %add3A_328 = vector.broadcast %mul3A_168 : i32 to vector<16xi32>
          %add3A_329 = arith.addi %add3A_328, %iota3A : vector<16xi32>
          %add3A_330 = arith.constant 14 : i32
          %add3A_331 = vector.broadcast %add3A_330 : i32 to vector<16xi32>
          %add3A_332 = arith.addi %broadcast_in_dim3A_1, %add3A_331 : vector<16xi32>
          tpu.vector_store_idx %arg12[%add3A_329, %add3A_332], %gather3A_327 : memref<32x128xf32, #tpu.memory_space<vmem>>[vector<16xi32>, vector<16xi32>], vector<16xf32>,
          %add3A_333 = vector.broadcast %mul3A_94 : i32 to vector<16xi32>
          %add3A_334 = arith.addi %broadcast_in_dim3A_1, %add3A_333 : vector<16xi32>
          %add3A_335 = arith.constant 15 : i32
          %add3A_336 = vector.broadcast %add3A_335 : i32 to vector<16xi32>
          %add3A_337 = arith.addi %add3A_334, %add3A_336 : vector<16xi32>
          %gather3A_338 = tpu.vector_load_idx %arg10[%add3A_337, %select_n3A_153] : memref<64x1024xf32, #tpu.memory_space<vmem>>[vector<16xi32>, vector<16xi32>], vector<16xf32>,
          %add3A_339 = vector.broadcast %mul3A_168 : i32 to vector<16xi32>
          %add3A_340 = arith.addi %add3A_339, %iota3A : vector<16xi32>
          %add3A_341 = arith.constant 15 : i32
          %add3A_342 = vector.broadcast %add3A_341 : i32 to vector<16xi32>
          %add3A_343 = arith.addi %broadcast_in_dim3A_1, %add3A_342 : vector<16xi32>
          tpu.vector_store_idx %arg12[%add3A_340, %add3A_343], %gather3A_338 : memref<32x128xf32, #tpu.memory_space<vmem>>[vector<16xi32>, vector<16xi32>], vector<16xf32>,
          %add3A_344 = vector.broadcast %mul3A_94 : i32 to vector<16xi32>
          %add3A_345 = arith.addi %broadcast_in_dim3A_1, %add3A_344 : vector<16xi32>
          %add3A_346 = arith.constant 16 : i32
          %add3A_347 = vector.broadcast %add3A_346 : i32 to vector<16xi32>
          %add3A_348 = arith.addi %add3A_345, %add3A_347 : vector<16xi32>
          %gather3A_349 = tpu.vector_load_idx %arg10[%add3A_348, %select_n3A_153] : memref<64x1024xf32, #tpu.memory_space<vmem>>[vector<16xi32>, vector<16xi32>], vector<16xf32>,
          %add3A_350 = vector.broadcast %mul3A_168 : i32 to vector<16xi32>
          %add3A_351 = arith.addi %add3A_350, %iota3A : vector<16xi32>
          %add3A_352 = arith.constant 16 : i32
          %add3A_353 = vector.broadcast %add3A_352 : i32 to vector<16xi32>
          %add3A_354 = arith.addi %broadcast_in_dim3A_1, %add3A_353 : vector<16xi32>
          tpu.vector_store_idx %arg12[%add3A_351, %add3A_354], %gather3A_349 : memref<32x128xf32, #tpu.memory_space<vmem>>[vector<16xi32>, vector<16xi32>], vector<16xf32>,
          %add3A_355 = vector.broadcast %mul3A_94 : i32 to vector<16xi32>
          %add3A_356 = arith.addi %broadcast_in_dim3A_1, %add3A_355 : vector<16xi32>
          %add3A_357 = arith.constant 17 : i32
          %add3A_358 = vector.broadcast %add3A_357 : i32 to vector<16xi32>
          %add3A_359 = arith.addi %add3A_356, %add3A_358 : vector<16xi32>
          %gather3A_360 = tpu.vector_load_idx %arg10[%add3A_359, %select_n3A_153] : memref<64x1024xf32, #tpu.memory_space<vmem>>[vector<16xi32>, vector<16xi32>], vector<16xf32>,
          %add3A_361 = vector.broadcast %mul3A_168 : i32 to vector<16xi32>
          %add3A_362 = arith.addi %add3A_361, %iota3A : vector<16xi32>
          %add3A_363 = arith.constant 17 : i32
          %add3A_364 = vector.broadcast %add3A_363 : i32 to vector<16xi32>
          %add3A_365 = arith.addi %broadcast_in_dim3A_1, %add3A_364 : vector<16xi32>
          tpu.vector_store_idx %arg12[%add3A_362, %add3A_365], %gather3A_360 : memref<32x128xf32, #tpu.memory_space<vmem>>[vector<16xi32>, vector<16xi32>], vector<16xf32>,
          %add3A_366 = vector.broadcast %mul3A_94 : i32 to vector<16xi32>
          %add3A_367 = arith.addi %broadcast_in_dim3A_1, %add3A_366 : vector<16xi32>
          %add3A_368 = arith.constant 18 : i32
          %add3A_369 = vector.broadcast %add3A_368 : i32 to vector<16xi32>
          %add3A_370 = arith.addi %add3A_367, %add3A_369 : vector<16xi32>
          %gather3A_371 = tpu.vector_load_idx %arg10[%add3A_370, %select_n3A_153] : memref<64x1024xf32, #tpu.memory_space<vmem>>[vector<16xi32>, vector<16xi32>], vector<16xf32>,
          %add3A_372 = vector.broadcast %mul3A_168 : i32 to vector<16xi32>
          %add3A_373 = arith.addi %add3A_372, %iota3A : vector<16xi32>
          %add3A_374 = arith.constant 18 : i32
          %add3A_375 = vector.broadcast %add3A_374 : i32 to vector<16xi32>
          %add3A_376 = arith.addi %broadcast_in_dim3A_1, %add3A_375 : vector<16xi32>
          tpu.vector_store_idx %arg12[%add3A_373, %add3A_376], %gather3A_371 : memref<32x128xf32, #tpu.memory_space<vmem>>[vector<16xi32>, vector<16xi32>], vector<16xf32>,
          %add3A_377 = vector.broadcast %mul3A_94 : i32 to vector<16xi32>
          %add3A_378 = arith.addi %broadcast_in_dim3A_1, %add3A_377 : vector<16xi32>
          %add3A_379 = arith.constant 19 : i32
          %add3A_380 = vector.broadcast %add3A_379 : i32 to vector<16xi32>
          %add3A_381 = arith.addi %add3A_378, %add3A_380 : vector<16xi32>
          %gather3A_382 = tpu.vector_load_idx %arg10[%add3A_381, %select_n3A_153] : memref<64x1024xf32, #tpu.memory_space<vmem>>[vector<16xi32>, vector<16xi32>], vector<16xf32>,
          %add3A_383 = vector.broadcast %mul3A_168 : i32 to vector<16xi32>
          %add3A_384 = arith.addi %add3A_383, %iota3A : vector<16xi32>
          %add3A_385 = arith.constant 19 : i32
          %add3A_386 = vector.broadcast %add3A_385 : i32 to vector<16xi32>
          %add3A_387 = arith.addi %broadcast_in_dim3A_1, %add3A_386 : vector<16xi32>
          tpu.vector_store_idx %arg12[%add3A_384, %add3A_387], %gather3A_382 : memref<32x128xf32, #tpu.memory_space<vmem>>[vector<16xi32>, vector<16xi32>], vector<16xf32>,
          %add3A_388 = vector.broadcast %mul3A_94 : i32 to vector<16xi32>
          %add3A_389 = arith.addi %broadcast_in_dim3A_1, %add3A_388 : vector<16xi32>
          %add3A_390 = arith.constant 20 : i32
          %add3A_391 = vector.broadcast %add3A_390 : i32 to vector<16xi32>
          %add3A_392 = arith.addi %add3A_389, %add3A_391 : vector<16xi32>
          %gather3A_393 = tpu.vector_load_idx %arg10[%add3A_392, %select_n3A_153] : memref<64x1024xf32, #tpu.memory_space<vmem>>[vector<16xi32>, vector<16xi32>], vector<16xf32>,
          %add3A_394 = vector.broadcast %mul3A_168 : i32 to vector<16xi32>
          %add3A_395 = arith.addi %add3A_394, %iota3A : vector<16xi32>
          %add3A_396 = arith.constant 20 : i32
          %add3A_397 = vector.broadcast %add3A_396 : i32 to vector<16xi32>
          %add3A_398 = arith.addi %broadcast_in_dim3A_1, %add3A_397 : vector<16xi32>
          tpu.vector_store_idx %arg12[%add3A_395, %add3A_398], %gather3A_393 : memref<32x128xf32, #tpu.memory_space<vmem>>[vector<16xi32>, vector<16xi32>], vector<16xf32>,
          %add3A_399 = vector.broadcast %mul3A_94 : i32 to vector<16xi32>
          %add3A_400 = arith.addi %broadcast_in_dim3A_1, %add3A_399 : vector<16xi32>
          %add3A_401 = arith.constant 21 : i32
          %add3A_402 = vector.broadcast %add3A_401 : i32 to vector<16xi32>
          %add3A_403 = arith.addi %add3A_400, %add3A_402 : vector<16xi32>
          %gather3A_404 = tpu.vector_load_idx %arg10[%add3A_403, %select_n3A_153] : memref<64x1024xf32, #tpu.memory_space<vmem>>[vector<16xi32>, vector<16xi32>], vector<16xf32>,
          %add3A_405 = vector.broadcast %mul3A_168 : i32 to vector<16xi32>
          %add3A_406 = arith.addi %add3A_405, %iota3A : vector<16xi32>
          %add3A_407 = arith.constant 21 : i32
          %add3A_408 = vector.broadcast %add3A_407 : i32 to vector<16xi32>
          %add3A_409 = arith.addi %broadcast_in_dim3A_1, %add3A_408 : vector<16xi32>
          tpu.vector_store_idx %arg12[%add3A_406, %add3A_409], %gather3A_404 : memref<32x128xf32, #tpu.memory_space<vmem>>[vector<16xi32>, vector<16xi32>], vector<16xf32>,
          %add3A_410 = vector.broadcast %mul3A_94 : i32 to vector<16xi32>
          %add3A_411 = arith.addi %broadcast_in_dim3A_1, %add3A_410 : vector<16xi32>
          %add3A_412 = arith.constant 22 : i32
          %add3A_413 = vector.broadcast %add3A_412 : i32 to vector<16xi32>
          %add3A_414 = arith.addi %add3A_411, %add3A_413 : vector<16xi32>
          %gather3A_415 = tpu.vector_load_idx %arg10[%add3A_414, %select_n3A_153] : memref<64x1024xf32, #tpu.memory_space<vmem>>[vector<16xi32>, vector<16xi32>], vector<16xf32>,
          %add3A_416 = vector.broadcast %mul3A_168 : i32 to vector<16xi32>
          %add3A_417 = arith.addi %add3A_416, %iota3A : vector<16xi32>
          %add3A_418 = arith.constant 22 : i32
          %add3A_419 = vector.broadcast %add3A_418 : i32 to vector<16xi32>
          %add3A_420 = arith.addi %broadcast_in_dim3A_1, %add3A_419 : vector<16xi32>
          tpu.vector_store_idx %arg12[%add3A_417, %add3A_420], %gather3A_415 : memref<32x128xf32, #tpu.memory_space<vmem>>[vector<16xi32>, vector<16xi32>], vector<16xf32>,
          %add3A_421 = vector.broadcast %mul3A_94 : i32 to vector<16xi32>
          %add3A_422 = arith.addi %broadcast_in_dim3A_1, %add3A_421 : vector<16xi32>
          %add3A_423 = arith.constant 23 : i32
          %add3A_424 = vector.broadcast %add3A_423 : i32 to vector<16xi32>
          %add3A_425 = arith.addi %add3A_422, %add3A_424 : vector<16xi32>
          %gather3A_426 = tpu.vector_load_idx %arg10[%add3A_425, %select_n3A_153] : memref<64x1024xf32, #tpu.memory_space<vmem>>[vector<16xi32>, vector<16xi32>], vector<16xf32>,
          %add3A_427 = vector.broadcast %mul3A_168 : i32 to vector<16xi32>
          %add3A_428 = arith.addi %add3A_427, %iota3A : vector<16xi32>
          %add3A_429 = arith.constant 23 : i32
          %add3A_430 = vector.broadcast %add3A_429 : i32 to vector<16xi32>
          %add3A_431 = arith.addi %broadcast_in_dim3A_1, %add3A_430 : vector<16xi32>
          tpu.vector_store_idx %arg12[%add3A_428, %add3A_431], %gather3A_426 : memref<32x128xf32, #tpu.memory_space<vmem>>[vector<16xi32>, vector<16xi32>], vector<16xf32>,
          %add3A_432 = vector.broadcast %mul3A_94 : i32 to vector<16xi32>
          %add3A_433 = arith.addi %broadcast_in_dim3A_1, %add3A_432 : vector<16xi32>
          %add3A_434 = arith.constant 24 : i32
          %add3A_435 = vector.broadcast %add3A_434 : i32 to vector<16xi32>
          %add3A_436 = arith.addi %add3A_433, %add3A_435 : vector<16xi32>
          %gather3A_437 = tpu.vector_load_idx %arg10[%add3A_436, %select_n3A_153] : memref<64x1024xf32, #tpu.memory_space<vmem>>[vector<16xi32>, vector<16xi32>], vector<16xf32>,
          %add3A_438 = vector.broadcast %mul3A_168 : i32 to vector<16xi32>
          %add3A_439 = arith.addi %add3A_438, %iota3A : vector<16xi32>
          %add3A_440 = arith.constant 24 : i32
          %add3A_441 = vector.broadcast %add3A_440 : i32 to vector<16xi32>
          %add3A_442 = arith.addi %broadcast_in_dim3A_1, %add3A_441 : vector<16xi32>
          tpu.vector_store_idx %arg12[%add3A_439, %add3A_442], %gather3A_437 : memref<32x128xf32, #tpu.memory_space<vmem>>[vector<16xi32>, vector<16xi32>], vector<16xf32>,
          %add3A_443 = vector.broadcast %mul3A_94 : i32 to vector<16xi32>
          %add3A_444 = arith.addi %broadcast_in_dim3A_1, %add3A_443 : vector<16xi32>
          %add3A_445 = arith.constant 25 : i32
          %add3A_446 = vector.broadcast %add3A_445 : i32 to vector<16xi32>
          %add3A_447 = arith.addi %add3A_444, %add3A_446 : vector<16xi32>
          %gather3A_448 = tpu.vector_load_idx %arg10[%add3A_447, %select_n3A_153] : memref<64x1024xf32, #tpu.memory_space<vmem>>[vector<16xi32>, vector<16xi32>], vector<16xf32>,
          %add3A_449 = vector.broadcast %mul3A_168 : i32 to vector<16xi32>
          %add3A_450 = arith.addi %add3A_449, %iota3A : vector<16xi32>
          %add3A_451 = arith.constant 25 : i32
          %add3A_452 = vector.broadcast %add3A_451 : i32 to vector<16xi32>
          %add3A_453 = arith.addi %broadcast_in_dim3A_1, %add3A_452 : vector<16xi32>
          tpu.vector_store_idx %arg12[%add3A_450, %add3A_453], %gather3A_448 : memref<32x128xf32, #tpu.memory_space<vmem>>[vector<16xi32>, vector<16xi32>], vector<16xf32>,
          %add3A_454 = vector.broadcast %mul3A_94 : i32 to vector<16xi32>
          %add3A_455 = arith.addi %broadcast_in_dim3A_1, %add3A_454 : vector<16xi32>
          %add3A_456 = arith.constant 26 : i32
          %add3A_457 = vector.broadcast %add3A_456 : i32 to vector<16xi32>
          %add3A_458 = arith.addi %add3A_455, %add3A_457 : vector<16xi32>
          %gather3A_459 = tpu.vector_load_idx %arg10[%add3A_458, %select_n3A_153] : memref<64x1024xf32, #tpu.memory_space<vmem>>[vector<16xi32>, vector<16xi32>], vector<16xf32>,
          %add3A_460 = vector.broadcast %mul3A_168 : i32 to vector<16xi32>
          %add3A_461 = arith.addi %add3A_460, %iota3A : vector<16xi32>
          %add3A_462 = arith.constant 26 : i32
          %add3A_463 = vector.broadcast %add3A_462 : i32 to vector<16xi32>
          %add3A_464 = arith.addi %broadcast_in_dim3A_1, %add3A_463 : vector<16xi32>
          tpu.vector_store_idx %arg12[%add3A_461, %add3A_464], %gather3A_459 : memref<32x128xf32, #tpu.memory_space<vmem>>[vector<16xi32>, vector<16xi32>], vector<16xf32>,
          %add3A_465 = vector.broadcast %mul3A_94 : i32 to vector<16xi32>
          %add3A_466 = arith.addi %broadcast_in_dim3A_1, %add3A_465 : vector<16xi32>
          %add3A_467 = arith.constant 27 : i32
          %add3A_468 = vector.broadcast %add3A_467 : i32 to vector<16xi32>
          %add3A_469 = arith.addi %add3A_466, %add3A_468 : vector<16xi32>
          %gather3A_470 = tpu.vector_load_idx %arg10[%add3A_469, %select_n3A_153] : memref<64x1024xf32, #tpu.memory_space<vmem>>[vector<16xi32>, vector<16xi32>], vector<16xf32>,
          %add3A_471 = vector.broadcast %mul3A_168 : i32 to vector<16xi32>
          %add3A_472 = arith.addi %add3A_471, %iota3A : vector<16xi32>
          %add3A_473 = arith.constant 27 : i32
          %add3A_474 = vector.broadcast %add3A_473 : i32 to vector<16xi32>
          %add3A_475 = arith.addi %broadcast_in_dim3A_1, %add3A_474 : vector<16xi32>
          tpu.vector_store_idx %arg12[%add3A_472, %add3A_475], %gather3A_470 : memref<32x128xf32, #tpu.memory_space<vmem>>[vector<16xi32>, vector<16xi32>], vector<16xf32>,
          %add3A_476 = vector.broadcast %mul3A_94 : i32 to vector<16xi32>
          %add3A_477 = arith.addi %broadcast_in_dim3A_1, %add3A_476 : vector<16xi32>
          %add3A_478 = arith.constant 28 : i32
          %add3A_479 = vector.broadcast %add3A_478 : i32 to vector<16xi32>
          %add3A_480 = arith.addi %add3A_477, %add3A_479 : vector<16xi32>
          %gather3A_481 = tpu.vector_load_idx %arg10[%add3A_480, %select_n3A_153] : memref<64x1024xf32, #tpu.memory_space<vmem>>[vector<16xi32>, vector<16xi32>], vector<16xf32>,
          %add3A_482 = vector.broadcast %mul3A_168 : i32 to vector<16xi32>
          %add3A_483 = arith.addi %add3A_482, %iota3A : vector<16xi32>
          %add3A_484 = arith.constant 28 : i32
          %add3A_485 = vector.broadcast %add3A_484 : i32 to vector<16xi32>
          %add3A_486 = arith.addi %broadcast_in_dim3A_1, %add3A_485 : vector<16xi32>
          tpu.vector_store_idx %arg12[%add3A_483, %add3A_486], %gather3A_481 : memref<32x128xf32, #tpu.memory_space<vmem>>[vector<16xi32>, vector<16xi32>], vector<16xf32>,
          %add3A_487 = vector.broadcast %mul3A_94 : i32 to vector<16xi32>
          %add3A_488 = arith.addi %broadcast_in_dim3A_1, %add3A_487 : vector<16xi32>
          %add3A_489 = arith.constant 29 : i32
          %add3A_490 = vector.broadcast %add3A_489 : i32 to vector<16xi32>
          %add3A_491 = arith.addi %add3A_488, %add3A_490 : vector<16xi32>
          %gather3A_492 = tpu.vector_load_idx %arg10[%add3A_491, %select_n3A_153] : memref<64x1024xf32, #tpu.memory_space<vmem>>[vector<16xi32>, vector<16xi32>], vector<16xf32>,
          %add3A_493 = vector.broadcast %mul3A_168 : i32 to vector<16xi32>
          %add3A_494 = arith.addi %add3A_493, %iota3A : vector<16xi32>
          %add3A_495 = arith.constant 29 : i32
          %add3A_496 = vector.broadcast %add3A_495 : i32 to vector<16xi32>
          %add3A_497 = arith.addi %broadcast_in_dim3A_1, %add3A_496 : vector<16xi32>
          tpu.vector_store_idx %arg12[%add3A_494, %add3A_497], %gather3A_492 : memref<32x128xf32, #tpu.memory_space<vmem>>[vector<16xi32>, vector<16xi32>], vector<16xf32>,
          %add3A_498 = vector.broadcast %mul3A_94 : i32 to vector<16xi32>
          %add3A_499 = arith.addi %broadcast_in_dim3A_1, %add3A_498 : vector<16xi32>
          %add3A_500 = arith.constant 30 : i32
          %add3A_501 = vector.broadcast %add3A_500 : i32 to vector<16xi32>
          %add3A_502 = arith.addi %add3A_499, %add3A_501 : vector<16xi32>
          %gather3A_503 = tpu.vector_load_idx %arg10[%add3A_502, %select_n3A_153] : memref<64x1024xf32, #tpu.memory_space<vmem>>[vector<16xi32>, vector<16xi32>], vector<16xf32>,
          %add3A_504 = vector.broadcast %mul3A_168 : i32 to vector<16xi32>
          %add3A_505 = arith.addi %add3A_504, %iota3A : vector<16xi32>
          %add3A_506 = arith.constant 30 : i32
          %add3A_507 = vector.broadcast %add3A_506 : i32 to vector<16xi32>
          %add3A_508 = arith.addi %broadcast_in_dim3A_1, %add3A_507 : vector<16xi32>
          tpu.vector_store_idx %arg12[%add3A_505, %add3A_508], %gather3A_503 : memref<32x128xf32, #tpu.memory_space<vmem>>[vector<16xi32>, vector<16xi32>], vector<16xf32>,
          %add3A_509 = vector.broadcast %mul3A_94 : i32 to vector<16xi32>
          %add3A_510 = arith.addi %broadcast_in_dim3A_1, %add3A_509 : vector<16xi32>
          %add3A_511 = arith.constant 31 : i32
          %add3A_512 = vector.broadcast %add3A_511 : i32 to vector<16xi32>
          %add3A_513 = arith.addi %add3A_510, %add3A_512 : vector<16xi32>
          %gather3A_514 = tpu.vector_load_idx %arg10[%add3A_513, %select_n3A_153] : memref<64x1024xf32, #tpu.memory_space<vmem>>[vector<16xi32>, vector<16xi32>], vector<16xf32>,
          %add3A_515 = vector.broadcast %mul3A_168 : i32 to vector<16xi32>
          %add3A_516 = arith.addi %add3A_515, %iota3A : vector<16xi32>
          %add3A_517 = arith.constant 31 : i32
          %add3A_518 = vector.broadcast %add3A_517 : i32 to vector<16xi32>
          %add3A_519 = arith.addi %broadcast_in_dim3A_1, %add3A_518 : vector<16xi32>
          tpu.vector_store_idx %arg12[%add3A_516, %add3A_519], %gather3A_514 : memref<32x128xf32, #tpu.memory_space<vmem>>[vector<16xi32>, vector<16xi32>], vector<16xf32>,
          %multiple_of3A_520 = tpu.assume_multiple %mul3A_168, 16 : i32
          %dma_start3A_521 = arith.constant 0 : i32
          %dma_start3A_522 = tpu.memref_slice %arg12[%multiple_of3A_520, %dma_start3A_521] : memref<32x128xf32, #tpu.memory_space<vmem>> -> memref<16x128xf32, #tpu.memory_space<vmem>>
          %dma_start3A_523 = arith.constant 0 : i32
          %dma_start3A_524 = arith.constant 0 : i32
          %dma_start3A_525 = tpu.memref_slice %arg5[%dma_start3A_523, %dma_start3A_524] : memref<16416x128xf32, #tpu.memory_space<hbm>> -> memref<16416x128xf32, #tpu.memory_space<hbm>>
          tpu.enqueue_indirect_dma source(%dma_start3A_522 : memref<16x128xf32, #tpu.memory_space<vmem>>) target(%dma_start3A_525 : memref<16416x128xf32, #tpu.memory_space<hbm>>) offsets(%select_n3A_160 : vector<16xi32>) semaphore(%arg14 : memref<!tpu.dma_semaphore, #tpu.memory_space<semaphore_mem>>)
          %add3A_526 = arith.constant 1 : i32
          %add3A_527 = arith.addi %while3A_129, %add3A_526 : i32
          scf.yield %add3A_527 : i32
        }
        %while3A_126 = arith.constant 1 : i32
        %while3A_127 = scf.for %while3A_128 = %while3A_123 to %while3A_119 step %while3A_126 iter_args(%while3A_129 = %while3A_125) -> (i32)  : i32 {
          %mul3A_130 = arith.constant 64 : i32
          %mul3A_131 = arith.muli %while3A_72, %mul3A_130 : i32
          %multiple_of3A_132 = tpu.assume_multiple %mul3A_131, 64 : i32
          %mul3A_133 = arith.constant 16 : i32
          %mul3A_134 = arith.muli %while3A_128, %mul3A_133 : i32
          %multiple_of3A_135 = tpu.assume_multiple %mul3A_134, 16 : i32
          %add3A_136 = arith.addi %multiple_of3A_132, %multiple_of3A_135 : i32
          %get3A_137 = arith.index_cast %add3A_136 : i32 to index
          %get3A_138 = tpu.vector_load %arg8[%get3A_137] {strides = array<i32>} : memref<2064xi32, #tpu.memory_space<vmem>>, vector<16xi32>,
          %mul3A_139 = arith.constant 16 : i32
          %mul3A_140 = arith.muli %while3A_128, %mul3A_139 : i32
          %add3A_141 = vector.broadcast %mul3A_140 : i32 to vector<16xi32>
          %add3A_142 = arith.addi %add3A_141, %iota3A : vector<16xi32>
          %lt3A_143 = vector.broadcast %reduce_sum3A_107 : i32 to vector<16xi32>
          %lt3A_144 = arith.cmpi slt, %add3A_142, %lt3A_143 : vector<16xi32>
          %shift_right_arithmetic3A_145 = arith.constant 14 : i32
          %shift_right_arithmetic3A_146 = vector.broadcast %shift_right_arithmetic3A_145 : i32 to vector<16xi32>
          %shift_right_arithmetic3A_147 = arith.shrsi %get3A_138, %shift_right_arithmetic3A_146 : vector<16xi32>
          %and3A_148 = arith.constant 1023 : i32
          %and3A_149 = vector.broadcast %and3A_148 : i32 to vector<16xi32>
          %and3A_150 = arith.andi %shift_right_arithmetic3A_147, %and3A_149 : vector<16xi32>
          %jit3A_151 = arith.constant 0 : i32
          %broadcast_in_dim3A_152 = vector.broadcast %jit3A_151 : i32 to vector<16xi32>
          %select_n3A_153 = arith.select %lt3A_144, %and3A_150, %broadcast_in_dim3A_152 : vector<16xi1>, vector<16xi32>
          %and3A_154 = arith.constant 16383 : i32
          %and3A_155 = vector.broadcast %and3A_154 : i32 to vector<16xi32>
          %and3A_156 = arith.andi %get3A_138, %and3A_155 : vector<16xi32>
          %add3A_157 = arith.constant 16384 : i32
          %add3A_158 = arith.addi %add3A_157, %add3A : i32
          %broadcast_in_dim3A_159 = vector.broadcast %add3A_158 : i32 to vector<16xi32>
          %select_n3A_160 = arith.select %lt3A_144, %and3A_156, %broadcast_in_dim3A_159 : vector<16xi1>, vector<16xi32>
          %ge3A = arith.constant 2 : i32
          %ge3A_161 = arith.cmpi sge, %while3A_129, %ge3A : i32
          %convert_element_type3A_162 = arith.extui %ge3A_161 : i1 to i32
          %cond3A_163 = arith.constant 0 : i32
          %cond3A_164 = arith.cmpi ne, %convert_element_type3A_162, %cond3A_163 : i32
          scf.if %cond3A_164 {
            %dma_wait3A_528 = arith.constant 0 : i32
            %dma_wait3A_529 = arith.constant 0 : i32
            %dma_wait3A_530 = tpu.memref_slice %arg12[%dma_wait3A_528, %dma_wait3A_529] : memref<32x128xf32, #tpu.memory_space<vmem>> -> memref<16x128xf32, #tpu.memory_space<vmem>>
            %dma_wait3A_531 = arith.constant 0 : i32
            %dma_wait3A_532 = arith.constant 0 : i32
            %dma_wait3A_533 = tpu.memref_slice %arg5[%dma_wait3A_531, %dma_wait3A_532] : memref<16416x128xf32, #tpu.memory_space<hbm>> -> memref<16x128xf32, #tpu.memory_space<hbm>>
            %dma_wait3A_534 = arith.constant 0 : i32
            %dma_wait3A_535 = arith.constant 0 : i32
            %dma_wait3A_536 = tpu.memref_slice %arg5[%dma_wait3A_534, %dma_wait3A_535] : memref<16416x128xf32, #tpu.memory_space<hbm>> -> memref<16x128xf32, #tpu.memory_space<hbm>>
            %dma_wait3A_537 = arith.constant 0 : i32
            %dma_wait3A_538 = arith.constant 0 : i32
            %dma_wait3A_539 = tpu.memref_slice %arg12[%dma_wait3A_537, %dma_wait3A_538] : memref<32x128xf32, #tpu.memory_space<vmem>> -> memref<16x128xf32, #tpu.memory_space<vmem>>
            tpu.wait_dma2 semaphore(%arg14 : memref<!tpu.dma_semaphore, #tpu.memory_space<semaphore_mem>>) src(%dma_wait3A_539 : memref<16x128xf32, #tpu.memory_space<vmem>>) dst(%dma_wait3A_536 : memref<16x128xf32, #tpu.memory_space<hbm>>)
          } else {
          }
          %rem3A_165 = arith.constant 2 : i32
          %rem3A_166 = arith.remsi %while3A_129, %rem3A_165 : i32
          %mul3A_167 = arith.constant 16 : i32
          %mul3A_168 = arith.muli %rem3A_166, %mul3A_167 : i32
          %add3A_169 = vector.broadcast %mul3A_94 : i32 to vector<16xi32>
          %add3A_170 = arith.addi %broadcast_in_dim3A_1, %add3A_169 : vector<16xi32>
          %add3A_171 = arith.constant 0 : i32
          %add3A_172 = vector.broadcast %add3A_171 : i32 to vector<16xi32>
          %add3A_173 = arith.addi %add3A_170, %add3A_172 : vector<16xi32>
          %gather3A = tpu.vector_load_idx %arg10[%add3A_173, %select_n3A_153] : memref<64x1024xf32, #tpu.memory_space<vmem>>[vector<16xi32>, vector<16xi32>], vector<16xf32>,
          %add3A_174 = vector.broadcast %mul3A_168 : i32 to vector<16xi32>
          %add3A_175 = arith.addi %add3A_174, %iota3A : vector<16xi32>
          %add3A_176 = arith.constant 0 : i32
          %add3A_177 = vector.broadcast %add3A_176 : i32 to vector<16xi32>
          %add3A_178 = arith.addi %broadcast_in_dim3A_1, %add3A_177 : vector<16xi32>
          tpu.vector_store_idx %arg12[%add3A_175, %add3A_178], %gather3A : memref<32x128xf32, #tpu.memory_space<vmem>>[vector<16xi32>, vector<16xi32>], vector<16xf32>,
          %add3A_179 = vector.broadcast %mul3A_94 : i32 to vector<16xi32>
          %add3A_180 = arith.addi %broadcast_in_dim3A_1, %add3A_179 : vector<16xi32>
          %add3A_181 = arith.constant 1 : i32
          %add3A_182 = vector.broadcast %add3A_181 : i32 to vector<16xi32>
          %add3A_183 = arith.addi %add3A_180, %add3A_182 : vector<16xi32>
          %gather3A_184 = tpu.vector_load_idx %arg10[%add3A_183, %select_n3A_153] : memref<64x1024xf32, #tpu.memory_space<vmem>>[vector<16xi32>, vector<16xi32>], vector<16xf32>,
          %add3A_185 = vector.broadcast %mul3A_168 : i32 to vector<16xi32>
          %add3A_186 = arith.addi %add3A_185, %iota3A : vector<16xi32>
          %add3A_187 = arith.constant 1 : i32
          %add3A_188 = vector.broadcast %add3A_187 : i32 to vector<16xi32>
          %add3A_189 = arith.addi %broadcast_in_dim3A_1, %add3A_188 : vector<16xi32>
          tpu.vector_store_idx %arg12[%add3A_186, %add3A_189], %gather3A_184 : memref<32x128xf32, #tpu.memory_space<vmem>>[vector<16xi32>, vector<16xi32>], vector<16xf32>,
          %add3A_190 = vector.broadcast %mul3A_94 : i32 to vector<16xi32>
          %add3A_191 = arith.addi %broadcast_in_dim3A_1, %add3A_190 : vector<16xi32>
          %add3A_192 = arith.constant 2 : i32
          %add3A_193 = vector.broadcast %add3A_192 : i32 to vector<16xi32>
          %add3A_194 = arith.addi %add3A_191, %add3A_193 : vector<16xi32>
          %gather3A_195 = tpu.vector_load_idx %arg10[%add3A_194, %select_n3A_153] : memref<64x1024xf32, #tpu.memory_space<vmem>>[vector<16xi32>, vector<16xi32>], vector<16xf32>,
          %add3A_196 = vector.broadcast %mul3A_168 : i32 to vector<16xi32>
          %add3A_197 = arith.addi %add3A_196, %iota3A : vector<16xi32>
          %add3A_198 = arith.constant 2 : i32
          %add3A_199 = vector.broadcast %add3A_198 : i32 to vector<16xi32>
          %add3A_200 = arith.addi %broadcast_in_dim3A_1, %add3A_199 : vector<16xi32>
          tpu.vector_store_idx %arg12[%add3A_197, %add3A_200], %gather3A_195 : memref<32x128xf32, #tpu.memory_space<vmem>>[vector<16xi32>, vector<16xi32>], vector<16xf32>,
          %add3A_201 = vector.broadcast %mul3A_94 : i32 to vector<16xi32>
          %add3A_202 = arith.addi %broadcast_in_dim3A_1, %add3A_201 : vector<16xi32>
          %add3A_203 = arith.constant 3 : i32
          %add3A_204 = vector.broadcast %add3A_203 : i32 to vector<16xi32>
          %add3A_205 = arith.addi %add3A_202, %add3A_204 : vector<16xi32>
          %gather3A_206 = tpu.vector_load_idx %arg10[%add3A_205, %select_n3A_153] : memref<64x1024xf32, #tpu.memory_space<vmem>>[vector<16xi32>, vector<16xi32>], vector<16xf32>,
          %add3A_207 = vector.broadcast %mul3A_168 : i32 to vector<16xi32>
          %add3A_208 = arith.addi %add3A_207, %iota3A : vector<16xi32>
          %add3A_209 = arith.constant 3 : i32
          %add3A_210 = vector.broadcast %add3A_209 : i32 to vector<16xi32>
          %add3A_211 = arith.addi %broadcast_in_dim3A_1, %add3A_210 : vector<16xi32>
          tpu.vector_store_idx %arg12[%add3A_208, %add3A_211], %gather3A_206 : memref<32x128xf32, #tpu.memory_space<vmem>>[vector<16xi32>, vector<16xi32>], vector<16xf32>,
          %add3A_212 = vector.broadcast %mul3A_94 : i32 to vector<16xi32>
          %add3A_213 = arith.addi %broadcast_in_dim3A_1, %add3A_212 : vector<16xi32>
          %add3A_214 = arith.constant 4 : i32
          %add3A_215 = vector.broadcast %add3A_214 : i32 to vector<16xi32>
          %add3A_216 = arith.addi %add3A_213, %add3A_215 : vector<16xi32>
          %gather3A_217 = tpu.vector_load_idx %arg10[%add3A_216, %select_n3A_153] : memref<64x1024xf32, #tpu.memory_space<vmem>>[vector<16xi32>, vector<16xi32>], vector<16xf32>,
          %add3A_218 = vector.broadcast %mul3A_168 : i32 to vector<16xi32>
          %add3A_219 = arith.addi %add3A_218, %iota3A : vector<16xi32>
          %add3A_220 = arith.constant 4 : i32
          %add3A_221 = vector.broadcast %add3A_220 : i32 to vector<16xi32>
          %add3A_222 = arith.addi %broadcast_in_dim3A_1, %add3A_221 : vector<16xi32>
          tpu.vector_store_idx %arg12[%add3A_219, %add3A_222], %gather3A_217 : memref<32x128xf32, #tpu.memory_space<vmem>>[vector<16xi32>, vector<16xi32>], vector<16xf32>,
          %add3A_223 = vector.broadcast %mul3A_94 : i32 to vector<16xi32>
          %add3A_224 = arith.addi %broadcast_in_dim3A_1, %add3A_223 : vector<16xi32>
          %add3A_225 = arith.constant 5 : i32
          %add3A_226 = vector.broadcast %add3A_225 : i32 to vector<16xi32>
          %add3A_227 = arith.addi %add3A_224, %add3A_226 : vector<16xi32>
          %gather3A_228 = tpu.vector_load_idx %arg10[%add3A_227, %select_n3A_153] : memref<64x1024xf32, #tpu.memory_space<vmem>>[vector<16xi32>, vector<16xi32>], vector<16xf32>,
          %add3A_229 = vector.broadcast %mul3A_168 : i32 to vector<16xi32>
          %add3A_230 = arith.addi %add3A_229, %iota3A : vector<16xi32>
          %add3A_231 = arith.constant 5 : i32
          %add3A_232 = vector.broadcast %add3A_231 : i32 to vector<16xi32>
          %add3A_233 = arith.addi %broadcast_in_dim3A_1, %add3A_232 : vector<16xi32>
          tpu.vector_store_idx %arg12[%add3A_230, %add3A_233], %gather3A_228 : memref<32x128xf32, #tpu.memory_space<vmem>>[vector<16xi32>, vector<16xi32>], vector<16xf32>,
          %add3A_234 = vector.broadcast %mul3A_94 : i32 to vector<16xi32>
          %add3A_235 = arith.addi %broadcast_in_dim3A_1, %add3A_234 : vector<16xi32>
          %add3A_236 = arith.constant 6 : i32
          %add3A_237 = vector.broadcast %add3A_236 : i32 to vector<16xi32>
          %add3A_238 = arith.addi %add3A_235, %add3A_237 : vector<16xi32>
          %gather3A_239 = tpu.vector_load_idx %arg10[%add3A_238, %select_n3A_153] : memref<64x1024xf32, #tpu.memory_space<vmem>>[vector<16xi32>, vector<16xi32>], vector<16xf32>,
          %add3A_240 = vector.broadcast %mul3A_168 : i32 to vector<16xi32>
          %add3A_241 = arith.addi %add3A_240, %iota3A : vector<16xi32>
          %add3A_242 = arith.constant 6 : i32
          %add3A_243 = vector.broadcast %add3A_242 : i32 to vector<16xi32>
          %add3A_244 = arith.addi %broadcast_in_dim3A_1, %add3A_243 : vector<16xi32>
          tpu.vector_store_idx %arg12[%add3A_241, %add3A_244], %gather3A_239 : memref<32x128xf32, #tpu.memory_space<vmem>>[vector<16xi32>, vector<16xi32>], vector<16xf32>,
          %add3A_245 = vector.broadcast %mul3A_94 : i32 to vector<16xi32>
          %add3A_246 = arith.addi %broadcast_in_dim3A_1, %add3A_245 : vector<16xi32>
          %add3A_247 = arith.constant 7 : i32
          %add3A_248 = vector.broadcast %add3A_247 : i32 to vector<16xi32>
          %add3A_249 = arith.addi %add3A_246, %add3A_248 : vector<16xi32>
          %gather3A_250 = tpu.vector_load_idx %arg10[%add3A_249, %select_n3A_153] : memref<64x1024xf32, #tpu.memory_space<vmem>>[vector<16xi32>, vector<16xi32>], vector<16xf32>,
          %add3A_251 = vector.broadcast %mul3A_168 : i32 to vector<16xi32>
          %add3A_252 = arith.addi %add3A_251, %iota3A : vector<16xi32>
          %add3A_253 = arith.constant 7 : i32
          %add3A_254 = vector.broadcast %add3A_253 : i32 to vector<16xi32>
          %add3A_255 = arith.addi %broadcast_in_dim3A_1, %add3A_254 : vector<16xi32>
          tpu.vector_store_idx %arg12[%add3A_252, %add3A_255], %gather3A_250 : memref<32x128xf32, #tpu.memory_space<vmem>>[vector<16xi32>, vector<16xi32>], vector<16xf32>,
          %add3A_256 = vector.broadcast %mul3A_94 : i32 to vector<16xi32>
          %add3A_257 = arith.addi %broadcast_in_dim3A_1, %add3A_256 : vector<16xi32>
          %add3A_258 = arith.constant 8 : i32
          %add3A_259 = vector.broadcast %add3A_258 : i32 to vector<16xi32>
          %add3A_260 = arith.addi %add3A_257, %add3A_259 : vector<16xi32>
          %gather3A_261 = tpu.vector_load_idx %arg10[%add3A_260, %select_n3A_153] : memref<64x1024xf32, #tpu.memory_space<vmem>>[vector<16xi32>, vector<16xi32>], vector<16xf32>,
          %add3A_262 = vector.broadcast %mul3A_168 : i32 to vector<16xi32>
          %add3A_263 = arith.addi %add3A_262, %iota3A : vector<16xi32>
          %add3A_264 = arith.constant 8 : i32
          %add3A_265 = vector.broadcast %add3A_264 : i32 to vector<16xi32>
          %add3A_266 = arith.addi %broadcast_in_dim3A_1, %add3A_265 : vector<16xi32>
          tpu.vector_store_idx %arg12[%add3A_263, %add3A_266], %gather3A_261 : memref<32x128xf32, #tpu.memory_space<vmem>>[vector<16xi32>, vector<16xi32>], vector<16xf32>,
          %add3A_267 = vector.broadcast %mul3A_94 : i32 to vector<16xi32>
          %add3A_268 = arith.addi %broadcast_in_dim3A_1, %add3A_267 : vector<16xi32>
          %add3A_269 = arith.constant 9 : i32
          %add3A_270 = vector.broadcast %add3A_269 : i32 to vector<16xi32>
          %add3A_271 = arith.addi %add3A_268, %add3A_270 : vector<16xi32>
          %gather3A_272 = tpu.vector_load_idx %arg10[%add3A_271, %select_n3A_153] : memref<64x1024xf32, #tpu.memory_space<vmem>>[vector<16xi32>, vector<16xi32>], vector<16xf32>,
          %add3A_273 = vector.broadcast %mul3A_168 : i32 to vector<16xi32>
          %add3A_274 = arith.addi %add3A_273, %iota3A : vector<16xi32>
          %add3A_275 = arith.constant 9 : i32
          %add3A_276 = vector.broadcast %add3A_275 : i32 to vector<16xi32>
          %add3A_277 = arith.addi %broadcast_in_dim3A_1, %add3A_276 : vector<16xi32>
          tpu.vector_store_idx %arg12[%add3A_274, %add3A_277], %gather3A_272 : memref<32x128xf32, #tpu.memory_space<vmem>>[vector<16xi32>, vector<16xi32>], vector<16xf32>,
          %add3A_278 = vector.broadcast %mul3A_94 : i32 to vector<16xi32>
          %add3A_279 = arith.addi %broadcast_in_dim3A_1, %add3A_278 : vector<16xi32>
          %add3A_280 = arith.constant 10 : i32
          %add3A_281 = vector.broadcast %add3A_280 : i32 to vector<16xi32>
          %add3A_282 = arith.addi %add3A_279, %add3A_281 : vector<16xi32>
          %gather3A_283 = tpu.vector_load_idx %arg10[%add3A_282, %select_n3A_153] : memref<64x1024xf32, #tpu.memory_space<vmem>>[vector<16xi32>, vector<16xi32>], vector<16xf32>,
          %add3A_284 = vector.broadcast %mul3A_168 : i32 to vector<16xi32>
          %add3A_285 = arith.addi %add3A_284, %iota3A : vector<16xi32>
          %add3A_286 = arith.constant 10 : i32
          %add3A_287 = vector.broadcast %add3A_286 : i32 to vector<16xi32>
          %add3A_288 = arith.addi %broadcast_in_dim3A_1, %add3A_287 : vector<16xi32>
          tpu.vector_store_idx %arg12[%add3A_285, %add3A_288], %gather3A_283 : memref<32x128xf32, #tpu.memory_space<vmem>>[vector<16xi32>, vector<16xi32>], vector<16xf32>,
          %add3A_289 = vector.broadcast %mul3A_94 : i32 to vector<16xi32>
          %add3A_290 = arith.addi %broadcast_in_dim3A_1, %add3A_289 : vector<16xi32>
          %add3A_291 = arith.constant 11 : i32
          %add3A_292 = vector.broadcast %add3A_291 : i32 to vector<16xi32>
          %add3A_293 = arith.addi %add3A_290, %add3A_292 : vector<16xi32>
          %gather3A_294 = tpu.vector_load_idx %arg10[%add3A_293, %select_n3A_153] : memref<64x1024xf32, #tpu.memory_space<vmem>>[vector<16xi32>, vector<16xi32>], vector<16xf32>,
          %add3A_295 = vector.broadcast %mul3A_168 : i32 to vector<16xi32>
          %add3A_296 = arith.addi %add3A_295, %iota3A : vector<16xi32>
          %add3A_297 = arith.constant 11 : i32
          %add3A_298 = vector.broadcast %add3A_297 : i32 to vector<16xi32>
          %add3A_299 = arith.addi %broadcast_in_dim3A_1, %add3A_298 : vector<16xi32>
          tpu.vector_store_idx %arg12[%add3A_296, %add3A_299], %gather3A_294 : memref<32x128xf32, #tpu.memory_space<vmem>>[vector<16xi32>, vector<16xi32>], vector<16xf32>,
          %add3A_300 = vector.broadcast %mul3A_94 : i32 to vector<16xi32>
          %add3A_301 = arith.addi %broadcast_in_dim3A_1, %add3A_300 : vector<16xi32>
          %add3A_302 = arith.constant 12 : i32
          %add3A_303 = vector.broadcast %add3A_302 : i32 to vector<16xi32>
          %add3A_304 = arith.addi %add3A_301, %add3A_303 : vector<16xi32>
          %gather3A_305 = tpu.vector_load_idx %arg10[%add3A_304, %select_n3A_153] : memref<64x1024xf32, #tpu.memory_space<vmem>>[vector<16xi32>, vector<16xi32>], vector<16xf32>,
          %add3A_306 = vector.broadcast %mul3A_168 : i32 to vector<16xi32>
          %add3A_307 = arith.addi %add3A_306, %iota3A : vector<16xi32>
          %add3A_308 = arith.constant 12 : i32
          %add3A_309 = vector.broadcast %add3A_308 : i32 to vector<16xi32>
          %add3A_310 = arith.addi %broadcast_in_dim3A_1, %add3A_309 : vector<16xi32>
          tpu.vector_store_idx %arg12[%add3A_307, %add3A_310], %gather3A_305 : memref<32x128xf32, #tpu.memory_space<vmem>>[vector<16xi32>, vector<16xi32>], vector<16xf32>,
          %add3A_311 = vector.broadcast %mul3A_94 : i32 to vector<16xi32>
          %add3A_312 = arith.addi %broadcast_in_dim3A_1, %add3A_311 : vector<16xi32>
          %add3A_313 = arith.constant 13 : i32
          %add3A_314 = vector.broadcast %add3A_313 : i32 to vector<16xi32>
          %add3A_315 = arith.addi %add3A_312, %add3A_314 : vector<16xi32>
          %gather3A_316 = tpu.vector_load_idx %arg10[%add3A_315, %select_n3A_153] : memref<64x1024xf32, #tpu.memory_space<vmem>>[vector<16xi32>, vector<16xi32>], vector<16xf32>,
          %add3A_317 = vector.broadcast %mul3A_168 : i32 to vector<16xi32>
          %add3A_318 = arith.addi %add3A_317, %iota3A : vector<16xi32>
          %add3A_319 = arith.constant 13 : i32
          %add3A_320 = vector.broadcast %add3A_319 : i32 to vector<16xi32>
          %add3A_321 = arith.addi %broadcast_in_dim3A_1, %add3A_320 : vector<16xi32>
          tpu.vector_store_idx %arg12[%add3A_318, %add3A_321], %gather3A_316 : memref<32x128xf32, #tpu.memory_space<vmem>>[vector<16xi32>, vector<16xi32>], vector<16xf32>,
          %add3A_322 = vector.broadcast %mul3A_94 : i32 to vector<16xi32>
          %add3A_323 = arith.addi %broadcast_in_dim3A_1, %add3A_322 : vector<16xi32>
          %add3A_324 = arith.constant 14 : i32
          %add3A_325 = vector.broadcast %add3A_324 : i32 to vector<16xi32>
          %add3A_326 = arith.addi %add3A_323, %add3A_325 : vector<16xi32>
          %gather3A_327 = tpu.vector_load_idx %arg10[%add3A_326, %select_n3A_153] : memref<64x1024xf32, #tpu.memory_space<vmem>>[vector<16xi32>, vector<16xi32>], vector<16xf32>,
          %add3A_328 = vector.broadcast %mul3A_168 : i32 to vector<16xi32>
          %add3A_329 = arith.addi %add3A_328, %iota3A : vector<16xi32>
          %add3A_330 = arith.constant 14 : i32
          %add3A_331 = vector.broadcast %add3A_330 : i32 to vector<16xi32>
          %add3A_332 = arith.addi %broadcast_in_dim3A_1, %add3A_331 : vector<16xi32>
          tpu.vector_store_idx %arg12[%add3A_329, %add3A_332], %gather3A_327 : memref<32x128xf32, #tpu.memory_space<vmem>>[vector<16xi32>, vector<16xi32>], vector<16xf32>,
          %add3A_333 = vector.broadcast %mul3A_94 : i32 to vector<16xi32>
          %add3A_334 = arith.addi %broadcast_in_dim3A_1, %add3A_333 : vector<16xi32>
          %add3A_335 = arith.constant 15 : i32
          %add3A_336 = vector.broadcast %add3A_335 : i32 to vector<16xi32>
          %add3A_337 = arith.addi %add3A_334, %add3A_336 : vector<16xi32>
          %gather3A_338 = tpu.vector_load_idx %arg10[%add3A_337, %select_n3A_153] : memref<64x1024xf32, #tpu.memory_space<vmem>>[vector<16xi32>, vector<16xi32>], vector<16xf32>,
          %add3A_339 = vector.broadcast %mul3A_168 : i32 to vector<16xi32>
          %add3A_340 = arith.addi %add3A_339, %iota3A : vector<16xi32>
          %add3A_341 = arith.constant 15 : i32
          %add3A_342 = vector.broadcast %add3A_341 : i32 to vector<16xi32>
          %add3A_343 = arith.addi %broadcast_in_dim3A_1, %add3A_342 : vector<16xi32>
          tpu.vector_store_idx %arg12[%add3A_340, %add3A_343], %gather3A_338 : memref<32x128xf32, #tpu.memory_space<vmem>>[vector<16xi32>, vector<16xi32>], vector<16xf32>,
          %add3A_344 = vector.broadcast %mul3A_94 : i32 to vector<16xi32>
          %add3A_345 = arith.addi %broadcast_in_dim3A_1, %add3A_344 : vector<16xi32>
          %add3A_346 = arith.constant 16 : i32
          %add3A_347 = vector.broadcast %add3A_346 : i32 to vector<16xi32>
          %add3A_348 = arith.addi %add3A_345, %add3A_347 : vector<16xi32>
          %gather3A_349 = tpu.vector_load_idx %arg10[%add3A_348, %select_n3A_153] : memref<64x1024xf32, #tpu.memory_space<vmem>>[vector<16xi32>, vector<16xi32>], vector<16xf32>,
          %add3A_350 = vector.broadcast %mul3A_168 : i32 to vector<16xi32>
          %add3A_351 = arith.addi %add3A_350, %iota3A : vector<16xi32>
          %add3A_352 = arith.constant 16 : i32
          %add3A_353 = vector.broadcast %add3A_352 : i32 to vector<16xi32>
          %add3A_354 = arith.addi %broadcast_in_dim3A_1, %add3A_353 : vector<16xi32>
          tpu.vector_store_idx %arg12[%add3A_351, %add3A_354], %gather3A_349 : memref<32x128xf32, #tpu.memory_space<vmem>>[vector<16xi32>, vector<16xi32>], vector<16xf32>,
          %add3A_355 = vector.broadcast %mul3A_94 : i32 to vector<16xi32>
          %add3A_356 = arith.addi %broadcast_in_dim3A_1, %add3A_355 : vector<16xi32>
          %add3A_357 = arith.constant 17 : i32
          %add3A_358 = vector.broadcast %add3A_357 : i32 to vector<16xi32>
          %add3A_359 = arith.addi %add3A_356, %add3A_358 : vector<16xi32>
          %gather3A_360 = tpu.vector_load_idx %arg10[%add3A_359, %select_n3A_153] : memref<64x1024xf32, #tpu.memory_space<vmem>>[vector<16xi32>, vector<16xi32>], vector<16xf32>,
          %add3A_361 = vector.broadcast %mul3A_168 : i32 to vector<16xi32>
          %add3A_362 = arith.addi %add3A_361, %iota3A : vector<16xi32>
          %add3A_363 = arith.constant 17 : i32
          %add3A_364 = vector.broadcast %add3A_363 : i32 to vector<16xi32>
          %add3A_365 = arith.addi %broadcast_in_dim3A_1, %add3A_364 : vector<16xi32>
          tpu.vector_store_idx %arg12[%add3A_362, %add3A_365], %gather3A_360 : memref<32x128xf32, #tpu.memory_space<vmem>>[vector<16xi32>, vector<16xi32>], vector<16xf32>,
          %add3A_366 = vector.broadcast %mul3A_94 : i32 to vector<16xi32>
          %add3A_367 = arith.addi %broadcast_in_dim3A_1, %add3A_366 : vector<16xi32>
          %add3A_368 = arith.constant 18 : i32
          %add3A_369 = vector.broadcast %add3A_368 : i32 to vector<16xi32>
          %add3A_370 = arith.addi %add3A_367, %add3A_369 : vector<16xi32>
          %gather3A_371 = tpu.vector_load_idx %arg10[%add3A_370, %select_n3A_153] : memref<64x1024xf32, #tpu.memory_space<vmem>>[vector<16xi32>, vector<16xi32>], vector<16xf32>,
          %add3A_372 = vector.broadcast %mul3A_168 : i32 to vector<16xi32>
          %add3A_373 = arith.addi %add3A_372, %iota3A : vector<16xi32>
          %add3A_374 = arith.constant 18 : i32
          %add3A_375 = vector.broadcast %add3A_374 : i32 to vector<16xi32>
          %add3A_376 = arith.addi %broadcast_in_dim3A_1, %add3A_375 : vector<16xi32>
          tpu.vector_store_idx %arg12[%add3A_373, %add3A_376], %gather3A_371 : memref<32x128xf32, #tpu.memory_space<vmem>>[vector<16xi32>, vector<16xi32>], vector<16xf32>,
          %add3A_377 = vector.broadcast %mul3A_94 : i32 to vector<16xi32>
          %add3A_378 = arith.addi %broadcast_in_dim3A_1, %add3A_377 : vector<16xi32>
          %add3A_379 = arith.constant 19 : i32
          %add3A_380 = vector.broadcast %add3A_379 : i32 to vector<16xi32>
          %add3A_381 = arith.addi %add3A_378, %add3A_380 : vector<16xi32>
          %gather3A_382 = tpu.vector_load_idx %arg10[%add3A_381, %select_n3A_153] : memref<64x1024xf32, #tpu.memory_space<vmem>>[vector<16xi32>, vector<16xi32>], vector<16xf32>,
          %add3A_383 = vector.broadcast %mul3A_168 : i32 to vector<16xi32>
          %add3A_384 = arith.addi %add3A_383, %iota3A : vector<16xi32>
          %add3A_385 = arith.constant 19 : i32
          %add3A_386 = vector.broadcast %add3A_385 : i32 to vector<16xi32>
          %add3A_387 = arith.addi %broadcast_in_dim3A_1, %add3A_386 : vector<16xi32>
          tpu.vector_store_idx %arg12[%add3A_384, %add3A_387], %gather3A_382 : memref<32x128xf32, #tpu.memory_space<vmem>>[vector<16xi32>, vector<16xi32>], vector<16xf32>,
          %add3A_388 = vector.broadcast %mul3A_94 : i32 to vector<16xi32>
          %add3A_389 = arith.addi %broadcast_in_dim3A_1, %add3A_388 : vector<16xi32>
          %add3A_390 = arith.constant 20 : i32
          %add3A_391 = vector.broadcast %add3A_390 : i32 to vector<16xi32>
          %add3A_392 = arith.addi %add3A_389, %add3A_391 : vector<16xi32>
          %gather3A_393 = tpu.vector_load_idx %arg10[%add3A_392, %select_n3A_153] : memref<64x1024xf32, #tpu.memory_space<vmem>>[vector<16xi32>, vector<16xi32>], vector<16xf32>,
          %add3A_394 = vector.broadcast %mul3A_168 : i32 to vector<16xi32>
          %add3A_395 = arith.addi %add3A_394, %iota3A : vector<16xi32>
          %add3A_396 = arith.constant 20 : i32
          %add3A_397 = vector.broadcast %add3A_396 : i32 to vector<16xi32>
          %add3A_398 = arith.addi %broadcast_in_dim3A_1, %add3A_397 : vector<16xi32>
          tpu.vector_store_idx %arg12[%add3A_395, %add3A_398], %gather3A_393 : memref<32x128xf32, #tpu.memory_space<vmem>>[vector<16xi32>, vector<16xi32>], vector<16xf32>,
          %add3A_399 = vector.broadcast %mul3A_94 : i32 to vector<16xi32>
          %add3A_400 = arith.addi %broadcast_in_dim3A_1, %add3A_399 : vector<16xi32>
          %add3A_401 = arith.constant 21 : i32
          %add3A_402 = vector.broadcast %add3A_401 : i32 to vector<16xi32>
          %add3A_403 = arith.addi %add3A_400, %add3A_402 : vector<16xi32>
          %gather3A_404 = tpu.vector_load_idx %arg10[%add3A_403, %select_n3A_153] : memref<64x1024xf32, #tpu.memory_space<vmem>>[vector<16xi32>, vector<16xi32>], vector<16xf32>,
          %add3A_405 = vector.broadcast %mul3A_168 : i32 to vector<16xi32>
          %add3A_406 = arith.addi %add3A_405, %iota3A : vector<16xi32>
          %add3A_407 = arith.constant 21 : i32
          %add3A_408 = vector.broadcast %add3A_407 : i32 to vector<16xi32>
          %add3A_409 = arith.addi %broadcast_in_dim3A_1, %add3A_408 : vector<16xi32>
          tpu.vector_store_idx %arg12[%add3A_406, %add3A_409], %gather3A_404 : memref<32x128xf32, #tpu.memory_space<vmem>>[vector<16xi32>, vector<16xi32>], vector<16xf32>,
          %add3A_410 = vector.broadcast %mul3A_94 : i32 to vector<16xi32>
          %add3A_411 = arith.addi %broadcast_in_dim3A_1, %add3A_410 : vector<16xi32>
          %add3A_412 = arith.constant 22 : i32
          %add3A_413 = vector.broadcast %add3A_412 : i32 to vector<16xi32>
          %add3A_414 = arith.addi %add3A_411, %add3A_413 : vector<16xi32>
          %gather3A_415 = tpu.vector_load_idx %arg10[%add3A_414, %select_n3A_153] : memref<64x1024xf32, #tpu.memory_space<vmem>>[vector<16xi32>, vector<16xi32>], vector<16xf32>,
          %add3A_416 = vector.broadcast %mul3A_168 : i32 to vector<16xi32>
          %add3A_417 = arith.addi %add3A_416, %iota3A : vector<16xi32>
          %add3A_418 = arith.constant 22 : i32
          %add3A_419 = vector.broadcast %add3A_418 : i32 to vector<16xi32>
          %add3A_420 = arith.addi %broadcast_in_dim3A_1, %add3A_419 : vector<16xi32>
          tpu.vector_store_idx %arg12[%add3A_417, %add3A_420], %gather3A_415 : memref<32x128xf32, #tpu.memory_space<vmem>>[vector<16xi32>, vector<16xi32>], vector<16xf32>,
          %add3A_421 = vector.broadcast %mul3A_94 : i32 to vector<16xi32>
          %add3A_422 = arith.addi %broadcast_in_dim3A_1, %add3A_421 : vector<16xi32>
          %add3A_423 = arith.constant 23 : i32
          %add3A_424 = vector.broadcast %add3A_423 : i32 to vector<16xi32>
          %add3A_425 = arith.addi %add3A_422, %add3A_424 : vector<16xi32>
          %gather3A_426 = tpu.vector_load_idx %arg10[%add3A_425, %select_n3A_153] : memref<64x1024xf32, #tpu.memory_space<vmem>>[vector<16xi32>, vector<16xi32>], vector<16xf32>,
          %add3A_427 = vector.broadcast %mul3A_168 : i32 to vector<16xi32>
          %add3A_428 = arith.addi %add3A_427, %iota3A : vector<16xi32>
          %add3A_429 = arith.constant 23 : i32
          %add3A_430 = vector.broadcast %add3A_429 : i32 to vector<16xi32>
          %add3A_431 = arith.addi %broadcast_in_dim3A_1, %add3A_430 : vector<16xi32>
          tpu.vector_store_idx %arg12[%add3A_428, %add3A_431], %gather3A_426 : memref<32x128xf32, #tpu.memory_space<vmem>>[vector<16xi32>, vector<16xi32>], vector<16xf32>,
          %add3A_432 = vector.broadcast %mul3A_94 : i32 to vector<16xi32>
          %add3A_433 = arith.addi %broadcast_in_dim3A_1, %add3A_432 : vector<16xi32>
          %add3A_434 = arith.constant 24 : i32
          %add3A_435 = vector.broadcast %add3A_434 : i32 to vector<16xi32>
          %add3A_436 = arith.addi %add3A_433, %add3A_435 : vector<16xi32>
          %gather3A_437 = tpu.vector_load_idx %arg10[%add3A_436, %select_n3A_153] : memref<64x1024xf32, #tpu.memory_space<vmem>>[vector<16xi32>, vector<16xi32>], vector<16xf32>,
          %add3A_438 = vector.broadcast %mul3A_168 : i32 to vector<16xi32>
          %add3A_439 = arith.addi %add3A_438, %iota3A : vector<16xi32>
          %add3A_440 = arith.constant 24 : i32
          %add3A_441 = vector.broadcast %add3A_440 : i32 to vector<16xi32>
          %add3A_442 = arith.addi %broadcast_in_dim3A_1, %add3A_441 : vector<16xi32>
          tpu.vector_store_idx %arg12[%add3A_439, %add3A_442], %gather3A_437 : memref<32x128xf32, #tpu.memory_space<vmem>>[vector<16xi32>, vector<16xi32>], vector<16xf32>,
          %add3A_443 = vector.broadcast %mul3A_94 : i32 to vector<16xi32>
          %add3A_444 = arith.addi %broadcast_in_dim3A_1, %add3A_443 : vector<16xi32>
          %add3A_445 = arith.constant 25 : i32
          %add3A_446 = vector.broadcast %add3A_445 : i32 to vector<16xi32>
          %add3A_447 = arith.addi %add3A_444, %add3A_446 : vector<16xi32>
          %gather3A_448 = tpu.vector_load_idx %arg10[%add3A_447, %select_n3A_153] : memref<64x1024xf32, #tpu.memory_space<vmem>>[vector<16xi32>, vector<16xi32>], vector<16xf32>,
          %add3A_449 = vector.broadcast %mul3A_168 : i32 to vector<16xi32>
          %add3A_450 = arith.addi %add3A_449, %iota3A : vector<16xi32>
          %add3A_451 = arith.constant 25 : i32
          %add3A_452 = vector.broadcast %add3A_451 : i32 to vector<16xi32>
          %add3A_453 = arith.addi %broadcast_in_dim3A_1, %add3A_452 : vector<16xi32>
          tpu.vector_store_idx %arg12[%add3A_450, %add3A_453], %gather3A_448 : memref<32x128xf32, #tpu.memory_space<vmem>>[vector<16xi32>, vector<16xi32>], vector<16xf32>,
          %add3A_454 = vector.broadcast %mul3A_94 : i32 to vector<16xi32>
          %add3A_455 = arith.addi %broadcast_in_dim3A_1, %add3A_454 : vector<16xi32>
          %add3A_456 = arith.constant 26 : i32
          %add3A_457 = vector.broadcast %add3A_456 : i32 to vector<16xi32>
          %add3A_458 = arith.addi %add3A_455, %add3A_457 : vector<16xi32>
          %gather3A_459 = tpu.vector_load_idx %arg10[%add3A_458, %select_n3A_153] : memref<64x1024xf32, #tpu.memory_space<vmem>>[vector<16xi32>, vector<16xi32>], vector<16xf32>,
          %add3A_460 = vector.broadcast %mul3A_168 : i32 to vector<16xi32>
          %add3A_461 = arith.addi %add3A_460, %iota3A : vector<16xi32>
          %add3A_462 = arith.constant 26 : i32
          %add3A_463 = vector.broadcast %add3A_462 : i32 to vector<16xi32>
          %add3A_464 = arith.addi %broadcast_in_dim3A_1, %add3A_463 : vector<16xi32>
          tpu.vector_store_idx %arg12[%add3A_461, %add3A_464], %gather3A_459 : memref<32x128xf32, #tpu.memory_space<vmem>>[vector<16xi32>, vector<16xi32>], vector<16xf32>,
          %add3A_465 = vector.broadcast %mul3A_94 : i32 to vector<16xi32>
          %add3A_466 = arith.addi %broadcast_in_dim3A_1, %add3A_465 : vector<16xi32>
          %add3A_467 = arith.constant 27 : i32
          %add3A_468 = vector.broadcast %add3A_467 : i32 to vector<16xi32>
          %add3A_469 = arith.addi %add3A_466, %add3A_468 : vector<16xi32>
          %gather3A_470 = tpu.vector_load_idx %arg10[%add3A_469, %select_n3A_153] : memref<64x1024xf32, #tpu.memory_space<vmem>>[vector<16xi32>, vector<16xi32>], vector<16xf32>,
          %add3A_471 = vector.broadcast %mul3A_168 : i32 to vector<16xi32>
          %add3A_472 = arith.addi %add3A_471, %iota3A : vector<16xi32>
          %add3A_473 = arith.constant 27 : i32
          %add3A_474 = vector.broadcast %add3A_473 : i32 to vector<16xi32>
          %add3A_475 = arith.addi %broadcast_in_dim3A_1, %add3A_474 : vector<16xi32>
          tpu.vector_store_idx %arg12[%add3A_472, %add3A_475], %gather3A_470 : memref<32x128xf32, #tpu.memory_space<vmem>>[vector<16xi32>, vector<16xi32>], vector<16xf32>,
          %add3A_476 = vector.broadcast %mul3A_94 : i32 to vector<16xi32>
          %add3A_477 = arith.addi %broadcast_in_dim3A_1, %add3A_476 : vector<16xi32>
          %add3A_478 = arith.constant 28 : i32
          %add3A_479 = vector.broadcast %add3A_478 : i32 to vector<16xi32>
          %add3A_480 = arith.addi %add3A_477, %add3A_479 : vector<16xi32>
          %gather3A_481 = tpu.vector_load_idx %arg10[%add3A_480, %select_n3A_153] : memref<64x1024xf32, #tpu.memory_space<vmem>>[vector<16xi32>, vector<16xi32>], vector<16xf32>,
          %add3A_482 = vector.broadcast %mul3A_168 : i32 to vector<16xi32>
          %add3A_483 = arith.addi %add3A_482, %iota3A : vector<16xi32>
          %add3A_484 = arith.constant 28 : i32
          %add3A_485 = vector.broadcast %add3A_484 : i32 to vector<16xi32>
          %add3A_486 = arith.addi %broadcast_in_dim3A_1, %add3A_485 : vector<16xi32>
          tpu.vector_store_idx %arg12[%add3A_483, %add3A_486], %gather3A_481 : memref<32x128xf32, #tpu.memory_space<vmem>>[vector<16xi32>, vector<16xi32>], vector<16xf32>,
          %add3A_487 = vector.broadcast %mul3A_94 : i32 to vector<16xi32>
          %add3A_488 = arith.addi %broadcast_in_dim3A_1, %add3A_487 : vector<16xi32>
          %add3A_489 = arith.constant 29 : i32
          %add3A_490 = vector.broadcast %add3A_489 : i32 to vector<16xi32>
          %add3A_491 = arith.addi %add3A_488, %add3A_490 : vector<16xi32>
          %gather3A_492 = tpu.vector_load_idx %arg10[%add3A_491, %select_n3A_153] : memref<64x1024xf32, #tpu.memory_space<vmem>>[vector<16xi32>, vector<16xi32>], vector<16xf32>,
          %add3A_493 = vector.broadcast %mul3A_168 : i32 to vector<16xi32>
          %add3A_494 = arith.addi %add3A_493, %iota3A : vector<16xi32>
          %add3A_495 = arith.constant 29 : i32
          %add3A_496 = vector.broadcast %add3A_495 : i32 to vector<16xi32>
          %add3A_497 = arith.addi %broadcast_in_dim3A_1, %add3A_496 : vector<16xi32>
          tpu.vector_store_idx %arg12[%add3A_494, %add3A_497], %gather3A_492 : memref<32x128xf32, #tpu.memory_space<vmem>>[vector<16xi32>, vector<16xi32>], vector<16xf32>,
          %add3A_498 = vector.broadcast %mul3A_94 : i32 to vector<16xi32>
          %add3A_499 = arith.addi %broadcast_in_dim3A_1, %add3A_498 : vector<16xi32>
          %add3A_500 = arith.constant 30 : i32
          %add3A_501 = vector.broadcast %add3A_500 : i32 to vector<16xi32>
          %add3A_502 = arith.addi %add3A_499, %add3A_501 : vector<16xi32>
          %gather3A_503 = tpu.vector_load_idx %arg10[%add3A_502, %select_n3A_153] : memref<64x1024xf32, #tpu.memory_space<vmem>>[vector<16xi32>, vector<16xi32>], vector<16xf32>,
          %add3A_504 = vector.broadcast %mul3A_168 : i32 to vector<16xi32>
          %add3A_505 = arith.addi %add3A_504, %iota3A : vector<16xi32>
          %add3A_506 = arith.constant 30 : i32
          %add3A_507 = vector.broadcast %add3A_506 : i32 to vector<16xi32>
          %add3A_508 = arith.addi %broadcast_in_dim3A_1, %add3A_507 : vector<16xi32>
          tpu.vector_store_idx %arg12[%add3A_505, %add3A_508], %gather3A_503 : memref<32x128xf32, #tpu.memory_space<vmem>>[vector<16xi32>, vector<16xi32>], vector<16xf32>,
          %add3A_509 = vector.broadcast %mul3A_94 : i32 to vector<16xi32>
          %add3A_510 = arith.addi %broadcast_in_dim3A_1, %add3A_509 : vector<16xi32>
          %add3A_511 = arith.constant 31 : i32
          %add3A_512 = vector.broadcast %add3A_511 : i32 to vector<16xi32>
          %add3A_513 = arith.addi %add3A_510, %add3A_512 : vector<16xi32>
          %gather3A_514 = tpu.vector_load_idx %arg10[%add3A_513, %select_n3A_153] : memref<64x1024xf32, #tpu.memory_space<vmem>>[vector<16xi32>, vector<16xi32>], vector<16xf32>,
          %add3A_515 = vector.broadcast %mul3A_168 : i32 to vector<16xi32>
          %add3A_516 = arith.addi %add3A_515, %iota3A : vector<16xi32>
          %add3A_517 = arith.constant 31 : i32
          %add3A_518 = vector.broadcast %add3A_517 : i32 to vector<16xi32>
          %add3A_519 = arith.addi %broadcast_in_dim3A_1, %add3A_518 : vector<16xi32>
          tpu.vector_store_idx %arg12[%add3A_516, %add3A_519], %gather3A_514 : memref<32x128xf32, #tpu.memory_space<vmem>>[vector<16xi32>, vector<16xi32>], vector<16xf32>,
          %multiple_of3A_520 = tpu.assume_multiple %mul3A_168, 16 : i32
          %dma_start3A_521 = arith.constant 0 : i32
          %dma_start3A_522 = tpu.memref_slice %arg12[%multiple_of3A_520, %dma_start3A_521] : memref<32x128xf32, #tpu.memory_space<vmem>> -> memref<16x128xf32, #tpu.memory_space<vmem>>
          %dma_start3A_523 = arith.constant 0 : i32
          %dma_start3A_524 = arith.constant 0 : i32
          %dma_start3A_525 = tpu.memref_slice %arg5[%dma_start3A_523, %dma_start3A_524] : memref<16416x128xf32, #tpu.memory_space<hbm>> -> memref<16416x128xf32, #tpu.memory_space<hbm>>
          tpu.enqueue_indirect_dma source(%dma_start3A_522 : memref<16x128xf32, #tpu.memory_space<vmem>>) target(%dma_start3A_525 : memref<16416x128xf32, #tpu.memory_space<hbm>>) offsets(%select_n3A_160 : vector<16xi32>) semaphore(%arg14 : memref<!tpu.dma_semaphore, #tpu.memory_space<semaphore_mem>>)
          %add3A_526 = arith.constant 1 : i32
          %add3A_527 = arith.addi %while3A_129, %add3A_526 : i32
          scf.yield %add3A_527 : i32
        }
        scf.yield %while3A_127 : i32
      } else {
        %scan3A_113 = arith.constant 0 : i32
        %scan3A_114 = arith.constant 1024 : i32
        %scan3A_115 = arith.addi %scan3A_113, %scan3A_114 : i32
        %scan3A_116 = arith.constant 1 : i32
        %scan3A_117 = scf.for %scan3A_119 = %scan3A_113 to %scan3A_115 step %scan3A_116 iter_args(%scan3A_120 = %while3A_73) -> (i32)  : i32 {
          %mul3A_121 = arith.constant 16 : i32
          %mul3A_122 = arith.muli %scan3A_119, %mul3A_121 : i32
          %multiple_of3A_123 = tpu.assume_multiple %mul3A_122, 16 : i32
          %get3A_124 = arith.index_cast %multiple_of3A_123 : i32 to index
          %get3A_125 = tpu.vector_load %arg6[%get3A_124] {strides = array<i32>} : memref<16384xi32, #tpu.memory_space<vmem>>, vector<16xi32>,
          %shift_right_arithmetic3A_126 = arith.constant 10 : i32
          %shift_right_arithmetic3A_127 = vector.broadcast %shift_right_arithmetic3A_126 : i32 to vector<16xi32>
          %shift_right_arithmetic3A_128 = arith.shrsi %get3A_125, %shift_right_arithmetic3A_127 : vector<16xi32>
          %and3A_129 = arith.constant 31 : i32
          %and3A_130 = vector.broadcast %and3A_129 : i32 to vector<16xi32>
          %and3A_131 = arith.andi %shift_right_arithmetic3A_128, %and3A_130 : vector<16xi32>
          %eq3A_132 = vector.broadcast %add3A : i32 to vector<16xi32>
          %eq3A_133 = arith.cmpi eq, %and3A_131, %eq3A_132 : vector<16xi32>
          %shift_right_arithmetic3A_134 = arith.constant 15 : i32
          %shift_right_arithmetic3A_135 = vector.broadcast %shift_right_arithmetic3A_134 : i32 to vector<16xi32>
          %shift_right_arithmetic3A_136 = arith.shrsi %get3A_125, %shift_right_arithmetic3A_135 : vector<16xi32>
          %eq3A_137 = vector.broadcast %while3A_72 : i32 to vector<16xi32>
          %eq3A_138 = arith.cmpi eq, %shift_right_arithmetic3A_136, %eq3A_137 : vector<16xi32>
          %and3A_139 = arith.andi %eq3A_133, %eq3A_138 : vector<16xi1>
          %and3A_140 = arith.constant 1023 : i32
          %and3A_141 = vector.broadcast %and3A_140 : i32 to vector<16xi32>
          %and3A_142 = arith.andi %get3A_125, %and3A_141 : vector<16xi32>
          %jit3A_143 = arith.constant 0 : i32
          %broadcast_in_dim3A_144 = vector.broadcast %jit3A_143 : i32 to vector<16xi32>
          %select_n3A_145 = arith.select %and3A_139, %and3A_142, %broadcast_in_dim3A_144 : vector<16xi1>, vector<16xi32>
          %mul3A_146 = arith.constant 16 : i32
          %mul3A_147 = arith.muli %scan3A_119, %mul3A_146 : i32
          %add3A_148 = vector.broadcast %mul3A_147 : i32 to vector<16xi32>
          %add3A_149 = arith.addi %add3A_148, %iota3A : vector<16xi32>
          %add3A_150 = arith.constant 16384 : i32
          %add3A_151 = arith.addi %add3A_150, %add3A : i32
          %broadcast_in_dim3A_152 = vector.broadcast %add3A_151 : i32 to vector<16xi32>
          %select_n3A_153 = arith.select %and3A_139, %add3A_149, %broadcast_in_dim3A_152 : vector<16xi1>, vector<16xi32>
          %ge3A = arith.constant 2 : i32
          %ge3A_154 = arith.cmpi sge, %scan3A_120, %ge3A : i32
          %convert_element_type3A_155 = arith.extui %ge3A_154 : i1 to i32
          %cond3A_156 = arith.constant 0 : i32
          %cond3A_157 = arith.cmpi ne, %convert_element_type3A_155, %cond3A_156 : i32
          scf.if %cond3A_157 {
            %dma_wait3A_521 = arith.constant 0 : i32
            %dma_wait3A_522 = arith.constant 0 : i32
            %dma_wait3A_523 = tpu.memref_slice %arg12[%dma_wait3A_521, %dma_wait3A_522] : memref<32x128xf32, #tpu.memory_space<vmem>> -> memref<16x128xf32, #tpu.memory_space<vmem>>
            %dma_wait3A_524 = arith.constant 0 : i32
            %dma_wait3A_525 = arith.constant 0 : i32
            %dma_wait3A_526 = tpu.memref_slice %arg5[%dma_wait3A_524, %dma_wait3A_525] : memref<16416x128xf32, #tpu.memory_space<hbm>> -> memref<16x128xf32, #tpu.memory_space<hbm>>
            %dma_wait3A_527 = arith.constant 0 : i32
            %dma_wait3A_528 = arith.constant 0 : i32
            %dma_wait3A_529 = tpu.memref_slice %arg5[%dma_wait3A_527, %dma_wait3A_528] : memref<16416x128xf32, #tpu.memory_space<hbm>> -> memref<16x128xf32, #tpu.memory_space<hbm>>
            %dma_wait3A_530 = arith.constant 0 : i32
            %dma_wait3A_531 = arith.constant 0 : i32
            %dma_wait3A_532 = tpu.memref_slice %arg12[%dma_wait3A_530, %dma_wait3A_531] : memref<32x128xf32, #tpu.memory_space<vmem>> -> memref<16x128xf32, #tpu.memory_space<vmem>>
            tpu.wait_dma2 semaphore(%arg14 : memref<!tpu.dma_semaphore, #tpu.memory_space<semaphore_mem>>) src(%dma_wait3A_532 : memref<16x128xf32, #tpu.memory_space<vmem>>) dst(%dma_wait3A_529 : memref<16x128xf32, #tpu.memory_space<hbm>>)
          } else {
          }
          %rem3A_158 = arith.constant 2 : i32
          %rem3A_159 = arith.remsi %scan3A_120, %rem3A_158 : i32
          %mul3A_160 = arith.constant 16 : i32
          %mul3A_161 = arith.muli %rem3A_159, %mul3A_160 : i32
          %add3A_162 = vector.broadcast %mul3A_94 : i32 to vector<16xi32>
          %add3A_163 = arith.addi %broadcast_in_dim3A_1, %add3A_162 : vector<16xi32>
          %add3A_164 = arith.constant 0 : i32
          %add3A_165 = vector.broadcast %add3A_164 : i32 to vector<16xi32>
          %add3A_166 = arith.addi %add3A_163, %add3A_165 : vector<16xi32>
          %gather3A = tpu.vector_load_idx %arg10[%add3A_166, %select_n3A_145] : memref<64x1024xf32, #tpu.memory_space<vmem>>[vector<16xi32>, vector<16xi32>], vector<16xf32>,
          %add3A_167 = vector.broadcast %mul3A_161 : i32 to vector<16xi32>
          %add3A_168 = arith.addi %add3A_167, %iota3A : vector<16xi32>
          %add3A_169 = arith.constant 0 : i32
          %add3A_170 = vector.broadcast %add3A_169 : i32 to vector<16xi32>
          %add3A_171 = arith.addi %broadcast_in_dim3A_1, %add3A_170 : vector<16xi32>
          tpu.vector_store_idx %arg12[%add3A_168, %add3A_171], %gather3A : memref<32x128xf32, #tpu.memory_space<vmem>>[vector<16xi32>, vector<16xi32>], vector<16xf32>,
          %add3A_172 = vector.broadcast %mul3A_94 : i32 to vector<16xi32>
          %add3A_173 = arith.addi %broadcast_in_dim3A_1, %add3A_172 : vector<16xi32>
          %add3A_174 = arith.constant 1 : i32
          %add3A_175 = vector.broadcast %add3A_174 : i32 to vector<16xi32>
          %add3A_176 = arith.addi %add3A_173, %add3A_175 : vector<16xi32>
          %gather3A_177 = tpu.vector_load_idx %arg10[%add3A_176, %select_n3A_145] : memref<64x1024xf32, #tpu.memory_space<vmem>>[vector<16xi32>, vector<16xi32>], vector<16xf32>,
          %add3A_178 = vector.broadcast %mul3A_161 : i32 to vector<16xi32>
          %add3A_179 = arith.addi %add3A_178, %iota3A : vector<16xi32>
          %add3A_180 = arith.constant 1 : i32
          %add3A_181 = vector.broadcast %add3A_180 : i32 to vector<16xi32>
          %add3A_182 = arith.addi %broadcast_in_dim3A_1, %add3A_181 : vector<16xi32>
          tpu.vector_store_idx %arg12[%add3A_179, %add3A_182], %gather3A_177 : memref<32x128xf32, #tpu.memory_space<vmem>>[vector<16xi32>, vector<16xi32>], vector<16xf32>,
          %add3A_183 = vector.broadcast %mul3A_94 : i32 to vector<16xi32>
          %add3A_184 = arith.addi %broadcast_in_dim3A_1, %add3A_183 : vector<16xi32>
          %add3A_185 = arith.constant 2 : i32
          %add3A_186 = vector.broadcast %add3A_185 : i32 to vector<16xi32>
          %add3A_187 = arith.addi %add3A_184, %add3A_186 : vector<16xi32>
          %gather3A_188 = tpu.vector_load_idx %arg10[%add3A_187, %select_n3A_145] : memref<64x1024xf32, #tpu.memory_space<vmem>>[vector<16xi32>, vector<16xi32>], vector<16xf32>,
          %add3A_189 = vector.broadcast %mul3A_161 : i32 to vector<16xi32>
          %add3A_190 = arith.addi %add3A_189, %iota3A : vector<16xi32>
          %add3A_191 = arith.constant 2 : i32
          %add3A_192 = vector.broadcast %add3A_191 : i32 to vector<16xi32>
          %add3A_193 = arith.addi %broadcast_in_dim3A_1, %add3A_192 : vector<16xi32>
          tpu.vector_store_idx %arg12[%add3A_190, %add3A_193], %gather3A_188 : memref<32x128xf32, #tpu.memory_space<vmem>>[vector<16xi32>, vector<16xi32>], vector<16xf32>,
          %add3A_194 = vector.broadcast %mul3A_94 : i32 to vector<16xi32>
          %add3A_195 = arith.addi %broadcast_in_dim3A_1, %add3A_194 : vector<16xi32>
          %add3A_196 = arith.constant 3 : i32
          %add3A_197 = vector.broadcast %add3A_196 : i32 to vector<16xi32>
          %add3A_198 = arith.addi %add3A_195, %add3A_197 : vector<16xi32>
          %gather3A_199 = tpu.vector_load_idx %arg10[%add3A_198, %select_n3A_145] : memref<64x1024xf32, #tpu.memory_space<vmem>>[vector<16xi32>, vector<16xi32>], vector<16xf32>,
          %add3A_200 = vector.broadcast %mul3A_161 : i32 to vector<16xi32>
          %add3A_201 = arith.addi %add3A_200, %iota3A : vector<16xi32>
          %add3A_202 = arith.constant 3 : i32
          %add3A_203 = vector.broadcast %add3A_202 : i32 to vector<16xi32>
          %add3A_204 = arith.addi %broadcast_in_dim3A_1, %add3A_203 : vector<16xi32>
          tpu.vector_store_idx %arg12[%add3A_201, %add3A_204], %gather3A_199 : memref<32x128xf32, #tpu.memory_space<vmem>>[vector<16xi32>, vector<16xi32>], vector<16xf32>,
          %add3A_205 = vector.broadcast %mul3A_94 : i32 to vector<16xi32>
          %add3A_206 = arith.addi %broadcast_in_dim3A_1, %add3A_205 : vector<16xi32>
          %add3A_207 = arith.constant 4 : i32
          %add3A_208 = vector.broadcast %add3A_207 : i32 to vector<16xi32>
          %add3A_209 = arith.addi %add3A_206, %add3A_208 : vector<16xi32>
          %gather3A_210 = tpu.vector_load_idx %arg10[%add3A_209, %select_n3A_145] : memref<64x1024xf32, #tpu.memory_space<vmem>>[vector<16xi32>, vector<16xi32>], vector<16xf32>,
          %add3A_211 = vector.broadcast %mul3A_161 : i32 to vector<16xi32>
          %add3A_212 = arith.addi %add3A_211, %iota3A : vector<16xi32>
          %add3A_213 = arith.constant 4 : i32
          %add3A_214 = vector.broadcast %add3A_213 : i32 to vector<16xi32>
          %add3A_215 = arith.addi %broadcast_in_dim3A_1, %add3A_214 : vector<16xi32>
          tpu.vector_store_idx %arg12[%add3A_212, %add3A_215], %gather3A_210 : memref<32x128xf32, #tpu.memory_space<vmem>>[vector<16xi32>, vector<16xi32>], vector<16xf32>,
          %add3A_216 = vector.broadcast %mul3A_94 : i32 to vector<16xi32>
          %add3A_217 = arith.addi %broadcast_in_dim3A_1, %add3A_216 : vector<16xi32>
          %add3A_218 = arith.constant 5 : i32
          %add3A_219 = vector.broadcast %add3A_218 : i32 to vector<16xi32>
          %add3A_220 = arith.addi %add3A_217, %add3A_219 : vector<16xi32>
          %gather3A_221 = tpu.vector_load_idx %arg10[%add3A_220, %select_n3A_145] : memref<64x1024xf32, #tpu.memory_space<vmem>>[vector<16xi32>, vector<16xi32>], vector<16xf32>,
          %add3A_222 = vector.broadcast %mul3A_161 : i32 to vector<16xi32>
          %add3A_223 = arith.addi %add3A_222, %iota3A : vector<16xi32>
          %add3A_224 = arith.constant 5 : i32
          %add3A_225 = vector.broadcast %add3A_224 : i32 to vector<16xi32>
          %add3A_226 = arith.addi %broadcast_in_dim3A_1, %add3A_225 : vector<16xi32>
          tpu.vector_store_idx %arg12[%add3A_223, %add3A_226], %gather3A_221 : memref<32x128xf32, #tpu.memory_space<vmem>>[vector<16xi32>, vector<16xi32>], vector<16xf32>,
          %add3A_227 = vector.broadcast %mul3A_94 : i32 to vector<16xi32>
          %add3A_228 = arith.addi %broadcast_in_dim3A_1, %add3A_227 : vector<16xi32>
          %add3A_229 = arith.constant 6 : i32
          %add3A_230 = vector.broadcast %add3A_229 : i32 to vector<16xi32>
          %add3A_231 = arith.addi %add3A_228, %add3A_230 : vector<16xi32>
          %gather3A_232 = tpu.vector_load_idx %arg10[%add3A_231, %select_n3A_145] : memref<64x1024xf32, #tpu.memory_space<vmem>>[vector<16xi32>, vector<16xi32>], vector<16xf32>,
          %add3A_233 = vector.broadcast %mul3A_161 : i32 to vector<16xi32>
          %add3A_234 = arith.addi %add3A_233, %iota3A : vector<16xi32>
          %add3A_235 = arith.constant 6 : i32
          %add3A_236 = vector.broadcast %add3A_235 : i32 to vector<16xi32>
          %add3A_237 = arith.addi %broadcast_in_dim3A_1, %add3A_236 : vector<16xi32>
          tpu.vector_store_idx %arg12[%add3A_234, %add3A_237], %gather3A_232 : memref<32x128xf32, #tpu.memory_space<vmem>>[vector<16xi32>, vector<16xi32>], vector<16xf32>,
          %add3A_238 = vector.broadcast %mul3A_94 : i32 to vector<16xi32>
          %add3A_239 = arith.addi %broadcast_in_dim3A_1, %add3A_238 : vector<16xi32>
          %add3A_240 = arith.constant 7 : i32
          %add3A_241 = vector.broadcast %add3A_240 : i32 to vector<16xi32>
          %add3A_242 = arith.addi %add3A_239, %add3A_241 : vector<16xi32>
          %gather3A_243 = tpu.vector_load_idx %arg10[%add3A_242, %select_n3A_145] : memref<64x1024xf32, #tpu.memory_space<vmem>>[vector<16xi32>, vector<16xi32>], vector<16xf32>,
          %add3A_244 = vector.broadcast %mul3A_161 : i32 to vector<16xi32>
          %add3A_245 = arith.addi %add3A_244, %iota3A : vector<16xi32>
          %add3A_246 = arith.constant 7 : i32
          %add3A_247 = vector.broadcast %add3A_246 : i32 to vector<16xi32>
          %add3A_248 = arith.addi %broadcast_in_dim3A_1, %add3A_247 : vector<16xi32>
          tpu.vector_store_idx %arg12[%add3A_245, %add3A_248], %gather3A_243 : memref<32x128xf32, #tpu.memory_space<vmem>>[vector<16xi32>, vector<16xi32>], vector<16xf32>,
          %add3A_249 = vector.broadcast %mul3A_94 : i32 to vector<16xi32>
          %add3A_250 = arith.addi %broadcast_in_dim3A_1, %add3A_249 : vector<16xi32>
          %add3A_251 = arith.constant 8 : i32
          %add3A_252 = vector.broadcast %add3A_251 : i32 to vector<16xi32>
          %add3A_253 = arith.addi %add3A_250, %add3A_252 : vector<16xi32>
          %gather3A_254 = tpu.vector_load_idx %arg10[%add3A_253, %select_n3A_145] : memref<64x1024xf32, #tpu.memory_space<vmem>>[vector<16xi32>, vector<16xi32>], vector<16xf32>,
          %add3A_255 = vector.broadcast %mul3A_161 : i32 to vector<16xi32>
          %add3A_256 = arith.addi %add3A_255, %iota3A : vector<16xi32>
          %add3A_257 = arith.constant 8 : i32
          %add3A_258 = vector.broadcast %add3A_257 : i32 to vector<16xi32>
          %add3A_259 = arith.addi %broadcast_in_dim3A_1, %add3A_258 : vector<16xi32>
          tpu.vector_store_idx %arg12[%add3A_256, %add3A_259], %gather3A_254 : memref<32x128xf32, #tpu.memory_space<vmem>>[vector<16xi32>, vector<16xi32>], vector<16xf32>,
          %add3A_260 = vector.broadcast %mul3A_94 : i32 to vector<16xi32>
          %add3A_261 = arith.addi %broadcast_in_dim3A_1, %add3A_260 : vector<16xi32>
          %add3A_262 = arith.constant 9 : i32
          %add3A_263 = vector.broadcast %add3A_262 : i32 to vector<16xi32>
          %add3A_264 = arith.addi %add3A_261, %add3A_263 : vector<16xi32>
          %gather3A_265 = tpu.vector_load_idx %arg10[%add3A_264, %select_n3A_145] : memref<64x1024xf32, #tpu.memory_space<vmem>>[vector<16xi32>, vector<16xi32>], vector<16xf32>,
          %add3A_266 = vector.broadcast %mul3A_161 : i32 to vector<16xi32>
          %add3A_267 = arith.addi %add3A_266, %iota3A : vector<16xi32>
          %add3A_268 = arith.constant 9 : i32
          %add3A_269 = vector.broadcast %add3A_268 : i32 to vector<16xi32>
          %add3A_270 = arith.addi %broadcast_in_dim3A_1, %add3A_269 : vector<16xi32>
          tpu.vector_store_idx %arg12[%add3A_267, %add3A_270], %gather3A_265 : memref<32x128xf32, #tpu.memory_space<vmem>>[vector<16xi32>, vector<16xi32>], vector<16xf32>,
          %add3A_271 = vector.broadcast %mul3A_94 : i32 to vector<16xi32>
          %add3A_272 = arith.addi %broadcast_in_dim3A_1, %add3A_271 : vector<16xi32>
          %add3A_273 = arith.constant 10 : i32
          %add3A_274 = vector.broadcast %add3A_273 : i32 to vector<16xi32>
          %add3A_275 = arith.addi %add3A_272, %add3A_274 : vector<16xi32>
          %gather3A_276 = tpu.vector_load_idx %arg10[%add3A_275, %select_n3A_145] : memref<64x1024xf32, #tpu.memory_space<vmem>>[vector<16xi32>, vector<16xi32>], vector<16xf32>,
          %add3A_277 = vector.broadcast %mul3A_161 : i32 to vector<16xi32>
          %add3A_278 = arith.addi %add3A_277, %iota3A : vector<16xi32>
          %add3A_279 = arith.constant 10 : i32
          %add3A_280 = vector.broadcast %add3A_279 : i32 to vector<16xi32>
          %add3A_281 = arith.addi %broadcast_in_dim3A_1, %add3A_280 : vector<16xi32>
          tpu.vector_store_idx %arg12[%add3A_278, %add3A_281], %gather3A_276 : memref<32x128xf32, #tpu.memory_space<vmem>>[vector<16xi32>, vector<16xi32>], vector<16xf32>,
          %add3A_282 = vector.broadcast %mul3A_94 : i32 to vector<16xi32>
          %add3A_283 = arith.addi %broadcast_in_dim3A_1, %add3A_282 : vector<16xi32>
          %add3A_284 = arith.constant 11 : i32
          %add3A_285 = vector.broadcast %add3A_284 : i32 to vector<16xi32>
          %add3A_286 = arith.addi %add3A_283, %add3A_285 : vector<16xi32>
          %gather3A_287 = tpu.vector_load_idx %arg10[%add3A_286, %select_n3A_145] : memref<64x1024xf32, #tpu.memory_space<vmem>>[vector<16xi32>, vector<16xi32>], vector<16xf32>,
          %add3A_288 = vector.broadcast %mul3A_161 : i32 to vector<16xi32>
          %add3A_289 = arith.addi %add3A_288, %iota3A : vector<16xi32>
          %add3A_290 = arith.constant 11 : i32
          %add3A_291 = vector.broadcast %add3A_290 : i32 to vector<16xi32>
          %add3A_292 = arith.addi %broadcast_in_dim3A_1, %add3A_291 : vector<16xi32>
          tpu.vector_store_idx %arg12[%add3A_289, %add3A_292], %gather3A_287 : memref<32x128xf32, #tpu.memory_space<vmem>>[vector<16xi32>, vector<16xi32>], vector<16xf32>,
          %add3A_293 = vector.broadcast %mul3A_94 : i32 to vector<16xi32>
          %add3A_294 = arith.addi %broadcast_in_dim3A_1, %add3A_293 : vector<16xi32>
          %add3A_295 = arith.constant 12 : i32
          %add3A_296 = vector.broadcast %add3A_295 : i32 to vector<16xi32>
          %add3A_297 = arith.addi %add3A_294, %add3A_296 : vector<16xi32>
          %gather3A_298 = tpu.vector_load_idx %arg10[%add3A_297, %select_n3A_145] : memref<64x1024xf32, #tpu.memory_space<vmem>>[vector<16xi32>, vector<16xi32>], vector<16xf32>,
          %add3A_299 = vector.broadcast %mul3A_161 : i32 to vector<16xi32>
          %add3A_300 = arith.addi %add3A_299, %iota3A : vector<16xi32>
          %add3A_301 = arith.constant 12 : i32
          %add3A_302 = vector.broadcast %add3A_301 : i32 to vector<16xi32>
          %add3A_303 = arith.addi %broadcast_in_dim3A_1, %add3A_302 : vector<16xi32>
          tpu.vector_store_idx %arg12[%add3A_300, %add3A_303], %gather3A_298 : memref<32x128xf32, #tpu.memory_space<vmem>>[vector<16xi32>, vector<16xi32>], vector<16xf32>,
          %add3A_304 = vector.broadcast %mul3A_94 : i32 to vector<16xi32>
          %add3A_305 = arith.addi %broadcast_in_dim3A_1, %add3A_304 : vector<16xi32>
          %add3A_306 = arith.constant 13 : i32
          %add3A_307 = vector.broadcast %add3A_306 : i32 to vector<16xi32>
          %add3A_308 = arith.addi %add3A_305, %add3A_307 : vector<16xi32>
          %gather3A_309 = tpu.vector_load_idx %arg10[%add3A_308, %select_n3A_145] : memref<64x1024xf32, #tpu.memory_space<vmem>>[vector<16xi32>, vector<16xi32>], vector<16xf32>,
          %add3A_310 = vector.broadcast %mul3A_161 : i32 to vector<16xi32>
          %add3A_311 = arith.addi %add3A_310, %iota3A : vector<16xi32>
          %add3A_312 = arith.constant 13 : i32
          %add3A_313 = vector.broadcast %add3A_312 : i32 to vector<16xi32>
          %add3A_314 = arith.addi %broadcast_in_dim3A_1, %add3A_313 : vector<16xi32>
          tpu.vector_store_idx %arg12[%add3A_311, %add3A_314], %gather3A_309 : memref<32x128xf32, #tpu.memory_space<vmem>>[vector<16xi32>, vector<16xi32>], vector<16xf32>,
          %add3A_315 = vector.broadcast %mul3A_94 : i32 to vector<16xi32>
          %add3A_316 = arith.addi %broadcast_in_dim3A_1, %add3A_315 : vector<16xi32>
          %add3A_317 = arith.constant 14 : i32
          %add3A_318 = vector.broadcast %add3A_317 : i32 to vector<16xi32>
          %add3A_319 = arith.addi %add3A_316, %add3A_318 : vector<16xi32>
          %gather3A_320 = tpu.vector_load_idx %arg10[%add3A_319, %select_n3A_145] : memref<64x1024xf32, #tpu.memory_space<vmem>>[vector<16xi32>, vector<16xi32>], vector<16xf32>,
          %add3A_321 = vector.broadcast %mul3A_161 : i32 to vector<16xi32>
          %add3A_322 = arith.addi %add3A_321, %iota3A : vector<16xi32>
          %add3A_323 = arith.constant 14 : i32
          %add3A_324 = vector.broadcast %add3A_323 : i32 to vector<16xi32>
          %add3A_325 = arith.addi %broadcast_in_dim3A_1, %add3A_324 : vector<16xi32>
          tpu.vector_store_idx %arg12[%add3A_322, %add3A_325], %gather3A_320 : memref<32x128xf32, #tpu.memory_space<vmem>>[vector<16xi32>, vector<16xi32>], vector<16xf32>,
          %add3A_326 = vector.broadcast %mul3A_94 : i32 to vector<16xi32>
          %add3A_327 = arith.addi %broadcast_in_dim3A_1, %add3A_326 : vector<16xi32>
          %add3A_328 = arith.constant 15 : i32
          %add3A_329 = vector.broadcast %add3A_328 : i32 to vector<16xi32>
          %add3A_330 = arith.addi %add3A_327, %add3A_329 : vector<16xi32>
          %gather3A_331 = tpu.vector_load_idx %arg10[%add3A_330, %select_n3A_145] : memref<64x1024xf32, #tpu.memory_space<vmem>>[vector<16xi32>, vector<16xi32>], vector<16xf32>,
          %add3A_332 = vector.broadcast %mul3A_161 : i32 to vector<16xi32>
          %add3A_333 = arith.addi %add3A_332, %iota3A : vector<16xi32>
          %add3A_334 = arith.constant 15 : i32
          %add3A_335 = vector.broadcast %add3A_334 : i32 to vector<16xi32>
          %add3A_336 = arith.addi %broadcast_in_dim3A_1, %add3A_335 : vector<16xi32>
          tpu.vector_store_idx %arg12[%add3A_333, %add3A_336], %gather3A_331 : memref<32x128xf32, #tpu.memory_space<vmem>>[vector<16xi32>, vector<16xi32>], vector<16xf32>,
          %add3A_337 = vector.broadcast %mul3A_94 : i32 to vector<16xi32>
          %add3A_338 = arith.addi %broadcast_in_dim3A_1, %add3A_337 : vector<16xi32>
          %add3A_339 = arith.constant 16 : i32
          %add3A_340 = vector.broadcast %add3A_339 : i32 to vector<16xi32>
          %add3A_341 = arith.addi %add3A_338, %add3A_340 : vector<16xi32>
          %gather3A_342 = tpu.vector_load_idx %arg10[%add3A_341, %select_n3A_145] : memref<64x1024xf32, #tpu.memory_space<vmem>>[vector<16xi32>, vector<16xi32>], vector<16xf32>,
          %add3A_343 = vector.broadcast %mul3A_161 : i32 to vector<16xi32>
          %add3A_344 = arith.addi %add3A_343, %iota3A : vector<16xi32>
          %add3A_345 = arith.constant 16 : i32
          %add3A_346 = vector.broadcast %add3A_345 : i32 to vector<16xi32>
          %add3A_347 = arith.addi %broadcast_in_dim3A_1, %add3A_346 : vector<16xi32>
          tpu.vector_store_idx %arg12[%add3A_344, %add3A_347], %gather3A_342 : memref<32x128xf32, #tpu.memory_space<vmem>>[vector<16xi32>, vector<16xi32>], vector<16xf32>,
          %add3A_348 = vector.broadcast %mul3A_94 : i32 to vector<16xi32>
          %add3A_349 = arith.addi %broadcast_in_dim3A_1, %add3A_348 : vector<16xi32>
          %add3A_350 = arith.constant 17 : i32
          %add3A_351 = vector.broadcast %add3A_350 : i32 to vector<16xi32>
          %add3A_352 = arith.addi %add3A_349, %add3A_351 : vector<16xi32>
          %gather3A_353 = tpu.vector_load_idx %arg10[%add3A_352, %select_n3A_145] : memref<64x1024xf32, #tpu.memory_space<vmem>>[vector<16xi32>, vector<16xi32>], vector<16xf32>,
          %add3A_354 = vector.broadcast %mul3A_161 : i32 to vector<16xi32>
          %add3A_355 = arith.addi %add3A_354, %iota3A : vector<16xi32>
          %add3A_356 = arith.constant 17 : i32
          %add3A_357 = vector.broadcast %add3A_356 : i32 to vector<16xi32>
          %add3A_358 = arith.addi %broadcast_in_dim3A_1, %add3A_357 : vector<16xi32>
          tpu.vector_store_idx %arg12[%add3A_355, %add3A_358], %gather3A_353 : memref<32x128xf32, #tpu.memory_space<vmem>>[vector<16xi32>, vector<16xi32>], vector<16xf32>,
          %add3A_359 = vector.broadcast %mul3A_94 : i32 to vector<16xi32>
          %add3A_360 = arith.addi %broadcast_in_dim3A_1, %add3A_359 : vector<16xi32>
          %add3A_361 = arith.constant 18 : i32
          %add3A_362 = vector.broadcast %add3A_361 : i32 to vector<16xi32>
          %add3A_363 = arith.addi %add3A_360, %add3A_362 : vector<16xi32>
          %gather3A_364 = tpu.vector_load_idx %arg10[%add3A_363, %select_n3A_145] : memref<64x1024xf32, #tpu.memory_space<vmem>>[vector<16xi32>, vector<16xi32>], vector<16xf32>,
          %add3A_365 = vector.broadcast %mul3A_161 : i32 to vector<16xi32>
          %add3A_366 = arith.addi %add3A_365, %iota3A : vector<16xi32>
          %add3A_367 = arith.constant 18 : i32
          %add3A_368 = vector.broadcast %add3A_367 : i32 to vector<16xi32>
          %add3A_369 = arith.addi %broadcast_in_dim3A_1, %add3A_368 : vector<16xi32>
          tpu.vector_store_idx %arg12[%add3A_366, %add3A_369], %gather3A_364 : memref<32x128xf32, #tpu.memory_space<vmem>>[vector<16xi32>, vector<16xi32>], vector<16xf32>,
          %add3A_370 = vector.broadcast %mul3A_94 : i32 to vector<16xi32>
          %add3A_371 = arith.addi %broadcast_in_dim3A_1, %add3A_370 : vector<16xi32>
          %add3A_372 = arith.constant 19 : i32
          %add3A_373 = vector.broadcast %add3A_372 : i32 to vector<16xi32>
          %add3A_374 = arith.addi %add3A_371, %add3A_373 : vector<16xi32>
          %gather3A_375 = tpu.vector_load_idx %arg10[%add3A_374, %select_n3A_145] : memref<64x1024xf32, #tpu.memory_space<vmem>>[vector<16xi32>, vector<16xi32>], vector<16xf32>,
          %add3A_376 = vector.broadcast %mul3A_161 : i32 to vector<16xi32>
          %add3A_377 = arith.addi %add3A_376, %iota3A : vector<16xi32>
          %add3A_378 = arith.constant 19 : i32
          %add3A_379 = vector.broadcast %add3A_378 : i32 to vector<16xi32>
          %add3A_380 = arith.addi %broadcast_in_dim3A_1, %add3A_379 : vector<16xi32>
          tpu.vector_store_idx %arg12[%add3A_377, %add3A_380], %gather3A_375 : memref<32x128xf32, #tpu.memory_space<vmem>>[vector<16xi32>, vector<16xi32>], vector<16xf32>,
          %add3A_381 = vector.broadcast %mul3A_94 : i32 to vector<16xi32>
          %add3A_382 = arith.addi %broadcast_in_dim3A_1, %add3A_381 : vector<16xi32>
          %add3A_383 = arith.constant 20 : i32
          %add3A_384 = vector.broadcast %add3A_383 : i32 to vector<16xi32>
          %add3A_385 = arith.addi %add3A_382, %add3A_384 : vector<16xi32>
          %gather3A_386 = tpu.vector_load_idx %arg10[%add3A_385, %select_n3A_145] : memref<64x1024xf32, #tpu.memory_space<vmem>>[vector<16xi32>, vector<16xi32>], vector<16xf32>,
          %add3A_387 = vector.broadcast %mul3A_161 : i32 to vector<16xi32>
          %add3A_388 = arith.addi %add3A_387, %iota3A : vector<16xi32>
          %add3A_389 = arith.constant 20 : i32
          %add3A_390 = vector.broadcast %add3A_389 : i32 to vector<16xi32>
          %add3A_391 = arith.addi %broadcast_in_dim3A_1, %add3A_390 : vector<16xi32>
          tpu.vector_store_idx %arg12[%add3A_388, %add3A_391], %gather3A_386 : memref<32x128xf32, #tpu.memory_space<vmem>>[vector<16xi32>, vector<16xi32>], vector<16xf32>,
          %add3A_392 = vector.broadcast %mul3A_94 : i32 to vector<16xi32>
          %add3A_393 = arith.addi %broadcast_in_dim3A_1, %add3A_392 : vector<16xi32>
          %add3A_394 = arith.constant 21 : i32
          %add3A_395 = vector.broadcast %add3A_394 : i32 to vector<16xi32>
          %add3A_396 = arith.addi %add3A_393, %add3A_395 : vector<16xi32>
          %gather3A_397 = tpu.vector_load_idx %arg10[%add3A_396, %select_n3A_145] : memref<64x1024xf32, #tpu.memory_space<vmem>>[vector<16xi32>, vector<16xi32>], vector<16xf32>,
          %add3A_398 = vector.broadcast %mul3A_161 : i32 to vector<16xi32>
          %add3A_399 = arith.addi %add3A_398, %iota3A : vector<16xi32>
          %add3A_400 = arith.constant 21 : i32
          %add3A_401 = vector.broadcast %add3A_400 : i32 to vector<16xi32>
          %add3A_402 = arith.addi %broadcast_in_dim3A_1, %add3A_401 : vector<16xi32>
          tpu.vector_store_idx %arg12[%add3A_399, %add3A_402], %gather3A_397 : memref<32x128xf32, #tpu.memory_space<vmem>>[vector<16xi32>, vector<16xi32>], vector<16xf32>,
          %add3A_403 = vector.broadcast %mul3A_94 : i32 to vector<16xi32>
          %add3A_404 = arith.addi %broadcast_in_dim3A_1, %add3A_403 : vector<16xi32>
          %add3A_405 = arith.constant 22 : i32
          %add3A_406 = vector.broadcast %add3A_405 : i32 to vector<16xi32>
          %add3A_407 = arith.addi %add3A_404, %add3A_406 : vector<16xi32>
          %gather3A_408 = tpu.vector_load_idx %arg10[%add3A_407, %select_n3A_145] : memref<64x1024xf32, #tpu.memory_space<vmem>>[vector<16xi32>, vector<16xi32>], vector<16xf32>,
          %add3A_409 = vector.broadcast %mul3A_161 : i32 to vector<16xi32>
          %add3A_410 = arith.addi %add3A_409, %iota3A : vector<16xi32>
          %add3A_411 = arith.constant 22 : i32
          %add3A_412 = vector.broadcast %add3A_411 : i32 to vector<16xi32>
          %add3A_413 = arith.addi %broadcast_in_dim3A_1, %add3A_412 : vector<16xi32>
          tpu.vector_store_idx %arg12[%add3A_410, %add3A_413], %gather3A_408 : memref<32x128xf32, #tpu.memory_space<vmem>>[vector<16xi32>, vector<16xi32>], vector<16xf32>,
          %add3A_414 = vector.broadcast %mul3A_94 : i32 to vector<16xi32>
          %add3A_415 = arith.addi %broadcast_in_dim3A_1, %add3A_414 : vector<16xi32>
          %add3A_416 = arith.constant 23 : i32
          %add3A_417 = vector.broadcast %add3A_416 : i32 to vector<16xi32>
          %add3A_418 = arith.addi %add3A_415, %add3A_417 : vector<16xi32>
          %gather3A_419 = tpu.vector_load_idx %arg10[%add3A_418, %select_n3A_145] : memref<64x1024xf32, #tpu.memory_space<vmem>>[vector<16xi32>, vector<16xi32>], vector<16xf32>,
          %add3A_420 = vector.broadcast %mul3A_161 : i32 to vector<16xi32>
          %add3A_421 = arith.addi %add3A_420, %iota3A : vector<16xi32>
          %add3A_422 = arith.constant 23 : i32
          %add3A_423 = vector.broadcast %add3A_422 : i32 to vector<16xi32>
          %add3A_424 = arith.addi %broadcast_in_dim3A_1, %add3A_423 : vector<16xi32>
          tpu.vector_store_idx %arg12[%add3A_421, %add3A_424], %gather3A_419 : memref<32x128xf32, #tpu.memory_space<vmem>>[vector<16xi32>, vector<16xi32>], vector<16xf32>,
          %add3A_425 = vector.broadcast %mul3A_94 : i32 to vector<16xi32>
          %add3A_426 = arith.addi %broadcast_in_dim3A_1, %add3A_425 : vector<16xi32>
          %add3A_427 = arith.constant 24 : i32
          %add3A_428 = vector.broadcast %add3A_427 : i32 to vector<16xi32>
          %add3A_429 = arith.addi %add3A_426, %add3A_428 : vector<16xi32>
          %gather3A_430 = tpu.vector_load_idx %arg10[%add3A_429, %select_n3A_145] : memref<64x1024xf32, #tpu.memory_space<vmem>>[vector<16xi32>, vector<16xi32>], vector<16xf32>,
          %add3A_431 = vector.broadcast %mul3A_161 : i32 to vector<16xi32>
          %add3A_432 = arith.addi %add3A_431, %iota3A : vector<16xi32>
          %add3A_433 = arith.constant 24 : i32
          %add3A_434 = vector.broadcast %add3A_433 : i32 to vector<16xi32>
          %add3A_435 = arith.addi %broadcast_in_dim3A_1, %add3A_434 : vector<16xi32>
          tpu.vector_store_idx %arg12[%add3A_432, %add3A_435], %gather3A_430 : memref<32x128xf32, #tpu.memory_space<vmem>>[vector<16xi32>, vector<16xi32>], vector<16xf32>,
          %add3A_436 = vector.broadcast %mul3A_94 : i32 to vector<16xi32>
          %add3A_437 = arith.addi %broadcast_in_dim3A_1, %add3A_436 : vector<16xi32>
          %add3A_438 = arith.constant 25 : i32
          %add3A_439 = vector.broadcast %add3A_438 : i32 to vector<16xi32>
          %add3A_440 = arith.addi %add3A_437, %add3A_439 : vector<16xi32>
          %gather3A_441 = tpu.vector_load_idx %arg10[%add3A_440, %select_n3A_145] : memref<64x1024xf32, #tpu.memory_space<vmem>>[vector<16xi32>, vector<16xi32>], vector<16xf32>,
          %add3A_442 = vector.broadcast %mul3A_161 : i32 to vector<16xi32>
          %add3A_443 = arith.addi %add3A_442, %iota3A : vector<16xi32>
          %add3A_444 = arith.constant 25 : i32
          %add3A_445 = vector.broadcast %add3A_444 : i32 to vector<16xi32>
          %add3A_446 = arith.addi %broadcast_in_dim3A_1, %add3A_445 : vector<16xi32>
          tpu.vector_store_idx %arg12[%add3A_443, %add3A_446], %gather3A_441 : memref<32x128xf32, #tpu.memory_space<vmem>>[vector<16xi32>, vector<16xi32>], vector<16xf32>,
          %add3A_447 = vector.broadcast %mul3A_94 : i32 to vector<16xi32>
          %add3A_448 = arith.addi %broadcast_in_dim3A_1, %add3A_447 : vector<16xi32>
          %add3A_449 = arith.constant 26 : i32
          %add3A_450 = vector.broadcast %add3A_449 : i32 to vector<16xi32>
          %add3A_451 = arith.addi %add3A_448, %add3A_450 : vector<16xi32>
          %gather3A_452 = tpu.vector_load_idx %arg10[%add3A_451, %select_n3A_145] : memref<64x1024xf32, #tpu.memory_space<vmem>>[vector<16xi32>, vector<16xi32>], vector<16xf32>,
          %add3A_453 = vector.broadcast %mul3A_161 : i32 to vector<16xi32>
          %add3A_454 = arith.addi %add3A_453, %iota3A : vector<16xi32>
          %add3A_455 = arith.constant 26 : i32
          %add3A_456 = vector.broadcast %add3A_455 : i32 to vector<16xi32>
          %add3A_457 = arith.addi %broadcast_in_dim3A_1, %add3A_456 : vector<16xi32>
          tpu.vector_store_idx %arg12[%add3A_454, %add3A_457], %gather3A_452 : memref<32x128xf32, #tpu.memory_space<vmem>>[vector<16xi32>, vector<16xi32>], vector<16xf32>,
          %add3A_458 = vector.broadcast %mul3A_94 : i32 to vector<16xi32>
          %add3A_459 = arith.addi %broadcast_in_dim3A_1, %add3A_458 : vector<16xi32>
          %add3A_460 = arith.constant 27 : i32
          %add3A_461 = vector.broadcast %add3A_460 : i32 to vector<16xi32>
          %add3A_462 = arith.addi %add3A_459, %add3A_461 : vector<16xi32>
          %gather3A_463 = tpu.vector_load_idx %arg10[%add3A_462, %select_n3A_145] : memref<64x1024xf32, #tpu.memory_space<vmem>>[vector<16xi32>, vector<16xi32>], vector<16xf32>,
          %add3A_464 = vector.broadcast %mul3A_161 : i32 to vector<16xi32>
          %add3A_465 = arith.addi %add3A_464, %iota3A : vector<16xi32>
          %add3A_466 = arith.constant 27 : i32
          %add3A_467 = vector.broadcast %add3A_466 : i32 to vector<16xi32>
          %add3A_468 = arith.addi %broadcast_in_dim3A_1, %add3A_467 : vector<16xi32>
          tpu.vector_store_idx %arg12[%add3A_465, %add3A_468], %gather3A_463 : memref<32x128xf32, #tpu.memory_space<vmem>>[vector<16xi32>, vector<16xi32>], vector<16xf32>,
          %add3A_469 = vector.broadcast %mul3A_94 : i32 to vector<16xi32>
          %add3A_470 = arith.addi %broadcast_in_dim3A_1, %add3A_469 : vector<16xi32>
          %add3A_471 = arith.constant 28 : i32
          %add3A_472 = vector.broadcast %add3A_471 : i32 to vector<16xi32>
          %add3A_473 = arith.addi %add3A_470, %add3A_472 : vector<16xi32>
          %gather3A_474 = tpu.vector_load_idx %arg10[%add3A_473, %select_n3A_145] : memref<64x1024xf32, #tpu.memory_space<vmem>>[vector<16xi32>, vector<16xi32>], vector<16xf32>,
          %add3A_475 = vector.broadcast %mul3A_161 : i32 to vector<16xi32>
          %add3A_476 = arith.addi %add3A_475, %iota3A : vector<16xi32>
          %add3A_477 = arith.constant 28 : i32
          %add3A_478 = vector.broadcast %add3A_477 : i32 to vector<16xi32>
          %add3A_479 = arith.addi %broadcast_in_dim3A_1, %add3A_478 : vector<16xi32>
          tpu.vector_store_idx %arg12[%add3A_476, %add3A_479], %gather3A_474 : memref<32x128xf32, #tpu.memory_space<vmem>>[vector<16xi32>, vector<16xi32>], vector<16xf32>,
          %add3A_480 = vector.broadcast %mul3A_94 : i32 to vector<16xi32>
          %add3A_481 = arith.addi %broadcast_in_dim3A_1, %add3A_480 : vector<16xi32>
          %add3A_482 = arith.constant 29 : i32
          %add3A_483 = vector.broadcast %add3A_482 : i32 to vector<16xi32>
          %add3A_484 = arith.addi %add3A_481, %add3A_483 : vector<16xi32>
          %gather3A_485 = tpu.vector_load_idx %arg10[%add3A_484, %select_n3A_145] : memref<64x1024xf32, #tpu.memory_space<vmem>>[vector<16xi32>, vector<16xi32>], vector<16xf32>,
          %add3A_486 = vector.broadcast %mul3A_161 : i32 to vector<16xi32>
          %add3A_487 = arith.addi %add3A_486, %iota3A : vector<16xi32>
          %add3A_488 = arith.constant 29 : i32
          %add3A_489 = vector.broadcast %add3A_488 : i32 to vector<16xi32>
          %add3A_490 = arith.addi %broadcast_in_dim3A_1, %add3A_489 : vector<16xi32>
          tpu.vector_store_idx %arg12[%add3A_487, %add3A_490], %gather3A_485 : memref<32x128xf32, #tpu.memory_space<vmem>>[vector<16xi32>, vector<16xi32>], vector<16xf32>,
          %add3A_491 = vector.broadcast %mul3A_94 : i32 to vector<16xi32>
          %add3A_492 = arith.addi %broadcast_in_dim3A_1, %add3A_491 : vector<16xi32>
          %add3A_493 = arith.constant 30 : i32
          %add3A_494 = vector.broadcast %add3A_493 : i32 to vector<16xi32>
          %add3A_495 = arith.addi %add3A_492, %add3A_494 : vector<16xi32>
          %gather3A_496 = tpu.vector_load_idx %arg10[%add3A_495, %select_n3A_145] : memref<64x1024xf32, #tpu.memory_space<vmem>>[vector<16xi32>, vector<16xi32>], vector<16xf32>,
          %add3A_497 = vector.broadcast %mul3A_161 : i32 to vector<16xi32>
          %add3A_498 = arith.addi %add3A_497, %iota3A : vector<16xi32>
          %add3A_499 = arith.constant 30 : i32
          %add3A_500 = vector.broadcast %add3A_499 : i32 to vector<16xi32>
          %add3A_501 = arith.addi %broadcast_in_dim3A_1, %add3A_500 : vector<16xi32>
          tpu.vector_store_idx %arg12[%add3A_498, %add3A_501], %gather3A_496 : memref<32x128xf32, #tpu.memory_space<vmem>>[vector<16xi32>, vector<16xi32>], vector<16xf32>,
          %add3A_502 = vector.broadcast %mul3A_94 : i32 to vector<16xi32>
          %add3A_503 = arith.addi %broadcast_in_dim3A_1, %add3A_502 : vector<16xi32>
          %add3A_504 = arith.constant 31 : i32
          %add3A_505 = vector.broadcast %add3A_504 : i32 to vector<16xi32>
          %add3A_506 = arith.addi %add3A_503, %add3A_505 : vector<16xi32>
          %gather3A_507 = tpu.vector_load_idx %arg10[%add3A_506, %select_n3A_145] : memref<64x1024xf32, #tpu.memory_space<vmem>>[vector<16xi32>, vector<16xi32>], vector<16xf32>,
          %add3A_508 = vector.broadcast %mul3A_161 : i32 to vector<16xi32>
          %add3A_509 = arith.addi %add3A_508, %iota3A : vector<16xi32>
          %add3A_510 = arith.constant 31 : i32
          %add3A_511 = vector.broadcast %add3A_510 : i32 to vector<16xi32>
          %add3A_512 = arith.addi %broadcast_in_dim3A_1, %add3A_511 : vector<16xi32>
          tpu.vector_store_idx %arg12[%add3A_509, %add3A_512], %gather3A_507 : memref<32x128xf32, #tpu.memory_space<vmem>>[vector<16xi32>, vector<16xi32>], vector<16xf32>,
          %multiple_of3A_513 = tpu.assume_multiple %mul3A_161, 16 : i32
          %dma_start3A_514 = arith.constant 0 : i32
          %dma_start3A_515 = tpu.memref_slice %arg12[%multiple_of3A_513, %dma_start3A_514] : memref<32x128xf32, #tpu.memory_space<vmem>> -> memref<16x128xf32, #tpu.memory_space<vmem>>
          %dma_start3A_516 = arith.constant 0 : i32
          %dma_start3A_517 = arith.constant 0 : i32
          %dma_start3A_518 = tpu.memref_slice %arg5[%dma_start3A_516, %dma_start3A_517] : memref<16416x128xf32, #tpu.memory_space<hbm>> -> memref<16416x128xf32, #tpu.memory_space<hbm>>
          tpu.enqueue_indirect_dma source(%dma_start3A_515 : memref<16x128xf32, #tpu.memory_space<vmem>>) target(%dma_start3A_518 : memref<16416x128xf32, #tpu.memory_space<hbm>>) offsets(%select_n3A_153 : vector<16xi32>) semaphore(%arg14 : memref<!tpu.dma_semaphore, #tpu.memory_space<semaphore_mem>>)
          %add3A_519 = arith.constant 1 : i32
          %add3A_520 = arith.addi %scan3A_120, %add3A_519 : i32
          scf.yield %add3A_520 : i32
        }
        %scan3A_118 = arith.constant 1024 : i32
        scf.yield %scan3A_117 : i32
      }
      scf.yield %cond3A_112 : i32
    }
    %eq3A = arith.constant 16 : i32
    %eq3A_58 = arith.cmpi eq, %add3A, %eq3A : i32
    %convert_element_type3A = arith.extui %eq3A_58 : i1 to i32
    %cond3A = arith.constant 0 : i32
    %cond3A_59 = arith.cmpi ne, %convert_element_type3A, %cond3A : i32
    %cond3A_60 = scf.if %cond3A_59 -> (i32) {
      "tpu.region"() ({
        %run_scoped3A = tpu.sem_alloc : memref<!tpu.dma_semaphore, #tpu.memory_space<semaphore_mem>>
        tpu.enqueue_dma source(%arg4 : memref<32x577xf32, #tpu.memory_space<hbm>>) target(%arg11 : memref<32x577xf32, #tpu.memory_space<vmem>>) target_semaphore(%run_scoped3A : memref<!tpu.dma_semaphore, #tpu.memory_space<semaphore_mem>>)
        tpu.wait_dma2 semaphore(%run_scoped3A : memref<!tpu.dma_semaphore, #tpu.memory_space<semaphore_mem>>) src(%arg4 : memref<32x577xf32, #tpu.memory_space<hbm>>) dst(%arg11 : memref<32x577xf32, #tpu.memory_space<vmem>>)
        tpu.yield
      }) : () -> ()
      %shift_right_arithmetic3A = arith.constant 30 : i32
      %shift_right_arithmetic3A_72 = arith.constant 4 : i32
      %shift_right_arithmetic3A_73 = arith.shrsi %shift_right_arithmetic3A, %shift_right_arithmetic3A_72 : i32
      %shift_left3A = arith.constant 4 : i32
      %shift_left3A_74 = arith.shli %shift_right_arithmetic3A_73, %shift_left3A : i32
      %multiple_of3A_75 = tpu.assume_multiple %shift_left3A_74, 16 : i32
      %get3A = arith.index_cast %multiple_of3A_75 : i32 to index
      %get3A_76 = tpu.vector_load %arg9[%get3A] {strides = array<i32>} : memref<48xi32, #tpu.memory_space<vmem>>, vector<16xi32>,
      %and3A = arith.constant 30 : i32
      %and3A_77 = arith.constant 15 : i32
      %and3A_78 = arith.andi %and3A, %and3A_77 : i32
      %eq3A_79 = vector.broadcast %and3A_78 : i32 to vector<16xi32>
      %eq3A_80 = arith.cmpi eq, %iota3A, %eq3A_79 : vector<16xi32>
      %jit3A_81 = arith.constant 0 : i32
      %broadcast_in_dim3A_82 = vector.broadcast %jit3A_81 : i32 to vector<16xi32>
      %select_n3A_83 = arith.select %eq3A_80, %get3A_76, %broadcast_in_dim3A_82 : vector<16xi1>, vector<16xi32>
      %reduce_sum3A = arith.constant true
      %reduce_sum3A_84 = vector.broadcast %reduce_sum3A : i1 to vector<16xi1>
      %reduce_sum3A_85 = tpu.scan <sum>, %select_n3A_83 masked %reduce_sum3A_84 : vector<16xi32>, vector<16xi1> -> vector<16xi32>
      %reduce_sum3A_86 = vector.extract %reduce_sum3A_85[15] : i32 from vector<16xi32>
      %le3A = arith.constant 64 : i32
      %le3A_87 = arith.cmpi sle, %reduce_sum3A_86, %le3A : i32
      %convert_element_type3A_88 = arith.extui %le3A_87 : i1 to i32
      %cond3A_89 = arith.constant 30 : i32
      %cond3A_90 = arith.constant 0 : i32
      %cond3A_91 = arith.cmpi ne, %convert_element_type3A_88, %cond3A_90 : i32
      %cond3A_92 = scf.if %cond3A_91 -> (i32) {
        %add3A_93 = arith.constant 15 : i32
        %add3A_94 = arith.addi %reduce_sum3A_86, %add3A_93 : i32
        %div3A_95 = arith.constant 16 : i32
        %div3A_96 = arith.divsi %add3A_94, %div3A_95 : i32
        %while3A_97 = arith.constant 0 : i32
        %while3A_98 = arith.subi %div3A_96, %while3A_97 : i32
        %while3A_99 = arith.addi %while3A_97, %while3A_98 : i32
        %while3A_100 = arith.constant 1 : i32
        %while3A_101 = arith.divsi %while3A_98, %while3A_100 : i32
        %while3A_102 = arith.muli %while3A_101, %while3A_100 : i32
        %while3A_103 = arith.addi %while3A_97, %while3A_102 : i32
        %while3A_104 = arith.constant 1 : i32
        %while3A_105 = scf.for %while3A_108 = %while3A_97 to %while3A_103 step %while3A_104 iter_args(%while3A_109 = %while3A_57) -> (i32)  : i32 {
          %mul3A_110 = arith.constant 64 : i32
          %mul3A_111 = arith.muli %cond3A_89, %mul3A_110 : i32
          %multiple_of3A_112 = tpu.assume_multiple %mul3A_111, 64 : i32
          %mul3A_113 = arith.constant 16 : i32
          %mul3A_114 = arith.muli %while3A_108, %mul3A_113 : i32
          %multiple_of3A_115 = tpu.assume_multiple %mul3A_114, 16 : i32
          %add3A_116 = arith.addi %multiple_of3A_112, %multiple_of3A_115 : i32
          %get3A_117 = arith.index_cast %add3A_116 : i32 to index
          %get3A_118 = tpu.vector_load %arg8[%get3A_117] {strides = array<i32>} : memref<2064xi32, #tpu.memory_space<vmem>>, vector<16xi32>,
          %mul3A_119 = arith.constant 16 : i32
          %mul3A_120 = arith.muli %while3A_108, %mul3A_119 : i32
          %add3A_121 = vector.broadcast %mul3A_120 : i32 to vector<16xi32>
          %add3A_122 = arith.addi %add3A_121, %iota3A : vector<16xi32>
          %lt3A_123 = vector.broadcast %reduce_sum3A_86 : i32 to vector<16xi32>
          %lt3A_124 = arith.cmpi slt, %add3A_122, %lt3A_123 : vector<16xi32>
          %shift_right_arithmetic3A_125 = arith.constant 14 : i32
          %shift_right_arithmetic3A_126 = vector.broadcast %shift_right_arithmetic3A_125 : i32 to vector<16xi32>
          %shift_right_arithmetic3A_127 = arith.shrsi %get3A_118, %shift_right_arithmetic3A_126 : vector<16xi32>
          %and3A_128 = arith.constant 1023 : i32
          %and3A_129 = vector.broadcast %and3A_128 : i32 to vector<16xi32>
          %and3A_130 = arith.andi %shift_right_arithmetic3A_127, %and3A_129 : vector<16xi32>
          %jit3A_131 = arith.constant 0 : i32
          %broadcast_in_dim3A_132 = vector.broadcast %jit3A_131 : i32 to vector<16xi32>
          %select_n3A_133 = arith.select %lt3A_124, %and3A_130, %broadcast_in_dim3A_132 : vector<16xi1>, vector<16xi32>
          %and3A_134 = arith.constant 16383 : i32
          %and3A_135 = vector.broadcast %and3A_134 : i32 to vector<16xi32>
          %and3A_136 = arith.andi %get3A_118, %and3A_135 : vector<16xi32>
          %add3A_137 = arith.constant 16384 : i32
          %add3A_138 = arith.addi %add3A_137, %add3A : i32
          %broadcast_in_dim3A_139 = vector.broadcast %add3A_138 : i32 to vector<16xi32>
          %select_n3A_140 = arith.select %lt3A_124, %and3A_136, %broadcast_in_dim3A_139 : vector<16xi1>, vector<16xi32>
          %ge3A = arith.constant 2 : i32
          %ge3A_141 = arith.cmpi sge, %while3A_109, %ge3A : i32
          %convert_element_type3A_142 = arith.extui %ge3A_141 : i1 to i32
          %cond3A_143 = arith.constant 0 : i32
          %cond3A_144 = arith.cmpi ne, %convert_element_type3A_142, %cond3A_143 : i32
          scf.if %cond3A_144 {
            %dma_wait3A = arith.constant 0 : i32
            %dma_wait3A_540 = arith.constant 0 : i32
            %dma_wait3A_541 = tpu.memref_slice %arg12[%dma_wait3A, %dma_wait3A_540] : memref<32x128xf32, #tpu.memory_space<vmem>> -> memref<16x128xf32, #tpu.memory_space<vmem>>
            %dma_wait3A_542 = arith.constant 0 : i32
            %dma_wait3A_543 = arith.constant 0 : i32
            %dma_wait3A_544 = tpu.memref_slice %arg5[%dma_wait3A_542, %dma_wait3A_543] : memref<16416x128xf32, #tpu.memory_space<hbm>> -> memref<16x128xf32, #tpu.memory_space<hbm>>
            %dma_wait3A_545 = arith.constant 0 : i32
            %dma_wait3A_546 = arith.constant 0 : i32
            %dma_wait3A_547 = tpu.memref_slice %arg5[%dma_wait3A_545, %dma_wait3A_546] : memref<16416x128xf32, #tpu.memory_space<hbm>> -> memref<16x128xf32, #tpu.memory_space<hbm>>
            %dma_wait3A_548 = arith.constant 0 : i32
            %dma_wait3A_549 = arith.constant 0 : i32
            %dma_wait3A_550 = tpu.memref_slice %arg12[%dma_wait3A_548, %dma_wait3A_549] : memref<32x128xf32, #tpu.memory_space<vmem>> -> memref<16x128xf32, #tpu.memory_space<vmem>>
            tpu.wait_dma2 semaphore(%arg14 : memref<!tpu.dma_semaphore, #tpu.memory_space<semaphore_mem>>) src(%dma_wait3A_550 : memref<16x128xf32, #tpu.memory_space<vmem>>) dst(%dma_wait3A_547 : memref<16x128xf32, #tpu.memory_space<hbm>>)
          } else {
          }
          %rem3A_145 = arith.constant 2 : i32
          %rem3A_146 = arith.remsi %while3A_109, %rem3A_145 : i32
          %mul3A_147 = arith.constant 16 : i32
          %mul3A_148 = arith.muli %rem3A_146, %mul3A_147 : i32
          %add3A_149 = arith.constant 0 : i32
          %add3A_150 = vector.broadcast %add3A_149 : i32 to vector<16xi32>
          %add3A_151 = arith.addi %broadcast_in_dim3A_1, %add3A_150 : vector<16xi32>
          %add3A_152 = arith.constant 0 : i32
          %add3A_153 = vector.broadcast %add3A_152 : i32 to vector<16xi32>
          %add3A_154 = arith.addi %add3A_151, %add3A_153 : vector<16xi32>
          %gather3A = tpu.vector_load_idx %arg11[%add3A_154, %select_n3A_133] : memref<32x577xf32, #tpu.memory_space<vmem>>[vector<16xi32>, vector<16xi32>], vector<16xf32>,
          %add3A_155 = vector.broadcast %mul3A_148 : i32 to vector<16xi32>
          %add3A_156 = arith.addi %add3A_155, %iota3A : vector<16xi32>
          %add3A_157 = arith.constant 0 : i32
          %add3A_158 = vector.broadcast %add3A_157 : i32 to vector<16xi32>
          %add3A_159 = arith.addi %broadcast_in_dim3A_1, %add3A_158 : vector<16xi32>
          tpu.vector_store_idx %arg12[%add3A_156, %add3A_159], %gather3A : memref<32x128xf32, #tpu.memory_space<vmem>>[vector<16xi32>, vector<16xi32>], vector<16xf32>,
          %add3A_160 = arith.constant 0 : i32
          %add3A_161 = vector.broadcast %add3A_160 : i32 to vector<16xi32>
          %add3A_162 = arith.addi %broadcast_in_dim3A_1, %add3A_161 : vector<16xi32>
          %add3A_163 = arith.constant 1 : i32
          %add3A_164 = vector.broadcast %add3A_163 : i32 to vector<16xi32>
          %add3A_165 = arith.addi %add3A_162, %add3A_164 : vector<16xi32>
          %gather3A_166 = tpu.vector_load_idx %arg11[%add3A_165, %select_n3A_133] : memref<32x577xf32, #tpu.memory_space<vmem>>[vector<16xi32>, vector<16xi32>], vector<16xf32>,
          %add3A_167 = vector.broadcast %mul3A_148 : i32 to vector<16xi32>
          %add3A_168 = arith.addi %add3A_167, %iota3A : vector<16xi32>
          %add3A_169 = arith.constant 1 : i32
          %add3A_170 = vector.broadcast %add3A_169 : i32 to vector<16xi32>
          %add3A_171 = arith.addi %broadcast_in_dim3A_1, %add3A_170 : vector<16xi32>
          tpu.vector_store_idx %arg12[%add3A_168, %add3A_171], %gather3A_166 : memref<32x128xf32, #tpu.memory_space<vmem>>[vector<16xi32>, vector<16xi32>], vector<16xf32>,
          %add3A_172 = arith.constant 0 : i32
          %add3A_173 = vector.broadcast %add3A_172 : i32 to vector<16xi32>
          %add3A_174 = arith.addi %broadcast_in_dim3A_1, %add3A_173 : vector<16xi32>
          %add3A_175 = arith.constant 2 : i32
          %add3A_176 = vector.broadcast %add3A_175 : i32 to vector<16xi32>
          %add3A_177 = arith.addi %add3A_174, %add3A_176 : vector<16xi32>
          %gather3A_178 = tpu.vector_load_idx %arg11[%add3A_177, %select_n3A_133] : memref<32x577xf32, #tpu.memory_space<vmem>>[vector<16xi32>, vector<16xi32>], vector<16xf32>,
          %add3A_179 = vector.broadcast %mul3A_148 : i32 to vector<16xi32>
          %add3A_180 = arith.addi %add3A_179, %iota3A : vector<16xi32>
          %add3A_181 = arith.constant 2 : i32
          %add3A_182 = vector.broadcast %add3A_181 : i32 to vector<16xi32>
          %add3A_183 = arith.addi %broadcast_in_dim3A_1, %add3A_182 : vector<16xi32>
          tpu.vector_store_idx %arg12[%add3A_180, %add3A_183], %gather3A_178 : memref<32x128xf32, #tpu.memory_space<vmem>>[vector<16xi32>, vector<16xi32>], vector<16xf32>,
          %add3A_184 = arith.constant 0 : i32
          %add3A_185 = vector.broadcast %add3A_184 : i32 to vector<16xi32>
          %add3A_186 = arith.addi %broadcast_in_dim3A_1, %add3A_185 : vector<16xi32>
          %add3A_187 = arith.constant 3 : i32
          %add3A_188 = vector.broadcast %add3A_187 : i32 to vector<16xi32>
          %add3A_189 = arith.addi %add3A_186, %add3A_188 : vector<16xi32>
          %gather3A_190 = tpu.vector_load_idx %arg11[%add3A_189, %select_n3A_133] : memref<32x577xf32, #tpu.memory_space<vmem>>[vector<16xi32>, vector<16xi32>], vector<16xf32>,
          %add3A_191 = vector.broadcast %mul3A_148 : i32 to vector<16xi32>
          %add3A_192 = arith.addi %add3A_191, %iota3A : vector<16xi32>
          %add3A_193 = arith.constant 3 : i32
          %add3A_194 = vector.broadcast %add3A_193 : i32 to vector<16xi32>
          %add3A_195 = arith.addi %broadcast_in_dim3A_1, %add3A_194 : vector<16xi32>
          tpu.vector_store_idx %arg12[%add3A_192, %add3A_195], %gather3A_190 : memref<32x128xf32, #tpu.memory_space<vmem>>[vector<16xi32>, vector<16xi32>], vector<16xf32>,
          %add3A_196 = arith.constant 0 : i32
          %add3A_197 = vector.broadcast %add3A_196 : i32 to vector<16xi32>
          %add3A_198 = arith.addi %broadcast_in_dim3A_1, %add3A_197 : vector<16xi32>
          %add3A_199 = arith.constant 4 : i32
          %add3A_200 = vector.broadcast %add3A_199 : i32 to vector<16xi32>
          %add3A_201 = arith.addi %add3A_198, %add3A_200 : vector<16xi32>
          %gather3A_202 = tpu.vector_load_idx %arg11[%add3A_201, %select_n3A_133] : memref<32x577xf32, #tpu.memory_space<vmem>>[vector<16xi32>, vector<16xi32>], vector<16xf32>,
          %add3A_203 = vector.broadcast %mul3A_148 : i32 to vector<16xi32>
          %add3A_204 = arith.addi %add3A_203, %iota3A : vector<16xi32>
          %add3A_205 = arith.constant 4 : i32
          %add3A_206 = vector.broadcast %add3A_205 : i32 to vector<16xi32>
          %add3A_207 = arith.addi %broadcast_in_dim3A_1, %add3A_206 : vector<16xi32>
          tpu.vector_store_idx %arg12[%add3A_204, %add3A_207], %gather3A_202 : memref<32x128xf32, #tpu.memory_space<vmem>>[vector<16xi32>, vector<16xi32>], vector<16xf32>,
          %add3A_208 = arith.constant 0 : i32
          %add3A_209 = vector.broadcast %add3A_208 : i32 to vector<16xi32>
          %add3A_210 = arith.addi %broadcast_in_dim3A_1, %add3A_209 : vector<16xi32>
          %add3A_211 = arith.constant 5 : i32
          %add3A_212 = vector.broadcast %add3A_211 : i32 to vector<16xi32>
          %add3A_213 = arith.addi %add3A_210, %add3A_212 : vector<16xi32>
          %gather3A_214 = tpu.vector_load_idx %arg11[%add3A_213, %select_n3A_133] : memref<32x577xf32, #tpu.memory_space<vmem>>[vector<16xi32>, vector<16xi32>], vector<16xf32>,
          %add3A_215 = vector.broadcast %mul3A_148 : i32 to vector<16xi32>
          %add3A_216 = arith.addi %add3A_215, %iota3A : vector<16xi32>
          %add3A_217 = arith.constant 5 : i32
          %add3A_218 = vector.broadcast %add3A_217 : i32 to vector<16xi32>
          %add3A_219 = arith.addi %broadcast_in_dim3A_1, %add3A_218 : vector<16xi32>
          tpu.vector_store_idx %arg12[%add3A_216, %add3A_219], %gather3A_214 : memref<32x128xf32, #tpu.memory_space<vmem>>[vector<16xi32>, vector<16xi32>], vector<16xf32>,
          %add3A_220 = arith.constant 0 : i32
          %add3A_221 = vector.broadcast %add3A_220 : i32 to vector<16xi32>
          %add3A_222 = arith.addi %broadcast_in_dim3A_1, %add3A_221 : vector<16xi32>
          %add3A_223 = arith.constant 6 : i32
          %add3A_224 = vector.broadcast %add3A_223 : i32 to vector<16xi32>
          %add3A_225 = arith.addi %add3A_222, %add3A_224 : vector<16xi32>
          %gather3A_226 = tpu.vector_load_idx %arg11[%add3A_225, %select_n3A_133] : memref<32x577xf32, #tpu.memory_space<vmem>>[vector<16xi32>, vector<16xi32>], vector<16xf32>,
          %add3A_227 = vector.broadcast %mul3A_148 : i32 to vector<16xi32>
          %add3A_228 = arith.addi %add3A_227, %iota3A : vector<16xi32>
          %add3A_229 = arith.constant 6 : i32
          %add3A_230 = vector.broadcast %add3A_229 : i32 to vector<16xi32>
          %add3A_231 = arith.addi %broadcast_in_dim3A_1, %add3A_230 : vector<16xi32>
          tpu.vector_store_idx %arg12[%add3A_228, %add3A_231], %gather3A_226 : memref<32x128xf32, #tpu.memory_space<vmem>>[vector<16xi32>, vector<16xi32>], vector<16xf32>,
          %add3A_232 = arith.constant 0 : i32
          %add3A_233 = vector.broadcast %add3A_232 : i32 to vector<16xi32>
          %add3A_234 = arith.addi %broadcast_in_dim3A_1, %add3A_233 : vector<16xi32>
          %add3A_235 = arith.constant 7 : i32
          %add3A_236 = vector.broadcast %add3A_235 : i32 to vector<16xi32>
          %add3A_237 = arith.addi %add3A_234, %add3A_236 : vector<16xi32>
          %gather3A_238 = tpu.vector_load_idx %arg11[%add3A_237, %select_n3A_133] : memref<32x577xf32, #tpu.memory_space<vmem>>[vector<16xi32>, vector<16xi32>], vector<16xf32>,
          %add3A_239 = vector.broadcast %mul3A_148 : i32 to vector<16xi32>
          %add3A_240 = arith.addi %add3A_239, %iota3A : vector<16xi32>
          %add3A_241 = arith.constant 7 : i32
          %add3A_242 = vector.broadcast %add3A_241 : i32 to vector<16xi32>
          %add3A_243 = arith.addi %broadcast_in_dim3A_1, %add3A_242 : vector<16xi32>
          tpu.vector_store_idx %arg12[%add3A_240, %add3A_243], %gather3A_238 : memref<32x128xf32, #tpu.memory_space<vmem>>[vector<16xi32>, vector<16xi32>], vector<16xf32>,
          %add3A_244 = arith.constant 0 : i32
          %add3A_245 = vector.broadcast %add3A_244 : i32 to vector<16xi32>
          %add3A_246 = arith.addi %broadcast_in_dim3A_1, %add3A_245 : vector<16xi32>
          %add3A_247 = arith.constant 8 : i32
          %add3A_248 = vector.broadcast %add3A_247 : i32 to vector<16xi32>
          %add3A_249 = arith.addi %add3A_246, %add3A_248 : vector<16xi32>
          %gather3A_250 = tpu.vector_load_idx %arg11[%add3A_249, %select_n3A_133] : memref<32x577xf32, #tpu.memory_space<vmem>>[vector<16xi32>, vector<16xi32>], vector<16xf32>,
          %add3A_251 = vector.broadcast %mul3A_148 : i32 to vector<16xi32>
          %add3A_252 = arith.addi %add3A_251, %iota3A : vector<16xi32>
          %add3A_253 = arith.constant 8 : i32
          %add3A_254 = vector.broadcast %add3A_253 : i32 to vector<16xi32>
          %add3A_255 = arith.addi %broadcast_in_dim3A_1, %add3A_254 : vector<16xi32>
          tpu.vector_store_idx %arg12[%add3A_252, %add3A_255], %gather3A_250 : memref<32x128xf32, #tpu.memory_space<vmem>>[vector<16xi32>, vector<16xi32>], vector<16xf32>,
          %add3A_256 = arith.constant 0 : i32
          %add3A_257 = vector.broadcast %add3A_256 : i32 to vector<16xi32>
          %add3A_258 = arith.addi %broadcast_in_dim3A_1, %add3A_257 : vector<16xi32>
          %add3A_259 = arith.constant 9 : i32
          %add3A_260 = vector.broadcast %add3A_259 : i32 to vector<16xi32>
          %add3A_261 = arith.addi %add3A_258, %add3A_260 : vector<16xi32>
          %gather3A_262 = tpu.vector_load_idx %arg11[%add3A_261, %select_n3A_133] : memref<32x577xf32, #tpu.memory_space<vmem>>[vector<16xi32>, vector<16xi32>], vector<16xf32>,
          %add3A_263 = vector.broadcast %mul3A_148 : i32 to vector<16xi32>
          %add3A_264 = arith.addi %add3A_263, %iota3A : vector<16xi32>
          %add3A_265 = arith.constant 9 : i32
          %add3A_266 = vector.broadcast %add3A_265 : i32 to vector<16xi32>
          %add3A_267 = arith.addi %broadcast_in_dim3A_1, %add3A_266 : vector<16xi32>
          tpu.vector_store_idx %arg12[%add3A_264, %add3A_267], %gather3A_262 : memref<32x128xf32, #tpu.memory_space<vmem>>[vector<16xi32>, vector<16xi32>], vector<16xf32>,
          %add3A_268 = arith.constant 0 : i32
          %add3A_269 = vector.broadcast %add3A_268 : i32 to vector<16xi32>
          %add3A_270 = arith.addi %broadcast_in_dim3A_1, %add3A_269 : vector<16xi32>
          %add3A_271 = arith.constant 10 : i32
          %add3A_272 = vector.broadcast %add3A_271 : i32 to vector<16xi32>
          %add3A_273 = arith.addi %add3A_270, %add3A_272 : vector<16xi32>
          %gather3A_274 = tpu.vector_load_idx %arg11[%add3A_273, %select_n3A_133] : memref<32x577xf32, #tpu.memory_space<vmem>>[vector<16xi32>, vector<16xi32>], vector<16xf32>,
          %add3A_275 = vector.broadcast %mul3A_148 : i32 to vector<16xi32>
          %add3A_276 = arith.addi %add3A_275, %iota3A : vector<16xi32>
          %add3A_277 = arith.constant 10 : i32
          %add3A_278 = vector.broadcast %add3A_277 : i32 to vector<16xi32>
          %add3A_279 = arith.addi %broadcast_in_dim3A_1, %add3A_278 : vector<16xi32>
          tpu.vector_store_idx %arg12[%add3A_276, %add3A_279], %gather3A_274 : memref<32x128xf32, #tpu.memory_space<vmem>>[vector<16xi32>, vector<16xi32>], vector<16xf32>,
          %add3A_280 = arith.constant 0 : i32
          %add3A_281 = vector.broadcast %add3A_280 : i32 to vector<16xi32>
          %add3A_282 = arith.addi %broadcast_in_dim3A_1, %add3A_281 : vector<16xi32>
          %add3A_283 = arith.constant 11 : i32
          %add3A_284 = vector.broadcast %add3A_283 : i32 to vector<16xi32>
          %add3A_285 = arith.addi %add3A_282, %add3A_284 : vector<16xi32>
          %gather3A_286 = tpu.vector_load_idx %arg11[%add3A_285, %select_n3A_133] : memref<32x577xf32, #tpu.memory_space<vmem>>[vector<16xi32>, vector<16xi32>], vector<16xf32>,
          %add3A_287 = vector.broadcast %mul3A_148 : i32 to vector<16xi32>
          %add3A_288 = arith.addi %add3A_287, %iota3A : vector<16xi32>
          %add3A_289 = arith.constant 11 : i32
          %add3A_290 = vector.broadcast %add3A_289 : i32 to vector<16xi32>
          %add3A_291 = arith.addi %broadcast_in_dim3A_1, %add3A_290 : vector<16xi32>
          tpu.vector_store_idx %arg12[%add3A_288, %add3A_291], %gather3A_286 : memref<32x128xf32, #tpu.memory_space<vmem>>[vector<16xi32>, vector<16xi32>], vector<16xf32>,
          %add3A_292 = arith.constant 0 : i32
          %add3A_293 = vector.broadcast %add3A_292 : i32 to vector<16xi32>
          %add3A_294 = arith.addi %broadcast_in_dim3A_1, %add3A_293 : vector<16xi32>
          %add3A_295 = arith.constant 12 : i32
          %add3A_296 = vector.broadcast %add3A_295 : i32 to vector<16xi32>
          %add3A_297 = arith.addi %add3A_294, %add3A_296 : vector<16xi32>
          %gather3A_298 = tpu.vector_load_idx %arg11[%add3A_297, %select_n3A_133] : memref<32x577xf32, #tpu.memory_space<vmem>>[vector<16xi32>, vector<16xi32>], vector<16xf32>,
          %add3A_299 = vector.broadcast %mul3A_148 : i32 to vector<16xi32>
          %add3A_300 = arith.addi %add3A_299, %iota3A : vector<16xi32>
          %add3A_301 = arith.constant 12 : i32
          %add3A_302 = vector.broadcast %add3A_301 : i32 to vector<16xi32>
          %add3A_303 = arith.addi %broadcast_in_dim3A_1, %add3A_302 : vector<16xi32>
          tpu.vector_store_idx %arg12[%add3A_300, %add3A_303], %gather3A_298 : memref<32x128xf32, #tpu.memory_space<vmem>>[vector<16xi32>, vector<16xi32>], vector<16xf32>,
          %add3A_304 = arith.constant 0 : i32
          %add3A_305 = vector.broadcast %add3A_304 : i32 to vector<16xi32>
          %add3A_306 = arith.addi %broadcast_in_dim3A_1, %add3A_305 : vector<16xi32>
          %add3A_307 = arith.constant 13 : i32
          %add3A_308 = vector.broadcast %add3A_307 : i32 to vector<16xi32>
          %add3A_309 = arith.addi %add3A_306, %add3A_308 : vector<16xi32>
          %gather3A_310 = tpu.vector_load_idx %arg11[%add3A_309, %select_n3A_133] : memref<32x577xf32, #tpu.memory_space<vmem>>[vector<16xi32>, vector<16xi32>], vector<16xf32>,
          %add3A_311 = vector.broadcast %mul3A_148 : i32 to vector<16xi32>
          %add3A_312 = arith.addi %add3A_311, %iota3A : vector<16xi32>
          %add3A_313 = arith.constant 13 : i32
          %add3A_314 = vector.broadcast %add3A_313 : i32 to vector<16xi32>
          %add3A_315 = arith.addi %broadcast_in_dim3A_1, %add3A_314 : vector<16xi32>
          tpu.vector_store_idx %arg12[%add3A_312, %add3A_315], %gather3A_310 : memref<32x128xf32, #tpu.memory_space<vmem>>[vector<16xi32>, vector<16xi32>], vector<16xf32>,
          %add3A_316 = arith.constant 0 : i32
          %add3A_317 = vector.broadcast %add3A_316 : i32 to vector<16xi32>
          %add3A_318 = arith.addi %broadcast_in_dim3A_1, %add3A_317 : vector<16xi32>
          %add3A_319 = arith.constant 14 : i32
          %add3A_320 = vector.broadcast %add3A_319 : i32 to vector<16xi32>
          %add3A_321 = arith.addi %add3A_318, %add3A_320 : vector<16xi32>
          %gather3A_322 = tpu.vector_load_idx %arg11[%add3A_321, %select_n3A_133] : memref<32x577xf32, #tpu.memory_space<vmem>>[vector<16xi32>, vector<16xi32>], vector<16xf32>,
          %add3A_323 = vector.broadcast %mul3A_148 : i32 to vector<16xi32>
          %add3A_324 = arith.addi %add3A_323, %iota3A : vector<16xi32>
          %add3A_325 = arith.constant 14 : i32
          %add3A_326 = vector.broadcast %add3A_325 : i32 to vector<16xi32>
          %add3A_327 = arith.addi %broadcast_in_dim3A_1, %add3A_326 : vector<16xi32>
          tpu.vector_store_idx %arg12[%add3A_324, %add3A_327], %gather3A_322 : memref<32x128xf32, #tpu.memory_space<vmem>>[vector<16xi32>, vector<16xi32>], vector<16xf32>,
          %add3A_328 = arith.constant 0 : i32
          %add3A_329 = vector.broadcast %add3A_328 : i32 to vector<16xi32>
          %add3A_330 = arith.addi %broadcast_in_dim3A_1, %add3A_329 : vector<16xi32>
          %add3A_331 = arith.constant 15 : i32
          %add3A_332 = vector.broadcast %add3A_331 : i32 to vector<16xi32>
          %add3A_333 = arith.addi %add3A_330, %add3A_332 : vector<16xi32>
          %gather3A_334 = tpu.vector_load_idx %arg11[%add3A_333, %select_n3A_133] : memref<32x577xf32, #tpu.memory_space<vmem>>[vector<16xi32>, vector<16xi32>], vector<16xf32>,
          %add3A_335 = vector.broadcast %mul3A_148 : i32 to vector<16xi32>
          %add3A_336 = arith.addi %add3A_335, %iota3A : vector<16xi32>
          %add3A_337 = arith.constant 15 : i32
          %add3A_338 = vector.broadcast %add3A_337 : i32 to vector<16xi32>
          %add3A_339 = arith.addi %broadcast_in_dim3A_1, %add3A_338 : vector<16xi32>
          tpu.vector_store_idx %arg12[%add3A_336, %add3A_339], %gather3A_334 : memref<32x128xf32, #tpu.memory_space<vmem>>[vector<16xi32>, vector<16xi32>], vector<16xf32>,
          %add3A_340 = arith.constant 0 : i32
          %add3A_341 = vector.broadcast %add3A_340 : i32 to vector<16xi32>
          %add3A_342 = arith.addi %broadcast_in_dim3A_1, %add3A_341 : vector<16xi32>
          %add3A_343 = arith.constant 16 : i32
          %add3A_344 = vector.broadcast %add3A_343 : i32 to vector<16xi32>
          %add3A_345 = arith.addi %add3A_342, %add3A_344 : vector<16xi32>
          %gather3A_346 = tpu.vector_load_idx %arg11[%add3A_345, %select_n3A_133] : memref<32x577xf32, #tpu.memory_space<vmem>>[vector<16xi32>, vector<16xi32>], vector<16xf32>,
          %add3A_347 = vector.broadcast %mul3A_148 : i32 to vector<16xi32>
          %add3A_348 = arith.addi %add3A_347, %iota3A : vector<16xi32>
          %add3A_349 = arith.constant 16 : i32
          %add3A_350 = vector.broadcast %add3A_349 : i32 to vector<16xi32>
          %add3A_351 = arith.addi %broadcast_in_dim3A_1, %add3A_350 : vector<16xi32>
          tpu.vector_store_idx %arg12[%add3A_348, %add3A_351], %gather3A_346 : memref<32x128xf32, #tpu.memory_space<vmem>>[vector<16xi32>, vector<16xi32>], vector<16xf32>,
          %add3A_352 = arith.constant 0 : i32
          %add3A_353 = vector.broadcast %add3A_352 : i32 to vector<16xi32>
          %add3A_354 = arith.addi %broadcast_in_dim3A_1, %add3A_353 : vector<16xi32>
          %add3A_355 = arith.constant 17 : i32
          %add3A_356 = vector.broadcast %add3A_355 : i32 to vector<16xi32>
          %add3A_357 = arith.addi %add3A_354, %add3A_356 : vector<16xi32>
          %gather3A_358 = tpu.vector_load_idx %arg11[%add3A_357, %select_n3A_133] : memref<32x577xf32, #tpu.memory_space<vmem>>[vector<16xi32>, vector<16xi32>], vector<16xf32>,
          %add3A_359 = vector.broadcast %mul3A_148 : i32 to vector<16xi32>
          %add3A_360 = arith.addi %add3A_359, %iota3A : vector<16xi32>
          %add3A_361 = arith.constant 17 : i32
          %add3A_362 = vector.broadcast %add3A_361 : i32 to vector<16xi32>
          %add3A_363 = arith.addi %broadcast_in_dim3A_1, %add3A_362 : vector<16xi32>
          tpu.vector_store_idx %arg12[%add3A_360, %add3A_363], %gather3A_358 : memref<32x128xf32, #tpu.memory_space<vmem>>[vector<16xi32>, vector<16xi32>], vector<16xf32>,
          %add3A_364 = arith.constant 0 : i32
          %add3A_365 = vector.broadcast %add3A_364 : i32 to vector<16xi32>
          %add3A_366 = arith.addi %broadcast_in_dim3A_1, %add3A_365 : vector<16xi32>
          %add3A_367 = arith.constant 18 : i32
          %add3A_368 = vector.broadcast %add3A_367 : i32 to vector<16xi32>
          %add3A_369 = arith.addi %add3A_366, %add3A_368 : vector<16xi32>
          %gather3A_370 = tpu.vector_load_idx %arg11[%add3A_369, %select_n3A_133] : memref<32x577xf32, #tpu.memory_space<vmem>>[vector<16xi32>, vector<16xi32>], vector<16xf32>,
          %add3A_371 = vector.broadcast %mul3A_148 : i32 to vector<16xi32>
          %add3A_372 = arith.addi %add3A_371, %iota3A : vector<16xi32>
          %add3A_373 = arith.constant 18 : i32
          %add3A_374 = vector.broadcast %add3A_373 : i32 to vector<16xi32>
          %add3A_375 = arith.addi %broadcast_in_dim3A_1, %add3A_374 : vector<16xi32>
          tpu.vector_store_idx %arg12[%add3A_372, %add3A_375], %gather3A_370 : memref<32x128xf32, #tpu.memory_space<vmem>>[vector<16xi32>, vector<16xi32>], vector<16xf32>,
          %add3A_376 = arith.constant 0 : i32
          %add3A_377 = vector.broadcast %add3A_376 : i32 to vector<16xi32>
          %add3A_378 = arith.addi %broadcast_in_dim3A_1, %add3A_377 : vector<16xi32>
          %add3A_379 = arith.constant 19 : i32
          %add3A_380 = vector.broadcast %add3A_379 : i32 to vector<16xi32>
          %add3A_381 = arith.addi %add3A_378, %add3A_380 : vector<16xi32>
          %gather3A_382 = tpu.vector_load_idx %arg11[%add3A_381, %select_n3A_133] : memref<32x577xf32, #tpu.memory_space<vmem>>[vector<16xi32>, vector<16xi32>], vector<16xf32>,
          %add3A_383 = vector.broadcast %mul3A_148 : i32 to vector<16xi32>
          %add3A_384 = arith.addi %add3A_383, %iota3A : vector<16xi32>
          %add3A_385 = arith.constant 19 : i32
          %add3A_386 = vector.broadcast %add3A_385 : i32 to vector<16xi32>
          %add3A_387 = arith.addi %broadcast_in_dim3A_1, %add3A_386 : vector<16xi32>
          tpu.vector_store_idx %arg12[%add3A_384, %add3A_387], %gather3A_382 : memref<32x128xf32, #tpu.memory_space<vmem>>[vector<16xi32>, vector<16xi32>], vector<16xf32>,
          %add3A_388 = arith.constant 0 : i32
          %add3A_389 = vector.broadcast %add3A_388 : i32 to vector<16xi32>
          %add3A_390 = arith.addi %broadcast_in_dim3A_1, %add3A_389 : vector<16xi32>
          %add3A_391 = arith.constant 20 : i32
          %add3A_392 = vector.broadcast %add3A_391 : i32 to vector<16xi32>
          %add3A_393 = arith.addi %add3A_390, %add3A_392 : vector<16xi32>
          %gather3A_394 = tpu.vector_load_idx %arg11[%add3A_393, %select_n3A_133] : memref<32x577xf32, #tpu.memory_space<vmem>>[vector<16xi32>, vector<16xi32>], vector<16xf32>,
          %add3A_395 = vector.broadcast %mul3A_148 : i32 to vector<16xi32>
          %add3A_396 = arith.addi %add3A_395, %iota3A : vector<16xi32>
          %add3A_397 = arith.constant 20 : i32
          %add3A_398 = vector.broadcast %add3A_397 : i32 to vector<16xi32>
          %add3A_399 = arith.addi %broadcast_in_dim3A_1, %add3A_398 : vector<16xi32>
          tpu.vector_store_idx %arg12[%add3A_396, %add3A_399], %gather3A_394 : memref<32x128xf32, #tpu.memory_space<vmem>>[vector<16xi32>, vector<16xi32>], vector<16xf32>,
          %add3A_400 = arith.constant 0 : i32
          %add3A_401 = vector.broadcast %add3A_400 : i32 to vector<16xi32>
          %add3A_402 = arith.addi %broadcast_in_dim3A_1, %add3A_401 : vector<16xi32>
          %add3A_403 = arith.constant 21 : i32
          %add3A_404 = vector.broadcast %add3A_403 : i32 to vector<16xi32>
          %add3A_405 = arith.addi %add3A_402, %add3A_404 : vector<16xi32>
          %gather3A_406 = tpu.vector_load_idx %arg11[%add3A_405, %select_n3A_133] : memref<32x577xf32, #tpu.memory_space<vmem>>[vector<16xi32>, vector<16xi32>], vector<16xf32>,
          %add3A_407 = vector.broadcast %mul3A_148 : i32 to vector<16xi32>
          %add3A_408 = arith.addi %add3A_407, %iota3A : vector<16xi32>
          %add3A_409 = arith.constant 21 : i32
          %add3A_410 = vector.broadcast %add3A_409 : i32 to vector<16xi32>
          %add3A_411 = arith.addi %broadcast_in_dim3A_1, %add3A_410 : vector<16xi32>
          tpu.vector_store_idx %arg12[%add3A_408, %add3A_411], %gather3A_406 : memref<32x128xf32, #tpu.memory_space<vmem>>[vector<16xi32>, vector<16xi32>], vector<16xf32>,
          %add3A_412 = arith.constant 0 : i32
          %add3A_413 = vector.broadcast %add3A_412 : i32 to vector<16xi32>
          %add3A_414 = arith.addi %broadcast_in_dim3A_1, %add3A_413 : vector<16xi32>
          %add3A_415 = arith.constant 22 : i32
          %add3A_416 = vector.broadcast %add3A_415 : i32 to vector<16xi32>
          %add3A_417 = arith.addi %add3A_414, %add3A_416 : vector<16xi32>
          %gather3A_418 = tpu.vector_load_idx %arg11[%add3A_417, %select_n3A_133] : memref<32x577xf32, #tpu.memory_space<vmem>>[vector<16xi32>, vector<16xi32>], vector<16xf32>,
          %add3A_419 = vector.broadcast %mul3A_148 : i32 to vector<16xi32>
          %add3A_420 = arith.addi %add3A_419, %iota3A : vector<16xi32>
          %add3A_421 = arith.constant 22 : i32
          %add3A_422 = vector.broadcast %add3A_421 : i32 to vector<16xi32>
          %add3A_423 = arith.addi %broadcast_in_dim3A_1, %add3A_422 : vector<16xi32>
          tpu.vector_store_idx %arg12[%add3A_420, %add3A_423], %gather3A_418 : memref<32x128xf32, #tpu.memory_space<vmem>>[vector<16xi32>, vector<16xi32>], vector<16xf32>,
          %add3A_424 = arith.constant 0 : i32
          %add3A_425 = vector.broadcast %add3A_424 : i32 to vector<16xi32>
          %add3A_426 = arith.addi %broadcast_in_dim3A_1, %add3A_425 : vector<16xi32>
          %add3A_427 = arith.constant 23 : i32
          %add3A_428 = vector.broadcast %add3A_427 : i32 to vector<16xi32>
          %add3A_429 = arith.addi %add3A_426, %add3A_428 : vector<16xi32>
          %gather3A_430 = tpu.vector_load_idx %arg11[%add3A_429, %select_n3A_133] : memref<32x577xf32, #tpu.memory_space<vmem>>[vector<16xi32>, vector<16xi32>], vector<16xf32>,
          %add3A_431 = vector.broadcast %mul3A_148 : i32 to vector<16xi32>
          %add3A_432 = arith.addi %add3A_431, %iota3A : vector<16xi32>
          %add3A_433 = arith.constant 23 : i32
          %add3A_434 = vector.broadcast %add3A_433 : i32 to vector<16xi32>
          %add3A_435 = arith.addi %broadcast_in_dim3A_1, %add3A_434 : vector<16xi32>
          tpu.vector_store_idx %arg12[%add3A_432, %add3A_435], %gather3A_430 : memref<32x128xf32, #tpu.memory_space<vmem>>[vector<16xi32>, vector<16xi32>], vector<16xf32>,
          %add3A_436 = arith.constant 0 : i32
          %add3A_437 = vector.broadcast %add3A_436 : i32 to vector<16xi32>
          %add3A_438 = arith.addi %broadcast_in_dim3A_1, %add3A_437 : vector<16xi32>
          %add3A_439 = arith.constant 24 : i32
          %add3A_440 = vector.broadcast %add3A_439 : i32 to vector<16xi32>
          %add3A_441 = arith.addi %add3A_438, %add3A_440 : vector<16xi32>
          %gather3A_442 = tpu.vector_load_idx %arg11[%add3A_441, %select_n3A_133] : memref<32x577xf32, #tpu.memory_space<vmem>>[vector<16xi32>, vector<16xi32>], vector<16xf32>,
          %add3A_443 = vector.broadcast %mul3A_148 : i32 to vector<16xi32>
          %add3A_444 = arith.addi %add3A_443, %iota3A : vector<16xi32>
          %add3A_445 = arith.constant 24 : i32
          %add3A_446 = vector.broadcast %add3A_445 : i32 to vector<16xi32>
          %add3A_447 = arith.addi %broadcast_in_dim3A_1, %add3A_446 : vector<16xi32>
          tpu.vector_store_idx %arg12[%add3A_444, %add3A_447], %gather3A_442 : memref<32x128xf32, #tpu.memory_space<vmem>>[vector<16xi32>, vector<16xi32>], vector<16xf32>,
          %add3A_448 = arith.constant 0 : i32
          %add3A_449 = vector.broadcast %add3A_448 : i32 to vector<16xi32>
          %add3A_450 = arith.addi %broadcast_in_dim3A_1, %add3A_449 : vector<16xi32>
          %add3A_451 = arith.constant 25 : i32
          %add3A_452 = vector.broadcast %add3A_451 : i32 to vector<16xi32>
          %add3A_453 = arith.addi %add3A_450, %add3A_452 : vector<16xi32>
          %gather3A_454 = tpu.vector_load_idx %arg11[%add3A_453, %select_n3A_133] : memref<32x577xf32, #tpu.memory_space<vmem>>[vector<16xi32>, vector<16xi32>], vector<16xf32>,
          %add3A_455 = vector.broadcast %mul3A_148 : i32 to vector<16xi32>
          %add3A_456 = arith.addi %add3A_455, %iota3A : vector<16xi32>
          %add3A_457 = arith.constant 25 : i32
          %add3A_458 = vector.broadcast %add3A_457 : i32 to vector<16xi32>
          %add3A_459 = arith.addi %broadcast_in_dim3A_1, %add3A_458 : vector<16xi32>
          tpu.vector_store_idx %arg12[%add3A_456, %add3A_459], %gather3A_454 : memref<32x128xf32, #tpu.memory_space<vmem>>[vector<16xi32>, vector<16xi32>], vector<16xf32>,
          %add3A_460 = arith.constant 0 : i32
          %add3A_461 = vector.broadcast %add3A_460 : i32 to vector<16xi32>
          %add3A_462 = arith.addi %broadcast_in_dim3A_1, %add3A_461 : vector<16xi32>
          %add3A_463 = arith.constant 26 : i32
          %add3A_464 = vector.broadcast %add3A_463 : i32 to vector<16xi32>
          %add3A_465 = arith.addi %add3A_462, %add3A_464 : vector<16xi32>
          %gather3A_466 = tpu.vector_load_idx %arg11[%add3A_465, %select_n3A_133] : memref<32x577xf32, #tpu.memory_space<vmem>>[vector<16xi32>, vector<16xi32>], vector<16xf32>,
          %add3A_467 = vector.broadcast %mul3A_148 : i32 to vector<16xi32>
          %add3A_468 = arith.addi %add3A_467, %iota3A : vector<16xi32>
          %add3A_469 = arith.constant 26 : i32
          %add3A_470 = vector.broadcast %add3A_469 : i32 to vector<16xi32>
          %add3A_471 = arith.addi %broadcast_in_dim3A_1, %add3A_470 : vector<16xi32>
          tpu.vector_store_idx %arg12[%add3A_468, %add3A_471], %gather3A_466 : memref<32x128xf32, #tpu.memory_space<vmem>>[vector<16xi32>, vector<16xi32>], vector<16xf32>,
          %add3A_472 = arith.constant 0 : i32
          %add3A_473 = vector.broadcast %add3A_472 : i32 to vector<16xi32>
          %add3A_474 = arith.addi %broadcast_in_dim3A_1, %add3A_473 : vector<16xi32>
          %add3A_475 = arith.constant 27 : i32
          %add3A_476 = vector.broadcast %add3A_475 : i32 to vector<16xi32>
          %add3A_477 = arith.addi %add3A_474, %add3A_476 : vector<16xi32>
          %gather3A_478 = tpu.vector_load_idx %arg11[%add3A_477, %select_n3A_133] : memref<32x577xf32, #tpu.memory_space<vmem>>[vector<16xi32>, vector<16xi32>], vector<16xf32>,
          %add3A_479 = vector.broadcast %mul3A_148 : i32 to vector<16xi32>
          %add3A_480 = arith.addi %add3A_479, %iota3A : vector<16xi32>
          %add3A_481 = arith.constant 27 : i32
          %add3A_482 = vector.broadcast %add3A_481 : i32 to vector<16xi32>
          %add3A_483 = arith.addi %broadcast_in_dim3A_1, %add3A_482 : vector<16xi32>
          tpu.vector_store_idx %arg12[%add3A_480, %add3A_483], %gather3A_478 : memref<32x128xf32, #tpu.memory_space<vmem>>[vector<16xi32>, vector<16xi32>], vector<16xf32>,
          %add3A_484 = arith.constant 0 : i32
          %add3A_485 = vector.broadcast %add3A_484 : i32 to vector<16xi32>
          %add3A_486 = arith.addi %broadcast_in_dim3A_1, %add3A_485 : vector<16xi32>
          %add3A_487 = arith.constant 28 : i32
          %add3A_488 = vector.broadcast %add3A_487 : i32 to vector<16xi32>
          %add3A_489 = arith.addi %add3A_486, %add3A_488 : vector<16xi32>
          %gather3A_490 = tpu.vector_load_idx %arg11[%add3A_489, %select_n3A_133] : memref<32x577xf32, #tpu.memory_space<vmem>>[vector<16xi32>, vector<16xi32>], vector<16xf32>,
          %add3A_491 = vector.broadcast %mul3A_148 : i32 to vector<16xi32>
          %add3A_492 = arith.addi %add3A_491, %iota3A : vector<16xi32>
          %add3A_493 = arith.constant 28 : i32
          %add3A_494 = vector.broadcast %add3A_493 : i32 to vector<16xi32>
          %add3A_495 = arith.addi %broadcast_in_dim3A_1, %add3A_494 : vector<16xi32>
          tpu.vector_store_idx %arg12[%add3A_492, %add3A_495], %gather3A_490 : memref<32x128xf32, #tpu.memory_space<vmem>>[vector<16xi32>, vector<16xi32>], vector<16xf32>,
          %add3A_496 = arith.constant 0 : i32
          %add3A_497 = vector.broadcast %add3A_496 : i32 to vector<16xi32>
          %add3A_498 = arith.addi %broadcast_in_dim3A_1, %add3A_497 : vector<16xi32>
          %add3A_499 = arith.constant 29 : i32
          %add3A_500 = vector.broadcast %add3A_499 : i32 to vector<16xi32>
          %add3A_501 = arith.addi %add3A_498, %add3A_500 : vector<16xi32>
          %gather3A_502 = tpu.vector_load_idx %arg11[%add3A_501, %select_n3A_133] : memref<32x577xf32, #tpu.memory_space<vmem>>[vector<16xi32>, vector<16xi32>], vector<16xf32>,
          %add3A_503 = vector.broadcast %mul3A_148 : i32 to vector<16xi32>
          %add3A_504 = arith.addi %add3A_503, %iota3A : vector<16xi32>
          %add3A_505 = arith.constant 29 : i32
          %add3A_506 = vector.broadcast %add3A_505 : i32 to vector<16xi32>
          %add3A_507 = arith.addi %broadcast_in_dim3A_1, %add3A_506 : vector<16xi32>
          tpu.vector_store_idx %arg12[%add3A_504, %add3A_507], %gather3A_502 : memref<32x128xf32, #tpu.memory_space<vmem>>[vector<16xi32>, vector<16xi32>], vector<16xf32>,
          %add3A_508 = arith.constant 0 : i32
          %add3A_509 = vector.broadcast %add3A_508 : i32 to vector<16xi32>
          %add3A_510 = arith.addi %broadcast_in_dim3A_1, %add3A_509 : vector<16xi32>
          %add3A_511 = arith.constant 30 : i32
          %add3A_512 = vector.broadcast %add3A_511 : i32 to vector<16xi32>
          %add3A_513 = arith.addi %add3A_510, %add3A_512 : vector<16xi32>
          %gather3A_514 = tpu.vector_load_idx %arg11[%add3A_513, %select_n3A_133] : memref<32x577xf32, #tpu.memory_space<vmem>>[vector<16xi32>, vector<16xi32>], vector<16xf32>,
          %add3A_515 = vector.broadcast %mul3A_148 : i32 to vector<16xi32>
          %add3A_516 = arith.addi %add3A_515, %iota3A : vector<16xi32>
          %add3A_517 = arith.constant 30 : i32
          %add3A_518 = vector.broadcast %add3A_517 : i32 to vector<16xi32>
          %add3A_519 = arith.addi %broadcast_in_dim3A_1, %add3A_518 : vector<16xi32>
          tpu.vector_store_idx %arg12[%add3A_516, %add3A_519], %gather3A_514 : memref<32x128xf32, #tpu.memory_space<vmem>>[vector<16xi32>, vector<16xi32>], vector<16xf32>,
          %add3A_520 = arith.constant 0 : i32
          %add3A_521 = vector.broadcast %add3A_520 : i32 to vector<16xi32>
          %add3A_522 = arith.addi %broadcast_in_dim3A_1, %add3A_521 : vector<16xi32>
          %add3A_523 = arith.constant 31 : i32
          %add3A_524 = vector.broadcast %add3A_523 : i32 to vector<16xi32>
          %add3A_525 = arith.addi %add3A_522, %add3A_524 : vector<16xi32>
          %gather3A_526 = tpu.vector_load_idx %arg11[%add3A_525, %select_n3A_133] : memref<32x577xf32, #tpu.memory_space<vmem>>[vector<16xi32>, vector<16xi32>], vector<16xf32>,
          %add3A_527 = vector.broadcast %mul3A_148 : i32 to vector<16xi32>
          %add3A_528 = arith.addi %add3A_527, %iota3A : vector<16xi32>
          %add3A_529 = arith.constant 31 : i32
          %add3A_530 = vector.broadcast %add3A_529 : i32 to vector<16xi32>
          %add3A_531 = arith.addi %broadcast_in_dim3A_1, %add3A_530 : vector<16xi32>
          tpu.vector_store_idx %arg12[%add3A_528, %add3A_531], %gather3A_526 : memref<32x128xf32, #tpu.memory_space<vmem>>[vector<16xi32>, vector<16xi32>], vector<16xf32>,
          %multiple_of3A_532 = tpu.assume_multiple %mul3A_148, 16 : i32
          %dma_start3A_533 = arith.constant 0 : i32
          %dma_start3A_534 = tpu.memref_slice %arg12[%multiple_of3A_532, %dma_start3A_533] : memref<32x128xf32, #tpu.memory_space<vmem>> -> memref<16x128xf32, #tpu.memory_space<vmem>>
          %dma_start3A_535 = arith.constant 0 : i32
          %dma_start3A_536 = arith.constant 0 : i32
          %dma_start3A_537 = tpu.memref_slice %arg5[%dma_start3A_535, %dma_start3A_536] : memref<16416x128xf32, #tpu.memory_space<hbm>> -> memref<16416x128xf32, #tpu.memory_space<hbm>>
          tpu.enqueue_indirect_dma source(%dma_start3A_534 : memref<16x128xf32, #tpu.memory_space<vmem>>) target(%dma_start3A_537 : memref<16416x128xf32, #tpu.memory_space<hbm>>) offsets(%select_n3A_140 : vector<16xi32>) semaphore(%arg14 : memref<!tpu.dma_semaphore, #tpu.memory_space<semaphore_mem>>)
          %add3A_538 = arith.constant 1 : i32
          %add3A_539 = arith.addi %while3A_109, %add3A_538 : i32
          scf.yield %add3A_539 : i32
        }
        %while3A_106 = arith.constant 1 : i32
        %while3A_107 = scf.for %while3A_108 = %while3A_103 to %while3A_99 step %while3A_106 iter_args(%while3A_109 = %while3A_105) -> (i32)  : i32 {
          %mul3A_110 = arith.constant 64 : i32
          %mul3A_111 = arith.muli %cond3A_89, %mul3A_110 : i32
          %multiple_of3A_112 = tpu.assume_multiple %mul3A_111, 64 : i32
          %mul3A_113 = arith.constant 16 : i32
          %mul3A_114 = arith.muli %while3A_108, %mul3A_113 : i32
          %multiple_of3A_115 = tpu.assume_multiple %mul3A_114, 16 : i32
          %add3A_116 = arith.addi %multiple_of3A_112, %multiple_of3A_115 : i32
          %get3A_117 = arith.index_cast %add3A_116 : i32 to index
          %get3A_118 = tpu.vector_load %arg8[%get3A_117] {strides = array<i32>} : memref<2064xi32, #tpu.memory_space<vmem>>, vector<16xi32>,
          %mul3A_119 = arith.constant 16 : i32
          %mul3A_120 = arith.muli %while3A_108, %mul3A_119 : i32
          %add3A_121 = vector.broadcast %mul3A_120 : i32 to vector<16xi32>
          %add3A_122 = arith.addi %add3A_121, %iota3A : vector<16xi32>
          %lt3A_123 = vector.broadcast %reduce_sum3A_86 : i32 to vector<16xi32>
          %lt3A_124 = arith.cmpi slt, %add3A_122, %lt3A_123 : vector<16xi32>
          %shift_right_arithmetic3A_125 = arith.constant 14 : i32
          %shift_right_arithmetic3A_126 = vector.broadcast %shift_right_arithmetic3A_125 : i32 to vector<16xi32>
          %shift_right_arithmetic3A_127 = arith.shrsi %get3A_118, %shift_right_arithmetic3A_126 : vector<16xi32>
          %and3A_128 = arith.constant 1023 : i32
          %and3A_129 = vector.broadcast %and3A_128 : i32 to vector<16xi32>
          %and3A_130 = arith.andi %shift_right_arithmetic3A_127, %and3A_129 : vector<16xi32>
          %jit3A_131 = arith.constant 0 : i32
          %broadcast_in_dim3A_132 = vector.broadcast %jit3A_131 : i32 to vector<16xi32>
          %select_n3A_133 = arith.select %lt3A_124, %and3A_130, %broadcast_in_dim3A_132 : vector<16xi1>, vector<16xi32>
          %and3A_134 = arith.constant 16383 : i32
          %and3A_135 = vector.broadcast %and3A_134 : i32 to vector<16xi32>
          %and3A_136 = arith.andi %get3A_118, %and3A_135 : vector<16xi32>
          %add3A_137 = arith.constant 16384 : i32
          %add3A_138 = arith.addi %add3A_137, %add3A : i32
          %broadcast_in_dim3A_139 = vector.broadcast %add3A_138 : i32 to vector<16xi32>
          %select_n3A_140 = arith.select %lt3A_124, %and3A_136, %broadcast_in_dim3A_139 : vector<16xi1>, vector<16xi32>
          %ge3A = arith.constant 2 : i32
          %ge3A_141 = arith.cmpi sge, %while3A_109, %ge3A : i32
          %convert_element_type3A_142 = arith.extui %ge3A_141 : i1 to i32
          %cond3A_143 = arith.constant 0 : i32
          %cond3A_144 = arith.cmpi ne, %convert_element_type3A_142, %cond3A_143 : i32
          scf.if %cond3A_144 {
            %dma_wait3A = arith.constant 0 : i32
            %dma_wait3A_540 = arith.constant 0 : i32
            %dma_wait3A_541 = tpu.memref_slice %arg12[%dma_wait3A, %dma_wait3A_540] : memref<32x128xf32, #tpu.memory_space<vmem>> -> memref<16x128xf32, #tpu.memory_space<vmem>>
            %dma_wait3A_542 = arith.constant 0 : i32
            %dma_wait3A_543 = arith.constant 0 : i32
            %dma_wait3A_544 = tpu.memref_slice %arg5[%dma_wait3A_542, %dma_wait3A_543] : memref<16416x128xf32, #tpu.memory_space<hbm>> -> memref<16x128xf32, #tpu.memory_space<hbm>>
            %dma_wait3A_545 = arith.constant 0 : i32
            %dma_wait3A_546 = arith.constant 0 : i32
            %dma_wait3A_547 = tpu.memref_slice %arg5[%dma_wait3A_545, %dma_wait3A_546] : memref<16416x128xf32, #tpu.memory_space<hbm>> -> memref<16x128xf32, #tpu.memory_space<hbm>>
            %dma_wait3A_548 = arith.constant 0 : i32
            %dma_wait3A_549 = arith.constant 0 : i32
            %dma_wait3A_550 = tpu.memref_slice %arg12[%dma_wait3A_548, %dma_wait3A_549] : memref<32x128xf32, #tpu.memory_space<vmem>> -> memref<16x128xf32, #tpu.memory_space<vmem>>
            tpu.wait_dma2 semaphore(%arg14 : memref<!tpu.dma_semaphore, #tpu.memory_space<semaphore_mem>>) src(%dma_wait3A_550 : memref<16x128xf32, #tpu.memory_space<vmem>>) dst(%dma_wait3A_547 : memref<16x128xf32, #tpu.memory_space<hbm>>)
          } else {
          }
          %rem3A_145 = arith.constant 2 : i32
          %rem3A_146 = arith.remsi %while3A_109, %rem3A_145 : i32
          %mul3A_147 = arith.constant 16 : i32
          %mul3A_148 = arith.muli %rem3A_146, %mul3A_147 : i32
          %add3A_149 = arith.constant 0 : i32
          %add3A_150 = vector.broadcast %add3A_149 : i32 to vector<16xi32>
          %add3A_151 = arith.addi %broadcast_in_dim3A_1, %add3A_150 : vector<16xi32>
          %add3A_152 = arith.constant 0 : i32
          %add3A_153 = vector.broadcast %add3A_152 : i32 to vector<16xi32>
          %add3A_154 = arith.addi %add3A_151, %add3A_153 : vector<16xi32>
          %gather3A = tpu.vector_load_idx %arg11[%add3A_154, %select_n3A_133] : memref<32x577xf32, #tpu.memory_space<vmem>>[vector<16xi32>, vector<16xi32>], vector<16xf32>,
          %add3A_155 = vector.broadcast %mul3A_148 : i32 to vector<16xi32>
          %add3A_156 = arith.addi %add3A_155, %iota3A : vector<16xi32>
          %add3A_157 = arith.constant 0 : i32
          %add3A_158 = vector.broadcast %add3A_157 : i32 to vector<16xi32>
          %add3A_159 = arith.addi %broadcast_in_dim3A_1, %add3A_158 : vector<16xi32>
          tpu.vector_store_idx %arg12[%add3A_156, %add3A_159], %gather3A : memref<32x128xf32, #tpu.memory_space<vmem>>[vector<16xi32>, vector<16xi32>], vector<16xf32>,
          %add3A_160 = arith.constant 0 : i32
          %add3A_161 = vector.broadcast %add3A_160 : i32 to vector<16xi32>
          %add3A_162 = arith.addi %broadcast_in_dim3A_1, %add3A_161 : vector<16xi32>
          %add3A_163 = arith.constant 1 : i32
          %add3A_164 = vector.broadcast %add3A_163 : i32 to vector<16xi32>
          %add3A_165 = arith.addi %add3A_162, %add3A_164 : vector<16xi32>
          %gather3A_166 = tpu.vector_load_idx %arg11[%add3A_165, %select_n3A_133] : memref<32x577xf32, #tpu.memory_space<vmem>>[vector<16xi32>, vector<16xi32>], vector<16xf32>,
          %add3A_167 = vector.broadcast %mul3A_148 : i32 to vector<16xi32>
          %add3A_168 = arith.addi %add3A_167, %iota3A : vector<16xi32>
          %add3A_169 = arith.constant 1 : i32
          %add3A_170 = vector.broadcast %add3A_169 : i32 to vector<16xi32>
          %add3A_171 = arith.addi %broadcast_in_dim3A_1, %add3A_170 : vector<16xi32>
          tpu.vector_store_idx %arg12[%add3A_168, %add3A_171], %gather3A_166 : memref<32x128xf32, #tpu.memory_space<vmem>>[vector<16xi32>, vector<16xi32>], vector<16xf32>,
          %add3A_172 = arith.constant 0 : i32
          %add3A_173 = vector.broadcast %add3A_172 : i32 to vector<16xi32>
          %add3A_174 = arith.addi %broadcast_in_dim3A_1, %add3A_173 : vector<16xi32>
          %add3A_175 = arith.constant 2 : i32
          %add3A_176 = vector.broadcast %add3A_175 : i32 to vector<16xi32>
          %add3A_177 = arith.addi %add3A_174, %add3A_176 : vector<16xi32>
          %gather3A_178 = tpu.vector_load_idx %arg11[%add3A_177, %select_n3A_133] : memref<32x577xf32, #tpu.memory_space<vmem>>[vector<16xi32>, vector<16xi32>], vector<16xf32>,
          %add3A_179 = vector.broadcast %mul3A_148 : i32 to vector<16xi32>
          %add3A_180 = arith.addi %add3A_179, %iota3A : vector<16xi32>
          %add3A_181 = arith.constant 2 : i32
          %add3A_182 = vector.broadcast %add3A_181 : i32 to vector<16xi32>
          %add3A_183 = arith.addi %broadcast_in_dim3A_1, %add3A_182 : vector<16xi32>
          tpu.vector_store_idx %arg12[%add3A_180, %add3A_183], %gather3A_178 : memref<32x128xf32, #tpu.memory_space<vmem>>[vector<16xi32>, vector<16xi32>], vector<16xf32>,
          %add3A_184 = arith.constant 0 : i32
          %add3A_185 = vector.broadcast %add3A_184 : i32 to vector<16xi32>
          %add3A_186 = arith.addi %broadcast_in_dim3A_1, %add3A_185 : vector<16xi32>
          %add3A_187 = arith.constant 3 : i32
          %add3A_188 = vector.broadcast %add3A_187 : i32 to vector<16xi32>
          %add3A_189 = arith.addi %add3A_186, %add3A_188 : vector<16xi32>
          %gather3A_190 = tpu.vector_load_idx %arg11[%add3A_189, %select_n3A_133] : memref<32x577xf32, #tpu.memory_space<vmem>>[vector<16xi32>, vector<16xi32>], vector<16xf32>,
          %add3A_191 = vector.broadcast %mul3A_148 : i32 to vector<16xi32>
          %add3A_192 = arith.addi %add3A_191, %iota3A : vector<16xi32>
          %add3A_193 = arith.constant 3 : i32
          %add3A_194 = vector.broadcast %add3A_193 : i32 to vector<16xi32>
          %add3A_195 = arith.addi %broadcast_in_dim3A_1, %add3A_194 : vector<16xi32>
          tpu.vector_store_idx %arg12[%add3A_192, %add3A_195], %gather3A_190 : memref<32x128xf32, #tpu.memory_space<vmem>>[vector<16xi32>, vector<16xi32>], vector<16xf32>,
          %add3A_196 = arith.constant 0 : i32
          %add3A_197 = vector.broadcast %add3A_196 : i32 to vector<16xi32>
          %add3A_198 = arith.addi %broadcast_in_dim3A_1, %add3A_197 : vector<16xi32>
          %add3A_199 = arith.constant 4 : i32
          %add3A_200 = vector.broadcast %add3A_199 : i32 to vector<16xi32>
          %add3A_201 = arith.addi %add3A_198, %add3A_200 : vector<16xi32>
          %gather3A_202 = tpu.vector_load_idx %arg11[%add3A_201, %select_n3A_133] : memref<32x577xf32, #tpu.memory_space<vmem>>[vector<16xi32>, vector<16xi32>], vector<16xf32>,
          %add3A_203 = vector.broadcast %mul3A_148 : i32 to vector<16xi32>
          %add3A_204 = arith.addi %add3A_203, %iota3A : vector<16xi32>
          %add3A_205 = arith.constant 4 : i32
          %add3A_206 = vector.broadcast %add3A_205 : i32 to vector<16xi32>
          %add3A_207 = arith.addi %broadcast_in_dim3A_1, %add3A_206 : vector<16xi32>
          tpu.vector_store_idx %arg12[%add3A_204, %add3A_207], %gather3A_202 : memref<32x128xf32, #tpu.memory_space<vmem>>[vector<16xi32>, vector<16xi32>], vector<16xf32>,
          %add3A_208 = arith.constant 0 : i32
          %add3A_209 = vector.broadcast %add3A_208 : i32 to vector<16xi32>
          %add3A_210 = arith.addi %broadcast_in_dim3A_1, %add3A_209 : vector<16xi32>
          %add3A_211 = arith.constant 5 : i32
          %add3A_212 = vector.broadcast %add3A_211 : i32 to vector<16xi32>
          %add3A_213 = arith.addi %add3A_210, %add3A_212 : vector<16xi32>
          %gather3A_214 = tpu.vector_load_idx %arg11[%add3A_213, %select_n3A_133] : memref<32x577xf32, #tpu.memory_space<vmem>>[vector<16xi32>, vector<16xi32>], vector<16xf32>,
          %add3A_215 = vector.broadcast %mul3A_148 : i32 to vector<16xi32>
          %add3A_216 = arith.addi %add3A_215, %iota3A : vector<16xi32>
          %add3A_217 = arith.constant 5 : i32
          %add3A_218 = vector.broadcast %add3A_217 : i32 to vector<16xi32>
          %add3A_219 = arith.addi %broadcast_in_dim3A_1, %add3A_218 : vector<16xi32>
          tpu.vector_store_idx %arg12[%add3A_216, %add3A_219], %gather3A_214 : memref<32x128xf32, #tpu.memory_space<vmem>>[vector<16xi32>, vector<16xi32>], vector<16xf32>,
          %add3A_220 = arith.constant 0 : i32
          %add3A_221 = vector.broadcast %add3A_220 : i32 to vector<16xi32>
          %add3A_222 = arith.addi %broadcast_in_dim3A_1, %add3A_221 : vector<16xi32>
          %add3A_223 = arith.constant 6 : i32
          %add3A_224 = vector.broadcast %add3A_223 : i32 to vector<16xi32>
          %add3A_225 = arith.addi %add3A_222, %add3A_224 : vector<16xi32>
          %gather3A_226 = tpu.vector_load_idx %arg11[%add3A_225, %select_n3A_133] : memref<32x577xf32, #tpu.memory_space<vmem>>[vector<16xi32>, vector<16xi32>], vector<16xf32>,
          %add3A_227 = vector.broadcast %mul3A_148 : i32 to vector<16xi32>
          %add3A_228 = arith.addi %add3A_227, %iota3A : vector<16xi32>
          %add3A_229 = arith.constant 6 : i32
          %add3A_230 = vector.broadcast %add3A_229 : i32 to vector<16xi32>
          %add3A_231 = arith.addi %broadcast_in_dim3A_1, %add3A_230 : vector<16xi32>
          tpu.vector_store_idx %arg12[%add3A_228, %add3A_231], %gather3A_226 : memref<32x128xf32, #tpu.memory_space<vmem>>[vector<16xi32>, vector<16xi32>], vector<16xf32>,
          %add3A_232 = arith.constant 0 : i32
          %add3A_233 = vector.broadcast %add3A_232 : i32 to vector<16xi32>
          %add3A_234 = arith.addi %broadcast_in_dim3A_1, %add3A_233 : vector<16xi32>
          %add3A_235 = arith.constant 7 : i32
          %add3A_236 = vector.broadcast %add3A_235 : i32 to vector<16xi32>
          %add3A_237 = arith.addi %add3A_234, %add3A_236 : vector<16xi32>
          %gather3A_238 = tpu.vector_load_idx %arg11[%add3A_237, %select_n3A_133] : memref<32x577xf32, #tpu.memory_space<vmem>>[vector<16xi32>, vector<16xi32>], vector<16xf32>,
          %add3A_239 = vector.broadcast %mul3A_148 : i32 to vector<16xi32>
          %add3A_240 = arith.addi %add3A_239, %iota3A : vector<16xi32>
          %add3A_241 = arith.constant 7 : i32
          %add3A_242 = vector.broadcast %add3A_241 : i32 to vector<16xi32>
          %add3A_243 = arith.addi %broadcast_in_dim3A_1, %add3A_242 : vector<16xi32>
          tpu.vector_store_idx %arg12[%add3A_240, %add3A_243], %gather3A_238 : memref<32x128xf32, #tpu.memory_space<vmem>>[vector<16xi32>, vector<16xi32>], vector<16xf32>,
          %add3A_244 = arith.constant 0 : i32
          %add3A_245 = vector.broadcast %add3A_244 : i32 to vector<16xi32>
          %add3A_246 = arith.addi %broadcast_in_dim3A_1, %add3A_245 : vector<16xi32>
          %add3A_247 = arith.constant 8 : i32
          %add3A_248 = vector.broadcast %add3A_247 : i32 to vector<16xi32>
          %add3A_249 = arith.addi %add3A_246, %add3A_248 : vector<16xi32>
          %gather3A_250 = tpu.vector_load_idx %arg11[%add3A_249, %select_n3A_133] : memref<32x577xf32, #tpu.memory_space<vmem>>[vector<16xi32>, vector<16xi32>], vector<16xf32>,
          %add3A_251 = vector.broadcast %mul3A_148 : i32 to vector<16xi32>
          %add3A_252 = arith.addi %add3A_251, %iota3A : vector<16xi32>
          %add3A_253 = arith.constant 8 : i32
          %add3A_254 = vector.broadcast %add3A_253 : i32 to vector<16xi32>
          %add3A_255 = arith.addi %broadcast_in_dim3A_1, %add3A_254 : vector<16xi32>
          tpu.vector_store_idx %arg12[%add3A_252, %add3A_255], %gather3A_250 : memref<32x128xf32, #tpu.memory_space<vmem>>[vector<16xi32>, vector<16xi32>], vector<16xf32>,
          %add3A_256 = arith.constant 0 : i32
          %add3A_257 = vector.broadcast %add3A_256 : i32 to vector<16xi32>
          %add3A_258 = arith.addi %broadcast_in_dim3A_1, %add3A_257 : vector<16xi32>
          %add3A_259 = arith.constant 9 : i32
          %add3A_260 = vector.broadcast %add3A_259 : i32 to vector<16xi32>
          %add3A_261 = arith.addi %add3A_258, %add3A_260 : vector<16xi32>
          %gather3A_262 = tpu.vector_load_idx %arg11[%add3A_261, %select_n3A_133] : memref<32x577xf32, #tpu.memory_space<vmem>>[vector<16xi32>, vector<16xi32>], vector<16xf32>,
          %add3A_263 = vector.broadcast %mul3A_148 : i32 to vector<16xi32>
          %add3A_264 = arith.addi %add3A_263, %iota3A : vector<16xi32>
          %add3A_265 = arith.constant 9 : i32
          %add3A_266 = vector.broadcast %add3A_265 : i32 to vector<16xi32>
          %add3A_267 = arith.addi %broadcast_in_dim3A_1, %add3A_266 : vector<16xi32>
          tpu.vector_store_idx %arg12[%add3A_264, %add3A_267], %gather3A_262 : memref<32x128xf32, #tpu.memory_space<vmem>>[vector<16xi32>, vector<16xi32>], vector<16xf32>,
          %add3A_268 = arith.constant 0 : i32
          %add3A_269 = vector.broadcast %add3A_268 : i32 to vector<16xi32>
          %add3A_270 = arith.addi %broadcast_in_dim3A_1, %add3A_269 : vector<16xi32>
          %add3A_271 = arith.constant 10 : i32
          %add3A_272 = vector.broadcast %add3A_271 : i32 to vector<16xi32>
          %add3A_273 = arith.addi %add3A_270, %add3A_272 : vector<16xi32>
          %gather3A_274 = tpu.vector_load_idx %arg11[%add3A_273, %select_n3A_133] : memref<32x577xf32, #tpu.memory_space<vmem>>[vector<16xi32>, vector<16xi32>], vector<16xf32>,
          %add3A_275 = vector.broadcast %mul3A_148 : i32 to vector<16xi32>
          %add3A_276 = arith.addi %add3A_275, %iota3A : vector<16xi32>
          %add3A_277 = arith.constant 10 : i32
          %add3A_278 = vector.broadcast %add3A_277 : i32 to vector<16xi32>
          %add3A_279 = arith.addi %broadcast_in_dim3A_1, %add3A_278 : vector<16xi32>
          tpu.vector_store_idx %arg12[%add3A_276, %add3A_279], %gather3A_274 : memref<32x128xf32, #tpu.memory_space<vmem>>[vector<16xi32>, vector<16xi32>], vector<16xf32>,
          %add3A_280 = arith.constant 0 : i32
          %add3A_281 = vector.broadcast %add3A_280 : i32 to vector<16xi32>
          %add3A_282 = arith.addi %broadcast_in_dim3A_1, %add3A_281 : vector<16xi32>
          %add3A_283 = arith.constant 11 : i32
          %add3A_284 = vector.broadcast %add3A_283 : i32 to vector<16xi32>
          %add3A_285 = arith.addi %add3A_282, %add3A_284 : vector<16xi32>
          %gather3A_286 = tpu.vector_load_idx %arg11[%add3A_285, %select_n3A_133] : memref<32x577xf32, #tpu.memory_space<vmem>>[vector<16xi32>, vector<16xi32>], vector<16xf32>,
          %add3A_287 = vector.broadcast %mul3A_148 : i32 to vector<16xi32>
          %add3A_288 = arith.addi %add3A_287, %iota3A : vector<16xi32>
          %add3A_289 = arith.constant 11 : i32
          %add3A_290 = vector.broadcast %add3A_289 : i32 to vector<16xi32>
          %add3A_291 = arith.addi %broadcast_in_dim3A_1, %add3A_290 : vector<16xi32>
          tpu.vector_store_idx %arg12[%add3A_288, %add3A_291], %gather3A_286 : memref<32x128xf32, #tpu.memory_space<vmem>>[vector<16xi32>, vector<16xi32>], vector<16xf32>,
          %add3A_292 = arith.constant 0 : i32
          %add3A_293 = vector.broadcast %add3A_292 : i32 to vector<16xi32>
          %add3A_294 = arith.addi %broadcast_in_dim3A_1, %add3A_293 : vector<16xi32>
          %add3A_295 = arith.constant 12 : i32
          %add3A_296 = vector.broadcast %add3A_295 : i32 to vector<16xi32>
          %add3A_297 = arith.addi %add3A_294, %add3A_296 : vector<16xi32>
          %gather3A_298 = tpu.vector_load_idx %arg11[%add3A_297, %select_n3A_133] : memref<32x577xf32, #tpu.memory_space<vmem>>[vector<16xi32>, vector<16xi32>], vector<16xf32>,
          %add3A_299 = vector.broadcast %mul3A_148 : i32 to vector<16xi32>
          %add3A_300 = arith.addi %add3A_299, %iota3A : vector<16xi32>
          %add3A_301 = arith.constant 12 : i32
          %add3A_302 = vector.broadcast %add3A_301 : i32 to vector<16xi32>
          %add3A_303 = arith.addi %broadcast_in_dim3A_1, %add3A_302 : vector<16xi32>
          tpu.vector_store_idx %arg12[%add3A_300, %add3A_303], %gather3A_298 : memref<32x128xf32, #tpu.memory_space<vmem>>[vector<16xi32>, vector<16xi32>], vector<16xf32>,
          %add3A_304 = arith.constant 0 : i32
          %add3A_305 = vector.broadcast %add3A_304 : i32 to vector<16xi32>
          %add3A_306 = arith.addi %broadcast_in_dim3A_1, %add3A_305 : vector<16xi32>
          %add3A_307 = arith.constant 13 : i32
          %add3A_308 = vector.broadcast %add3A_307 : i32 to vector<16xi32>
          %add3A_309 = arith.addi %add3A_306, %add3A_308 : vector<16xi32>
          %gather3A_310 = tpu.vector_load_idx %arg11[%add3A_309, %select_n3A_133] : memref<32x577xf32, #tpu.memory_space<vmem>>[vector<16xi32>, vector<16xi32>], vector<16xf32>,
          %add3A_311 = vector.broadcast %mul3A_148 : i32 to vector<16xi32>
          %add3A_312 = arith.addi %add3A_311, %iota3A : vector<16xi32>
          %add3A_313 = arith.constant 13 : i32
          %add3A_314 = vector.broadcast %add3A_313 : i32 to vector<16xi32>
          %add3A_315 = arith.addi %broadcast_in_dim3A_1, %add3A_314 : vector<16xi32>
          tpu.vector_store_idx %arg12[%add3A_312, %add3A_315], %gather3A_310 : memref<32x128xf32, #tpu.memory_space<vmem>>[vector<16xi32>, vector<16xi32>], vector<16xf32>,
          %add3A_316 = arith.constant 0 : i32
          %add3A_317 = vector.broadcast %add3A_316 : i32 to vector<16xi32>
          %add3A_318 = arith.addi %broadcast_in_dim3A_1, %add3A_317 : vector<16xi32>
          %add3A_319 = arith.constant 14 : i32
          %add3A_320 = vector.broadcast %add3A_319 : i32 to vector<16xi32>
          %add3A_321 = arith.addi %add3A_318, %add3A_320 : vector<16xi32>
          %gather3A_322 = tpu.vector_load_idx %arg11[%add3A_321, %select_n3A_133] : memref<32x577xf32, #tpu.memory_space<vmem>>[vector<16xi32>, vector<16xi32>], vector<16xf32>,
          %add3A_323 = vector.broadcast %mul3A_148 : i32 to vector<16xi32>
          %add3A_324 = arith.addi %add3A_323, %iota3A : vector<16xi32>
          %add3A_325 = arith.constant 14 : i32
          %add3A_326 = vector.broadcast %add3A_325 : i32 to vector<16xi32>
          %add3A_327 = arith.addi %broadcast_in_dim3A_1, %add3A_326 : vector<16xi32>
          tpu.vector_store_idx %arg12[%add3A_324, %add3A_327], %gather3A_322 : memref<32x128xf32, #tpu.memory_space<vmem>>[vector<16xi32>, vector<16xi32>], vector<16xf32>,
          %add3A_328 = arith.constant 0 : i32
          %add3A_329 = vector.broadcast %add3A_328 : i32 to vector<16xi32>
          %add3A_330 = arith.addi %broadcast_in_dim3A_1, %add3A_329 : vector<16xi32>
          %add3A_331 = arith.constant 15 : i32
          %add3A_332 = vector.broadcast %add3A_331 : i32 to vector<16xi32>
          %add3A_333 = arith.addi %add3A_330, %add3A_332 : vector<16xi32>
          %gather3A_334 = tpu.vector_load_idx %arg11[%add3A_333, %select_n3A_133] : memref<32x577xf32, #tpu.memory_space<vmem>>[vector<16xi32>, vector<16xi32>], vector<16xf32>,
          %add3A_335 = vector.broadcast %mul3A_148 : i32 to vector<16xi32>
          %add3A_336 = arith.addi %add3A_335, %iota3A : vector<16xi32>
          %add3A_337 = arith.constant 15 : i32
          %add3A_338 = vector.broadcast %add3A_337 : i32 to vector<16xi32>
          %add3A_339 = arith.addi %broadcast_in_dim3A_1, %add3A_338 : vector<16xi32>
          tpu.vector_store_idx %arg12[%add3A_336, %add3A_339], %gather3A_334 : memref<32x128xf32, #tpu.memory_space<vmem>>[vector<16xi32>, vector<16xi32>], vector<16xf32>,
          %add3A_340 = arith.constant 0 : i32
          %add3A_341 = vector.broadcast %add3A_340 : i32 to vector<16xi32>
          %add3A_342 = arith.addi %broadcast_in_dim3A_1, %add3A_341 : vector<16xi32>
          %add3A_343 = arith.constant 16 : i32
          %add3A_344 = vector.broadcast %add3A_343 : i32 to vector<16xi32>
          %add3A_345 = arith.addi %add3A_342, %add3A_344 : vector<16xi32>
          %gather3A_346 = tpu.vector_load_idx %arg11[%add3A_345, %select_n3A_133] : memref<32x577xf32, #tpu.memory_space<vmem>>[vector<16xi32>, vector<16xi32>], vector<16xf32>,
          %add3A_347 = vector.broadcast %mul3A_148 : i32 to vector<16xi32>
          %add3A_348 = arith.addi %add3A_347, %iota3A : vector<16xi32>
          %add3A_349 = arith.constant 16 : i32
          %add3A_350 = vector.broadcast %add3A_349 : i32 to vector<16xi32>
          %add3A_351 = arith.addi %broadcast_in_dim3A_1, %add3A_350 : vector<16xi32>
          tpu.vector_store_idx %arg12[%add3A_348, %add3A_351], %gather3A_346 : memref<32x128xf32, #tpu.memory_space<vmem>>[vector<16xi32>, vector<16xi32>], vector<16xf32>,
          %add3A_352 = arith.constant 0 : i32
          %add3A_353 = vector.broadcast %add3A_352 : i32 to vector<16xi32>
          %add3A_354 = arith.addi %broadcast_in_dim3A_1, %add3A_353 : vector<16xi32>
          %add3A_355 = arith.constant 17 : i32
          %add3A_356 = vector.broadcast %add3A_355 : i32 to vector<16xi32>
          %add3A_357 = arith.addi %add3A_354, %add3A_356 : vector<16xi32>
          %gather3A_358 = tpu.vector_load_idx %arg11[%add3A_357, %select_n3A_133] : memref<32x577xf32, #tpu.memory_space<vmem>>[vector<16xi32>, vector<16xi32>], vector<16xf32>,
          %add3A_359 = vector.broadcast %mul3A_148 : i32 to vector<16xi32>
          %add3A_360 = arith.addi %add3A_359, %iota3A : vector<16xi32>
          %add3A_361 = arith.constant 17 : i32
          %add3A_362 = vector.broadcast %add3A_361 : i32 to vector<16xi32>
          %add3A_363 = arith.addi %broadcast_in_dim3A_1, %add3A_362 : vector<16xi32>
          tpu.vector_store_idx %arg12[%add3A_360, %add3A_363], %gather3A_358 : memref<32x128xf32, #tpu.memory_space<vmem>>[vector<16xi32>, vector<16xi32>], vector<16xf32>,
          %add3A_364 = arith.constant 0 : i32
          %add3A_365 = vector.broadcast %add3A_364 : i32 to vector<16xi32>
          %add3A_366 = arith.addi %broadcast_in_dim3A_1, %add3A_365 : vector<16xi32>
          %add3A_367 = arith.constant 18 : i32
          %add3A_368 = vector.broadcast %add3A_367 : i32 to vector<16xi32>
          %add3A_369 = arith.addi %add3A_366, %add3A_368 : vector<16xi32>
          %gather3A_370 = tpu.vector_load_idx %arg11[%add3A_369, %select_n3A_133] : memref<32x577xf32, #tpu.memory_space<vmem>>[vector<16xi32>, vector<16xi32>], vector<16xf32>,
          %add3A_371 = vector.broadcast %mul3A_148 : i32 to vector<16xi32>
          %add3A_372 = arith.addi %add3A_371, %iota3A : vector<16xi32>
          %add3A_373 = arith.constant 18 : i32
          %add3A_374 = vector.broadcast %add3A_373 : i32 to vector<16xi32>
          %add3A_375 = arith.addi %broadcast_in_dim3A_1, %add3A_374 : vector<16xi32>
          tpu.vector_store_idx %arg12[%add3A_372, %add3A_375], %gather3A_370 : memref<32x128xf32, #tpu.memory_space<vmem>>[vector<16xi32>, vector<16xi32>], vector<16xf32>,
          %add3A_376 = arith.constant 0 : i32
          %add3A_377 = vector.broadcast %add3A_376 : i32 to vector<16xi32>
          %add3A_378 = arith.addi %broadcast_in_dim3A_1, %add3A_377 : vector<16xi32>
          %add3A_379 = arith.constant 19 : i32
          %add3A_380 = vector.broadcast %add3A_379 : i32 to vector<16xi32>
          %add3A_381 = arith.addi %add3A_378, %add3A_380 : vector<16xi32>
          %gather3A_382 = tpu.vector_load_idx %arg11[%add3A_381, %select_n3A_133] : memref<32x577xf32, #tpu.memory_space<vmem>>[vector<16xi32>, vector<16xi32>], vector<16xf32>,
          %add3A_383 = vector.broadcast %mul3A_148 : i32 to vector<16xi32>
          %add3A_384 = arith.addi %add3A_383, %iota3A : vector<16xi32>
          %add3A_385 = arith.constant 19 : i32
          %add3A_386 = vector.broadcast %add3A_385 : i32 to vector<16xi32>
          %add3A_387 = arith.addi %broadcast_in_dim3A_1, %add3A_386 : vector<16xi32>
          tpu.vector_store_idx %arg12[%add3A_384, %add3A_387], %gather3A_382 : memref<32x128xf32, #tpu.memory_space<vmem>>[vector<16xi32>, vector<16xi32>], vector<16xf32>,
          %add3A_388 = arith.constant 0 : i32
          %add3A_389 = vector.broadcast %add3A_388 : i32 to vector<16xi32>
          %add3A_390 = arith.addi %broadcast_in_dim3A_1, %add3A_389 : vector<16xi32>
          %add3A_391 = arith.constant 20 : i32
          %add3A_392 = vector.broadcast %add3A_391 : i32 to vector<16xi32>
          %add3A_393 = arith.addi %add3A_390, %add3A_392 : vector<16xi32>
          %gather3A_394 = tpu.vector_load_idx %arg11[%add3A_393, %select_n3A_133] : memref<32x577xf32, #tpu.memory_space<vmem>>[vector<16xi32>, vector<16xi32>], vector<16xf32>,
          %add3A_395 = vector.broadcast %mul3A_148 : i32 to vector<16xi32>
          %add3A_396 = arith.addi %add3A_395, %iota3A : vector<16xi32>
          %add3A_397 = arith.constant 20 : i32
          %add3A_398 = vector.broadcast %add3A_397 : i32 to vector<16xi32>
          %add3A_399 = arith.addi %broadcast_in_dim3A_1, %add3A_398 : vector<16xi32>
          tpu.vector_store_idx %arg12[%add3A_396, %add3A_399], %gather3A_394 : memref<32x128xf32, #tpu.memory_space<vmem>>[vector<16xi32>, vector<16xi32>], vector<16xf32>,
          %add3A_400 = arith.constant 0 : i32
          %add3A_401 = vector.broadcast %add3A_400 : i32 to vector<16xi32>
          %add3A_402 = arith.addi %broadcast_in_dim3A_1, %add3A_401 : vector<16xi32>
          %add3A_403 = arith.constant 21 : i32
          %add3A_404 = vector.broadcast %add3A_403 : i32 to vector<16xi32>
          %add3A_405 = arith.addi %add3A_402, %add3A_404 : vector<16xi32>
          %gather3A_406 = tpu.vector_load_idx %arg11[%add3A_405, %select_n3A_133] : memref<32x577xf32, #tpu.memory_space<vmem>>[vector<16xi32>, vector<16xi32>], vector<16xf32>,
          %add3A_407 = vector.broadcast %mul3A_148 : i32 to vector<16xi32>
          %add3A_408 = arith.addi %add3A_407, %iota3A : vector<16xi32>
          %add3A_409 = arith.constant 21 : i32
          %add3A_410 = vector.broadcast %add3A_409 : i32 to vector<16xi32>
          %add3A_411 = arith.addi %broadcast_in_dim3A_1, %add3A_410 : vector<16xi32>
          tpu.vector_store_idx %arg12[%add3A_408, %add3A_411], %gather3A_406 : memref<32x128xf32, #tpu.memory_space<vmem>>[vector<16xi32>, vector<16xi32>], vector<16xf32>,
          %add3A_412 = arith.constant 0 : i32
          %add3A_413 = vector.broadcast %add3A_412 : i32 to vector<16xi32>
          %add3A_414 = arith.addi %broadcast_in_dim3A_1, %add3A_413 : vector<16xi32>
          %add3A_415 = arith.constant 22 : i32
          %add3A_416 = vector.broadcast %add3A_415 : i32 to vector<16xi32>
          %add3A_417 = arith.addi %add3A_414, %add3A_416 : vector<16xi32>
          %gather3A_418 = tpu.vector_load_idx %arg11[%add3A_417, %select_n3A_133] : memref<32x577xf32, #tpu.memory_space<vmem>>[vector<16xi32>, vector<16xi32>], vector<16xf32>,
          %add3A_419 = vector.broadcast %mul3A_148 : i32 to vector<16xi32>
          %add3A_420 = arith.addi %add3A_419, %iota3A : vector<16xi32>
          %add3A_421 = arith.constant 22 : i32
          %add3A_422 = vector.broadcast %add3A_421 : i32 to vector<16xi32>
          %add3A_423 = arith.addi %broadcast_in_dim3A_1, %add3A_422 : vector<16xi32>
          tpu.vector_store_idx %arg12[%add3A_420, %add3A_423], %gather3A_418 : memref<32x128xf32, #tpu.memory_space<vmem>>[vector<16xi32>, vector<16xi32>], vector<16xf32>,
          %add3A_424 = arith.constant 0 : i32
          %add3A_425 = vector.broadcast %add3A_424 : i32 to vector<16xi32>
          %add3A_426 = arith.addi %broadcast_in_dim3A_1, %add3A_425 : vector<16xi32>
          %add3A_427 = arith.constant 23 : i32
          %add3A_428 = vector.broadcast %add3A_427 : i32 to vector<16xi32>
          %add3A_429 = arith.addi %add3A_426, %add3A_428 : vector<16xi32>
          %gather3A_430 = tpu.vector_load_idx %arg11[%add3A_429, %select_n3A_133] : memref<32x577xf32, #tpu.memory_space<vmem>>[vector<16xi32>, vector<16xi32>], vector<16xf32>,
          %add3A_431 = vector.broadcast %mul3A_148 : i32 to vector<16xi32>
          %add3A_432 = arith.addi %add3A_431, %iota3A : vector<16xi32>
          %add3A_433 = arith.constant 23 : i32
          %add3A_434 = vector.broadcast %add3A_433 : i32 to vector<16xi32>
          %add3A_435 = arith.addi %broadcast_in_dim3A_1, %add3A_434 : vector<16xi32>
          tpu.vector_store_idx %arg12[%add3A_432, %add3A_435], %gather3A_430 : memref<32x128xf32, #tpu.memory_space<vmem>>[vector<16xi32>, vector<16xi32>], vector<16xf32>,
          %add3A_436 = arith.constant 0 : i32
          %add3A_437 = vector.broadcast %add3A_436 : i32 to vector<16xi32>
          %add3A_438 = arith.addi %broadcast_in_dim3A_1, %add3A_437 : vector<16xi32>
          %add3A_439 = arith.constant 24 : i32
          %add3A_440 = vector.broadcast %add3A_439 : i32 to vector<16xi32>
          %add3A_441 = arith.addi %add3A_438, %add3A_440 : vector<16xi32>
          %gather3A_442 = tpu.vector_load_idx %arg11[%add3A_441, %select_n3A_133] : memref<32x577xf32, #tpu.memory_space<vmem>>[vector<16xi32>, vector<16xi32>], vector<16xf32>,
          %add3A_443 = vector.broadcast %mul3A_148 : i32 to vector<16xi32>
          %add3A_444 = arith.addi %add3A_443, %iota3A : vector<16xi32>
          %add3A_445 = arith.constant 24 : i32
          %add3A_446 = vector.broadcast %add3A_445 : i32 to vector<16xi32>
          %add3A_447 = arith.addi %broadcast_in_dim3A_1, %add3A_446 : vector<16xi32>
          tpu.vector_store_idx %arg12[%add3A_444, %add3A_447], %gather3A_442 : memref<32x128xf32, #tpu.memory_space<vmem>>[vector<16xi32>, vector<16xi32>], vector<16xf32>,
          %add3A_448 = arith.constant 0 : i32
          %add3A_449 = vector.broadcast %add3A_448 : i32 to vector<16xi32>
          %add3A_450 = arith.addi %broadcast_in_dim3A_1, %add3A_449 : vector<16xi32>
          %add3A_451 = arith.constant 25 : i32
          %add3A_452 = vector.broadcast %add3A_451 : i32 to vector<16xi32>
          %add3A_453 = arith.addi %add3A_450, %add3A_452 : vector<16xi32>
          %gather3A_454 = tpu.vector_load_idx %arg11[%add3A_453, %select_n3A_133] : memref<32x577xf32, #tpu.memory_space<vmem>>[vector<16xi32>, vector<16xi32>], vector<16xf32>,
          %add3A_455 = vector.broadcast %mul3A_148 : i32 to vector<16xi32>
          %add3A_456 = arith.addi %add3A_455, %iota3A : vector<16xi32>
          %add3A_457 = arith.constant 25 : i32
          %add3A_458 = vector.broadcast %add3A_457 : i32 to vector<16xi32>
          %add3A_459 = arith.addi %broadcast_in_dim3A_1, %add3A_458 : vector<16xi32>
          tpu.vector_store_idx %arg12[%add3A_456, %add3A_459], %gather3A_454 : memref<32x128xf32, #tpu.memory_space<vmem>>[vector<16xi32>, vector<16xi32>], vector<16xf32>,
          %add3A_460 = arith.constant 0 : i32
          %add3A_461 = vector.broadcast %add3A_460 : i32 to vector<16xi32>
          %add3A_462 = arith.addi %broadcast_in_dim3A_1, %add3A_461 : vector<16xi32>
          %add3A_463 = arith.constant 26 : i32
          %add3A_464 = vector.broadcast %add3A_463 : i32 to vector<16xi32>
          %add3A_465 = arith.addi %add3A_462, %add3A_464 : vector<16xi32>
          %gather3A_466 = tpu.vector_load_idx %arg11[%add3A_465, %select_n3A_133] : memref<32x577xf32, #tpu.memory_space<vmem>>[vector<16xi32>, vector<16xi32>], vector<16xf32>,
          %add3A_467 = vector.broadcast %mul3A_148 : i32 to vector<16xi32>
          %add3A_468 = arith.addi %add3A_467, %iota3A : vector<16xi32>
          %add3A_469 = arith.constant 26 : i32
          %add3A_470 = vector.broadcast %add3A_469 : i32 to vector<16xi32>
          %add3A_471 = arith.addi %broadcast_in_dim3A_1, %add3A_470 : vector<16xi32>
          tpu.vector_store_idx %arg12[%add3A_468, %add3A_471], %gather3A_466 : memref<32x128xf32, #tpu.memory_space<vmem>>[vector<16xi32>, vector<16xi32>], vector<16xf32>,
          %add3A_472 = arith.constant 0 : i32
          %add3A_473 = vector.broadcast %add3A_472 : i32 to vector<16xi32>
          %add3A_474 = arith.addi %broadcast_in_dim3A_1, %add3A_473 : vector<16xi32>
          %add3A_475 = arith.constant 27 : i32
          %add3A_476 = vector.broadcast %add3A_475 : i32 to vector<16xi32>
          %add3A_477 = arith.addi %add3A_474, %add3A_476 : vector<16xi32>
          %gather3A_478 = tpu.vector_load_idx %arg11[%add3A_477, %select_n3A_133] : memref<32x577xf32, #tpu.memory_space<vmem>>[vector<16xi32>, vector<16xi32>], vector<16xf32>,
          %add3A_479 = vector.broadcast %mul3A_148 : i32 to vector<16xi32>
          %add3A_480 = arith.addi %add3A_479, %iota3A : vector<16xi32>
          %add3A_481 = arith.constant 27 : i32
          %add3A_482 = vector.broadcast %add3A_481 : i32 to vector<16xi32>
          %add3A_483 = arith.addi %broadcast_in_dim3A_1, %add3A_482 : vector<16xi32>
          tpu.vector_store_idx %arg12[%add3A_480, %add3A_483], %gather3A_478 : memref<32x128xf32, #tpu.memory_space<vmem>>[vector<16xi32>, vector<16xi32>], vector<16xf32>,
          %add3A_484 = arith.constant 0 : i32
          %add3A_485 = vector.broadcast %add3A_484 : i32 to vector<16xi32>
          %add3A_486 = arith.addi %broadcast_in_dim3A_1, %add3A_485 : vector<16xi32>
          %add3A_487 = arith.constant 28 : i32
          %add3A_488 = vector.broadcast %add3A_487 : i32 to vector<16xi32>
          %add3A_489 = arith.addi %add3A_486, %add3A_488 : vector<16xi32>
          %gather3A_490 = tpu.vector_load_idx %arg11[%add3A_489, %select_n3A_133] : memref<32x577xf32, #tpu.memory_space<vmem>>[vector<16xi32>, vector<16xi32>], vector<16xf32>,
          %add3A_491 = vector.broadcast %mul3A_148 : i32 to vector<16xi32>
          %add3A_492 = arith.addi %add3A_491, %iota3A : vector<16xi32>
          %add3A_493 = arith.constant 28 : i32
          %add3A_494 = vector.broadcast %add3A_493 : i32 to vector<16xi32>
          %add3A_495 = arith.addi %broadcast_in_dim3A_1, %add3A_494 : vector<16xi32>
          tpu.vector_store_idx %arg12[%add3A_492, %add3A_495], %gather3A_490 : memref<32x128xf32, #tpu.memory_space<vmem>>[vector<16xi32>, vector<16xi32>], vector<16xf32>,
          %add3A_496 = arith.constant 0 : i32
          %add3A_497 = vector.broadcast %add3A_496 : i32 to vector<16xi32>
          %add3A_498 = arith.addi %broadcast_in_dim3A_1, %add3A_497 : vector<16xi32>
          %add3A_499 = arith.constant 29 : i32
          %add3A_500 = vector.broadcast %add3A_499 : i32 to vector<16xi32>
          %add3A_501 = arith.addi %add3A_498, %add3A_500 : vector<16xi32>
          %gather3A_502 = tpu.vector_load_idx %arg11[%add3A_501, %select_n3A_133] : memref<32x577xf32, #tpu.memory_space<vmem>>[vector<16xi32>, vector<16xi32>], vector<16xf32>,
          %add3A_503 = vector.broadcast %mul3A_148 : i32 to vector<16xi32>
          %add3A_504 = arith.addi %add3A_503, %iota3A : vector<16xi32>
          %add3A_505 = arith.constant 29 : i32
          %add3A_506 = vector.broadcast %add3A_505 : i32 to vector<16xi32>
          %add3A_507 = arith.addi %broadcast_in_dim3A_1, %add3A_506 : vector<16xi32>
          tpu.vector_store_idx %arg12[%add3A_504, %add3A_507], %gather3A_502 : memref<32x128xf32, #tpu.memory_space<vmem>>[vector<16xi32>, vector<16xi32>], vector<16xf32>,
          %add3A_508 = arith.constant 0 : i32
          %add3A_509 = vector.broadcast %add3A_508 : i32 to vector<16xi32>
          %add3A_510 = arith.addi %broadcast_in_dim3A_1, %add3A_509 : vector<16xi32>
          %add3A_511 = arith.constant 30 : i32
          %add3A_512 = vector.broadcast %add3A_511 : i32 to vector<16xi32>
          %add3A_513 = arith.addi %add3A_510, %add3A_512 : vector<16xi32>
          %gather3A_514 = tpu.vector_load_idx %arg11[%add3A_513, %select_n3A_133] : memref<32x577xf32, #tpu.memory_space<vmem>>[vector<16xi32>, vector<16xi32>], vector<16xf32>,
          %add3A_515 = vector.broadcast %mul3A_148 : i32 to vector<16xi32>
          %add3A_516 = arith.addi %add3A_515, %iota3A : vector<16xi32>
          %add3A_517 = arith.constant 30 : i32
          %add3A_518 = vector.broadcast %add3A_517 : i32 to vector<16xi32>
          %add3A_519 = arith.addi %broadcast_in_dim3A_1, %add3A_518 : vector<16xi32>
          tpu.vector_store_idx %arg12[%add3A_516, %add3A_519], %gather3A_514 : memref<32x128xf32, #tpu.memory_space<vmem>>[vector<16xi32>, vector<16xi32>], vector<16xf32>,
          %add3A_520 = arith.constant 0 : i32
          %add3A_521 = vector.broadcast %add3A_520 : i32 to vector<16xi32>
          %add3A_522 = arith.addi %broadcast_in_dim3A_1, %add3A_521 : vector<16xi32>
          %add3A_523 = arith.constant 31 : i32
          %add3A_524 = vector.broadcast %add3A_523 : i32 to vector<16xi32>
          %add3A_525 = arith.addi %add3A_522, %add3A_524 : vector<16xi32>
          %gather3A_526 = tpu.vector_load_idx %arg11[%add3A_525, %select_n3A_133] : memref<32x577xf32, #tpu.memory_space<vmem>>[vector<16xi32>, vector<16xi32>], vector<16xf32>,
          %add3A_527 = vector.broadcast %mul3A_148 : i32 to vector<16xi32>
          %add3A_528 = arith.addi %add3A_527, %iota3A : vector<16xi32>
          %add3A_529 = arith.constant 31 : i32
          %add3A_530 = vector.broadcast %add3A_529 : i32 to vector<16xi32>
          %add3A_531 = arith.addi %broadcast_in_dim3A_1, %add3A_530 : vector<16xi32>
          tpu.vector_store_idx %arg12[%add3A_528, %add3A_531], %gather3A_526 : memref<32x128xf32, #tpu.memory_space<vmem>>[vector<16xi32>, vector<16xi32>], vector<16xf32>,
          %multiple_of3A_532 = tpu.assume_multiple %mul3A_148, 16 : i32
          %dma_start3A_533 = arith.constant 0 : i32
          %dma_start3A_534 = tpu.memref_slice %arg12[%multiple_of3A_532, %dma_start3A_533] : memref<32x128xf32, #tpu.memory_space<vmem>> -> memref<16x128xf32, #tpu.memory_space<vmem>>
          %dma_start3A_535 = arith.constant 0 : i32
          %dma_start3A_536 = arith.constant 0 : i32
          %dma_start3A_537 = tpu.memref_slice %arg5[%dma_start3A_535, %dma_start3A_536] : memref<16416x128xf32, #tpu.memory_space<hbm>> -> memref<16416x128xf32, #tpu.memory_space<hbm>>
          tpu.enqueue_indirect_dma source(%dma_start3A_534 : memref<16x128xf32, #tpu.memory_space<vmem>>) target(%dma_start3A_537 : memref<16416x128xf32, #tpu.memory_space<hbm>>) offsets(%select_n3A_140 : vector<16xi32>) semaphore(%arg14 : memref<!tpu.dma_semaphore, #tpu.memory_space<semaphore_mem>>)
          %add3A_538 = arith.constant 1 : i32
          %add3A_539 = arith.addi %while3A_109, %add3A_538 : i32
          scf.yield %add3A_539 : i32
        }
        scf.yield %while3A_107 : i32
      } else {
        %scan3A_93 = arith.constant 0 : i32
        %scan3A_94 = arith.constant 1024 : i32
        %scan3A_95 = arith.addi %scan3A_93, %scan3A_94 : i32
        %scan3A_96 = arith.constant 1 : i32
        %scan3A_97 = scf.for %scan3A_99 = %scan3A_93 to %scan3A_95 step %scan3A_96 iter_args(%scan3A_100 = %while3A_57) -> (i32)  : i32 {
          %mul3A_101 = arith.constant 16 : i32
          %mul3A_102 = arith.muli %scan3A_99, %mul3A_101 : i32
          %multiple_of3A_103 = tpu.assume_multiple %mul3A_102, 16 : i32
          %get3A_104 = arith.index_cast %multiple_of3A_103 : i32 to index
          %get3A_105 = tpu.vector_load %arg6[%get3A_104] {strides = array<i32>} : memref<16384xi32, #tpu.memory_space<vmem>>, vector<16xi32>,
          %shift_right_arithmetic3A_106 = arith.constant 10 : i32
          %shift_right_arithmetic3A_107 = vector.broadcast %shift_right_arithmetic3A_106 : i32 to vector<16xi32>
          %shift_right_arithmetic3A_108 = arith.shrsi %get3A_105, %shift_right_arithmetic3A_107 : vector<16xi32>
          %and3A_109 = arith.constant 31 : i32
          %and3A_110 = vector.broadcast %and3A_109 : i32 to vector<16xi32>
          %and3A_111 = arith.andi %shift_right_arithmetic3A_108, %and3A_110 : vector<16xi32>
          %eq3A_112 = vector.broadcast %add3A : i32 to vector<16xi32>
          %eq3A_113 = arith.cmpi eq, %and3A_111, %eq3A_112 : vector<16xi32>
          %shift_right_arithmetic3A_114 = arith.constant 15 : i32
          %shift_right_arithmetic3A_115 = vector.broadcast %shift_right_arithmetic3A_114 : i32 to vector<16xi32>
          %shift_right_arithmetic3A_116 = arith.shrsi %get3A_105, %shift_right_arithmetic3A_115 : vector<16xi32>
          %eq3A_117 = vector.broadcast %cond3A_89 : i32 to vector<16xi32>
          %eq3A_118 = arith.cmpi eq, %shift_right_arithmetic3A_116, %eq3A_117 : vector<16xi32>
          %and3A_119 = arith.andi %eq3A_113, %eq3A_118 : vector<16xi1>
          %and3A_120 = arith.constant 1023 : i32
          %and3A_121 = vector.broadcast %and3A_120 : i32 to vector<16xi32>
          %and3A_122 = arith.andi %get3A_105, %and3A_121 : vector<16xi32>
          %jit3A_123 = arith.constant 0 : i32
          %broadcast_in_dim3A_124 = vector.broadcast %jit3A_123 : i32 to vector<16xi32>
          %select_n3A_125 = arith.select %and3A_119, %and3A_122, %broadcast_in_dim3A_124 : vector<16xi1>, vector<16xi32>
          %mul3A_126 = arith.constant 16 : i32
          %mul3A_127 = arith.muli %scan3A_99, %mul3A_126 : i32
          %add3A_128 = vector.broadcast %mul3A_127 : i32 to vector<16xi32>
          %add3A_129 = arith.addi %add3A_128, %iota3A : vector<16xi32>
          %add3A_130 = arith.constant 16384 : i32
          %add3A_131 = arith.addi %add3A_130, %add3A : i32
          %broadcast_in_dim3A_132 = vector.broadcast %add3A_131 : i32 to vector<16xi32>
          %select_n3A_133 = arith.select %and3A_119, %add3A_129, %broadcast_in_dim3A_132 : vector<16xi1>, vector<16xi32>
          %ge3A = arith.constant 2 : i32
          %ge3A_134 = arith.cmpi sge, %scan3A_100, %ge3A : i32
          %convert_element_type3A_135 = arith.extui %ge3A_134 : i1 to i32
          %cond3A_136 = arith.constant 0 : i32
          %cond3A_137 = arith.cmpi ne, %convert_element_type3A_135, %cond3A_136 : i32
          scf.if %cond3A_137 {
            %dma_wait3A = arith.constant 0 : i32
            %dma_wait3A_533 = arith.constant 0 : i32
            %dma_wait3A_534 = tpu.memref_slice %arg12[%dma_wait3A, %dma_wait3A_533] : memref<32x128xf32, #tpu.memory_space<vmem>> -> memref<16x128xf32, #tpu.memory_space<vmem>>
            %dma_wait3A_535 = arith.constant 0 : i32
            %dma_wait3A_536 = arith.constant 0 : i32
            %dma_wait3A_537 = tpu.memref_slice %arg5[%dma_wait3A_535, %dma_wait3A_536] : memref<16416x128xf32, #tpu.memory_space<hbm>> -> memref<16x128xf32, #tpu.memory_space<hbm>>
            %dma_wait3A_538 = arith.constant 0 : i32
            %dma_wait3A_539 = arith.constant 0 : i32
            %dma_wait3A_540 = tpu.memref_slice %arg5[%dma_wait3A_538, %dma_wait3A_539] : memref<16416x128xf32, #tpu.memory_space<hbm>> -> memref<16x128xf32, #tpu.memory_space<hbm>>
            %dma_wait3A_541 = arith.constant 0 : i32
            %dma_wait3A_542 = arith.constant 0 : i32
            %dma_wait3A_543 = tpu.memref_slice %arg12[%dma_wait3A_541, %dma_wait3A_542] : memref<32x128xf32, #tpu.memory_space<vmem>> -> memref<16x128xf32, #tpu.memory_space<vmem>>
            tpu.wait_dma2 semaphore(%arg14 : memref<!tpu.dma_semaphore, #tpu.memory_space<semaphore_mem>>) src(%dma_wait3A_543 : memref<16x128xf32, #tpu.memory_space<vmem>>) dst(%dma_wait3A_540 : memref<16x128xf32, #tpu.memory_space<hbm>>)
          } else {
          }
          %rem3A_138 = arith.constant 2 : i32
          %rem3A_139 = arith.remsi %scan3A_100, %rem3A_138 : i32
          %mul3A_140 = arith.constant 16 : i32
          %mul3A_141 = arith.muli %rem3A_139, %mul3A_140 : i32
          %add3A_142 = arith.constant 0 : i32
          %add3A_143 = vector.broadcast %add3A_142 : i32 to vector<16xi32>
          %add3A_144 = arith.addi %broadcast_in_dim3A_1, %add3A_143 : vector<16xi32>
          %add3A_145 = arith.constant 0 : i32
          %add3A_146 = vector.broadcast %add3A_145 : i32 to vector<16xi32>
          %add3A_147 = arith.addi %add3A_144, %add3A_146 : vector<16xi32>
          %gather3A = tpu.vector_load_idx %arg11[%add3A_147, %select_n3A_125] : memref<32x577xf32, #tpu.memory_space<vmem>>[vector<16xi32>, vector<16xi32>], vector<16xf32>,
          %add3A_148 = vector.broadcast %mul3A_141 : i32 to vector<16xi32>
          %add3A_149 = arith.addi %add3A_148, %iota3A : vector<16xi32>
          %add3A_150 = arith.constant 0 : i32
          %add3A_151 = vector.broadcast %add3A_150 : i32 to vector<16xi32>
          %add3A_152 = arith.addi %broadcast_in_dim3A_1, %add3A_151 : vector<16xi32>
          tpu.vector_store_idx %arg12[%add3A_149, %add3A_152], %gather3A : memref<32x128xf32, #tpu.memory_space<vmem>>[vector<16xi32>, vector<16xi32>], vector<16xf32>,
          %add3A_153 = arith.constant 0 : i32
          %add3A_154 = vector.broadcast %add3A_153 : i32 to vector<16xi32>
          %add3A_155 = arith.addi %broadcast_in_dim3A_1, %add3A_154 : vector<16xi32>
          %add3A_156 = arith.constant 1 : i32
          %add3A_157 = vector.broadcast %add3A_156 : i32 to vector<16xi32>
          %add3A_158 = arith.addi %add3A_155, %add3A_157 : vector<16xi32>
          %gather3A_159 = tpu.vector_load_idx %arg11[%add3A_158, %select_n3A_125] : memref<32x577xf32, #tpu.memory_space<vmem>>[vector<16xi32>, vector<16xi32>], vector<16xf32>,
          %add3A_160 = vector.broadcast %mul3A_141 : i32 to vector<16xi32>
          %add3A_161 = arith.addi %add3A_160, %iota3A : vector<16xi32>
          %add3A_162 = arith.constant 1 : i32
          %add3A_163 = vector.broadcast %add3A_162 : i32 to vector<16xi32>
          %add3A_164 = arith.addi %broadcast_in_dim3A_1, %add3A_163 : vector<16xi32>
          tpu.vector_store_idx %arg12[%add3A_161, %add3A_164], %gather3A_159 : memref<32x128xf32, #tpu.memory_space<vmem>>[vector<16xi32>, vector<16xi32>], vector<16xf32>,
          %add3A_165 = arith.constant 0 : i32
          %add3A_166 = vector.broadcast %add3A_165 : i32 to vector<16xi32>
          %add3A_167 = arith.addi %broadcast_in_dim3A_1, %add3A_166 : vector<16xi32>
          %add3A_168 = arith.constant 2 : i32
          %add3A_169 = vector.broadcast %add3A_168 : i32 to vector<16xi32>
          %add3A_170 = arith.addi %add3A_167, %add3A_169 : vector<16xi32>
          %gather3A_171 = tpu.vector_load_idx %arg11[%add3A_170, %select_n3A_125] : memref<32x577xf32, #tpu.memory_space<vmem>>[vector<16xi32>, vector<16xi32>], vector<16xf32>,
          %add3A_172 = vector.broadcast %mul3A_141 : i32 to vector<16xi32>
          %add3A_173 = arith.addi %add3A_172, %iota3A : vector<16xi32>
          %add3A_174 = arith.constant 2 : i32
          %add3A_175 = vector.broadcast %add3A_174 : i32 to vector<16xi32>
          %add3A_176 = arith.addi %broadcast_in_dim3A_1, %add3A_175 : vector<16xi32>
          tpu.vector_store_idx %arg12[%add3A_173, %add3A_176], %gather3A_171 : memref<32x128xf32, #tpu.memory_space<vmem>>[vector<16xi32>, vector<16xi32>], vector<16xf32>,
          %add3A_177 = arith.constant 0 : i32
          %add3A_178 = vector.broadcast %add3A_177 : i32 to vector<16xi32>
          %add3A_179 = arith.addi %broadcast_in_dim3A_1, %add3A_178 : vector<16xi32>
          %add3A_180 = arith.constant 3 : i32
          %add3A_181 = vector.broadcast %add3A_180 : i32 to vector<16xi32>
          %add3A_182 = arith.addi %add3A_179, %add3A_181 : vector<16xi32>
          %gather3A_183 = tpu.vector_load_idx %arg11[%add3A_182, %select_n3A_125] : memref<32x577xf32, #tpu.memory_space<vmem>>[vector<16xi32>, vector<16xi32>], vector<16xf32>,
          %add3A_184 = vector.broadcast %mul3A_141 : i32 to vector<16xi32>
          %add3A_185 = arith.addi %add3A_184, %iota3A : vector<16xi32>
          %add3A_186 = arith.constant 3 : i32
          %add3A_187 = vector.broadcast %add3A_186 : i32 to vector<16xi32>
          %add3A_188 = arith.addi %broadcast_in_dim3A_1, %add3A_187 : vector<16xi32>
          tpu.vector_store_idx %arg12[%add3A_185, %add3A_188], %gather3A_183 : memref<32x128xf32, #tpu.memory_space<vmem>>[vector<16xi32>, vector<16xi32>], vector<16xf32>,
          %add3A_189 = arith.constant 0 : i32
          %add3A_190 = vector.broadcast %add3A_189 : i32 to vector<16xi32>
          %add3A_191 = arith.addi %broadcast_in_dim3A_1, %add3A_190 : vector<16xi32>
          %add3A_192 = arith.constant 4 : i32
          %add3A_193 = vector.broadcast %add3A_192 : i32 to vector<16xi32>
          %add3A_194 = arith.addi %add3A_191, %add3A_193 : vector<16xi32>
          %gather3A_195 = tpu.vector_load_idx %arg11[%add3A_194, %select_n3A_125] : memref<32x577xf32, #tpu.memory_space<vmem>>[vector<16xi32>, vector<16xi32>], vector<16xf32>,
          %add3A_196 = vector.broadcast %mul3A_141 : i32 to vector<16xi32>
          %add3A_197 = arith.addi %add3A_196, %iota3A : vector<16xi32>
          %add3A_198 = arith.constant 4 : i32
          %add3A_199 = vector.broadcast %add3A_198 : i32 to vector<16xi32>
          %add3A_200 = arith.addi %broadcast_in_dim3A_1, %add3A_199 : vector<16xi32>
          tpu.vector_store_idx %arg12[%add3A_197, %add3A_200], %gather3A_195 : memref<32x128xf32, #tpu.memory_space<vmem>>[vector<16xi32>, vector<16xi32>], vector<16xf32>,
          %add3A_201 = arith.constant 0 : i32
          %add3A_202 = vector.broadcast %add3A_201 : i32 to vector<16xi32>
          %add3A_203 = arith.addi %broadcast_in_dim3A_1, %add3A_202 : vector<16xi32>
          %add3A_204 = arith.constant 5 : i32
          %add3A_205 = vector.broadcast %add3A_204 : i32 to vector<16xi32>
          %add3A_206 = arith.addi %add3A_203, %add3A_205 : vector<16xi32>
          %gather3A_207 = tpu.vector_load_idx %arg11[%add3A_206, %select_n3A_125] : memref<32x577xf32, #tpu.memory_space<vmem>>[vector<16xi32>, vector<16xi32>], vector<16xf32>,
          %add3A_208 = vector.broadcast %mul3A_141 : i32 to vector<16xi32>
          %add3A_209 = arith.addi %add3A_208, %iota3A : vector<16xi32>
          %add3A_210 = arith.constant 5 : i32
          %add3A_211 = vector.broadcast %add3A_210 : i32 to vector<16xi32>
          %add3A_212 = arith.addi %broadcast_in_dim3A_1, %add3A_211 : vector<16xi32>
          tpu.vector_store_idx %arg12[%add3A_209, %add3A_212], %gather3A_207 : memref<32x128xf32, #tpu.memory_space<vmem>>[vector<16xi32>, vector<16xi32>], vector<16xf32>,
          %add3A_213 = arith.constant 0 : i32
          %add3A_214 = vector.broadcast %add3A_213 : i32 to vector<16xi32>
          %add3A_215 = arith.addi %broadcast_in_dim3A_1, %add3A_214 : vector<16xi32>
          %add3A_216 = arith.constant 6 : i32
          %add3A_217 = vector.broadcast %add3A_216 : i32 to vector<16xi32>
          %add3A_218 = arith.addi %add3A_215, %add3A_217 : vector<16xi32>
          %gather3A_219 = tpu.vector_load_idx %arg11[%add3A_218, %select_n3A_125] : memref<32x577xf32, #tpu.memory_space<vmem>>[vector<16xi32>, vector<16xi32>], vector<16xf32>,
          %add3A_220 = vector.broadcast %mul3A_141 : i32 to vector<16xi32>
          %add3A_221 = arith.addi %add3A_220, %iota3A : vector<16xi32>
          %add3A_222 = arith.constant 6 : i32
          %add3A_223 = vector.broadcast %add3A_222 : i32 to vector<16xi32>
          %add3A_224 = arith.addi %broadcast_in_dim3A_1, %add3A_223 : vector<16xi32>
          tpu.vector_store_idx %arg12[%add3A_221, %add3A_224], %gather3A_219 : memref<32x128xf32, #tpu.memory_space<vmem>>[vector<16xi32>, vector<16xi32>], vector<16xf32>,
          %add3A_225 = arith.constant 0 : i32
          %add3A_226 = vector.broadcast %add3A_225 : i32 to vector<16xi32>
          %add3A_227 = arith.addi %broadcast_in_dim3A_1, %add3A_226 : vector<16xi32>
          %add3A_228 = arith.constant 7 : i32
          %add3A_229 = vector.broadcast %add3A_228 : i32 to vector<16xi32>
          %add3A_230 = arith.addi %add3A_227, %add3A_229 : vector<16xi32>
          %gather3A_231 = tpu.vector_load_idx %arg11[%add3A_230, %select_n3A_125] : memref<32x577xf32, #tpu.memory_space<vmem>>[vector<16xi32>, vector<16xi32>], vector<16xf32>,
          %add3A_232 = vector.broadcast %mul3A_141 : i32 to vector<16xi32>
          %add3A_233 = arith.addi %add3A_232, %iota3A : vector<16xi32>
          %add3A_234 = arith.constant 7 : i32
          %add3A_235 = vector.broadcast %add3A_234 : i32 to vector<16xi32>
          %add3A_236 = arith.addi %broadcast_in_dim3A_1, %add3A_235 : vector<16xi32>
          tpu.vector_store_idx %arg12[%add3A_233, %add3A_236], %gather3A_231 : memref<32x128xf32, #tpu.memory_space<vmem>>[vector<16xi32>, vector<16xi32>], vector<16xf32>,
          %add3A_237 = arith.constant 0 : i32
          %add3A_238 = vector.broadcast %add3A_237 : i32 to vector<16xi32>
          %add3A_239 = arith.addi %broadcast_in_dim3A_1, %add3A_238 : vector<16xi32>
          %add3A_240 = arith.constant 8 : i32
          %add3A_241 = vector.broadcast %add3A_240 : i32 to vector<16xi32>
          %add3A_242 = arith.addi %add3A_239, %add3A_241 : vector<16xi32>
          %gather3A_243 = tpu.vector_load_idx %arg11[%add3A_242, %select_n3A_125] : memref<32x577xf32, #tpu.memory_space<vmem>>[vector<16xi32>, vector<16xi32>], vector<16xf32>,
          %add3A_244 = vector.broadcast %mul3A_141 : i32 to vector<16xi32>
          %add3A_245 = arith.addi %add3A_244, %iota3A : vector<16xi32>
          %add3A_246 = arith.constant 8 : i32
          %add3A_247 = vector.broadcast %add3A_246 : i32 to vector<16xi32>
          %add3A_248 = arith.addi %broadcast_in_dim3A_1, %add3A_247 : vector<16xi32>
          tpu.vector_store_idx %arg12[%add3A_245, %add3A_248], %gather3A_243 : memref<32x128xf32, #tpu.memory_space<vmem>>[vector<16xi32>, vector<16xi32>], vector<16xf32>,
          %add3A_249 = arith.constant 0 : i32
          %add3A_250 = vector.broadcast %add3A_249 : i32 to vector<16xi32>
          %add3A_251 = arith.addi %broadcast_in_dim3A_1, %add3A_250 : vector<16xi32>
          %add3A_252 = arith.constant 9 : i32
          %add3A_253 = vector.broadcast %add3A_252 : i32 to vector<16xi32>
          %add3A_254 = arith.addi %add3A_251, %add3A_253 : vector<16xi32>
          %gather3A_255 = tpu.vector_load_idx %arg11[%add3A_254, %select_n3A_125] : memref<32x577xf32, #tpu.memory_space<vmem>>[vector<16xi32>, vector<16xi32>], vector<16xf32>,
          %add3A_256 = vector.broadcast %mul3A_141 : i32 to vector<16xi32>
          %add3A_257 = arith.addi %add3A_256, %iota3A : vector<16xi32>
          %add3A_258 = arith.constant 9 : i32
          %add3A_259 = vector.broadcast %add3A_258 : i32 to vector<16xi32>
          %add3A_260 = arith.addi %broadcast_in_dim3A_1, %add3A_259 : vector<16xi32>
          tpu.vector_store_idx %arg12[%add3A_257, %add3A_260], %gather3A_255 : memref<32x128xf32, #tpu.memory_space<vmem>>[vector<16xi32>, vector<16xi32>], vector<16xf32>,
          %add3A_261 = arith.constant 0 : i32
          %add3A_262 = vector.broadcast %add3A_261 : i32 to vector<16xi32>
          %add3A_263 = arith.addi %broadcast_in_dim3A_1, %add3A_262 : vector<16xi32>
          %add3A_264 = arith.constant 10 : i32
          %add3A_265 = vector.broadcast %add3A_264 : i32 to vector<16xi32>
          %add3A_266 = arith.addi %add3A_263, %add3A_265 : vector<16xi32>
          %gather3A_267 = tpu.vector_load_idx %arg11[%add3A_266, %select_n3A_125] : memref<32x577xf32, #tpu.memory_space<vmem>>[vector<16xi32>, vector<16xi32>], vector<16xf32>,
          %add3A_268 = vector.broadcast %mul3A_141 : i32 to vector<16xi32>
          %add3A_269 = arith.addi %add3A_268, %iota3A : vector<16xi32>
          %add3A_270 = arith.constant 10 : i32
          %add3A_271 = vector.broadcast %add3A_270 : i32 to vector<16xi32>
          %add3A_272 = arith.addi %broadcast_in_dim3A_1, %add3A_271 : vector<16xi32>
          tpu.vector_store_idx %arg12[%add3A_269, %add3A_272], %gather3A_267 : memref<32x128xf32, #tpu.memory_space<vmem>>[vector<16xi32>, vector<16xi32>], vector<16xf32>,
          %add3A_273 = arith.constant 0 : i32
          %add3A_274 = vector.broadcast %add3A_273 : i32 to vector<16xi32>
          %add3A_275 = arith.addi %broadcast_in_dim3A_1, %add3A_274 : vector<16xi32>
          %add3A_276 = arith.constant 11 : i32
          %add3A_277 = vector.broadcast %add3A_276 : i32 to vector<16xi32>
          %add3A_278 = arith.addi %add3A_275, %add3A_277 : vector<16xi32>
          %gather3A_279 = tpu.vector_load_idx %arg11[%add3A_278, %select_n3A_125] : memref<32x577xf32, #tpu.memory_space<vmem>>[vector<16xi32>, vector<16xi32>], vector<16xf32>,
          %add3A_280 = vector.broadcast %mul3A_141 : i32 to vector<16xi32>
          %add3A_281 = arith.addi %add3A_280, %iota3A : vector<16xi32>
          %add3A_282 = arith.constant 11 : i32
          %add3A_283 = vector.broadcast %add3A_282 : i32 to vector<16xi32>
          %add3A_284 = arith.addi %broadcast_in_dim3A_1, %add3A_283 : vector<16xi32>
          tpu.vector_store_idx %arg12[%add3A_281, %add3A_284], %gather3A_279 : memref<32x128xf32, #tpu.memory_space<vmem>>[vector<16xi32>, vector<16xi32>], vector<16xf32>,
          %add3A_285 = arith.constant 0 : i32
          %add3A_286 = vector.broadcast %add3A_285 : i32 to vector<16xi32>
          %add3A_287 = arith.addi %broadcast_in_dim3A_1, %add3A_286 : vector<16xi32>
          %add3A_288 = arith.constant 12 : i32
          %add3A_289 = vector.broadcast %add3A_288 : i32 to vector<16xi32>
          %add3A_290 = arith.addi %add3A_287, %add3A_289 : vector<16xi32>
          %gather3A_291 = tpu.vector_load_idx %arg11[%add3A_290, %select_n3A_125] : memref<32x577xf32, #tpu.memory_space<vmem>>[vector<16xi32>, vector<16xi32>], vector<16xf32>,
          %add3A_292 = vector.broadcast %mul3A_141 : i32 to vector<16xi32>
          %add3A_293 = arith.addi %add3A_292, %iota3A : vector<16xi32>
          %add3A_294 = arith.constant 12 : i32
          %add3A_295 = vector.broadcast %add3A_294 : i32 to vector<16xi32>
          %add3A_296 = arith.addi %broadcast_in_dim3A_1, %add3A_295 : vector<16xi32>
          tpu.vector_store_idx %arg12[%add3A_293, %add3A_296], %gather3A_291 : memref<32x128xf32, #tpu.memory_space<vmem>>[vector<16xi32>, vector<16xi32>], vector<16xf32>,
          %add3A_297 = arith.constant 0 : i32
          %add3A_298 = vector.broadcast %add3A_297 : i32 to vector<16xi32>
          %add3A_299 = arith.addi %broadcast_in_dim3A_1, %add3A_298 : vector<16xi32>
          %add3A_300 = arith.constant 13 : i32
          %add3A_301 = vector.broadcast %add3A_300 : i32 to vector<16xi32>
          %add3A_302 = arith.addi %add3A_299, %add3A_301 : vector<16xi32>
          %gather3A_303 = tpu.vector_load_idx %arg11[%add3A_302, %select_n3A_125] : memref<32x577xf32, #tpu.memory_space<vmem>>[vector<16xi32>, vector<16xi32>], vector<16xf32>,
          %add3A_304 = vector.broadcast %mul3A_141 : i32 to vector<16xi32>
          %add3A_305 = arith.addi %add3A_304, %iota3A : vector<16xi32>
          %add3A_306 = arith.constant 13 : i32
          %add3A_307 = vector.broadcast %add3A_306 : i32 to vector<16xi32>
          %add3A_308 = arith.addi %broadcast_in_dim3A_1, %add3A_307 : vector<16xi32>
          tpu.vector_store_idx %arg12[%add3A_305, %add3A_308], %gather3A_303 : memref<32x128xf32, #tpu.memory_space<vmem>>[vector<16xi32>, vector<16xi32>], vector<16xf32>,
          %add3A_309 = arith.constant 0 : i32
          %add3A_310 = vector.broadcast %add3A_309 : i32 to vector<16xi32>
          %add3A_311 = arith.addi %broadcast_in_dim3A_1, %add3A_310 : vector<16xi32>
          %add3A_312 = arith.constant 14 : i32
          %add3A_313 = vector.broadcast %add3A_312 : i32 to vector<16xi32>
          %add3A_314 = arith.addi %add3A_311, %add3A_313 : vector<16xi32>
          %gather3A_315 = tpu.vector_load_idx %arg11[%add3A_314, %select_n3A_125] : memref<32x577xf32, #tpu.memory_space<vmem>>[vector<16xi32>, vector<16xi32>], vector<16xf32>,
          %add3A_316 = vector.broadcast %mul3A_141 : i32 to vector<16xi32>
          %add3A_317 = arith.addi %add3A_316, %iota3A : vector<16xi32>
          %add3A_318 = arith.constant 14 : i32
          %add3A_319 = vector.broadcast %add3A_318 : i32 to vector<16xi32>
          %add3A_320 = arith.addi %broadcast_in_dim3A_1, %add3A_319 : vector<16xi32>
          tpu.vector_store_idx %arg12[%add3A_317, %add3A_320], %gather3A_315 : memref<32x128xf32, #tpu.memory_space<vmem>>[vector<16xi32>, vector<16xi32>], vector<16xf32>,
          %add3A_321 = arith.constant 0 : i32
          %add3A_322 = vector.broadcast %add3A_321 : i32 to vector<16xi32>
          %add3A_323 = arith.addi %broadcast_in_dim3A_1, %add3A_322 : vector<16xi32>
          %add3A_324 = arith.constant 15 : i32
          %add3A_325 = vector.broadcast %add3A_324 : i32 to vector<16xi32>
          %add3A_326 = arith.addi %add3A_323, %add3A_325 : vector<16xi32>
          %gather3A_327 = tpu.vector_load_idx %arg11[%add3A_326, %select_n3A_125] : memref<32x577xf32, #tpu.memory_space<vmem>>[vector<16xi32>, vector<16xi32>], vector<16xf32>,
          %add3A_328 = vector.broadcast %mul3A_141 : i32 to vector<16xi32>
          %add3A_329 = arith.addi %add3A_328, %iota3A : vector<16xi32>
          %add3A_330 = arith.constant 15 : i32
          %add3A_331 = vector.broadcast %add3A_330 : i32 to vector<16xi32>
          %add3A_332 = arith.addi %broadcast_in_dim3A_1, %add3A_331 : vector<16xi32>
          tpu.vector_store_idx %arg12[%add3A_329, %add3A_332], %gather3A_327 : memref<32x128xf32, #tpu.memory_space<vmem>>[vector<16xi32>, vector<16xi32>], vector<16xf32>,
          %add3A_333 = arith.constant 0 : i32
          %add3A_334 = vector.broadcast %add3A_333 : i32 to vector<16xi32>
          %add3A_335 = arith.addi %broadcast_in_dim3A_1, %add3A_334 : vector<16xi32>
          %add3A_336 = arith.constant 16 : i32
          %add3A_337 = vector.broadcast %add3A_336 : i32 to vector<16xi32>
          %add3A_338 = arith.addi %add3A_335, %add3A_337 : vector<16xi32>
          %gather3A_339 = tpu.vector_load_idx %arg11[%add3A_338, %select_n3A_125] : memref<32x577xf32, #tpu.memory_space<vmem>>[vector<16xi32>, vector<16xi32>], vector<16xf32>,
          %add3A_340 = vector.broadcast %mul3A_141 : i32 to vector<16xi32>
          %add3A_341 = arith.addi %add3A_340, %iota3A : vector<16xi32>
          %add3A_342 = arith.constant 16 : i32
          %add3A_343 = vector.broadcast %add3A_342 : i32 to vector<16xi32>
          %add3A_344 = arith.addi %broadcast_in_dim3A_1, %add3A_343 : vector<16xi32>
          tpu.vector_store_idx %arg12[%add3A_341, %add3A_344], %gather3A_339 : memref<32x128xf32, #tpu.memory_space<vmem>>[vector<16xi32>, vector<16xi32>], vector<16xf32>,
          %add3A_345 = arith.constant 0 : i32
          %add3A_346 = vector.broadcast %add3A_345 : i32 to vector<16xi32>
          %add3A_347 = arith.addi %broadcast_in_dim3A_1, %add3A_346 : vector<16xi32>
          %add3A_348 = arith.constant 17 : i32
          %add3A_349 = vector.broadcast %add3A_348 : i32 to vector<16xi32>
          %add3A_350 = arith.addi %add3A_347, %add3A_349 : vector<16xi32>
          %gather3A_351 = tpu.vector_load_idx %arg11[%add3A_350, %select_n3A_125] : memref<32x577xf32, #tpu.memory_space<vmem>>[vector<16xi32>, vector<16xi32>], vector<16xf32>,
          %add3A_352 = vector.broadcast %mul3A_141 : i32 to vector<16xi32>
          %add3A_353 = arith.addi %add3A_352, %iota3A : vector<16xi32>
          %add3A_354 = arith.constant 17 : i32
          %add3A_355 = vector.broadcast %add3A_354 : i32 to vector<16xi32>
          %add3A_356 = arith.addi %broadcast_in_dim3A_1, %add3A_355 : vector<16xi32>
          tpu.vector_store_idx %arg12[%add3A_353, %add3A_356], %gather3A_351 : memref<32x128xf32, #tpu.memory_space<vmem>>[vector<16xi32>, vector<16xi32>], vector<16xf32>,
          %add3A_357 = arith.constant 0 : i32
          %add3A_358 = vector.broadcast %add3A_357 : i32 to vector<16xi32>
          %add3A_359 = arith.addi %broadcast_in_dim3A_1, %add3A_358 : vector<16xi32>
          %add3A_360 = arith.constant 18 : i32
          %add3A_361 = vector.broadcast %add3A_360 : i32 to vector<16xi32>
          %add3A_362 = arith.addi %add3A_359, %add3A_361 : vector<16xi32>
          %gather3A_363 = tpu.vector_load_idx %arg11[%add3A_362, %select_n3A_125] : memref<32x577xf32, #tpu.memory_space<vmem>>[vector<16xi32>, vector<16xi32>], vector<16xf32>,
          %add3A_364 = vector.broadcast %mul3A_141 : i32 to vector<16xi32>
          %add3A_365 = arith.addi %add3A_364, %iota3A : vector<16xi32>
          %add3A_366 = arith.constant 18 : i32
          %add3A_367 = vector.broadcast %add3A_366 : i32 to vector<16xi32>
          %add3A_368 = arith.addi %broadcast_in_dim3A_1, %add3A_367 : vector<16xi32>
          tpu.vector_store_idx %arg12[%add3A_365, %add3A_368], %gather3A_363 : memref<32x128xf32, #tpu.memory_space<vmem>>[vector<16xi32>, vector<16xi32>], vector<16xf32>,
          %add3A_369 = arith.constant 0 : i32
          %add3A_370 = vector.broadcast %add3A_369 : i32 to vector<16xi32>
          %add3A_371 = arith.addi %broadcast_in_dim3A_1, %add3A_370 : vector<16xi32>
          %add3A_372 = arith.constant 19 : i32
          %add3A_373 = vector.broadcast %add3A_372 : i32 to vector<16xi32>
          %add3A_374 = arith.addi %add3A_371, %add3A_373 : vector<16xi32>
          %gather3A_375 = tpu.vector_load_idx %arg11[%add3A_374, %select_n3A_125] : memref<32x577xf32, #tpu.memory_space<vmem>>[vector<16xi32>, vector<16xi32>], vector<16xf32>,
          %add3A_376 = vector.broadcast %mul3A_141 : i32 to vector<16xi32>
          %add3A_377 = arith.addi %add3A_376, %iota3A : vector<16xi32>
          %add3A_378 = arith.constant 19 : i32
          %add3A_379 = vector.broadcast %add3A_378 : i32 to vector<16xi32>
          %add3A_380 = arith.addi %broadcast_in_dim3A_1, %add3A_379 : vector<16xi32>
          tpu.vector_store_idx %arg12[%add3A_377, %add3A_380], %gather3A_375 : memref<32x128xf32, #tpu.memory_space<vmem>>[vector<16xi32>, vector<16xi32>], vector<16xf32>,
          %add3A_381 = arith.constant 0 : i32
          %add3A_382 = vector.broadcast %add3A_381 : i32 to vector<16xi32>
          %add3A_383 = arith.addi %broadcast_in_dim3A_1, %add3A_382 : vector<16xi32>
          %add3A_384 = arith.constant 20 : i32
          %add3A_385 = vector.broadcast %add3A_384 : i32 to vector<16xi32>
          %add3A_386 = arith.addi %add3A_383, %add3A_385 : vector<16xi32>
          %gather3A_387 = tpu.vector_load_idx %arg11[%add3A_386, %select_n3A_125] : memref<32x577xf32, #tpu.memory_space<vmem>>[vector<16xi32>, vector<16xi32>], vector<16xf32>,
          %add3A_388 = vector.broadcast %mul3A_141 : i32 to vector<16xi32>
          %add3A_389 = arith.addi %add3A_388, %iota3A : vector<16xi32>
          %add3A_390 = arith.constant 20 : i32
          %add3A_391 = vector.broadcast %add3A_390 : i32 to vector<16xi32>
          %add3A_392 = arith.addi %broadcast_in_dim3A_1, %add3A_391 : vector<16xi32>
          tpu.vector_store_idx %arg12[%add3A_389, %add3A_392], %gather3A_387 : memref<32x128xf32, #tpu.memory_space<vmem>>[vector<16xi32>, vector<16xi32>], vector<16xf32>,
          %add3A_393 = arith.constant 0 : i32
          %add3A_394 = vector.broadcast %add3A_393 : i32 to vector<16xi32>
          %add3A_395 = arith.addi %broadcast_in_dim3A_1, %add3A_394 : vector<16xi32>
          %add3A_396 = arith.constant 21 : i32
          %add3A_397 = vector.broadcast %add3A_396 : i32 to vector<16xi32>
          %add3A_398 = arith.addi %add3A_395, %add3A_397 : vector<16xi32>
          %gather3A_399 = tpu.vector_load_idx %arg11[%add3A_398, %select_n3A_125] : memref<32x577xf32, #tpu.memory_space<vmem>>[vector<16xi32>, vector<16xi32>], vector<16xf32>,
          %add3A_400 = vector.broadcast %mul3A_141 : i32 to vector<16xi32>
          %add3A_401 = arith.addi %add3A_400, %iota3A : vector<16xi32>
          %add3A_402 = arith.constant 21 : i32
          %add3A_403 = vector.broadcast %add3A_402 : i32 to vector<16xi32>
          %add3A_404 = arith.addi %broadcast_in_dim3A_1, %add3A_403 : vector<16xi32>
          tpu.vector_store_idx %arg12[%add3A_401, %add3A_404], %gather3A_399 : memref<32x128xf32, #tpu.memory_space<vmem>>[vector<16xi32>, vector<16xi32>], vector<16xf32>,
          %add3A_405 = arith.constant 0 : i32
          %add3A_406 = vector.broadcast %add3A_405 : i32 to vector<16xi32>
          %add3A_407 = arith.addi %broadcast_in_dim3A_1, %add3A_406 : vector<16xi32>
          %add3A_408 = arith.constant 22 : i32
          %add3A_409 = vector.broadcast %add3A_408 : i32 to vector<16xi32>
          %add3A_410 = arith.addi %add3A_407, %add3A_409 : vector<16xi32>
          %gather3A_411 = tpu.vector_load_idx %arg11[%add3A_410, %select_n3A_125] : memref<32x577xf32, #tpu.memory_space<vmem>>[vector<16xi32>, vector<16xi32>], vector<16xf32>,
          %add3A_412 = vector.broadcast %mul3A_141 : i32 to vector<16xi32>
          %add3A_413 = arith.addi %add3A_412, %iota3A : vector<16xi32>
          %add3A_414 = arith.constant 22 : i32
          %add3A_415 = vector.broadcast %add3A_414 : i32 to vector<16xi32>
          %add3A_416 = arith.addi %broadcast_in_dim3A_1, %add3A_415 : vector<16xi32>
          tpu.vector_store_idx %arg12[%add3A_413, %add3A_416], %gather3A_411 : memref<32x128xf32, #tpu.memory_space<vmem>>[vector<16xi32>, vector<16xi32>], vector<16xf32>,
          %add3A_417 = arith.constant 0 : i32
          %add3A_418 = vector.broadcast %add3A_417 : i32 to vector<16xi32>
          %add3A_419 = arith.addi %broadcast_in_dim3A_1, %add3A_418 : vector<16xi32>
          %add3A_420 = arith.constant 23 : i32
          %add3A_421 = vector.broadcast %add3A_420 : i32 to vector<16xi32>
          %add3A_422 = arith.addi %add3A_419, %add3A_421 : vector<16xi32>
          %gather3A_423 = tpu.vector_load_idx %arg11[%add3A_422, %select_n3A_125] : memref<32x577xf32, #tpu.memory_space<vmem>>[vector<16xi32>, vector<16xi32>], vector<16xf32>,
          %add3A_424 = vector.broadcast %mul3A_141 : i32 to vector<16xi32>
          %add3A_425 = arith.addi %add3A_424, %iota3A : vector<16xi32>
          %add3A_426 = arith.constant 23 : i32
          %add3A_427 = vector.broadcast %add3A_426 : i32 to vector<16xi32>
          %add3A_428 = arith.addi %broadcast_in_dim3A_1, %add3A_427 : vector<16xi32>
          tpu.vector_store_idx %arg12[%add3A_425, %add3A_428], %gather3A_423 : memref<32x128xf32, #tpu.memory_space<vmem>>[vector<16xi32>, vector<16xi32>], vector<16xf32>,
          %add3A_429 = arith.constant 0 : i32
          %add3A_430 = vector.broadcast %add3A_429 : i32 to vector<16xi32>
          %add3A_431 = arith.addi %broadcast_in_dim3A_1, %add3A_430 : vector<16xi32>
          %add3A_432 = arith.constant 24 : i32
          %add3A_433 = vector.broadcast %add3A_432 : i32 to vector<16xi32>
          %add3A_434 = arith.addi %add3A_431, %add3A_433 : vector<16xi32>
          %gather3A_435 = tpu.vector_load_idx %arg11[%add3A_434, %select_n3A_125] : memref<32x577xf32, #tpu.memory_space<vmem>>[vector<16xi32>, vector<16xi32>], vector<16xf32>,
          %add3A_436 = vector.broadcast %mul3A_141 : i32 to vector<16xi32>
          %add3A_437 = arith.addi %add3A_436, %iota3A : vector<16xi32>
          %add3A_438 = arith.constant 24 : i32
          %add3A_439 = vector.broadcast %add3A_438 : i32 to vector<16xi32>
          %add3A_440 = arith.addi %broadcast_in_dim3A_1, %add3A_439 : vector<16xi32>
          tpu.vector_store_idx %arg12[%add3A_437, %add3A_440], %gather3A_435 : memref<32x128xf32, #tpu.memory_space<vmem>>[vector<16xi32>, vector<16xi32>], vector<16xf32>,
          %add3A_441 = arith.constant 0 : i32
          %add3A_442 = vector.broadcast %add3A_441 : i32 to vector<16xi32>
          %add3A_443 = arith.addi %broadcast_in_dim3A_1, %add3A_442 : vector<16xi32>
          %add3A_444 = arith.constant 25 : i32
          %add3A_445 = vector.broadcast %add3A_444 : i32 to vector<16xi32>
          %add3A_446 = arith.addi %add3A_443, %add3A_445 : vector<16xi32>
          %gather3A_447 = tpu.vector_load_idx %arg11[%add3A_446, %select_n3A_125] : memref<32x577xf32, #tpu.memory_space<vmem>>[vector<16xi32>, vector<16xi32>], vector<16xf32>,
          %add3A_448 = vector.broadcast %mul3A_141 : i32 to vector<16xi32>
          %add3A_449 = arith.addi %add3A_448, %iota3A : vector<16xi32>
          %add3A_450 = arith.constant 25 : i32
          %add3A_451 = vector.broadcast %add3A_450 : i32 to vector<16xi32>
          %add3A_452 = arith.addi %broadcast_in_dim3A_1, %add3A_451 : vector<16xi32>
          tpu.vector_store_idx %arg12[%add3A_449, %add3A_452], %gather3A_447 : memref<32x128xf32, #tpu.memory_space<vmem>>[vector<16xi32>, vector<16xi32>], vector<16xf32>,
          %add3A_453 = arith.constant 0 : i32
          %add3A_454 = vector.broadcast %add3A_453 : i32 to vector<16xi32>
          %add3A_455 = arith.addi %broadcast_in_dim3A_1, %add3A_454 : vector<16xi32>
          %add3A_456 = arith.constant 26 : i32
          %add3A_457 = vector.broadcast %add3A_456 : i32 to vector<16xi32>
          %add3A_458 = arith.addi %add3A_455, %add3A_457 : vector<16xi32>
          %gather3A_459 = tpu.vector_load_idx %arg11[%add3A_458, %select_n3A_125] : memref<32x577xf32, #tpu.memory_space<vmem>>[vector<16xi32>, vector<16xi32>], vector<16xf32>,
          %add3A_460 = vector.broadcast %mul3A_141 : i32 to vector<16xi32>
          %add3A_461 = arith.addi %add3A_460, %iota3A : vector<16xi32>
          %add3A_462 = arith.constant 26 : i32
          %add3A_463 = vector.broadcast %add3A_462 : i32 to vector<16xi32>
          %add3A_464 = arith.addi %broadcast_in_dim3A_1, %add3A_463 : vector<16xi32>
          tpu.vector_store_idx %arg12[%add3A_461, %add3A_464], %gather3A_459 : memref<32x128xf32, #tpu.memory_space<vmem>>[vector<16xi32>, vector<16xi32>], vector<16xf32>,
          %add3A_465 = arith.constant 0 : i32
          %add3A_466 = vector.broadcast %add3A_465 : i32 to vector<16xi32>
          %add3A_467 = arith.addi %broadcast_in_dim3A_1, %add3A_466 : vector<16xi32>
          %add3A_468 = arith.constant 27 : i32
          %add3A_469 = vector.broadcast %add3A_468 : i32 to vector<16xi32>
          %add3A_470 = arith.addi %add3A_467, %add3A_469 : vector<16xi32>
          %gather3A_471 = tpu.vector_load_idx %arg11[%add3A_470, %select_n3A_125] : memref<32x577xf32, #tpu.memory_space<vmem>>[vector<16xi32>, vector<16xi32>], vector<16xf32>,
          %add3A_472 = vector.broadcast %mul3A_141 : i32 to vector<16xi32>
          %add3A_473 = arith.addi %add3A_472, %iota3A : vector<16xi32>
          %add3A_474 = arith.constant 27 : i32
          %add3A_475 = vector.broadcast %add3A_474 : i32 to vector<16xi32>
          %add3A_476 = arith.addi %broadcast_in_dim3A_1, %add3A_475 : vector<16xi32>
          tpu.vector_store_idx %arg12[%add3A_473, %add3A_476], %gather3A_471 : memref<32x128xf32, #tpu.memory_space<vmem>>[vector<16xi32>, vector<16xi32>], vector<16xf32>,
          %add3A_477 = arith.constant 0 : i32
          %add3A_478 = vector.broadcast %add3A_477 : i32 to vector<16xi32>
          %add3A_479 = arith.addi %broadcast_in_dim3A_1, %add3A_478 : vector<16xi32>
          %add3A_480 = arith.constant 28 : i32
          %add3A_481 = vector.broadcast %add3A_480 : i32 to vector<16xi32>
          %add3A_482 = arith.addi %add3A_479, %add3A_481 : vector<16xi32>
          %gather3A_483 = tpu.vector_load_idx %arg11[%add3A_482, %select_n3A_125] : memref<32x577xf32, #tpu.memory_space<vmem>>[vector<16xi32>, vector<16xi32>], vector<16xf32>,
          %add3A_484 = vector.broadcast %mul3A_141 : i32 to vector<16xi32>
          %add3A_485 = arith.addi %add3A_484, %iota3A : vector<16xi32>
          %add3A_486 = arith.constant 28 : i32
          %add3A_487 = vector.broadcast %add3A_486 : i32 to vector<16xi32>
          %add3A_488 = arith.addi %broadcast_in_dim3A_1, %add3A_487 : vector<16xi32>
          tpu.vector_store_idx %arg12[%add3A_485, %add3A_488], %gather3A_483 : memref<32x128xf32, #tpu.memory_space<vmem>>[vector<16xi32>, vector<16xi32>], vector<16xf32>,
          %add3A_489 = arith.constant 0 : i32
          %add3A_490 = vector.broadcast %add3A_489 : i32 to vector<16xi32>
          %add3A_491 = arith.addi %broadcast_in_dim3A_1, %add3A_490 : vector<16xi32>
          %add3A_492 = arith.constant 29 : i32
          %add3A_493 = vector.broadcast %add3A_492 : i32 to vector<16xi32>
          %add3A_494 = arith.addi %add3A_491, %add3A_493 : vector<16xi32>
          %gather3A_495 = tpu.vector_load_idx %arg11[%add3A_494, %select_n3A_125] : memref<32x577xf32, #tpu.memory_space<vmem>>[vector<16xi32>, vector<16xi32>], vector<16xf32>,
          %add3A_496 = vector.broadcast %mul3A_141 : i32 to vector<16xi32>
          %add3A_497 = arith.addi %add3A_496, %iota3A : vector<16xi32>
          %add3A_498 = arith.constant 29 : i32
          %add3A_499 = vector.broadcast %add3A_498 : i32 to vector<16xi32>
          %add3A_500 = arith.addi %broadcast_in_dim3A_1, %add3A_499 : vector<16xi32>
          tpu.vector_store_idx %arg12[%add3A_497, %add3A_500], %gather3A_495 : memref<32x128xf32, #tpu.memory_space<vmem>>[vector<16xi32>, vector<16xi32>], vector<16xf32>,
          %add3A_501 = arith.constant 0 : i32
          %add3A_502 = vector.broadcast %add3A_501 : i32 to vector<16xi32>
          %add3A_503 = arith.addi %broadcast_in_dim3A_1, %add3A_502 : vector<16xi32>
          %add3A_504 = arith.constant 30 : i32
          %add3A_505 = vector.broadcast %add3A_504 : i32 to vector<16xi32>
          %add3A_506 = arith.addi %add3A_503, %add3A_505 : vector<16xi32>
          %gather3A_507 = tpu.vector_load_idx %arg11[%add3A_506, %select_n3A_125] : memref<32x577xf32, #tpu.memory_space<vmem>>[vector<16xi32>, vector<16xi32>], vector<16xf32>,
          %add3A_508 = vector.broadcast %mul3A_141 : i32 to vector<16xi32>
          %add3A_509 = arith.addi %add3A_508, %iota3A : vector<16xi32>
          %add3A_510 = arith.constant 30 : i32
          %add3A_511 = vector.broadcast %add3A_510 : i32 to vector<16xi32>
          %add3A_512 = arith.addi %broadcast_in_dim3A_1, %add3A_511 : vector<16xi32>
          tpu.vector_store_idx %arg12[%add3A_509, %add3A_512], %gather3A_507 : memref<32x128xf32, #tpu.memory_space<vmem>>[vector<16xi32>, vector<16xi32>], vector<16xf32>,
          %add3A_513 = arith.constant 0 : i32
          %add3A_514 = vector.broadcast %add3A_513 : i32 to vector<16xi32>
          %add3A_515 = arith.addi %broadcast_in_dim3A_1, %add3A_514 : vector<16xi32>
          %add3A_516 = arith.constant 31 : i32
          %add3A_517 = vector.broadcast %add3A_516 : i32 to vector<16xi32>
          %add3A_518 = arith.addi %add3A_515, %add3A_517 : vector<16xi32>
          %gather3A_519 = tpu.vector_load_idx %arg11[%add3A_518, %select_n3A_125] : memref<32x577xf32, #tpu.memory_space<vmem>>[vector<16xi32>, vector<16xi32>], vector<16xf32>,
          %add3A_520 = vector.broadcast %mul3A_141 : i32 to vector<16xi32>
          %add3A_521 = arith.addi %add3A_520, %iota3A : vector<16xi32>
          %add3A_522 = arith.constant 31 : i32
          %add3A_523 = vector.broadcast %add3A_522 : i32 to vector<16xi32>
          %add3A_524 = arith.addi %broadcast_in_dim3A_1, %add3A_523 : vector<16xi32>
          tpu.vector_store_idx %arg12[%add3A_521, %add3A_524], %gather3A_519 : memref<32x128xf32, #tpu.memory_space<vmem>>[vector<16xi32>, vector<16xi32>], vector<16xf32>,
          %multiple_of3A_525 = tpu.assume_multiple %mul3A_141, 16 : i32
          %dma_start3A_526 = arith.constant 0 : i32
          %dma_start3A_527 = tpu.memref_slice %arg12[%multiple_of3A_525, %dma_start3A_526] : memref<32x128xf32, #tpu.memory_space<vmem>> -> memref<16x128xf32, #tpu.memory_space<vmem>>
          %dma_start3A_528 = arith.constant 0 : i32
          %dma_start3A_529 = arith.constant 0 : i32
          %dma_start3A_530 = tpu.memref_slice %arg5[%dma_start3A_528, %dma_start3A_529] : memref<16416x128xf32, #tpu.memory_space<hbm>> -> memref<16416x128xf32, #tpu.memory_space<hbm>>
          tpu.enqueue_indirect_dma source(%dma_start3A_527 : memref<16x128xf32, #tpu.memory_space<vmem>>) target(%dma_start3A_530 : memref<16416x128xf32, #tpu.memory_space<hbm>>) offsets(%select_n3A_133 : vector<16xi32>) semaphore(%arg14 : memref<!tpu.dma_semaphore, #tpu.memory_space<semaphore_mem>>)
          %add3A_531 = arith.constant 1 : i32
          %add3A_532 = arith.addi %scan3A_100, %add3A_531 : i32
          scf.yield %add3A_532 : i32
        }
        %scan3A_98 = arith.constant 1024 : i32
        scf.yield %scan3A_97 : i32
      }
      scf.yield %cond3A_92 : i32
    } else {
      scf.yield %while3A_57 : i32
    }
    %min3A = arith.constant 2 : i32
    %min3A_61 = arith.minsi %cond3A_60, %min3A : i32
    %while3A_62 = arith.constant 0 : i32
    %while3A_63 = arith.constant 0 : i32
    %while3A_64 = arith.subi %min3A_61, %while3A_63 : i32
    %while3A_65 = arith.addi %while3A_63, %while3A_64 : i32
    %while3A_66 = arith.constant 1 : i32
    %while3A_67 = arith.divsi %while3A_64, %while3A_66 : i32
    %while3A_68 = arith.muli %while3A_67, %while3A_66 : i32
    %while3A_69 = arith.addi %while3A_63, %while3A_68 : i32
    %while3A_70 = arith.constant 1 : i32
    scf.for %while3A_72 = %while3A_63 to %while3A_69 step %while3A_70  : i32 {
      %dma_wait3A = arith.constant 0 : i32
      %dma_wait3A_73 = arith.constant 0 : i32
      %dma_wait3A_74 = tpu.memref_slice %arg12[%dma_wait3A, %dma_wait3A_73] : memref<32x128xf32, #tpu.memory_space<vmem>> -> memref<16x128xf32, #tpu.memory_space<vmem>>
      %dma_wait3A_75 = arith.constant 0 : i32
      %dma_wait3A_76 = arith.constant 0 : i32
      %dma_wait3A_77 = tpu.memref_slice %arg5[%dma_wait3A_75, %dma_wait3A_76] : memref<16416x128xf32, #tpu.memory_space<hbm>> -> memref<16x128xf32, #tpu.memory_space<hbm>>
      %dma_wait3A_78 = arith.constant 0 : i32
      %dma_wait3A_79 = arith.constant 0 : i32
      %dma_wait3A_80 = tpu.memref_slice %arg5[%dma_wait3A_78, %dma_wait3A_79] : memref<16416x128xf32, #tpu.memory_space<hbm>> -> memref<16x128xf32, #tpu.memory_space<hbm>>
      %dma_wait3A_81 = arith.constant 0 : i32
      %dma_wait3A_82 = arith.constant 0 : i32
      %dma_wait3A_83 = tpu.memref_slice %arg12[%dma_wait3A_81, %dma_wait3A_82] : memref<32x128xf32, #tpu.memory_space<vmem>> -> memref<16x128xf32, #tpu.memory_space<vmem>>
      tpu.wait_dma2 semaphore(%arg14 : memref<!tpu.dma_semaphore, #tpu.memory_space<semaphore_mem>>) src(%dma_wait3A_83 : memref<16x128xf32, #tpu.memory_space<vmem>>) dst(%dma_wait3A_80 : memref<16x128xf32, #tpu.memory_space<hbm>>)
    }
    %while3A_71 = arith.constant 1 : i32
    scf.for %while3A_72 = %while3A_69 to %while3A_65 step %while3A_71  : i32 {
      %dma_wait3A = arith.constant 0 : i32
      %dma_wait3A_73 = arith.constant 0 : i32
      %dma_wait3A_74 = tpu.memref_slice %arg12[%dma_wait3A, %dma_wait3A_73] : memref<32x128xf32, #tpu.memory_space<vmem>> -> memref<16x128xf32, #tpu.memory_space<vmem>>
      %dma_wait3A_75 = arith.constant 0 : i32
      %dma_wait3A_76 = arith.constant 0 : i32
      %dma_wait3A_77 = tpu.memref_slice %arg5[%dma_wait3A_75, %dma_wait3A_76] : memref<16416x128xf32, #tpu.memory_space<hbm>> -> memref<16x128xf32, #tpu.memory_space<hbm>>
      %dma_wait3A_78 = arith.constant 0 : i32
      %dma_wait3A_79 = arith.constant 0 : i32
      %dma_wait3A_80 = tpu.memref_slice %arg5[%dma_wait3A_78, %dma_wait3A_79] : memref<16416x128xf32, #tpu.memory_space<hbm>> -> memref<16x128xf32, #tpu.memory_space<hbm>>
      %dma_wait3A_81 = arith.constant 0 : i32
      %dma_wait3A_82 = arith.constant 0 : i32
      %dma_wait3A_83 = tpu.memref_slice %arg12[%dma_wait3A_81, %dma_wait3A_82] : memref<32x128xf32, #tpu.memory_space<vmem>> -> memref<16x128xf32, #tpu.memory_space<vmem>>
      tpu.wait_dma2 semaphore(%arg14 : memref<!tpu.dma_semaphore, #tpu.memory_space<semaphore_mem>>) src(%dma_wait3A_83 : memref<16x128xf32, #tpu.memory_space<vmem>>) dst(%dma_wait3A_80 : memref<16x128xf32, #tpu.memory_space<hbm>>)
    }
    return
  }
}

</mosaic_0001>

<sc_bundles>
// kernel: _sc_stream_gather.3.cloned.1.call-start
scs
__scs_entry_jumppad:
0x0: {  	(pc) =	sbr.rel $0x88, $3  }
0x1: {  	(tag) =	ssettag $0x0;
	lr =	simm.s32 $0x1  }
0x2: {  	[smem:$0x3F9E] =	sst lr;
	_ =	strace $0xD0000000  }
0x3: {  	_ = 	snop  }
0x4: {  	_ = 	snop  }
0x5: {  	_ = 	snop  }
0x6: {  	_ = 	snop  }
0x7: {  	_ = 	snop  }
__scs_overlays_trampoline_lowered:
0x8: {  	[smem:$0x3FAD] =	sst s0  }
0x9: {  	[smem:$0x3FAE] =	sst s1  }
0xa: {  	[smem:$0x3FAF] =	sst s2  }
0xb: {  	[smem:$0x3FB0] =	sst s3  }
0xc: {  	[smem:$0x3FB1] =	sst s4  }
0xd: {  	[smem:$0x3FB2] =	sst s5  }
0xe: {  	[smem:$0x3FB3] =	sst s6  }
0xf: {  	[smem:$0x3FB4] =	sst s7  }
0x10: {  	[smem:$0x3FB5] =	sst s8  }
0x11: {  	[smem:$0x3FB6] =	sst s9;
	s0 =	simm.s32 @!p0 $0x0  }
0x12: {  	s1 =	sld [smem:$0x3F9C];
	s0 =	simm.s32 @p0 $0x1  }
0x13: {  	[smem:$0x3FB7] =	sst s0;
	s0 =	simm.s32 @!p1 $0x0  }
0x14: {  	s2 =	sld [smem:$0x3F9B];
	s0 =	simm.s32 @p1 $0x1  }
0x15: {  	[smem:$0x3FB8] =	sst s0;
	s0 =	simm.s32 @!p2 $0x0  }
0x16: {  	s3 =	sld [smem:$0x3FDB];
	s0 =	simm.s32 @p2 $0x1  }
0x17: {  	s4 =	simm.s32 $0x1BF5;
	[smem:$0x3FBA] =	sst s0  }
0x18: {  	s0 =	sld [smem:$0x3F9D];
	_ =	swait.ge [sflag:s4], $0x0  }
0x19: {  	s7 =	sld [smem:$0x3F9E]  }
0x1a: {  	s8 =	sadd.s32 $0xFFFFE003, lr  }
0x1b: {  	s9 =	sadd.s32 $0xFFFFFEF7, lr;
	s5 =	simm.s32 $0xFFFFFFFF;
	p2 =	slt.u32 s8, $0xFFFFF086  }
0x1c: {  	p1 =	slt.u32 s9, $0xF7A;
	s5 =	simm.s32 @!p2 $0x0  }
0x1d: {  	s5 =	simm.s32 @p1 $0x1;
	p0 =	seq.s32 s7, s2  }
0x1e: {  	s7 =	smul.u32 @!p0 $0xF7A, s2;
	p2 =	seq.s32 @!p0 s5, $0x0  }
0x1f: {  	s9 =	smul.u32 $0xF7A, s1;
	s8 =	simm.s32 @!p0 $0x1BF5;
	p2 =	por !p2, p0  }
0x20: {  	[sflag:s8] =	ssyncset.s32 @!p0 $0xFFFFF086;
	s6 =	sadd.s32 @!p0 s3, s7;
	s7 =	simm.s32 @!p0 $0x108  }
0x21: {  	s3 =	sadd.s32 s3, s9;
	s6 =	sadd.s32 @!p0 $0x88, s6;
	s7 =	simm.s32 @p2 $0x1082  }
0x22: {  	[simem:s7], [sflag:s8] =	dma.local @!p0 [hbm:s6], $0xF7A  }
0x23: {  	s9 =	sor.u32 $0xD0000000, s2;
	s6 =	simm.s32 $0x108;
	_ =	swait.ge @!p0 [sflag:s8], $0x0  }
0x24: {  	s3 =	sadd.s32 $0x88, s3;
	s6 =	simm.s32 @!p1 $0x1082;
	[sflag:s4] =	ssyncset.s32 $0xFFFFF086  }
0x25: {  	[simem:s6], [sflag:s4] =	dma.local [hbm:s3], $0xF7A  }
0x26: {  	[smem:$0x3F9E] =	sst s1;
	(tag) =	ssettag s2;
	_ =	strace s9  }
0x27: {  	s1 =	sld [smem:$0x3FAE]  }
0x28: {  	s2 =	sld [smem:$0x3FAF]  }
0x29: {  	s4 =	sld [smem:$0x3FB1]  }
0x2a: {  	p0 =	seq.s32 s5, $0x0;
	s5 =	sld [smem:$0x3FB2]  }
0x2b: {  	s6 =	sld [smem:$0x3FB3]  }
0x2c: {  	s7 =	sld [smem:$0x3FB4]  }
0x2d: {  	s3 =	simm.s32 $0x108;
	s8 =	sld [smem:$0x3FB5]  }
0x2e: {  	s3 =	simm.s32 @!p0 $0x1082;
	s9 =	sld [smem:$0x3FB6]  }
0x2f: {  	lr =	sadd.s32 s0, s3;
	s0 =	sld [smem:$0x3FAD]  }
0x30: {  	s3 =	sld [smem:$0x3FB0]  }
0x31: {  	[smem:$0x3FB9] =	sst s10  }
0x32: {  	s10 =	sld [smem:$0x3FB7];
	_ =	sdelay $0x3  }
0x33: {  	p0 =	seq.s32 s10, $0x1;
	s10 =	sld [smem:$0x3FB9];
	_ =	sdelay $0x3  }
0x34: {  	[smem:$0x3FB9] =	sst s10  }
0x35: {  	s10 =	sld [smem:$0x3FB8];
	_ =	sdelay $0x3  }
0x36: {  	p1 =	seq.s32 s10, $0x1;
	s10 =	sld [smem:$0x3FB9];
	_ =	sdelay $0x3  }
0x37: {  	[smem:$0x3FB9] =	sst s10  }
0x38: {  	s10 =	sld [smem:$0x3FBA]  }
0x39: {  	_ = 	snop;
	(pc) =	sbr.ind lr, $3  }
0x3a: {  	_ = 	snop  }
0x3b: {  	_ = 	snop  }
0x3c: {  	p2 =	seq.s32 s10, $0x1;
	s10 =	sld [smem:$0x3FB9]  }
0x3d: {  	_ =	shalt  }
0x3e: {  	_ =	shalt  }
0x3f: {  	_ =	shalt  }
0x40: {  	_ =	shalt  }
0x41: {  	_ =	shalt  }
0x42: {  	_ =	shalt  }
0x43: {  	_ =	shalt  }
0x44: {  	_ =	shalt  }
0x45: {  	_ =	shalt  }
0x46: {  	_ =	shalt  }
0x47: {  	_ =	shalt  }
0x48: {  	_ =	shalt  }
0x49: {  	_ =	shalt  }
0x4a: {  	_ =	shalt  }
0x4b: {  	_ =	shalt  }
0x4c: {  	_ =	shalt  }
0x4d: {  	_ =	shalt  }
0x4e: {  	_ =	shalt  }
0x4f: {  	_ =	shalt  }
0x50: {  	_ =	shalt  }
0x51: {  	_ =	shalt  }
0x52: {  	_ =	shalt  }
0x53: {  	_ =	shalt  }
0x54: {  	_ =	shalt  }
0x55: {  	_ =	shalt  }
0x56: {  	_ =	shalt  }
0x57: {  	_ =	shalt  }
0x58: {  	_ =	shalt  }
0x59: {  	_ =	shalt  }
0x5a: {  	_ =	shalt  }
0x5b: {  	_ =	shalt  }
0x5c: {  	_ =	shalt  }
0x5d: {  	_ =	shalt  }
0x5e: {  	_ =	shalt  }
0x5f: {  	_ =	shalt  }
0x60: {  	_ =	shalt  }
0x61: {  	_ =	shalt  }
0x62: {  	_ =	shalt  }
0x63: {  	_ =	shalt  }
0x64: {  	_ =	shalt  }
0x65: {  	_ =	shalt  }
0x66: {  	_ =	shalt  }
0x67: {  	_ =	shalt  }
0x68: {  	_ =	shalt  }
0x69: {  	_ =	shalt  }
0x6a: {  	_ =	shalt  }
0x6b: {  	_ =	shalt  }
0x6c: {  	_ =	shalt  }
0x6d: {  	_ =	shalt  }
0x6e: {  	_ =	shalt  }
0x6f: {  	_ =	shalt  }
0x70: {  	_ =	shalt  }
0x71: {  	_ =	shalt  }
0x72: {  	_ =	shalt  }
0x73: {  	_ =	shalt  }
0x74: {  	_ =	shalt  }
0x75: {  	_ =	shalt  }
0x76: {  	_ =	shalt  }
0x77: {  	_ =	shalt  }
0x78: {  	_ =	shalt  }
0x79: {  	_ =	shalt  }
0x7a: {  	_ =	shalt  }
0x7b: {  	_ =	shalt  }
0x7c: {  	_ =	shalt  }
0x7d: {  	_ =	shalt  }
0x7e: {  	_ =	shalt  }
0x7f: {  	_ =	shalt  }
0x80: {  	_ =	shalt  }
0x81: {  	_ =	shalt  }
0x82: {  	_ =	shalt  }
0x83: {  	_ =	shalt  }
0x84: {  	_ =	shalt  }
0x85: {  	_ =	shalt  }
0x86: {  	_ =	shalt  }
0x87: {  	_ =	shalt  }
.Lfunc_end0:
.L_simem_size_0:
called_computation_lowered:
.L_overlay_start_0:
0x88: {  	s2 =	sld [smem:$0x3FD9]  }
0x89: {  	s3 =	sld [smem:$0x3FFE];
	_ =	sdelay $0x1  }
0x8a: {  	s1 =	srdreg.scid  }
0x8b: {  	s0 =	sand.u32 $0x1, s1  }
0x8c: {  	s18 =	sshll.u32 s0, $0xA;
	s2 =	sadd.s32 s3, s2  }
0x8d: {  	s2 =	sadd.s32 s2, s18  }
0x8e: {  	[smem:$0x3FC5] =	sst s2  }
0x8f: {  	_ = 	snop  }
0x90: {  	s2 =	sld [smem:$0x3FC9]  }
0x91: {  	s19 =	sld [smem:$0x3FC8]  }
0x92: {  	s4 =	sld [smem:$0x3FC7]  }
0x93: {  	s5 =	sld [smem:$0x3FD0];
	(tm) =	ssettm $0x1  }
0x94: {  	s6 =	sld [smem:$0x3FFB];
	_ =	sdelay $0x3  }
0x95: {  	_ =	strace s6  }
0x96: {  	s6 =	sld [smem:$0x3FFC];
	_ =	sdelay $0x3  }
0x97: {  	_ =	strace s6  }
0x98: {  	s6 =	sld [smem:$0x3FFD];
	_ =	sdelay $0x3  }
0x99: {  	_ =	strace s6  }
0x9a: {  	_ =	strace $0x8FFFFFFF  }
0x9b: {  	s20 =	sld [smem:$0x3FDB];
	_ =	sdelay $0x1  }
0x9c: {  	s7 =	simm.s32 $_scs_section_size  }
0x9d: {  	s8 =	simm.s32 $_size__tile_overlayer_lowered;
	s9 =	simm.s32 $_tile_overlayer_lowered  }
0x9e: {  	s23 =	simm.s32 $0x1BFF;
	s22 =	sshll.u32 s9, $0x1;
	s6 =	sadd.s32 s7, s20  }
0x9f: {  	s10 =	simm.s32 $0x0;
	s21 =	sshll.u32 s8, $0x1;
	s8 =	sadd.s32 s22, s6  }
0xa0: {  	[timem:s10], [sflag:s23] =	dma.local [hbm:s8], s21  }
0xa1: {  	_ =	swait.ge [sflag:s23], s21  }
0xa2: {  	s7 =	ssub.s32 $0x0, s21;
	[sflag:s23] =	ssyncset.done $0x0  }
0xa3: {  	[sflag:s23] =	ssyncadd.s32 s7;
	_ =	sdelay $0x1  }
0xa4: {  	s24 =	simm.s32 $0x1B8B  }
0xa5: {  	_ =	swait.ge [sflag:s24], $0x1  }
0xa6: {  	[sflag:s24] =	ssyncset.done $0x0  }
0xa7: {  	s25 =	simm.s32 $0x1B8E;
	[sflag:s24] =	ssyncadd.s32 $0xFFFFFFFF  }
0xa8: {  	s26 =	simm.s32 $execute0_lowered;
	[smem:$0x3FD2] =	sst s25  }
0xa9: {  	s7 =	sshll.u32 s26, $0x1;
	_ =	strace $0x80000046;
	[dreg:$0x1] =	wrdreg $0xFFFFFFFF  }
0xaa: {  	s28 =	simm.s32 $_size_execute0_lowered;
	s6 =	sadd.s32 s6, s7;
	[dreg:$0x0] =	wrdreg $0x0  }
0xab: {  	s7 =	sshll.u32 s28, $0x1;
	[dreg:$0x2] =	wrdreg s6  }
0xac: {  	[dreg:$0x3] =	wrdreg s7  }
0xad: {  	[dreg:$0x4] =	wrdreg $0xC0  }
0xae: {  	_ =	task [dreg:s10], $0x5FFFF  }
0xaf: {  	[dreg:$0x1] =	wrdreg $0xFFFFFFFF  }
0xb0: {  	[dreg:$0x0] =	wrdreg $0x60  }
0xb1: {  	[dreg:$0x2] =	wrdreg s2  }
0xb2: {  	[dreg:$0x3] =	wrdreg s19  }
0xb3: {  	[dreg:$0x4] =	wrdreg s4  }
0xb4: {  	[dreg:$0x5] =	wrdreg s5  }
0xb5: {  	[dreg:$0x6] =	wrdreg $0x9  }
0xb6: {  	_ =	task.clear_ibuf [dreg:s10], $0x7FFFF;
	_ =	strace $0x90000046  }
0xb7: {  	s29 =	simm.s32 $0x9;
	_ =	strace $0x80000048  }
0xb8: {  	_ =	swait.ge [sflag:s29], $0x1  }
0xb9: {  	[sflag:s29] =	ssyncadd.s32 $0xFFFFFFFF  }
0xba: {  	_ =	strace $0x90000048  }
0xbb: {  	_ =	sfence  }
0xbc: {  	s30 =	sld [smem:$0x0];
	_ =	sdelay $0x2  }
0xbd: {  	s31 =	sshll.u32 s1, $0xD;
	s1 =	sshrl.u32 s1, $0x2  }
0xbe: {  	s3 =	sand.u32 $0x4000, s31;
	s1 =	sadd.s32 s1, s30  }
0xbf: {  	s0 =	sor.u32 s3, s0;
	s1 =	sshll.u32 s1, $0x11  }
0xc0: {  	s0 =	sor.u32 s1, s0  }
0xc1: {  	s0 =	sadd.s32 $0x8F2B, s0  }
0xc2: {  	[sflag:s0] =	ssyncadd.remote.s32 $0x1  }
0xc3: {  	_ =	sfence.sel $0xFFFF  }
0xc4: {  	[dreg:$0x0] =	wrdreg $0xFFFFFFFF;
	(pc) =	sbr.abs _section_cstart, $3  }
0xc5: {  	[dreg:$0x1] =	wrdreg $0xFFFFFFFF  }
0xc6: {  	_ =	task.clear_ibuf [dreg:s10], $0x2FFFF;
	_ =	strace $0x9FFFFFFF  }
0xc7: {  	(tm) =	ssettm $0x7FFFFFFF  }
tec
execute0_lowered:
.L_overlay_start_1:
0x0: {  	(tag) =	ssettag $0x1  }
0x1: {  	s1 =	rddreg [dreg:$0x0]  }
0x2: {  	s2 =	rddreg [dreg:$0x1]  }
0x3: {  	s3 =	rddreg [dreg:$0x2];
	s5 =	simm.s32 $0x0  }
0x4: {  	[smem:$0x7FF] =	sst s5  }
0x5: {  	s4 =	rddreg [dreg:$0x3];
	v0 =	vimm.s32 $0x0;
	_ =	strace $0x80000047  }
0x6: {  	(xrf1) =	vunique.msk.u32 $0xffff, v0;
	_ =	sdelay $0x4  }
0x7: {  	s6 =	srdreg.scid;
	s12 =	simm.s32 $0x7A1400;
	s13 =	simm.s32 $0x8980  }
0x8: {  	s14 =	simm.s32 $0x3;
	s16 =	simm.s32 $0x8900;
	s17 =	simm.s32 $0x8080  }
0x9: {  	s18 =	simm.s32 $0x1;
	s19 =	simm.s32 $0x1D980;
	s21 =	simm.s32 $0x2  }
0xa: {  	s22 =	simm.s32 $0x0;
	s7 =	sand.u32 $0x1, s6;
	s6 =	stileid.u32  }
0xb: {  	s8 =	ssub.s32 $0x2, s7;
	s10 =	sshll.u32 s6, $0x1;
	p0 =	slt.u32 s6, $0x8  }
.Ltmp0:
0xc: {  	s9 =	sshrl.u32 s8, $0x1;
	s20 =	sor.u32 s7, s10;
	(pc) =	sbr.rel .LBB2_1-.Ltmp0, $4  }
0xd: {  	s7 =	simm.s32 $0x1F;
	s11 =	ssub.s32 s8, s9;
	s31 =	sshll.u32 s20, $0xA  }
0xe: {  	v3 =	vlaneseq.u32;
	vm0 =	vmmov $0xffff;
	vm1 =	vcmask $0x373C;
	s7 =	simm.s32 @!p0 $0x1E;
	s8 =	sshll.u32 s20, $0xD;
	s15 =	sor.u32 $0x4000, s20  }
0xf: {  	v4 =	vor.u32 $0x4000, v3;
	v5 =	vor.u32 $0x800, v3;
	v1 =	vmov s20;
	p0 =	sne.s32 s20, $0x10;
	s20 =	simm.s32 $0x18980;
	s9 =	sadd.s32 s2, s31  }
0x10: {  	v6 =	vor.u32 $0x20, v3;
	v8 =	vmul.u32 $0x80, v3;
	s10 =	smax.u32 s11, $0x1;
	s11 =	simm.s32 $0x2000;
	v2 =	vmov s15;
	s15 =	simm.s32 $0x4000;
	_, v7, _ =	vpop (xrf1)  }
.LBB2_33:
0x11: {  	[sflag:s21] =	ssyncadd.s32 $0xFFFFF800  }
.LBB2_34:
0x12: {  	s22 =	sadd.s32 $0x1, s22  }
0x13: {  	p1 =	sne.s32 s22, s10  }
.Ltmp1:
0x14: {  	_ = 	snop;
	(pc) =	sbr.rel @!p1 .LBB2_35-.Ltmp1, $1  }
0x15: {  	_ =	sdelay $0x3  }
.LBB2_1:
0x16: {  	[tilespmem:s13], [sflag:$0x1] =	stream.strided.gather [hbm4b:s9+s11], $0x8000, s12, s11, $0x38;
	[tilespmem:$0x1E980] =	vst v63  }
0x17: {  	_ = 	snop  }
0x18: {  	[tilespmem:s5], [sflag:$0x3] =	stream.linear.gather [hbm4b:s1+s5], $0x4000, $0x38;
	[tilespmem:$0x1E980] =	vst v63  }
0x19: {  	_ =	swait.ge [sflag:s14], $0x4000  }
0x1a: {  	[sflag:s14] =	ssyncset.done $0x0  }
0x1b: {  	[sflag:s14] =	ssyncadd.s32 $0xFFFFC000  }
0x1c: {  	[tilespmem:$0x8900] =	vst v0  }
0x1d: {  	[tilespmem:$0x8910] =	vst v0  }
0x1e: {  	[tilespmem:$0x8920] =	vst v0  }
0x1f: {  	[tilespmem:$0x8930] =	vst v0  }
0x20: {  	v9 =	vld [tilespmem:s5+$0x0];
	_ =	sdelay $0x4  }
0x21: {  	v10 =	vshrl.u32 v9, $0xA  }
0x22: {  	v10 =	vand.u32 $0x1F, v10  }
0x23: {  	vm2 =	veq.s32 v10, v1  }
0x24: {  	v10 =	vsel vm2, $0x1, v0  }
0x25: {  	(xrf0) =	vadd.scan.msk.s32 $0xffff, v10;
	_ =	sdelay $0x2  }
0x26: {  	s23 =	simm.s32 $0x10;
	v11 =	vmov s5;
	s28 =	simm.s32 $0x20  }
0x27: {  	s26 =	simm.s32 $0x0;
	s25 =	simm.s32 $0x0;
	s24 =	simm.s32 $0x0;
	v10 =	vadd.s32 $0xFFFFFFFF, v11  }
.LBB2_2:
0x28: {  	p1 =	sne.s32 s28, $0x3FF0;
	v10 =	vbroadcast v10, $0x0  }
0x29: {  	v11, _, _ =	vpop (xrf0)  }
0x2a: {  	v10 =	vadd.s32 v11, v10;
	(v2sf) =	vpush v11, $0xF  }
0x2b: {  	v11 =	vshll.u32 v9, $0xE;
	v10 =	vsel vm2, v10, v4  }
0x2c: {  	v9 =	vshll.u32 v9, $0x9;
	v11 =	vand.u32 $0xFFC000, v11  }
0x2d: {  	v9 =	vand.u32 $0xFF000000, v9;
	v11 =	vor.u32 s26, v11;
	s26 =	smov.u32 s23;
	s23 =	smov.u32 s28  }
0x2e: {  	v9 =	vor.u32 v9, v11  }
0x2f: {  	v9 =	vor.u32 v3, v9  }
0x30: {  	s25 =	sadd.s32 $0x10, s25;
	[tilespmem:v10+s15+$0x0] =	vst.idx.msk $0xffff, v9  }
0x31: {  	v9 =	vld [tilespmem:s25+$0x0];
	_ =	sdelay $0x4  }
0x32: {  	v10 =	vshrl.u32 v9, $0xA  }
0x33: {  	v10 =	vand.u32 $0x1F, v10  }
0x34: {  	vm2 =	veq.s32 v10, v1  }
0x35: {  	v10 =	vsel vm2, $0x1, v0;
	s29 =	spop (v2sf)  }
.Ltmp2:
0x36: {  	(xrf0) =	vadd.scan.msk.s32 $0xffff, v10;
	s24 =	sadd.s32 s24, s29;
	(pc) =	sbr.rel @p1 .LBB2_2-.Ltmp2, $3  }
0x37: {  	_ =	sdelay $0x1  }
0x38: {  	v10 =	vmov s24  }
0x39: {  	s28 =	sadd.s32 $0x10, s28;
	v10 =	vadd.s32 $0xFFFFFFFF, v10  }
0x3a: {  	v10 =	vbroadcast v10, $0x0  }
0x3b: {  	v11, _, _ =	vpop (xrf0)  }
0x3c: {  	v10 =	vadd.s32 v11, v10  }
0x3d: {  	v12 =	vshll.u32 v9, $0xE;
	v10 =	vsel vm2, v10, v4  }
0x3e: {  	v9 =	vshll.u32 v9, $0x9;
	v12 =	vand.u32 $0xFFC000, v12  }
0x3f: {  	v9 =	vand.u32 $0xFF000000, v9;
	v12 =	vor.u32 s26, v12  }
0x40: {  	v9 =	vor.u32 v9, v12  }
0x41: {  	v9 =	vor.u32 v3, v9  }
0x42: {  	s25 =	sadd.s32 $0x10, s25;
	[tilespmem:v10+s15+$0x0] =	vst.idx.msk $0xffff, v9  }
0x43: {  	v9 =	vld [tilespmem:s25+$0x0];
	_ =	sdelay $0x4  }
0x44: {  	v10 =	vshrl.u32 v9, $0xA  }
0x45: {  	v10 =	vand.u32 $0x1F, v10  }
0x46: {  	vm2 =	veq.s32 v10, v1  }
0x47: {  	v10 =	vsel vm2, $0x1, v0  }
0x48: {  	(xrf0) =	vadd.scan.msk.s32 $0xffff, v10;
	_ =	sdelay $0x2  }
0x49: {  	(v2sf) =	vpush v11, $0xF;
	_ =	sdelay $0x2  }
0x4a: {  	v10, _, _ =	vpop (xrf0)  }
0x4b: {  	(v2sf) =	vpush v10, $0xF;
	_ =	sdelay $0xa  }
0x4c: {  	s30 =	spop (v2sf)  }
0x4d: {  	s24 =	sadd.s32 s24, s30  }
0x4e: {  	v11 =	vmov s24  }
0x4f: {  	v11 =	vadd.s32 $0xFFFFFFFF, v11  }
0x50: {  	v11 =	vbroadcast v11, $0x0;
	s31 =	spop (v2sf)  }
0x51: {  	s26 =	sadd.s32 s24, s31  }
0x52: {  	v10 =	vadd.s32 v10, v11;
	s25 =	sadd.s32 $0xF, s26  }
0x53: {  	v11 =	vshll.u32 v9, $0xE;
	v10 =	vsel vm2, v10, v4;
	p1 =	slt.s32 s25, $0x10  }
.Ltmp3:
0x54: {  	v9 =	vshll.u32 v9, $0x9;
	v11 =	vand.u32 $0xFFC000, v11;
	(pc) =	sbr.rel @p1 .LBB2_7-.Ltmp3, $4  }
0x55: {  	v9 =	vand.u32 $0xFF000000, v9;
	v11 =	vor.u32 s23, v11  }
0x56: {  	v9 =	vor.u32 v9, v11  }
0x57: {  	v9 =	vor.u32 v3, v9  }
0x58: {  	[tilespmem:v10+s15+$0x0] =	vst.idx.msk $0xffff, v9  }
0x59: {  	s23 =	simm.s32 $0x4000  }
0x5a: {  	v11 =	vld [tilespmem:s23+$0x0];
	_ =	sdelay $0x4  }
0x5b: {  	v10 =	vshra.s32 v11, $0x18  }
0x5c: {  	s24 =	simm.s32 $0x0;
	vm2 =	vgt.s32 v10, $0x0  }
0x5d: {  	v9 =	vmov s26;
	v12 =	vor.u32 s24, v3;
	v10 =	vnsel vm2, $0x0, v10  }
0x5e: {  	vm2 =	vlt.s32 v12, v9;
	v10 =	vmin.u32 v10, $0x1F  }
0x5f: {  	(xrf1) =	vunique.msk.u32 vm2, v10;
	_ =	sdelay $0x8  }
0x60: {  	v62 =	vld.idx.msk [tilespmem:v10+s16+$0x0], $0xffff;
	_ =	sdelay $0x4  }
0x61: {  	v12 =	vsub.s32 v62, v7;
	_, v13, vm3 =	vpop (xrf1)  }
0x62: {  	s30 =	sshra.s32 s25, $0x1F;
	v12 =	vadd.s32 v13, v12  }
0x63: {  	s26 =	sshrl.u32 s30, $0x1C;
	v12 =	vadd.s32 v3, v12  }
0x64: {  	s31 =	sadd.s32 s26, s25;
	v63 =	vshll.u32 v10, $0x6;
	vm4 =	vlt.s32 v12, $0x40  }
0x65: {  	s25 =	sshra.s32 s31, $0x4;
	v13 =	vadd.s32 v63, v12;
	vm4 =	vmand vm2, vm4  }
0x66: {  	p1 =	sne.s32 s25, $0x1;
	vm2 =	vmand vm2, vm3;
	v13 =	vsel vm4, v13, v5  }
.Ltmp4:
0x67: {  	v10 =	vsel vm2, v10, v6;
	(pc) =	sbr.rel @!p1 .LBB2_6-.Ltmp4, $2  }
0x68: {  	_ =	sdelay $0x2  }
0x69: {  	s25 =	sadd.s32 $0xFFFFFFFF, s25;
	[tilespmem:v13+s17+$0x0] =	vst.idx.msk $0xffff, v11;
	v11 =	vadd.s32 $0x1, v12  }
.LBB2_5:
0x6a: {  	p1 =	sne.s32 s25, $0x1;
	[tilespmem:v10+s16+$0x0] =	vst.idx.msk $0xffff, v11;
	s23 =	sadd.s32 $0x10, s23;
	s24 =	sadd.s32 $0x10, s24  }
0x6b: {  	s25 =	sadd.s32 $0xFFFFFFFF, s25;
	v11 =	vld [tilespmem:s23+$0x0];
	_ =	sdelay $0x4  }
0x6c: {  	v10 =	vshra.s32 v11, $0x18  }
0x6d: {  	vm2 =	vgt.s32 v10, $0x0  }
0x6e: {  	v12 =	vor.u32 s24, v3;
	v10 =	vnsel vm2, $0x0, v10  }
0x6f: {  	vm2 =	vlt.s32 v12, v9;
	v12 =	vmin.u32 v10, $0x1F  }
0x70: {  	(xrf1) =	vunique.msk.u32 vm2, v12;
	_ =	sdelay $0x7  }
0x71: {  	v10 =	vld.idx.msk [tilespmem:v12+s16+$0x0], $0xffff;
	_ =	sdelay $0x5  }
0x72: {  	v10 =	vsub.s32 v10, v7;
	_, v13, vm3 =	vpop (xrf1)  }
0x73: {  	v10 =	vadd.s32 v13, v10;
	vm3 =	vmand vm2, vm3  }
0x74: {  	v13 =	vadd.s32 v3, v10;
	v10 =	vsel vm3, v12, v6  }
0x75: {  	v12 =	vshll.u32 v12, $0x6;
	vm3 =	vlt.s32 v13, $0x40  }
0x76: {  	v12 =	vadd.s32 v12, v13;
	vm2 =	vmand vm2, vm3  }
0x77: {  	v12 =	vsel vm2, v12, v5  }
.Ltmp5:
0x78: {  	(pc) =	sbr.rel @p1 .LBB2_5-.Ltmp5, $2  }
0x79: {  	_ =	sdelay $0x2  }
0x7a: {  	[tilespmem:v12+s17+$0x0] =	vst.idx.msk $0xffff, v11;
	v11 =	vadd.s32 $0x1, v13  }
.LBB2_6:
0x7b: {  	_ =	sdelay $0x3  }
0x7c: {  	[tilespmem:v10+s16+$0x0] =	vst.idx.msk $0xffff, v11  }
.LBB2_7:
.Ltmp6:
0x7d: {  	(pc) =	sbr.rel .LBB2_8-.Ltmp6, $2  }
0x7e: {  	_ =	sdelay $0x2  }
0x7f: {  	s23 =	simm.s32 $0x0;
	s24 =	simm.s32 $0x8080;
	s25 =	simm.s32 $0x0  }
.LBB2_15:
0x80: {  	_ =	sdelay $0x3  }
0x81: {  	[hbm4b:s4+s5] =	stream.indirect_vreg.scatter [tilespmem:s30], [sflag:$0x2], $0x80, v14, vm0, $0xb8;
	[tilespmem:$0x1E980] =	vst v63  }
.LBB2_16:
0x82: {  	p1 =	sne.s32 s25, s7  }
.Ltmp7:
0x83: {  	_ = 	snop;
	(pc) =	sbr.rel @!p1 .LBB2_17-.Ltmp7, $2  }
0x84: {  	_ =	sdelay $0x2  }
0x85: {  	s24 =	sadd.s32 $0x40, s24  }
.LBB2_8:
0x86: {  	s28 =	smov.u32 s25;
	s25 =	sadd.s32 $0x1, s25  }
0x87: {  	p1 =	sge.u32 s25, s7  }
0x88: {  	s26 =	sshll.u32 @!p1 s25, $0x12  }
0x89: {  	s29 =	sshll.u32 @!p1 s25, $0xF;
	s26 =	sor.u32 @!p1 s8, s26  }
0x8a: {  	s30 =	simm.s32 @!p1 $0x2000;
	s29 =	sand.u32 @!p1 $0x8000, s29;
	s26 =	sshrl.u32 @!p1 s26, $0x3  }
0x8b: {  	s31 =	simm.s32 @!p1 $0x7A1400;
	s29 =	sadd.s32 @!p1 $0x8980, s29;
	s26 =	sadd.s32 @!p1 s2, s26  }
0x8c: {  	[tilespmem:s29], [sflag:$0x1] =	stream.strided.gather @!p1 [hbm4b:s26+s30], $0x8000, s31, s30, $0x38;
	[tilespmem:$0x1E980] =	vst v63  }
0x8d: {  	_ =	swait.ge [sflag:s18], $0x8000  }
0x8e: {  	[sflag:s18] =	ssyncset.done $0x0  }
0x8f: {  	s30 =	sand.u32 $0x7FFFFFF0, s28;
	[sflag:s18] =	ssyncadd.s32 $0xFFFF8000  }
0x90: {  	v9 =	vld [tilespmem:s30+$0x8900];
	_ =	sdelay $0x1  }
0x91: {  	s31 =	sand.u32 $0xF, s28  }
0x92: {  	v10 =	vmov s31  }
0x93: {  	vm2 =	veq.s32 v10, v3  }
0x94: {  	v9 =	vnsel vm2, $0x0, v9  }
0x95: {  	(xrf0) =	vadd.scan.msk.s32 $0xffff, v9;
	_ =	sdelay $0x5  }
0x96: {  	v9, _, _ =	vpop (xrf0)  }
0x97: {  	(v2sf) =	vpush v9, $0xF;
	_ =	sdelay $0xe  }
0x98: {  	s26 =	spop (v2sf)  }
0x99: {  	p1 =	slt.s32 s26, $0x41  }
.Ltmp8:
0x9a: {  	_ = 	snop;
	(pc) =	sbr.rel @!p1 .LBB2_9-.Ltmp8, $3  }
0x9b: {  	_ =	sdelay $0x1  }
0x9c: {  	s29 =	sshll.u32 s28, $0x5  }
0x9d: {  	s29 =	sand.u32 $0x20, s29  }
0x9e: {  	p1 =	slt.s32 s26, $0x1  }
.Ltmp9:
0x9f: {  	_ = 	snop;
	(pc) =	sbr.rel @p1 .LBB2_16-.Ltmp9, $1  }
0xa0: {  	_ =	sdelay $0x3  }
0xa1: {  	v14 =	vld [tilespmem:s24+$0x0];
	_ =	sdelay $0x3  }
0xa2: {  	v9 =	vbroadcast v9, $0xF;
	s28 =	simm.s32 $0x0  }
0xa3: {  	v10 =	vor.u32 s28, v3;
	v11 =	vshrl.u32 v14, $0xE  }
0xa4: {  	v12 =	vmov s29;
	vm2 =	vlt.s32 v10, v9;
	v10 =	vand.u32 $0x3FF, v11  }
0xa5: {  	v11 =	vshll.u32 v12, $0xA;
	v15 =	vnsel vm2, $0x0, v10  }
0xa6: {  	v10 =	vbroadcast v11, $0x0;
	v11 =	vshll.u32 v15, $0x3  }
0xa7: {  	s28 =	sshrl.u32 s23, $0x1F;
	v17 =	vand.u32 $0x1C00, v11  }
0xa8: {  	s28 =	sadd.s32 s28, s23;
	v18 =	vand.u32 $0x7F, v15;
	v11 =	vor.u32 v10, v17  }
0xa9: {  	p1 =	slt.s32 s23, $0x2;
	s28 =	sand.u32 $0xFFFFFFFE, s28;
	v12 =	vor.u32 v18, v11  }
0xaa: {  	s29 =	simm.s32 @!p1 $0x2;
	s28 =	ssub.s32 s23, s28  }
0xab: {  	_ =	swait.ge @!p1 [sflag:s29], $0x800;
	s30 =	sshll.u32 s28, $0x4  }
0xac: {  	[sflag:s29] =	ssyncset.done @!p1 $0x0;
	v13 =	vmov s30  }
0xad: {  	[sflag:s29] =	ssyncadd.s32 @!p1 $0xFFFFF800;
	v13 =	vshll.u32 v13, $0x7  }
0xae: {  	v16 =	vor.u32 v8, v13;
	v19 =	vld.idx.msk [tilespmem:v12+s13+$0x0], $0xffff  }
0xaf: {  	v13 =	vor.u32 $0x80, v12;
	_ =	sdelay $0x3  }
0xb0: {  	[tilespmem:v16+s19+$0x0] =	vst.idx.msk $0xffff, v19  }
0xb1: {  	v53 =	vor.u32 $0x1, v16;
	v13 =	vld.idx.msk [tilespmem:v13+s13+$0x0], $0xffff  }
0xb2: {  	v20 =	vor.u32 $0x100, v12;
	_ =	sdelay $0x3  }
0xb3: {  	[tilespmem:v53+s19+$0x0] =	vst.idx.msk $0xffff, v13  }
0xb4: {  	v54 =	vor.u32 $0x2, v16;
	v13 =	vld.idx.msk [tilespmem:v20+s13+$0x0], $0xffff  }
0xb5: {  	v55 =	vor.u32 $0x180, v12;
	_ =	sdelay $0x3  }
0xb6: {  	[tilespmem:v54+s19+$0x0] =	vst.idx.msk $0xffff, v13  }
0xb7: {  	v56 =	vor.u32 $0x3, v16;
	v13 =	vld.idx.msk [tilespmem:v55+s13+$0x0], $0xffff  }
0xb8: {  	v57 =	vor.u32 $0x200, v12;
	_ =	sdelay $0x3  }
0xb9: {  	[tilespmem:v56+s19+$0x0] =	vst.idx.msk $0xffff, v13  }
0xba: {  	v58 =	vor.u32 $0x4, v16;
	v13 =	vld.idx.msk [tilespmem:v57+s13+$0x0], $0xffff  }
0xbb: {  	v59 =	vor.u32 $0x280, v12;
	_ =	sdelay $0x3  }
0xbc: {  	[tilespmem:v58+s19+$0x0] =	vst.idx.msk $0xffff, v13  }
0xbd: {  	v60 =	vor.u32 $0x5, v16;
	v13 =	vld.idx.msk [tilespmem:v59+s13+$0x0], $0xffff  }
0xbe: {  	v12 =	vor.u32 $0x300, v12;
	_ =	sdelay $0x3  }
0xbf: {  	[tilespmem:v60+s19+$0x0] =	vst.idx.msk $0xffff, v13  }
0xc0: {  	v11 =	vor.u32 v15, v11;
	v13 =	vor.u32 $0x6, v16;
	v12 =	vld.idx.msk [tilespmem:v12+s13+$0x0], $0xffff  }
0xc1: {  	v61 =	vor.u32 $0x380, v11;
	_ =	sdelay $0x3  }
0xc2: {  	v11 =	vor.u32 $0x2000, v10;
	[tilespmem:v13+s19+$0x0] =	vst.idx.msk $0xffff, v12  }
0xc3: {  	v62 =	vor.u32 $0x7, v16;
	v12 =	vor.u32 v11, v17;
	v13 =	vld.idx.msk [tilespmem:v61+s13+$0x0], $0xffff  }
0xc4: {  	v63 =	vor.u32 v12, v18;
	_ =	sdelay $0x3  }
0xc5: {  	[tilespmem:v62+s19+$0x0] =	vst.idx.msk $0xffff, v13  }
0xc6: {  	v24 =	vor.u32 $0x8, v16;
	v13 =	vld.idx.msk [tilespmem:v63+s13+$0x0], $0xffff  }
0xc7: {  	v21 =	vor.u32 $0x80, v63;
	_ =	sdelay $0x3  }
0xc8: {  	[tilespmem:v24+s19+$0x0] =	vst.idx.msk $0xffff, v13  }
0xc9: {  	v25 =	vor.u32 $0x9, v16;
	v13 =	vld.idx.msk [tilespmem:v21+s13+$0x0], $0xffff  }
0xca: {  	v26 =	vor.u32 $0x100, v63;
	_ =	sdelay $0x3  }
0xcb: {  	[tilespmem:v25+s19+$0x0] =	vst.idx.msk $0xffff, v13  }
0xcc: {  	v27 =	vor.u32 $0xA, v16;
	v13 =	vld.idx.msk [tilespmem:v26+s13+$0x0], $0xffff  }
0xcd: {  	v28 =	vor.u32 $0x180, v63;
	_ =	sdelay $0x3  }
0xce: {  	[tilespmem:v27+s19+$0x0] =	vst.idx.msk $0xffff, v13  }
0xcf: {  	v29 =	vor.u32 $0xB, v16;
	v13 =	vld.idx.msk [tilespmem:v28+s13+$0x0], $0xffff  }
0xd0: {  	v30 =	vor.u32 $0x200, v63;
	_ =	sdelay $0x3  }
0xd1: {  	[tilespmem:v29+s19+$0x0] =	vst.idx.msk $0xffff, v13  }
0xd2: {  	v31 =	vor.u32 $0xC, v16;
	v13 =	vld.idx.msk [tilespmem:v30+s13+$0x0], $0xffff  }
0xd3: {  	v32 =	vor.u32 $0x280, v63;
	_ =	sdelay $0x3  }
0xd4: {  	[tilespmem:v31+s19+$0x0] =	vst.idx.msk $0xffff, v13  }
0xd5: {  	v33 =	vor.u32 $0xD, v16;
	v13 =	vld.idx.msk [tilespmem:v32+s13+$0x0], $0xffff  }
0xd6: {  	v20 =	vor.u32 $0x300, v63;
	_ =	sdelay $0x3  }
0xd7: {  	[tilespmem:v33+s19+$0x0] =	vst.idx.msk $0xffff, v13  }
0xd8: {  	v34 =	vor.u32 $0xE, v16;
	v12 =	vor.u32 v12, v15;
	v13 =	vld.idx.msk [tilespmem:v20+s13+$0x0], $0xffff  }
0xd9: {  	v35 =	vor.u32 $0x380, v12;
	_ =	sdelay $0x3  }
0xda: {  	v12 =	vor.u32 $0x4000, v10;
	[tilespmem:v34+s19+$0x0] =	vst.idx.msk $0xffff, v13  }
0xdb: {  	v36 =	vor.u32 $0xF, v16;
	v13 =	vor.u32 v12, v17;
	v19 =	vld.idx.msk [tilespmem:v35+s13+$0x0], $0xffff  }
0xdc: {  	v37 =	vor.u32 v13, v18;
	_ =	sdelay $0x3  }
0xdd: {  	[tilespmem:v36+s19+$0x0] =	vst.idx.msk $0xffff, v19  }
0xde: {  	v38 =	vor.u32 $0x10, v16;
	v19 =	vld.idx.msk [tilespmem:v37+s13+$0x0], $0xffff  }
0xdf: {  	v22 =	vor.u32 $0x80, v37;
	_ =	sdelay $0x3  }
0xe0: {  	[tilespmem:v38+s19+$0x0] =	vst.idx.msk $0xffff, v19  }
0xe1: {  	v39 =	vor.u32 $0x11, v16;
	v19 =	vld.idx.msk [tilespmem:v22+s13+$0x0], $0xffff  }
0xe2: {  	v40 =	vor.u32 $0x100, v37;
	_ =	sdelay $0x3  }
0xe3: {  	[tilespmem:v39+s19+$0x0] =	vst.idx.msk $0xffff, v19  }
0xe4: {  	v41 =	vor.u32 $0x12, v16;
	v19 =	vld.idx.msk [tilespmem:v40+s13+$0x0], $0xffff  }
0xe5: {  	v42 =	vor.u32 $0x180, v37;
	_ =	sdelay $0x3  }
0xe6: {  	[tilespmem:v41+s19+$0x0] =	vst.idx.msk $0xffff, v19  }
0xe7: {  	v43 =	vor.u32 $0x13, v16;
	v19 =	vld.idx.msk [tilespmem:v42+s13+$0x0], $0xffff  }
0xe8: {  	v44 =	vor.u32 $0x200, v37;
	_ =	sdelay $0x3  }
0xe9: {  	[tilespmem:v43+s19+$0x0] =	vst.idx.msk $0xffff, v19  }
0xea: {  	v45 =	vor.u32 $0x14, v16;
	v19 =	vld.idx.msk [tilespmem:v44+s13+$0x0], $0xffff  }
0xeb: {  	v46 =	vor.u32 $0x280, v37;
	_ =	sdelay $0x3  }
0xec: {  	[tilespmem:v45+s19+$0x0] =	vst.idx.msk $0xffff, v19  }
0xed: {  	v47 =	vor.u32 $0x15, v16;
	v19 =	vld.idx.msk [tilespmem:v46+s13+$0x0], $0xffff  }
0xee: {  	v21 =	vor.u32 $0x300, v37;
	_ =	sdelay $0x3  }
0xef: {  	[tilespmem:v47+s19+$0x0] =	vst.idx.msk $0xffff, v19  }
0xf0: {  	v48 =	vor.u32 $0x16, v16;
	v13 =	vor.u32 v13, v15;
	v19 =	vld.idx.msk [tilespmem:v21+s13+$0x0], $0xffff  }
0xf1: {  	v49 =	vor.u32 $0x380, v13;
	_ =	sdelay $0x3  }
0xf2: {  	v13 =	vor.u32 $0x6000, v10;
	[tilespmem:v48+s19+$0x0] =	vst.idx.msk $0xffff, v19  }
0xf3: {  	v50 =	vor.u32 $0x17, v16;
	v17 =	vor.u32 v13, v17;
	v19 =	vld.idx.msk [tilespmem:v49+s13+$0x0], $0xffff  }
0xf4: {  	v18 =	vor.u32 v17, v18;
	_ =	sdelay $0x3  }
0xf5: {  	[tilespmem:v50+s19+$0x0] =	vst.idx.msk $0xffff, v19  }
0xf6: {  	v51 =	vor.u32 $0x18, v16;
	v19 =	vld.idx.msk [tilespmem:v18+s13+$0x0], $0xffff  }
0xf7: {  	v52 =	vor.u32 $0x80, v18;
	_ =	sdelay $0x3  }
0xf8: {  	[tilespmem:v51+s19+$0x0] =	vst.idx.msk $0xffff, v19  }
0xf9: {  	v53 =	vor.u32 $0x19, v16;
	v19 =	vld.idx.msk [tilespmem:v52+s13+$0x0], $0xffff  }
0xfa: {  	v54 =	vor.u32 $0x100, v18;
	_ =	sdelay $0x3  }
0xfb: {  	[tilespmem:v53+s19+$0x0] =	vst.idx.msk $0xffff, v19  }
0xfc: {  	v55 =	vor.u32 $0x1A, v16;
	v19 =	vld.idx.msk [tilespmem:v54+s13+$0x0], $0xffff  }
0xfd: {  	v56 =	vor.u32 $0x180, v18;
	_ =	sdelay $0x3  }
0xfe: {  	[tilespmem:v55+s19+$0x0] =	vst.idx.msk $0xffff, v19  }
0xff: {  	v57 =	vor.u32 $0x1B, v16;
	v19 =	vld.idx.msk [tilespmem:v56+s13+$0x0], $0xffff  }
0x100: {  	v58 =	vor.u32 $0x200, v18;
	_ =	sdelay $0x3  }
0x101: {  	[tilespmem:v57+s19+$0x0] =	vst.idx.msk $0xffff, v19  }
0x102: {  	v59 =	vor.u32 $0x1C, v16;
	v19 =	vld.idx.msk [tilespmem:v58+s13+$0x0], $0xffff  }
0x103: {  	v60 =	vor.u32 $0x280, v18;
	_ =	sdelay $0x3  }
0x104: {  	[tilespmem:v59+s19+$0x0] =	vst.idx.msk $0xffff, v19  }
0x105: {  	v61 =	vor.u32 $0x1D, v16;
	v19 =	vld.idx.msk [tilespmem:v60+s13+$0x0], $0xffff  }
0x106: {  	v18 =	vor.u32 $0x300, v18;
	_ =	sdelay $0x3  }
0x107: {  	[tilespmem:v61+s19+$0x0] =	vst.idx.msk $0xffff, v19  }
0x108: {  	v63 =	vor.u32 $0x1E, v16;
	v15 =	vor.u32 v17, v15;
	v62 =	vld.idx.msk [tilespmem:v18+s13+$0x0], $0xffff  }
0x109: {  	v15 =	vor.u32 $0x380, v15;
	_ =	sdelay $0x2  }
0x10a: {  	s26 =	sadd.s32 $0xF, s26  }
0x10b: {  	s26 =	sand.u32 $0xF0, s26;
	[tilespmem:v63+s19+$0x0] =	vst.idx.msk $0xffff, v62  }
0x10c: {  	p1 =	seq.s32 s26, $0x10;
	v14 =	vand.u32 $0x3FFF, v14;
	v16 =	vor.u32 $0x1F, v16;
	v15 =	vld.idx.msk [tilespmem:v15+s13+$0x0], $0xffff  }
.Ltmp10:
0x10d: {  	v14 =	vsel vm2, v14, v2;
	(pc) =	sbr.rel @p1 .LBB2_15-.Ltmp10, $4  }
0x10e: {  	_ = 	snop  }
0x10f: {  	s29 =	sshll.u32 s28, $0xD  }
0x110: {  	s23 =	sadd.s32 $0x1, s23;
	s29 =	sshra.s32 s29, $0x2  }
0x111: {  	s28 =	simm.s32 $0x10;
	s30 =	sadd.s32 $0x1D980, s29;
	s29 =	sadd.s32 $0x10, s24;
	[tilespmem:v16+s19+$0x0] =	vst.idx.msk $0xffff, v15  }
.LBB2_14:
0x112: {  	[hbm4b:s4+s5] =	stream.indirect_vreg.scatter [tilespmem:s30], [sflag:$0x2], $0x80, v14, vm0, $0xb8;
	[tilespmem:$0x1E980] =	vst v63  }
0x113: {  	s30 =	smov.u32 s28;
	s28 =	sadd.s32 $0x10, s28;
	v14 =	vld [tilespmem:s29+$0x0]  }
0x114: {  	p1 =	seq.s32 s26, s28;
	_ =	sdelay $0x3  }
0x115: {  	v15 =	vor.u32 s30, v3;
	v16 =	vshrl.u32 v14, $0xE  }
0x116: {  	vm2 =	vlt.s32 v15, v9;
	v15 =	vand.u32 $0x3FF, v16  }
0x117: {  	v15 =	vnsel vm2, $0x0, v15  }
0x118: {  	v16 =	vshll.u32 v15, $0x3  }
0x119: {  	v16 =	vand.u32 $0x1C00, v16  }
0x11a: {  	s30 =	sshrl.u32 s23, $0x1F;
	v17 =	vand.u32 $0x7F, v15;
	v18 =	vor.u32 v10, v16;
	v19 =	vor.u32 v11, v16  }
0x11b: {  	p2 =	slt.s32 s23, $0x2;
	s30 =	sadd.s32 s30, s23;
	v22 =	vor.u32 v17, v18;
	v23 =	vor.u32 v15, v18;
	v21 =	vor.u32 v19, v17  }
0x11c: {  	s31 =	simm.s32 @!p2 $0x2;
	s30 =	sand.u32 $0xFFFFFFFE, s30;
	v20 =	vor.u32 v19, v15;
	v18 =	vor.u32 v12, v16;
	v16 =	vor.u32 v13, v16  }
0x11d: {  	s30 =	ssub.s32 s23, s30;
	v19 =	vor.u32 v18, v17;
	v18 =	vor.u32 v18, v15;
	v17 =	vor.u32 v16, v17;
	_ =	swait.ge @!p2 [sflag:s31], $0x800  }
0x11e: {  	s0 =	sshll.u32 s30, $0x4;
	s30 =	sshll.u32 s30, $0xD;
	v16 =	vor.u32 v16, v15;
	[sflag:s31] =	ssyncset.done @!p2 $0x0  }
0x11f: {  	s30 =	sshra.s32 s30, $0x2;
	v15 =	vmov s0;
	[sflag:s31] =	ssyncadd.s32 @!p2 $0xFFFFF800  }
0x120: {  	v15 =	vshll.u32 v15, $0x7;
	v24 =	vld.idx.msk [tilespmem:v22+s13+$0x0], $0xffff  }
0x121: {  	v15 =	vor.u32 v8, v15  }
0x122: {  	v25 =	vor.u32 $0x80, v22;
	_ =	sdelay $0x3  }
0x123: {  	[tilespmem:v15+s19+$0x0] =	vst.idx.msk $0xffff, v24  }
0x124: {  	v24 =	vld.idx.msk [tilespmem:v25+s13+$0x0], $0xffff  }
0x125: {  	v25 =	vor.u32 $0x1, v15  }
0x126: {  	v26 =	vor.u32 $0x100, v22;
	_ =	sdelay $0x3  }
0x127: {  	[tilespmem:v25+s19+$0x0] =	vst.idx.msk $0xffff, v24  }
0x128: {  	v24 =	vld.idx.msk [tilespmem:v26+s13+$0x0], $0xffff  }
0x129: {  	v25 =	vor.u32 $0x2, v15  }
0x12a: {  	v26 =	vor.u32 $0x180, v22;
	_ =	sdelay $0x3  }
0x12b: {  	[tilespmem:v25+s19+$0x0] =	vst.idx.msk $0xffff, v24  }
0x12c: {  	v24 =	vld.idx.msk [tilespmem:v26+s13+$0x0], $0xffff  }
0x12d: {  	v25 =	vor.u32 $0x3, v15  }
0x12e: {  	v26 =	vor.u32 $0x200, v22;
	_ =	sdelay $0x3  }
0x12f: {  	[tilespmem:v25+s19+$0x0] =	vst.idx.msk $0xffff, v24  }
0x130: {  	v24 =	vld.idx.msk [tilespmem:v26+s13+$0x0], $0xffff  }
0x131: {  	v25 =	vor.u32 $0x4, v15  }
0x132: {  	v26 =	vor.u32 $0x280, v22;
	_ =	sdelay $0x3  }
0x133: {  	[tilespmem:v25+s19+$0x0] =	vst.idx.msk $0xffff, v24  }
0x134: {  	v24 =	vld.idx.msk [tilespmem:v26+s13+$0x0], $0xffff  }
0x135: {  	v25 =	vor.u32 $0x5, v15  }
0x136: {  	v22 =	vor.u32 $0x300, v22;
	_ =	sdelay $0x3  }
0x137: {  	[tilespmem:v25+s19+$0x0] =	vst.idx.msk $0xffff, v24  }
0x138: {  	v22 =	vld.idx.msk [tilespmem:v22+s13+$0x0], $0xffff  }
0x139: {  	v24 =	vor.u32 $0x6, v15  }
0x13a: {  	v23 =	vor.u32 $0x380, v23;
	_ =	sdelay $0x3  }
0x13b: {  	[tilespmem:v24+s19+$0x0] =	vst.idx.msk $0xffff, v22  }
0x13c: {  	v22 =	vld.idx.msk [tilespmem:v23+s13+$0x0], $0xffff  }
0x13d: {  	v23 =	vor.u32 $0x7, v15;
	_ =	sdelay $0x4  }
0x13e: {  	[tilespmem:v23+s19+$0x0] =	vst.idx.msk $0xffff, v22  }
0x13f: {  	v22 =	vld.idx.msk [tilespmem:v21+s13+$0x0], $0xffff  }
0x140: {  	v23 =	vor.u32 $0x8, v15  }
0x141: {  	v24 =	vor.u32 $0x80, v21;
	_ =	sdelay $0x3  }
0x142: {  	[tilespmem:v23+s19+$0x0] =	vst.idx.msk $0xffff, v22  }
0x143: {  	v22 =	vld.idx.msk [tilespmem:v24+s13+$0x0], $0xffff  }
0x144: {  	v23 =	vor.u32 $0x9, v15  }
0x145: {  	v24 =	vor.u32 $0x100, v21;
	_ =	sdelay $0x3  }
0x146: {  	[tilespmem:v23+s19+$0x0] =	vst.idx.msk $0xffff, v22  }
0x147: {  	v22 =	vld.idx.msk [tilespmem:v24+s13+$0x0], $0xffff  }
0x148: {  	v23 =	vor.u32 $0xA, v15  }
0x149: {  	v24 =	vor.u32 $0x180, v21;
	_ =	sdelay $0x3  }
0x14a: {  	[tilespmem:v23+s19+$0x0] =	vst.idx.msk $0xffff, v22  }
0x14b: {  	v22 =	vld.idx.msk [tilespmem:v24+s13+$0x0], $0xffff  }
0x14c: {  	v23 =	vor.u32 $0xB, v15  }
0x14d: {  	v24 =	vor.u32 $0x200, v21;
	_ =	sdelay $0x3  }
0x14e: {  	[tilespmem:v23+s19+$0x0] =	vst.idx.msk $0xffff, v22  }
0x14f: {  	v22 =	vld.idx.msk [tilespmem:v24+s13+$0x0], $0xffff  }
0x150: {  	v23 =	vor.u32 $0xC, v15  }
0x151: {  	v24 =	vor.u32 $0x280, v21;
	_ =	sdelay $0x3  }
0x152: {  	[tilespmem:v23+s19+$0x0] =	vst.idx.msk $0xffff, v22  }
0x153: {  	v22 =	vld.idx.msk [tilespmem:v24+s13+$0x0], $0xffff  }
0x154: {  	v23 =	vor.u32 $0xD, v15  }
0x155: {  	v21 =	vor.u32 $0x300, v21;
	_ =	sdelay $0x3  }
0x156: {  	[tilespmem:v23+s19+$0x0] =	vst.idx.msk $0xffff, v22  }
0x157: {  	v21 =	vld.idx.msk [tilespmem:v21+s13+$0x0], $0xffff  }
0x158: {  	v22 =	vor.u32 $0xE, v15  }
0x159: {  	v20 =	vor.u32 $0x380, v20;
	_ =	sdelay $0x3  }
0x15a: {  	[tilespmem:v22+s19+$0x0] =	vst.idx.msk $0xffff, v21  }
0x15b: {  	v20 =	vld.idx.msk [tilespmem:v20+s13+$0x0], $0xffff  }
0x15c: {  	v21 =	vor.u32 $0xF, v15;
	_ =	sdelay $0x4  }
0x15d: {  	[tilespmem:v21+s19+$0x0] =	vst.idx.msk $0xffff, v20  }
0x15e: {  	v20 =	vld.idx.msk [tilespmem:v19+s13+$0x0], $0xffff  }
0x15f: {  	v21 =	vor.u32 $0x10, v15  }
0x160: {  	v22 =	vor.u32 $0x80, v19;
	_ =	sdelay $0x3  }
0x161: {  	[tilespmem:v21+s19+$0x0] =	vst.idx.msk $0xffff, v20  }
0x162: {  	v20 =	vld.idx.msk [tilespmem:v22+s13+$0x0], $0xffff  }
0x163: {  	v21 =	vor.u32 $0x11, v15  }
0x164: {  	v22 =	vor.u32 $0x100, v19;
	_ =	sdelay $0x3  }
0x165: {  	[tilespmem:v21+s19+$0x0] =	vst.idx.msk $0xffff, v20  }
0x166: {  	v20 =	vld.idx.msk [tilespmem:v22+s13+$0x0], $0xffff  }
0x167: {  	v21 =	vor.u32 $0x12, v15  }
0x168: {  	v22 =	vor.u32 $0x180, v19;
	_ =	sdelay $0x3  }
0x169: {  	[tilespmem:v21+s19+$0x0] =	vst.idx.msk $0xffff, v20  }
0x16a: {  	v20 =	vld.idx.msk [tilespmem:v22+s13+$0x0], $0xffff  }
0x16b: {  	v21 =	vor.u32 $0x13, v15  }
0x16c: {  	v22 =	vor.u32 $0x200, v19;
	_ =	sdelay $0x3  }
0x16d: {  	[tilespmem:v21+s19+$0x0] =	vst.idx.msk $0xffff, v20  }
0x16e: {  	v20 =	vld.idx.msk [tilespmem:v22+s13+$0x0], $0xffff  }
0x16f: {  	v21 =	vor.u32 $0x14, v15  }
0x170: {  	v22 =	vor.u32 $0x280, v19;
	_ =	sdelay $0x3  }
0x171: {  	[tilespmem:v21+s19+$0x0] =	vst.idx.msk $0xffff, v20  }
0x172: {  	v20 =	vld.idx.msk [tilespmem:v22+s13+$0x0], $0xffff  }
0x173: {  	v21 =	vor.u32 $0x15, v15  }
0x174: {  	v19 =	vor.u32 $0x300, v19;
	_ =	sdelay $0x3  }
0x175: {  	[tilespmem:v21+s19+$0x0] =	vst.idx.msk $0xffff, v20  }
0x176: {  	v19 =	vld.idx.msk [tilespmem:v19+s13+$0x0], $0xffff  }
0x177: {  	v20 =	vor.u32 $0x16, v15  }
0x178: {  	v18 =	vor.u32 $0x380, v18;
	_ =	sdelay $0x3  }
0x179: {  	[tilespmem:v20+s19+$0x0] =	vst.idx.msk $0xffff, v19  }
0x17a: {  	v18 =	vld.idx.msk [tilespmem:v18+s13+$0x0], $0xffff  }
0x17b: {  	v19 =	vor.u32 $0x17, v15;
	_ =	sdelay $0x4  }
0x17c: {  	[tilespmem:v19+s19+$0x0] =	vst.idx.msk $0xffff, v18  }
0x17d: {  	v18 =	vld.idx.msk [tilespmem:v17+s13+$0x0], $0xffff  }
0x17e: {  	v19 =	vor.u32 $0x18, v15  }
0x17f: {  	v20 =	vor.u32 $0x80, v17;
	_ =	sdelay $0x3  }
0x180: {  	[tilespmem:v19+s19+$0x0] =	vst.idx.msk $0xffff, v18  }
0x181: {  	v18 =	vld.idx.msk [tilespmem:v20+s13+$0x0], $0xffff  }
0x182: {  	v19 =	vor.u32 $0x19, v15  }
0x183: {  	v20 =	vor.u32 $0x100, v17;
	_ =	sdelay $0x3  }
0x184: {  	[tilespmem:v19+s19+$0x0] =	vst.idx.msk $0xffff, v18  }
0x185: {  	v18 =	vld.idx.msk [tilespmem:v20+s13+$0x0], $0xffff  }
0x186: {  	v19 =	vor.u32 $0x1A, v15  }
0x187: {  	v20 =	vor.u32 $0x180, v17;
	_ =	sdelay $0x3  }
0x188: {  	[tilespmem:v19+s19+$0x0] =	vst.idx.msk $0xffff, v18  }
0x189: {  	v18 =	vld.idx.msk [tilespmem:v20+s13+$0x0], $0xffff  }
0x18a: {  	v19 =	vor.u32 $0x1B, v15  }
0x18b: {  	v20 =	vor.u32 $0x200, v17;
	_ =	sdelay $0x3  }
0x18c: {  	[tilespmem:v19+s19+$0x0] =	vst.idx.msk $0xffff, v18  }
0x18d: {  	v18 =	vld.idx.msk [tilespmem:v20+s13+$0x0], $0xffff  }
0x18e: {  	v19 =	vor.u32 $0x1C, v15  }
0x18f: {  	v20 =	vor.u32 $0x280, v17;
	_ =	sdelay $0x3  }
0x190: {  	[tilespmem:v19+s19+$0x0] =	vst.idx.msk $0xffff, v18  }
0x191: {  	v18 =	vld.idx.msk [tilespmem:v20+s13+$0x0], $0xffff  }
0x192: {  	v19 =	vor.u32 $0x1D, v15  }
0x193: {  	v17 =	vor.u32 $0x300, v17;
	_ =	sdelay $0x3  }
0x194: {  	[tilespmem:v19+s19+$0x0] =	vst.idx.msk $0xffff, v18  }
0x195: {  	v17 =	vld.idx.msk [tilespmem:v17+s13+$0x0], $0xffff  }
0x196: {  	v18 =	vor.u32 $0x1E, v15  }
0x197: {  	v16 =	vor.u32 $0x380, v16;
	_ =	sdelay $0x3  }
0x198: {  	[tilespmem:v18+s19+$0x0] =	vst.idx.msk $0xffff, v17  }
0x199: {  	v16 =	vld.idx.msk [tilespmem:v16+s13+$0x0], $0xffff  }
0x19a: {  	v14 =	vand.u32 $0x3FFF, v14;
	v15 =	vor.u32 $0x1F, v15  }
.Ltmp11:
0x19b: {  	v14 =	vsel vm2, v14, v2;
	(pc) =	sbr.rel @!p1 .LBB2_14-.Ltmp11, $2  }
0x19c: {  	_ =	sdelay $0x2  }
0x19d: {  	s29 =	sadd.s32 $0x10, s29;
	s23 =	sadd.s32 $0x1, s23;
	s30 =	sadd.s32 $0x1D980, s30;
	[tilespmem:v15+s19+$0x0] =	vst.idx.msk $0xffff, v16  }
.Ltmp12:
0x19e: {  	_ = 	snop;
	(pc) =	sbr.rel .LBB2_15-.Ltmp12, $1  }
0x19f: {  	_ =	sdelay $0x3  }
.LBB2_9:
0x1a0: {  	v10 =	vmov s28;
	s28 =	simm.s32 $0x0  }
0x1a1: {  	v14 =	vld [tilespmem:s28+$0x0];
	_ =	sdelay $0x4  }
0x1a2: {  	v15 =	vshrl.u32 v14, $0xA  }
0x1a3: {  	v16 =	vshra.s32 v14, $0xF;
	v15 =	vand.u32 $0x1F, v15  }
0x1a4: {  	vm3 =	veq.s32 v16, v10;
	vm2 =	veq.s32 v15, v1  }
0x1a5: {  	v9 =	vmov s29;
	v14 =	vand.u32 $0x3FF, v14;
	vm2 =	vmand vm3, vm2  }
0x1a6: {  	v9 =	vshll.u32 v9, $0xA;
	v14 =	vnsel vm2, $0x0, v14  }
0x1a7: {  	v9 =	vbroadcast v9, $0x0;
	v15 =	vshll.u32 v14, $0x3  }
0x1a8: {  	s0 =	sshrl.u32 s23, $0x1F;
	v16 =	vand.u32 $0x1C00, v15  }
0x1a9: {  	s0 =	sadd.s32 s0, s23;
	v17 =	vand.u32 $0x7F, v14;
	v18 =	vor.u32 v9, v16  }
0x1aa: {  	p1 =	slt.s32 s23, $0x2;
	s0 =	sand.u32 $0xFFFFFFFE, s0;
	v19 =	vor.u32 v17, v18  }
0x1ab: {  	s29 =	simm.s32 @!p1 $0x2;
	s26 =	ssub.s32 s23, s0  }
0x1ac: {  	_ =	swait.ge @!p1 [sflag:s29], $0x800;
	s0 =	sshll.u32 s26, $0x4  }
0x1ad: {  	[sflag:s29] =	ssyncset.done @!p1 $0x0;
	v15 =	vmov s0  }
0x1ae: {  	[sflag:s29] =	ssyncadd.s32 @!p1 $0xFFFFF800;
	v15 =	vshll.u32 v15, $0x7  }
0x1af: {  	v15 =	vor.u32 v8, v15;
	v20 =	vld.idx.msk [tilespmem:v19+s13+$0x0], $0xffff  }
0x1b0: {  	v21 =	vor.u32 $0x80, v19;
	_ =	sdelay $0x3  }
0x1b1: {  	[tilespmem:v15+s19+$0x0] =	vst.idx.msk $0xffff, v20  }
0x1b2: {  	v47 =	vor.u32 $0x1, v15;
	v20 =	vld.idx.msk [tilespmem:v21+s13+$0x0], $0xffff  }
0x1b3: {  	v22 =	vor.u32 $0x100, v19;
	_ =	sdelay $0x3  }
0x1b4: {  	[tilespmem:v47+s19+$0x0] =	vst.idx.msk $0xffff, v20  }
0x1b5: {  	v48 =	vor.u32 $0x2, v15;
	v20 =	vld.idx.msk [tilespmem:v22+s13+$0x0], $0xffff  }
0x1b6: {  	v49 =	vor.u32 $0x180, v19;
	_ =	sdelay $0x3  }
0x1b7: {  	[tilespmem:v48+s19+$0x0] =	vst.idx.msk $0xffff, v20  }
0x1b8: {  	v50 =	vor.u32 $0x3, v15;
	v20 =	vld.idx.msk [tilespmem:v49+s13+$0x0], $0xffff  }
0x1b9: {  	v51 =	vor.u32 $0x200, v19;
	_ =	sdelay $0x3  }
0x1ba: {  	[tilespmem:v50+s19+$0x0] =	vst.idx.msk $0xffff, v20  }
0x1bb: {  	v52 =	vor.u32 $0x4, v15;
	v20 =	vld.idx.msk [tilespmem:v51+s13+$0x0], $0xffff  }
0x1bc: {  	v53 =	vor.u32 $0x280, v19;
	_ =	sdelay $0x3  }
0x1bd: {  	[tilespmem:v52+s19+$0x0] =	vst.idx.msk $0xffff, v20  }
0x1be: {  	v54 =	vor.u32 $0x5, v15;
	v20 =	vld.idx.msk [tilespmem:v53+s13+$0x0], $0xffff  }
0x1bf: {  	v19 =	vor.u32 $0x300, v19;
	_ =	sdelay $0x3  }
0x1c0: {  	[tilespmem:v54+s19+$0x0] =	vst.idx.msk $0xffff, v20  }
0x1c1: {  	v18 =	vor.u32 v14, v18;
	v55 =	vor.u32 $0x6, v15;
	v19 =	vld.idx.msk [tilespmem:v19+s13+$0x0], $0xffff  }
0x1c2: {  	v18 =	vor.u32 $0x380, v18;
	_ =	sdelay $0x3  }
0x1c3: {  	v11 =	vor.u32 $0x2000, v9;
	[tilespmem:v55+s19+$0x0] =	vst.idx.msk $0xffff, v19  }
0x1c4: {  	v56 =	vor.u32 v11, v16;
	v57 =	vor.u32 $0x7, v15;
	v18 =	vld.idx.msk [tilespmem:v18+s13+$0x0], $0xffff  }
0x1c5: {  	v58 =	vor.u32 v56, v17;
	_ =	sdelay $0x3  }
0x1c6: {  	[tilespmem:v57+s19+$0x0] =	vst.idx.msk $0xffff, v18  }
0x1c7: {  	v59 =	vor.u32 $0x8, v15;
	v18 =	vld.idx.msk [tilespmem:v58+s13+$0x0], $0xffff  }
0x1c8: {  	v60 =	vor.u32 $0x80, v58;
	_ =	sdelay $0x3  }
0x1c9: {  	[tilespmem:v59+s19+$0x0] =	vst.idx.msk $0xffff, v18  }
0x1ca: {  	v61 =	vor.u32 $0x9, v15;
	v18 =	vld.idx.msk [tilespmem:v60+s13+$0x0], $0xffff  }
0x1cb: {  	v62 =	vor.u32 $0x100, v58;
	_ =	sdelay $0x3  }
0x1cc: {  	[tilespmem:v61+s19+$0x0] =	vst.idx.msk $0xffff, v18  }
0x1cd: {  	v63 =	vor.u32 $0xA, v15;
	v18 =	vld.idx.msk [tilespmem:v62+s13+$0x0], $0xffff  }
0x1ce: {  	v24 =	vor.u32 $0x180, v58;
	_ =	sdelay $0x3  }
0x1cf: {  	[tilespmem:v63+s19+$0x0] =	vst.idx.msk $0xffff, v18  }
0x1d0: {  	v25 =	vor.u32 $0xB, v15;
	v18 =	vld.idx.msk [tilespmem:v24+s13+$0x0], $0xffff  }
0x1d1: {  	v26 =	vor.u32 $0x200, v58;
	_ =	sdelay $0x3  }
0x1d2: {  	[tilespmem:v25+s19+$0x0] =	vst.idx.msk $0xffff, v18  }
0x1d3: {  	v27 =	vor.u32 $0xC, v15;
	v18 =	vld.idx.msk [tilespmem:v26+s13+$0x0], $0xffff  }
0x1d4: {  	v28 =	vor.u32 $0x280, v58;
	_ =	sdelay $0x3  }
0x1d5: {  	[tilespmem:v27+s19+$0x0] =	vst.idx.msk $0xffff, v18  }
0x1d6: {  	v29 =	vor.u32 $0xD, v15;
	v18 =	vld.idx.msk [tilespmem:v28+s13+$0x0], $0xffff  }
0x1d7: {  	v21 =	vor.u32 $0x300, v58;
	_ =	sdelay $0x3  }
0x1d8: {  	[tilespmem:v29+s19+$0x0] =	vst.idx.msk $0xffff, v18  }
0x1d9: {  	v30 =	vor.u32 v56, v14;
	v32 =	vor.u32 $0xE, v15;
	v31 =	vld.idx.msk [tilespmem:v21+s13+$0x0], $0xffff  }
0x1da: {  	v18 =	vor.u32 $0x380, v30;
	_ =	sdelay $0x3  }
0x1db: {  	v12 =	vor.u32 $0x4000, v9;
	[tilespmem:v32+s19+$0x0] =	vst.idx.msk $0xffff, v31  }
0x1dc: {  	v33 =	vor.u32 v12, v16;
	v34 =	vor.u32 $0xF, v15;
	v18 =	vld.idx.msk [tilespmem:v18+s13+$0x0], $0xffff  }
0x1dd: {  	v35 =	vor.u32 v33, v17;
	_ =	sdelay $0x3  }
0x1de: {  	[tilespmem:v34+s19+$0x0] =	vst.idx.msk $0xffff, v18  }
0x1df: {  	v36 =	vor.u32 $0x10, v15;
	v18 =	vld.idx.msk [tilespmem:v35+s13+$0x0], $0xffff  }
0x1e0: {  	v37 =	vor.u32 $0x80, v35;
	_ =	sdelay $0x3  }
0x1e1: {  	[tilespmem:v36+s19+$0x0] =	vst.idx.msk $0xffff, v18  }
0x1e2: {  	v38 =	vor.u32 $0x11, v15;
	v18 =	vld.idx.msk [tilespmem:v37+s13+$0x0], $0xffff  }
0x1e3: {  	v39 =	vor.u32 $0x100, v35;
	_ =	sdelay $0x3  }
0x1e4: {  	[tilespmem:v38+s19+$0x0] =	vst.idx.msk $0xffff, v18  }
0x1e5: {  	v40 =	vor.u32 $0x12, v15;
	v18 =	vld.idx.msk [tilespmem:v39+s13+$0x0], $0xffff  }
0x1e6: {  	v41 =	vor.u32 $0x180, v35;
	_ =	sdelay $0x3  }
0x1e7: {  	[tilespmem:v40+s19+$0x0] =	vst.idx.msk $0xffff, v18  }
0x1e8: {  	v42 =	vor.u32 $0x13, v15;
	v18 =	vld.idx.msk [tilespmem:v41+s13+$0x0], $0xffff  }
0x1e9: {  	v43 =	vor.u32 $0x200, v35;
	_ =	sdelay $0x3  }
0x1ea: {  	[tilespmem:v42+s19+$0x0] =	vst.idx.msk $0xffff, v18  }
0x1eb: {  	v44 =	vor.u32 $0x14, v15;
	v18 =	vld.idx.msk [tilespmem:v43+s13+$0x0], $0xffff  }
0x1ec: {  	v45 =	vor.u32 $0x280, v35;
	_ =	sdelay $0x3  }
0x1ed: {  	[tilespmem:v44+s19+$0x0] =	vst.idx.msk $0xffff, v18  }
0x1ee: {  	v46 =	vor.u32 $0x15, v15;
	v18 =	vld.idx.msk [tilespmem:v45+s13+$0x0], $0xffff  }
0x1ef: {  	v21 =	vor.u32 $0x300, v35;
	_ =	sdelay $0x3  }
0x1f0: {  	[tilespmem:v46+s19+$0x0] =	vst.idx.msk $0xffff, v18  }
0x1f1: {  	v47 =	vor.u32 v33, v14;
	v49 =	vor.u32 $0x16, v15;
	v48 =	vld.idx.msk [tilespmem:v21+s13+$0x0], $0xffff  }
0x1f2: {  	v18 =	vor.u32 $0x380, v47;
	_ =	sdelay $0x3  }
0x1f3: {  	v13 =	vor.u32 $0x6000, v9;
	[tilespmem:v49+s19+$0x0] =	vst.idx.msk $0xffff, v48  }
0x1f4: {  	v16 =	vor.u32 v13, v16;
	v50 =	vor.u32 $0x17, v15;
	v18 =	vld.idx.msk [tilespmem:v18+s13+$0x0], $0xffff  }
0x1f5: {  	v17 =	vor.u32 v16, v17;
	_ =	sdelay $0x3  }
0x1f6: {  	[tilespmem:v50+s19+$0x0] =	vst.idx.msk $0xffff, v18  }
0x1f7: {  	v51 =	vor.u32 $0x18, v15;
	v18 =	vld.idx.msk [tilespmem:v17+s13+$0x0], $0xffff  }
0x1f8: {  	v52 =	vor.u32 $0x80, v17;
	_ =	sdelay $0x3  }
0x1f9: {  	[tilespmem:v51+s19+$0x0] =	vst.idx.msk $0xffff, v18  }
0x1fa: {  	v53 =	vor.u32 $0x19, v15;
	v18 =	vld.idx.msk [tilespmem:v52+s13+$0x0], $0xffff  }
0x1fb: {  	v54 =	vor.u32 $0x100, v17;
	_ =	sdelay $0x3  }
0x1fc: {  	[tilespmem:v53+s19+$0x0] =	vst.idx.msk $0xffff, v18  }
0x1fd: {  	v55 =	vor.u32 $0x1A, v15;
	v18 =	vld.idx.msk [tilespmem:v54+s13+$0x0], $0xffff  }
0x1fe: {  	v56 =	vor.u32 $0x180, v17;
	_ =	sdelay $0x3  }
0x1ff: {  	[tilespmem:v55+s19+$0x0] =	vst.idx.msk $0xffff, v18  }
0x200: {  	v57 =	vor.u32 $0x1B, v15;
	v18 =	vld.idx.msk [tilespmem:v56+s13+$0x0], $0xffff  }
0x201: {  	v58 =	vor.u32 $0x200, v17;
	_ =	sdelay $0x3  }
0x202: {  	[tilespmem:v57+s19+$0x0] =	vst.idx.msk $0xffff, v18  }
0x203: {  	v59 =	vor.u32 $0x1C, v15;
	v18 =	vld.idx.msk [tilespmem:v58+s13+$0x0], $0xffff  }
0x204: {  	v60 =	vor.u32 $0x280, v17;
	_ =	sdelay $0x3  }
0x205: {  	[tilespmem:v59+s19+$0x0] =	vst.idx.msk $0xffff, v18  }
0x206: {  	v61 =	vor.u32 $0x1D, v15;
	v18 =	vld.idx.msk [tilespmem:v60+s13+$0x0], $0xffff  }
0x207: {  	v17 =	vor.u32 $0x300, v17;
	_ =	sdelay $0x3  }
0x208: {  	[tilespmem:v61+s19+$0x0] =	vst.idx.msk $0xffff, v18  }
0x209: {  	v14 =	vor.u32 v16, v14;
	v63 =	vor.u32 $0x1E, v15;
	v62 =	vld.idx.msk [tilespmem:v17+s13+$0x0], $0xffff  }
0x20a: {  	v14 =	vor.u32 $0x380, v14;
	_ =	sdelay $0x3  }
0x20b: {  	[tilespmem:v63+s19+$0x0] =	vst.idx.msk $0xffff, v62  }
0x20c: {  	v15 =	vor.u32 $0x1F, v15;
	v16 =	vld.idx.msk [tilespmem:v14+s13+$0x0], $0xffff;
	v14 =	vor.u32 s28, v3  }
0x20d: {  	v14 =	vsel vm2, v14, v2;
	_ =	sdelay $0x1  }
0x20e: {  	s31 =	sshll.u32 s26, $0xD  }
0x20f: {  	s23 =	sadd.s32 $0x1, s23;
	s0 =	sshra.s32 s31, $0x2  }
0x210: {  	s26 =	simm.s32 $0x10;
	s29 =	sadd.s32 $0x1D980, s0;
	s28 =	simm.s32 $0x10;
	[tilespmem:v15+s19+$0x0] =	vst.idx.msk $0xffff, v16  }
.LBB2_10:
0x211: {  	[hbm4b:s4+s5] =	stream.indirect_vreg.scatter [tilespmem:s29], [sflag:$0x2], $0x80, v14, vm0, $0xb8;
	[tilespmem:$0x1E980] =	vst v63  }
0x212: {  	s29 =	smov.u32 s28;
	s28 =	sadd.s32 $0x10, s28;
	v14 =	vld [tilespmem:s26+$0x0]  }
0x213: {  	p1 =	sne.s32 s28, $0x4000;
	_ =	sdelay $0x3  }
0x214: {  	v15 =	vshrl.u32 v14, $0xA;
	v16 =	vshra.s32 v14, $0xF  }
0x215: {  	v15 =	vand.u32 $0x1F, v15  }
0x216: {  	vm3 =	veq.s32 v16, v10;
	vm2 =	veq.s32 v15, v1  }
0x217: {  	v14 =	vand.u32 $0x3FF, v14;
	vm2 =	vmand vm3, vm2  }
0x218: {  	v14 =	vnsel vm2, $0x0, v14  }
0x219: {  	v15 =	vshll.u32 v14, $0x3  }
0x21a: {  	v15 =	vand.u32 $0x1C00, v15  }
0x21b: {  	s0 =	sshrl.u32 s23, $0x1F;
	v16 =	vand.u32 $0x7F, v14;
	v17 =	vor.u32 v9, v15;
	v18 =	vor.u32 v11, v15  }
0x21c: {  	p2 =	slt.s32 s23, $0x2;
	s0 =	sadd.s32 s0, s23;
	v21 =	vor.u32 v16, v17;
	v22 =	vor.u32 v14, v17;
	v20 =	vor.u32 v18, v16  }
0x21d: {  	s30 =	simm.s32 @!p2 $0x2;
	s0 =	sand.u32 $0xFFFFFFFE, s0;
	v19 =	vor.u32 v18, v14;
	v17 =	vor.u32 v12, v15;
	v15 =	vor.u32 v13, v15  }
0x21e: {  	s0 =	ssub.s32 s23, s0;
	v18 =	vor.u32 v17, v16;
	v17 =	vor.u32 v17, v14;
	v16 =	vor.u32 v15, v16;
	_ =	swait.ge @!p2 [sflag:s30], $0x800  }
0x21f: {  	s31 =	sshll.u32 s0, $0x4;
	s0 =	sshll.u32 s0, $0xD;
	v15 =	vor.u32 v15, v14;
	[sflag:s30] =	ssyncset.done @!p2 $0x0  }
0x220: {  	v14 =	vmov s31;
	[sflag:s30] =	ssyncadd.s32 @!p2 $0xFFFFF800;
	s30 =	sshra.s32 s0, $0x2  }
0x221: {  	v14 =	vshll.u32 v14, $0x7;
	v23 =	vld.idx.msk [tilespmem:v21+s13+$0x0], $0xffff  }
0x222: {  	v14 =	vor.u32 v8, v14  }
0x223: {  	v24 =	vor.u32 $0x80, v21;
	_ =	sdelay $0x3  }
0x224: {  	[tilespmem:v14+s19+$0x0] =	vst.idx.msk $0xffff, v23  }
0x225: {  	v23 =	vld.idx.msk [tilespmem:v24+s13+$0x0], $0xffff  }
0x226: {  	v24 =	vor.u32 $0x1, v14  }
0x227: {  	v25 =	vor.u32 $0x100, v21;
	_ =	sdelay $0x3  }
0x228: {  	[tilespmem:v24+s19+$0x0] =	vst.idx.msk $0xffff, v23  }
0x229: {  	v23 =	vld.idx.msk [tilespmem:v25+s13+$0x0], $0xffff  }
0x22a: {  	v24 =	vor.u32 $0x2, v14  }
0x22b: {  	v25 =	vor.u32 $0x180, v21;
	_ =	sdelay $0x3  }
0x22c: {  	[tilespmem:v24+s19+$0x0] =	vst.idx.msk $0xffff, v23  }
0x22d: {  	v23 =	vld.idx.msk [tilespmem:v25+s13+$0x0], $0xffff  }
0x22e: {  	v24 =	vor.u32 $0x3, v14  }
0x22f: {  	v25 =	vor.u32 $0x200, v21;
	_ =	sdelay $0x3  }
0x230: {  	[tilespmem:v24+s19+$0x0] =	vst.idx.msk $0xffff, v23  }
0x231: {  	v23 =	vld.idx.msk [tilespmem:v25+s13+$0x0], $0xffff  }
0x232: {  	v24 =	vor.u32 $0x4, v14  }
0x233: {  	v25 =	vor.u32 $0x280, v21;
	_ =	sdelay $0x3  }
0x234: {  	[tilespmem:v24+s19+$0x0] =	vst.idx.msk $0xffff, v23  }
0x235: {  	v23 =	vld.idx.msk [tilespmem:v25+s13+$0x0], $0xffff  }
0x236: {  	v24 =	vor.u32 $0x5, v14  }
0x237: {  	v21 =	vor.u32 $0x300, v21;
	_ =	sdelay $0x3  }
0x238: {  	[tilespmem:v24+s19+$0x0] =	vst.idx.msk $0xffff, v23  }
0x239: {  	v21 =	vld.idx.msk [tilespmem:v21+s13+$0x0], $0xffff  }
0x23a: {  	v23 =	vor.u32 $0x6, v14  }
0x23b: {  	v22 =	vor.u32 $0x380, v22;
	_ =	sdelay $0x3  }
0x23c: {  	[tilespmem:v23+s19+$0x0] =	vst.idx.msk $0xffff, v21  }
0x23d: {  	v21 =	vld.idx.msk [tilespmem:v22+s13+$0x0], $0xffff  }
0x23e: {  	v22 =	vor.u32 $0x7, v14;
	_ =	sdelay $0x4  }
0x23f: {  	[tilespmem:v22+s19+$0x0] =	vst.idx.msk $0xffff, v21  }
0x240: {  	v21 =	vld.idx.msk [tilespmem:v20+s13+$0x0], $0xffff  }
0x241: {  	v22 =	vor.u32 $0x8, v14  }
0x242: {  	v23 =	vor.u32 $0x80, v20;
	_ =	sdelay $0x3  }
0x243: {  	[tilespmem:v22+s19+$0x0] =	vst.idx.msk $0xffff, v21  }
0x244: {  	v21 =	vld.idx.msk [tilespmem:v23+s13+$0x0], $0xffff  }
0x245: {  	v22 =	vor.u32 $0x9, v14  }
0x246: {  	v23 =	vor.u32 $0x100, v20;
	_ =	sdelay $0x3  }
0x247: {  	[tilespmem:v22+s19+$0x0] =	vst.idx.msk $0xffff, v21  }
0x248: {  	v21 =	vld.idx.msk [tilespmem:v23+s13+$0x0], $0xffff  }
0x249: {  	v22 =	vor.u32 $0xA, v14  }
0x24a: {  	v23 =	vor.u32 $0x180, v20;
	_ =	sdelay $0x3  }
0x24b: {  	[tilespmem:v22+s19+$0x0] =	vst.idx.msk $0xffff, v21  }
0x24c: {  	v21 =	vld.idx.msk [tilespmem:v23+s13+$0x0], $0xffff  }
0x24d: {  	v22 =	vor.u32 $0xB, v14  }
0x24e: {  	v23 =	vor.u32 $0x200, v20;
	_ =	sdelay $0x3  }
0x24f: {  	[tilespmem:v22+s19+$0x0] =	vst.idx.msk $0xffff, v21  }
0x250: {  	v21 =	vld.idx.msk [tilespmem:v23+s13+$0x0], $0xffff  }
0x251: {  	v22 =	vor.u32 $0xC, v14  }
0x252: {  	v23 =	vor.u32 $0x280, v20;
	_ =	sdelay $0x3  }
0x253: {  	[tilespmem:v22+s19+$0x0] =	vst.idx.msk $0xffff, v21  }
0x254: {  	v21 =	vld.idx.msk [tilespmem:v23+s13+$0x0], $0xffff  }
0x255: {  	v22 =	vor.u32 $0xD, v14  }
0x256: {  	v20 =	vor.u32 $0x300, v20;
	_ =	sdelay $0x3  }
0x257: {  	[tilespmem:v22+s19+$0x0] =	vst.idx.msk $0xffff, v21  }
0x258: {  	v20 =	vld.idx.msk [tilespmem:v20+s13+$0x0], $0xffff  }
0x259: {  	v21 =	vor.u32 $0xE, v14  }
0x25a: {  	v19 =	vor.u32 $0x380, v19;
	_ =	sdelay $0x3  }
0x25b: {  	[tilespmem:v21+s19+$0x0] =	vst.idx.msk $0xffff, v20  }
0x25c: {  	v19 =	vld.idx.msk [tilespmem:v19+s13+$0x0], $0xffff  }
0x25d: {  	v20 =	vor.u32 $0xF, v14;
	_ =	sdelay $0x4  }
0x25e: {  	[tilespmem:v20+s19+$0x0] =	vst.idx.msk $0xffff, v19  }
0x25f: {  	v19 =	vld.idx.msk [tilespmem:v18+s13+$0x0], $0xffff  }
0x260: {  	v20 =	vor.u32 $0x10, v14  }
0x261: {  	v21 =	vor.u32 $0x80, v18;
	_ =	sdelay $0x3  }
0x262: {  	[tilespmem:v20+s19+$0x0] =	vst.idx.msk $0xffff, v19  }
0x263: {  	v19 =	vld.idx.msk [tilespmem:v21+s13+$0x0], $0xffff  }
0x264: {  	v20 =	vor.u32 $0x11, v14  }
0x265: {  	v21 =	vor.u32 $0x100, v18;
	_ =	sdelay $0x3  }
0x266: {  	[tilespmem:v20+s19+$0x0] =	vst.idx.msk $0xffff, v19  }
0x267: {  	v19 =	vld.idx.msk [tilespmem:v21+s13+$0x0], $0xffff  }
0x268: {  	v20 =	vor.u32 $0x12, v14  }
0x269: {  	v21 =	vor.u32 $0x180, v18;
	_ =	sdelay $0x3  }
0x26a: {  	[tilespmem:v20+s19+$0x0] =	vst.idx.msk $0xffff, v19  }
0x26b: {  	v19 =	vld.idx.msk [tilespmem:v21+s13+$0x0], $0xffff  }
0x26c: {  	v20 =	vor.u32 $0x13, v14  }
0x26d: {  	v21 =	vor.u32 $0x200, v18;
	_ =	sdelay $0x3  }
0x26e: {  	[tilespmem:v20+s19+$0x0] =	vst.idx.msk $0xffff, v19  }
0x26f: {  	v19 =	vld.idx.msk [tilespmem:v21+s13+$0x0], $0xffff  }
0x270: {  	v20 =	vor.u32 $0x14, v14  }
0x271: {  	v21 =	vor.u32 $0x280, v18;
	_ =	sdelay $0x3  }
0x272: {  	[tilespmem:v20+s19+$0x0] =	vst.idx.msk $0xffff, v19  }
0x273: {  	v19 =	vld.idx.msk [tilespmem:v21+s13+$0x0], $0xffff  }
0x274: {  	v20 =	vor.u32 $0x15, v14  }
0x275: {  	v18 =	vor.u32 $0x300, v18;
	_ =	sdelay $0x3  }
0x276: {  	[tilespmem:v20+s19+$0x0] =	vst.idx.msk $0xffff, v19  }
0x277: {  	v18 =	vld.idx.msk [tilespmem:v18+s13+$0x0], $0xffff  }
0x278: {  	v19 =	vor.u32 $0x16, v14  }
0x279: {  	v17 =	vor.u32 $0x380, v17;
	_ =	sdelay $0x3  }
0x27a: {  	[tilespmem:v19+s19+$0x0] =	vst.idx.msk $0xffff, v18  }
0x27b: {  	v17 =	vld.idx.msk [tilespmem:v17+s13+$0x0], $0xffff  }
0x27c: {  	v18 =	vor.u32 $0x17, v14;
	_ =	sdelay $0x4  }
0x27d: {  	[tilespmem:v18+s19+$0x0] =	vst.idx.msk $0xffff, v17  }
0x27e: {  	v17 =	vld.idx.msk [tilespmem:v16+s13+$0x0], $0xffff  }
0x27f: {  	v18 =	vor.u32 $0x18, v14  }
0x280: {  	v19 =	vor.u32 $0x80, v16;
	_ =	sdelay $0x3  }
0x281: {  	[tilespmem:v18+s19+$0x0] =	vst.idx.msk $0xffff, v17  }
0x282: {  	v17 =	vld.idx.msk [tilespmem:v19+s13+$0x0], $0xffff  }
0x283: {  	v18 =	vor.u32 $0x19, v14  }
0x284: {  	v19 =	vor.u32 $0x100, v16;
	_ =	sdelay $0x3  }
0x285: {  	[tilespmem:v18+s19+$0x0] =	vst.idx.msk $0xffff, v17  }
0x286: {  	v17 =	vld.idx.msk [tilespmem:v19+s13+$0x0], $0xffff  }
0x287: {  	v18 =	vor.u32 $0x1A, v14  }
0x288: {  	v19 =	vor.u32 $0x180, v16;
	_ =	sdelay $0x3  }
0x289: {  	[tilespmem:v18+s19+$0x0] =	vst.idx.msk $0xffff, v17  }
0x28a: {  	v17 =	vld.idx.msk [tilespmem:v19+s13+$0x0], $0xffff  }
0x28b: {  	v18 =	vor.u32 $0x1B, v14  }
0x28c: {  	v19 =	vor.u32 $0x200, v16;
	_ =	sdelay $0x3  }
0x28d: {  	[tilespmem:v18+s19+$0x0] =	vst.idx.msk $0xffff, v17  }
0x28e: {  	v17 =	vld.idx.msk [tilespmem:v19+s13+$0x0], $0xffff  }
0x28f: {  	v18 =	vor.u32 $0x1C, v14  }
0x290: {  	v19 =	vor.u32 $0x280, v16;
	_ =	sdelay $0x3  }
0x291: {  	[tilespmem:v18+s19+$0x0] =	vst.idx.msk $0xffff, v17  }
0x292: {  	v17 =	vld.idx.msk [tilespmem:v19+s13+$0x0], $0xffff  }
0x293: {  	v18 =	vor.u32 $0x1D, v14  }
0x294: {  	v16 =	vor.u32 $0x300, v16;
	_ =	sdelay $0x3  }
0x295: {  	[tilespmem:v18+s19+$0x0] =	vst.idx.msk $0xffff, v17  }
0x296: {  	v16 =	vld.idx.msk [tilespmem:v16+s13+$0x0], $0xffff  }
0x297: {  	v17 =	vor.u32 $0x1E, v14  }
0x298: {  	v15 =	vor.u32 $0x380, v15;
	_ =	sdelay $0x3  }
0x299: {  	[tilespmem:v17+s19+$0x0] =	vst.idx.msk $0xffff, v16  }
0x29a: {  	v15 =	vld.idx.msk [tilespmem:v15+s13+$0x0], $0xffff  }
0x29b: {  	v16 =	vor.u32 s29, v3;
	v17 =	vor.u32 $0x1F, v14  }
.Ltmp13:
0x29c: {  	v14 =	vsel vm2, v16, v2;
	(pc) =	sbr.rel @p1 .LBB2_10-.Ltmp13, $2  }
0x29d: {  	_ =	sdelay $0x2  }
0x29e: {  	s26 =	sadd.s32 $0x10, s26;
	s23 =	sadd.s32 $0x1, s23;
	s29 =	sadd.s32 $0x1D980, s30;
	[tilespmem:v17+s19+$0x0] =	vst.idx.msk $0xffff, v15  }
.Ltmp14:
0x29f: {  	_ = 	snop;
	(pc) =	sbr.rel .LBB2_16-.Ltmp14, $2  }
0x2a0: {  	_ =	sdelay $0x2  }
0x2a1: {  	[hbm4b:s4+s5] =	stream.indirect_vreg.scatter [tilespmem:s29], [sflag:$0x2], $0x80, v14, vm0, $0xb8;
	[tilespmem:$0x1E980] =	vst v63  }
.LBB2_17:
.Ltmp15:
0x2a2: {  	(pc) =	sbr.rel @p0 .LBB2_30-.Ltmp15, $1  }
0x2a3: {  	_ =	sdelay $0x3  }
0x2a4: {  	s25 =	simm.s32 $0x0  }
0x2a5: {  	[tilespmem:s20], [sflag:$0x3] =	stream.linear.gather [hbm4b:s3+s25], $0x5000, $0x38;
	[tilespmem:$0x1E980] =	vst v63  }
0x2a6: {  	_ =	swait.ge [sflag:s14], $0x5000  }
0x2a7: {  	[sflag:s14] =	ssyncset.done $0x0  }
0x2a8: {  	[sflag:s14] =	ssyncadd.s32 $0xFFFFB000  }
0x2a9: {  	v9 =	vld [tilespmem:$0x8910];
	_ =	sdelay $0x4  }
0x2aa: {  	v9 =	vsel vm1, $0x0, v9  }
0x2ab: {  	(xrf0) =	vadd.scan.msk.s32 $0xffff, v9;
	_ =	sdelay $0x5  }
0x2ac: {  	v9, _, _ =	vpop (xrf0)  }
0x2ad: {  	(v2sf) =	vpush v9, $0xF;
	_ =	sdelay $0xe  }
0x2ae: {  	s24 =	spop (v2sf)  }
0x2af: {  	p1 =	sgt.s32 s24, $0x40  }
.Ltmp16:
0x2b0: {  	_ = 	snop;
	(pc) =	sbr.rel @p1 .LBB2_27-.Ltmp16, $1  }
0x2b1: {  	_ =	sdelay $0x3  }
0x2b2: {  	p1 =	slt.s32 s24, $0x1  }
.Ltmp17:
0x2b3: {  	_ = 	snop;
	(pc) =	sbr.rel @p1 .LBB2_30-.Ltmp17, $1  }
0x2b4: {  	_ =	sdelay $0x3  }
0x2b5: {  	s0 =	sadd.s32 $0xF, s24  }
0x2b6: {  	s24 =	sand.u32 $0xF0, s0  }
0x2b7: {  	p2 =	seq.s32 s24, $0x10  }
.Ltmp18:
0x2b8: {  	_ = 	snop;
	(pc) =	sbr.rel @p2 .LBB2_21-.Ltmp18, $3  }
0x2b9: {  	_ =	sdelay $0x1  }
0x2ba: {  	s29 =	simm.s32 $0x0;
	s26 =	simm.s32 $0x8800  }
0x2bb: {  	v9 =	vbroadcast v9, $0xF;
	s25 =	simm.s32 $0x10;
	p1 =	por $0x0, $0x0;
	s31 =	sand.u32 $0x3FFFFF80, s29  }
0x2bc: {  	s0 =	sadd.s32 $0x8800, s31  }
0x2bd: {  	v10 =	vld [tilespmem:s0+$0x0];
	_ =	sdelay $0x4  }
0x2be: {  	v11 =	vor.u32 s29, v3;
	v12 =	vshrl.u32 v10, $0xE  }
0x2bf: {  	vm2 =	vlt.s32 v11, v9;
	v11 =	vand.u32 $0x3FF, v12  }
0x2c0: {  	v13 =	vnsel vm2, $0x0, v11  }
0x2c1: {  	s26 =	sshrl.u32 s23, $0x1F;
	v11 =	vshll.u32 v13, $0x3  }
0x2c2: {  	s0 =	sadd.s32 s26, s23;
	v12 =	vand.u32 $0x7F, v13;
	v14 =	vand.u32 $0x1C00, v11  }
0x2c3: {  	p1 =	slt.s32 s23, $0x2;
	s0 =	sand.u32 $0xFFFFFFFE, s0;
	v11 =	vor.u32 v12, v14  }
0x2c4: {  	s28 =	simm.s32 @!p1 $0x2;
	s26 =	ssub.s32 s23, s0  }
0x2c5: {  	_ =	swait.ge @!p1 [sflag:s28], $0x800;
	s0 =	sshll.u32 s26, $0x4  }
0x2c6: {  	[sflag:s28] =	ssyncset.done @!p1 $0x0;
	v12 =	vmov s0  }
0x2c7: {  	[sflag:s28] =	ssyncadd.s32 @!p1 $0xFFFFF800;
	v12 =	vshll.u32 v12, $0x7  }
0x2c8: {  	v12 =	vor.u32 v8, v12;
	v15 =	vld.idx.msk [tilespmem:v11+s20+$0x0], $0xffff  }
0x2c9: {  	v16 =	vor.u32 $0x80, v11;
	_ =	sdelay $0x3  }
0x2ca: {  	[tilespmem:v12+s19+$0x0] =	vst.idx.msk $0xffff, v15  }
0x2cb: {  	v55 =	vor.u32 $0x1, v12;
	v15 =	vld.idx.msk [tilespmem:v16+s20+$0x0], $0xffff  }
0x2cc: {  	v17 =	vor.u32 $0x100, v11;
	_ =	sdelay $0x3  }
0x2cd: {  	[tilespmem:v55+s19+$0x0] =	vst.idx.msk $0xffff, v15  }
0x2ce: {  	v56 =	vor.u32 $0x2, v12;
	v15 =	vld.idx.msk [tilespmem:v17+s20+$0x0], $0xffff  }
0x2cf: {  	v57 =	vor.u32 $0x180, v11;
	_ =	sdelay $0x3  }
0x2d0: {  	[tilespmem:v56+s19+$0x0] =	vst.idx.msk $0xffff, v15  }
0x2d1: {  	v58 =	vor.u32 $0x3, v12;
	v15 =	vld.idx.msk [tilespmem:v57+s20+$0x0], $0xffff  }
0x2d2: {  	v59 =	vor.u32 $0x200, v11;
	_ =	sdelay $0x3  }
0x2d3: {  	[tilespmem:v58+s19+$0x0] =	vst.idx.msk $0xffff, v15  }
0x2d4: {  	v60 =	vor.u32 $0x4, v12;
	v15 =	vld.idx.msk [tilespmem:v59+s20+$0x0], $0xffff  }
0x2d5: {  	v61 =	vor.u32 $0x280, v11;
	_ =	sdelay $0x3  }
0x2d6: {  	[tilespmem:v60+s19+$0x0] =	vst.idx.msk $0xffff, v15  }
0x2d7: {  	v62 =	vor.u32 $0x5, v12;
	v15 =	vld.idx.msk [tilespmem:v61+s20+$0x0], $0xffff  }
0x2d8: {  	v63 =	vor.u32 $0x300, v11;
	_ =	sdelay $0x3  }
0x2d9: {  	[tilespmem:v62+s19+$0x0] =	vst.idx.msk $0xffff, v15  }
0x2da: {  	v13 =	vor.u32 v13, v14;
	v15 =	vor.u32 $0x6, v12;
	v14 =	vld.idx.msk [tilespmem:v63+s20+$0x0], $0xffff  }
0x2db: {  	v13 =	vor.u32 $0x380, v13;
	_ =	sdelay $0x3  }
0x2dc: {  	[tilespmem:v15+s19+$0x0] =	vst.idx.msk $0xffff, v14  }
0x2dd: {  	v14 =	vor.u32 $0x7, v12;
	v13 =	vld.idx.msk [tilespmem:v13+s20+$0x0], $0xffff  }
0x2de: {  	v15 =	vadd.s32 $0x1400, v11;
	_ =	sdelay $0x3  }
0x2df: {  	[tilespmem:v14+s19+$0x0] =	vst.idx.msk $0xffff, v13  }
0x2e0: {  	v14 =	vor.u32 $0x8, v12;
	v13 =	vld.idx.msk [tilespmem:v15+s20+$0x0], $0xffff  }
0x2e1: {  	v15 =	vadd.s32 $0x1480, v11;
	_ =	sdelay $0x3  }
0x2e2: {  	[tilespmem:v14+s19+$0x0] =	vst.idx.msk $0xffff, v13  }
0x2e3: {  	v14 =	vor.u32 $0x9, v12;
	v13 =	vld.idx.msk [tilespmem:v15+s20+$0x0], $0xffff  }
0x2e4: {  	v15 =	vadd.s32 $0x1500, v11;
	_ =	sdelay $0x3  }
0x2e5: {  	[tilespmem:v14+s19+$0x0] =	vst.idx.msk $0xffff, v13  }
0x2e6: {  	v14 =	vor.u32 $0xA, v12;
	v13 =	vld.idx.msk [tilespmem:v15+s20+$0x0], $0xffff  }
0x2e7: {  	v15 =	vadd.s32 $0x1580, v11;
	_ =	sdelay $0x3  }
0x2e8: {  	[tilespmem:v14+s19+$0x0] =	vst.idx.msk $0xffff, v13  }
0x2e9: {  	v14 =	vor.u32 $0xB, v12;
	v13 =	vld.idx.msk [tilespmem:v15+s20+$0x0], $0xffff  }
0x2ea: {  	v15 =	vadd.s32 $0x1600, v11;
	_ =	sdelay $0x3  }
0x2eb: {  	[tilespmem:v14+s19+$0x0] =	vst.idx.msk $0xffff, v13  }
0x2ec: {  	v14 =	vor.u32 $0xC, v12;
	v13 =	vld.idx.msk [tilespmem:v15+s20+$0x0], $0xffff  }
0x2ed: {  	v15 =	vadd.s32 $0x1680, v11;
	_ =	sdelay $0x3  }
0x2ee: {  	[tilespmem:v14+s19+$0x0] =	vst.idx.msk $0xffff, v13  }
0x2ef: {  	v14 =	vor.u32 $0xD, v12;
	v13 =	vld.idx.msk [tilespmem:v15+s20+$0x0], $0xffff  }
0x2f0: {  	v15 =	vadd.s32 $0x1700, v11;
	_ =	sdelay $0x3  }
0x2f1: {  	[tilespmem:v14+s19+$0x0] =	vst.idx.msk $0xffff, v13  }
0x2f2: {  	v14 =	vor.u32 $0xE, v12;
	v13 =	vld.idx.msk [tilespmem:v15+s20+$0x0], $0xffff  }
0x2f3: {  	v15 =	vadd.s32 $0x1780, v11;
	_ =	sdelay $0x3  }
0x2f4: {  	[tilespmem:v14+s19+$0x0] =	vst.idx.msk $0xffff, v13  }
0x2f5: {  	v14 =	vor.u32 $0xF, v12;
	v13 =	vld.idx.msk [tilespmem:v15+s20+$0x0], $0xffff  }
0x2f6: {  	v15 =	vadd.s32 $0x2800, v11;
	_ =	sdelay $0x3  }
0x2f7: {  	[tilespmem:v14+s19+$0x0] =	vst.idx.msk $0xffff, v13  }
0x2f8: {  	v14 =	vor.u32 $0x10, v12;
	v13 =	vld.idx.msk [tilespmem:v15+s20+$0x0], $0xffff  }
0x2f9: {  	v15 =	vadd.s32 $0x2880, v11;
	_ =	sdelay $0x3  }
0x2fa: {  	[tilespmem:v14+s19+$0x0] =	vst.idx.msk $0xffff, v13  }
0x2fb: {  	v14 =	vor.u32 $0x11, v12;
	v13 =	vld.idx.msk [tilespmem:v15+s20+$0x0], $0xffff  }
0x2fc: {  	v15 =	vadd.s32 $0x2900, v11;
	_ =	sdelay $0x3  }
0x2fd: {  	[tilespmem:v14+s19+$0x0] =	vst.idx.msk $0xffff, v13  }
0x2fe: {  	v14 =	vor.u32 $0x12, v12;
	v13 =	vld.idx.msk [tilespmem:v15+s20+$0x0], $0xffff  }
0x2ff: {  	v15 =	vadd.s32 $0x2980, v11;
	_ =	sdelay $0x3  }
0x300: {  	[tilespmem:v14+s19+$0x0] =	vst.idx.msk $0xffff, v13  }
0x301: {  	v14 =	vor.u32 $0x13, v12;
	v13 =	vld.idx.msk [tilespmem:v15+s20+$0x0], $0xffff  }
0x302: {  	v15 =	vadd.s32 $0x2A00, v11;
	_ =	sdelay $0x3  }
0x303: {  	[tilespmem:v14+s19+$0x0] =	vst.idx.msk $0xffff, v13  }
0x304: {  	v14 =	vor.u32 $0x14, v12;
	v13 =	vld.idx.msk [tilespmem:v15+s20+$0x0], $0xffff  }
0x305: {  	v15 =	vadd.s32 $0x2A80, v11;
	_ =	sdelay $0x3  }
0x306: {  	[tilespmem:v14+s19+$0x0] =	vst.idx.msk $0xffff, v13  }
0x307: {  	v14 =	vor.u32 $0x15, v12;
	v13 =	vld.idx.msk [tilespmem:v15+s20+$0x0], $0xffff  }
0x308: {  	v15 =	vadd.s32 $0x2B00, v11;
	_ =	sdelay $0x3  }
0x309: {  	[tilespmem:v14+s19+$0x0] =	vst.idx.msk $0xffff, v13  }
0x30a: {  	v14 =	vor.u32 $0x16, v12;
	v13 =	vld.idx.msk [tilespmem:v15+s20+$0x0], $0xffff  }
0x30b: {  	v15 =	vadd.s32 $0x2B80, v11;
	_ =	sdelay $0x3  }
0x30c: {  	[tilespmem:v14+s19+$0x0] =	vst.idx.msk $0xffff, v13  }
0x30d: {  	v14 =	vor.u32 $0x17, v12;
	v13 =	vld.idx.msk [tilespmem:v15+s20+$0x0], $0xffff  }
0x30e: {  	v15 =	vadd.s32 $0x3C00, v11;
	_ =	sdelay $0x3  }
0x30f: {  	[tilespmem:v14+s19+$0x0] =	vst.idx.msk $0xffff, v13  }
0x310: {  	v14 =	vor.u32 $0x18, v12;
	v13 =	vld.idx.msk [tilespmem:v15+s20+$0x0], $0xffff  }
0x311: {  	v15 =	vadd.s32 $0x3C80, v11;
	_ =	sdelay $0x3  }
0x312: {  	[tilespmem:v14+s19+$0x0] =	vst.idx.msk $0xffff, v13  }
0x313: {  	v14 =	vor.u32 $0x19, v12;
	v13 =	vld.idx.msk [tilespmem:v15+s20+$0x0], $0xffff  }
0x314: {  	v15 =	vadd.s32 $0x3D00, v11;
	_ =	sdelay $0x3  }
0x315: {  	[tilespmem:v14+s19+$0x0] =	vst.idx.msk $0xffff, v13  }
0x316: {  	v14 =	vor.u32 $0x1A, v12;
	v13 =	vld.idx.msk [tilespmem:v15+s20+$0x0], $0xffff  }
0x317: {  	v15 =	vadd.s32 $0x3D80, v11;
	_ =	sdelay $0x3  }
0x318: {  	[tilespmem:v14+s19+$0x0] =	vst.idx.msk $0xffff, v13  }
0x319: {  	v14 =	vor.u32 $0x1B, v12;
	v13 =	vld.idx.msk [tilespmem:v15+s20+$0x0], $0xffff  }
0x31a: {  	v15 =	vadd.s32 $0x3E00, v11;
	_ =	sdelay $0x3  }
0x31b: {  	[tilespmem:v14+s19+$0x0] =	vst.idx.msk $0xffff, v13  }
0x31c: {  	v14 =	vor.u32 $0x1C, v12;
	v13 =	vld.idx.msk [tilespmem:v15+s20+$0x0], $0xffff  }
0x31d: {  	v15 =	vadd.s32 $0x3E80, v11;
	_ =	sdelay $0x3  }
0x31e: {  	[tilespmem:v14+s19+$0x0] =	vst.idx.msk $0xffff, v13  }
0x31f: {  	v14 =	vor.u32 $0x1D, v12;
	v13 =	vld.idx.msk [tilespmem:v15+s20+$0x0], $0xffff  }
0x320: {  	v15 =	vadd.s32 $0x3F00, v11;
	_ =	sdelay $0x3  }
0x321: {  	[tilespmem:v14+s19+$0x0] =	vst.idx.msk $0xffff, v13  }
0x322: {  	v14 =	vor.u32 $0x1E, v12;
	v13 =	vld.idx.msk [tilespmem:v15+s20+$0x0], $0xffff  }
0x323: {  	v11 =	vadd.s32 $0x3F80, v11;
	_ =	sdelay $0x2  }
0x324: {  	p2 =	seq.s32 s24, $0x20  }
.Ltmp19:
0x325: {  	[tilespmem:v14+s19+$0x0] =	vst.idx.msk $0xffff, v13;
	(pc) =	sbr.rel @p2 .LBB2_23-.Ltmp19, $4  }
0x326: {  	v10 =	vand.u32 $0x3FFF, v10;
	v12 =	vor.u32 $0x1F, v12;
	v11 =	vld.idx.msk [tilespmem:v11+s20+$0x0], $0xffff  }
0x327: {  	s29 =	simm.s32 $0x20;
	s26 =	sshll.u32 s26, $0xD;
	v10 =	vnsel vm2, $0x4010, v10  }
0x328: {  	s31 =	sand.u32 $0x3FFFFF80, s25;
	p1 =	por $0x1, $0x1;
	s0 =	sshra.s32 s26, $0x2  }
0x329: {  	s28 =	smov.u32 s23;
	s26 =	simm.s32 $0x8810;
	s30 =	sadd.s32 $0x1D980, s0  }
.LBB2_24:
0x32a: {  	s0 =	sadd.s32 s31, s26  }
0x32b: {  	[tilespmem:v12+s19+$0x0] =	vst.idx.msk $0xffff, v11;
	s28 =	sadd.s32 $0x1, s28;
	s31 =	smov.u32 s29;
	s29 =	sadd.s32 $0x10, s29  }
0x32c: {  	[hbm4b:s4+s5] =	stream.indirect_vreg.scatter [tilespmem:s30], [sflag:$0x2], $0x80, v10, vm0, $0xb8;
	[tilespmem:$0x1E980] =	vst v63  }
0x32d: {  	p2 =	seq.s32 s24, s29;
	v10 =	vld [tilespmem:s0+$0x0];
	_ =	sdelay $0x4  }
0x32e: {  	v11 =	vor.u32 s25, v3;
	s25 =	smov.u32 s31;
	v12 =	vshrl.u32 v10, $0xE;
	v10 =	vand.u32 $0x3FFF, v10  }
0x32f: {  	vm2 =	vlt.s32 v11, v9;
	v11 =	vand.u32 $0x3FF, v12  }
0x330: {  	v12 =	vnsel vm2, $0x0, v11  }
0x331: {  	v11 =	vshll.u32 v12, $0x3  }
0x332: {  	s0 =	sshrl.u32 s28, $0x1F;
	v13 =	vand.u32 $0x7F, v12;
	v14 =	vand.u32 $0x1C00, v11  }
0x333: {  	p3 =	slt.s32 s28, $0x2;
	s0 =	sadd.s32 s0, s28;
	v11 =	vor.u32 v13, v14;
	v13 =	vor.u32 v12, v14  }
0x334: {  	s30 =	simm.s32 @!p3 $0x2;
	s0 =	sand.u32 $0xFFFFFFFE, s0  }
0x335: {  	s0 =	ssub.s32 s28, s0;
	_ =	swait.ge @!p3 [sflag:s30], $0x800  }
0x336: {  	s31 =	sshll.u32 s0, $0x4;
	s0 =	sshll.u32 s0, $0xD;
	[sflag:s30] =	ssyncset.done @!p3 $0x0  }
0x337: {  	v12 =	vmov s31;
	[sflag:s30] =	ssyncadd.s32 @!p3 $0xFFFFF800;
	s30 =	sshra.s32 s0, $0x2  }
0x338: {  	v12 =	vshll.u32 v12, $0x7;
	v14 =	vld.idx.msk [tilespmem:v11+s20+$0x0], $0xffff  }
0x339: {  	v12 =	vor.u32 v8, v12  }
0x33a: {  	v15 =	vor.u32 $0x80, v11;
	_ =	sdelay $0x3  }
0x33b: {  	[tilespmem:v12+s19+$0x0] =	vst.idx.msk $0xffff, v14  }
0x33c: {  	v14 =	vld.idx.msk [tilespmem:v15+s20+$0x0], $0xffff  }
0x33d: {  	v15 =	vor.u32 $0x1, v12  }
0x33e: {  	v16 =	vor.u32 $0x100, v11;
	_ =	sdelay $0x3  }
0x33f: {  	[tilespmem:v15+s19+$0x0] =	vst.idx.msk $0xffff, v14  }
0x340: {  	v14 =	vld.idx.msk [tilespmem:v16+s20+$0x0], $0xffff  }
0x341: {  	v15 =	vor.u32 $0x2, v12  }
0x342: {  	v16 =	vor.u32 $0x180, v11;
	_ =	sdelay $0x3  }
0x343: {  	[tilespmem:v15+s19+$0x0] =	vst.idx.msk $0xffff, v14  }
0x344: {  	v14 =	vld.idx.msk [tilespmem:v16+s20+$0x0], $0xffff  }
0x345: {  	v15 =	vor.u32 $0x3, v12  }
0x346: {  	v16 =	vor.u32 $0x200, v11;
	_ =	sdelay $0x3  }
0x347: {  	[tilespmem:v15+s19+$0x0] =	vst.idx.msk $0xffff, v14  }
0x348: {  	v14 =	vld.idx.msk [tilespmem:v16+s20+$0x0], $0xffff  }
0x349: {  	v15 =	vor.u32 $0x4, v12  }
0x34a: {  	v16 =	vor.u32 $0x280, v11;
	_ =	sdelay $0x3  }
0x34b: {  	[tilespmem:v15+s19+$0x0] =	vst.idx.msk $0xffff, v14  }
0x34c: {  	v14 =	vld.idx.msk [tilespmem:v16+s20+$0x0], $0xffff  }
0x34d: {  	v15 =	vor.u32 $0x5, v12  }
0x34e: {  	v16 =	vor.u32 $0x300, v11;
	_ =	sdelay $0x3  }
0x34f: {  	[tilespmem:v15+s19+$0x0] =	vst.idx.msk $0xffff, v14  }
0x350: {  	v14 =	vld.idx.msk [tilespmem:v16+s20+$0x0], $0xffff  }
0x351: {  	v15 =	vor.u32 $0x6, v12  }
0x352: {  	v13 =	vor.u32 $0x380, v13;
	_ =	sdelay $0x3  }
0x353: {  	[tilespmem:v15+s19+$0x0] =	vst.idx.msk $0xffff, v14  }
0x354: {  	v13 =	vld.idx.msk [tilespmem:v13+s20+$0x0], $0xffff  }
0x355: {  	v14 =	vor.u32 $0x7, v12  }
0x356: {  	v15 =	vadd.s32 $0x1400, v11;
	_ =	sdelay $0x3  }
0x357: {  	[tilespmem:v14+s19+$0x0] =	vst.idx.msk $0xffff, v13  }
0x358: {  	v13 =	vld.idx.msk [tilespmem:v15+s20+$0x0], $0xffff  }
0x359: {  	v14 =	vor.u32 $0x8, v12  }
0x35a: {  	v15 =	vadd.s32 $0x1480, v11;
	_ =	sdelay $0x3  }
0x35b: {  	[tilespmem:v14+s19+$0x0] =	vst.idx.msk $0xffff, v13  }
0x35c: {  	v13 =	vld.idx.msk [tilespmem:v15+s20+$0x0], $0xffff  }
0x35d: {  	v14 =	vor.u32 $0x9, v12  }
0x35e: {  	v15 =	vadd.s32 $0x1500, v11;
	_ =	sdelay $0x3  }
0x35f: {  	[tilespmem:v14+s19+$0x0] =	vst.idx.msk $0xffff, v13  }
0x360: {  	v13 =	vld.idx.msk [tilespmem:v15+s20+$0x0], $0xffff  }
0x361: {  	v14 =	vor.u32 $0xA, v12  }
0x362: {  	v15 =	vadd.s32 $0x1580, v11;
	_ =	sdelay $0x3  }
0x363: {  	[tilespmem:v14+s19+$0x0] =	vst.idx.msk $0xffff, v13  }
0x364: {  	v13 =	vld.idx.msk [tilespmem:v15+s20+$0x0], $0xffff  }
0x365: {  	v14 =	vor.u32 $0xB, v12  }
0x366: {  	v15 =	vadd.s32 $0x1600, v11;
	_ =	sdelay $0x3  }
0x367: {  	[tilespmem:v14+s19+$0x0] =	vst.idx.msk $0xffff, v13  }
0x368: {  	v13 =	vld.idx.msk [tilespmem:v15+s20+$0x0], $0xffff  }
0x369: {  	v14 =	vor.u32 $0xC, v12  }
0x36a: {  	v15 =	vadd.s32 $0x1680, v11;
	_ =	sdelay $0x3  }
0x36b: {  	[tilespmem:v14+s19+$0x0] =	vst.idx.msk $0xffff, v13  }
0x36c: {  	v13 =	vld.idx.msk [tilespmem:v15+s20+$0x0], $0xffff  }
0x36d: {  	v14 =	vor.u32 $0xD, v12  }
0x36e: {  	v15 =	vadd.s32 $0x1700, v11;
	_ =	sdelay $0x3  }
0x36f: {  	[tilespmem:v14+s19+$0x0] =	vst.idx.msk $0xffff, v13  }
0x370: {  	v13 =	vld.idx.msk [tilespmem:v15+s20+$0x0], $0xffff  }
0x371: {  	v14 =	vor.u32 $0xE, v12  }
0x372: {  	v15 =	vadd.s32 $0x1780, v11;
	_ =	sdelay $0x3  }
0x373: {  	[tilespmem:v14+s19+$0x0] =	vst.idx.msk $0xffff, v13  }
0x374: {  	v13 =	vld.idx.msk [tilespmem:v15+s20+$0x0], $0xffff  }
0x375: {  	v14 =	vor.u32 $0xF, v12  }
0x376: {  	v15 =	vadd.s32 $0x2800, v11;
	_ =	sdelay $0x3  }
0x377: {  	[tilespmem:v14+s19+$0x0] =	vst.idx.msk $0xffff, v13  }
0x378: {  	v13 =	vld.idx.msk [tilespmem:v15+s20+$0x0], $0xffff  }
0x379: {  	v14 =	vor.u32 $0x10, v12  }
0x37a: {  	v15 =	vadd.s32 $0x2880, v11;
	_ =	sdelay $0x3  }
0x37b: {  	[tilespmem:v14+s19+$0x0] =	vst.idx.msk $0xffff, v13  }
0x37c: {  	v13 =	vld.idx.msk [tilespmem:v15+s20+$0x0], $0xffff  }
0x37d: {  	v14 =	vor.u32 $0x11, v12  }
0x37e: {  	v15 =	vadd.s32 $0x2900, v11;
	_ =	sdelay $0x3  }
0x37f: {  	[tilespmem:v14+s19+$0x0] =	vst.idx.msk $0xffff, v13  }
0x380: {  	v13 =	vld.idx.msk [tilespmem:v15+s20+$0x0], $0xffff  }
0x381: {  	v14 =	vor.u32 $0x12, v12  }
0x382: {  	v15 =	vadd.s32 $0x2980, v11;
	_ =	sdelay $0x3  }
0x383: {  	[tilespmem:v14+s19+$0x0] =	vst.idx.msk $0xffff, v13  }
0x384: {  	v13 =	vld.idx.msk [tilespmem:v15+s20+$0x0], $0xffff  }
0x385: {  	v14 =	vor.u32 $0x13, v12  }
0x386: {  	v15 =	vadd.s32 $0x2A00, v11;
	_ =	sdelay $0x3  }
0x387: {  	[tilespmem:v14+s19+$0x0] =	vst.idx.msk $0xffff, v13  }
0x388: {  	v13 =	vld.idx.msk [tilespmem:v15+s20+$0x0], $0xffff  }
0x389: {  	v14 =	vor.u32 $0x14, v12  }
0x38a: {  	v15 =	vadd.s32 $0x2A80, v11;
	_ =	sdelay $0x3  }
0x38b: {  	[tilespmem:v14+s19+$0x0] =	vst.idx.msk $0xffff, v13  }
0x38c: {  	v13 =	vld.idx.msk [tilespmem:v15+s20+$0x0], $0xffff  }
0x38d: {  	v14 =	vor.u32 $0x15, v12  }
0x38e: {  	v15 =	vadd.s32 $0x2B00, v11;
	_ =	sdelay $0x3  }
0x38f: {  	[tilespmem:v14+s19+$0x0] =	vst.idx.msk $0xffff, v13  }
0x390: {  	v13 =	vld.idx.msk [tilespmem:v15+s20+$0x0], $0xffff  }
0x391: {  	v14 =	vor.u32 $0x16, v12  }
0x392: {  	v15 =	vadd.s32 $0x2B80, v11;
	_ =	sdelay $0x3  }
0x393: {  	[tilespmem:v14+s19+$0x0] =	vst.idx.msk $0xffff, v13  }
0x394: {  	v13 =	vld.idx.msk [tilespmem:v15+s20+$0x0], $0xffff  }
0x395: {  	v14 =	vor.u32 $0x17, v12  }
0x396: {  	v15 =	vadd.s32 $0x3C00, v11;
	_ =	sdelay $0x3  }
0x397: {  	[tilespmem:v14+s19+$0x0] =	vst.idx.msk $0xffff, v13  }
0x398: {  	v13 =	vld.idx.msk [tilespmem:v15+s20+$0x0], $0xffff  }
0x399: {  	v14 =	vor.u32 $0x18, v12  }
0x39a: {  	v15 =	vadd.s32 $0x3C80, v11;
	_ =	sdelay $0x3  }
0x39b: {  	[tilespmem:v14+s19+$0x0] =	vst.idx.msk $0xffff, v13  }
0x39c: {  	v13 =	vld.idx.msk [tilespmem:v15+s20+$0x0], $0xffff  }
0x39d: {  	v14 =	vor.u32 $0x19, v12  }
0x39e: {  	v15 =	vadd.s32 $0x3D00, v11;
	_ =	sdelay $0x3  }
0x39f: {  	[tilespmem:v14+s19+$0x0] =	vst.idx.msk $0xffff, v13  }
0x3a0: {  	v13 =	vld.idx.msk [tilespmem:v15+s20+$0x0], $0xffff  }
0x3a1: {  	v14 =	vor.u32 $0x1A, v12  }
0x3a2: {  	v15 =	vadd.s32 $0x3D80, v11;
	_ =	sdelay $0x3  }
0x3a3: {  	[tilespmem:v14+s19+$0x0] =	vst.idx.msk $0xffff, v13  }
0x3a4: {  	v13 =	vld.idx.msk [tilespmem:v15+s20+$0x0], $0xffff  }
0x3a5: {  	v14 =	vor.u32 $0x1B, v12  }
0x3a6: {  	v15 =	vadd.s32 $0x3E00, v11;
	_ =	sdelay $0x3  }
0x3a7: {  	[tilespmem:v14+s19+$0x0] =	vst.idx.msk $0xffff, v13  }
0x3a8: {  	v13 =	vld.idx.msk [tilespmem:v15+s20+$0x0], $0xffff  }
0x3a9: {  	v14 =	vor.u32 $0x1C, v12  }
0x3aa: {  	v15 =	vadd.s32 $0x3E80, v11;
	_ =	sdelay $0x3  }
0x3ab: {  	[tilespmem:v14+s19+$0x0] =	vst.idx.msk $0xffff, v13  }
0x3ac: {  	v13 =	vld.idx.msk [tilespmem:v15+s20+$0x0], $0xffff  }
0x3ad: {  	v14 =	vor.u32 $0x1D, v12  }
0x3ae: {  	v15 =	vadd.s32 $0x3F00, v11;
	_ =	sdelay $0x3  }
0x3af: {  	[tilespmem:v14+s19+$0x0] =	vst.idx.msk $0xffff, v13  }
0x3b0: {  	v13 =	vld.idx.msk [tilespmem:v15+s20+$0x0], $0xffff  }
0x3b1: {  	v14 =	vor.u32 $0x1E, v12  }
0x3b2: {  	v11 =	vadd.s32 $0x3F80, v11;
	_ =	sdelay $0x3  }
0x3b3: {  	[tilespmem:v14+s19+$0x0] =	vst.idx.msk $0xffff, v13  }
0x3b4: {  	v11 =	vld.idx.msk [tilespmem:v11+s20+$0x0], $0xffff  }
.Ltmp20:
0x3b5: {  	v10 =	vnsel vm2, $0x4010, v10;
	v12 =	vor.u32 $0x1F, v12;
	(pc) =	sbr.rel @!p2 .LBB2_24-.Ltmp20, $2  }
0x3b6: {  	_ =	sdelay $0x2  }
0x3b7: {  	s26 =	sadd.s32 $0x10, s26;
	s31 =	sand.u32 $0x3FFFFF80, s25;
	s30 =	sadd.s32 $0x1D980, s30  }
0x3b8: {  	s29 =	smov.u32 s25  }
.LBB2_26:
0x3b9: {  	_ =	sdelay $0x3  }
0x3ba: {  	s0 =	sadd.s32 s31, s26;
	[tilespmem:v12+s19+$0x0] =	vst.idx.msk @p1 $0xffff, v11  }
0x3bb: {  	[hbm4b:s4+s5] =	stream.indirect_vreg.scatter @p1 [tilespmem:s30], [sflag:$0x2], $0x80, v10, vm0, $0xb8;
	[tilespmem:$0x1E980] =	vst v63  }
0x3bc: {  	v10 =	vld [tilespmem:s0+$0x0];
	_ =	sdelay $0x4  }
0x3bd: {  	v11 =	vor.u32 s29, v3;
	v51 =	vshrl.u32 v10, $0xE  }
0x3be: {  	vm2 =	vlt.s32 v11, v9;
	s0 =	sadd.s32 @p1 $0x1, s28;
	v9 =	vand.u32 $0x3FF, v51  }
0x3bf: {  	s23 =	smov.u32 @p1 s0;
	v11 =	vnsel vm2, $0x0, v9  }
0x3c0: {  	s0 =	sshrl.u32 s23, $0x1F;
	v9 =	vshll.u32 v11, $0x3  }
0x3c1: {  	s0 =	sadd.s32 s0, s23;
	v52 =	vand.u32 $0x7F, v11;
	v13 =	vand.u32 $0x1C00, v9  }
0x3c2: {  	p1 =	slt.s32 s23, $0x2;
	s0 =	sand.u32 $0xFFFFFFFE, s0;
	v9 =	vor.u32 v52, v13  }
0x3c3: {  	s25 =	simm.s32 @!p1 $0x2;
	s24 =	ssub.s32 s23, s0  }
0x3c4: {  	_ =	swait.ge @!p1 [sflag:s25], $0x800;
	s0 =	sshll.u32 s24, $0x4  }
0x3c5: {  	[sflag:s25] =	ssyncset.done @!p1 $0x0;
	v53 =	vmov s0  }
0x3c6: {  	[sflag:s25] =	ssyncadd.s32 @!p1 $0xFFFFF800;
	v12 =	vshll.u32 v53, $0x7  }
0x3c7: {  	v12 =	vor.u32 v8, v12;
	v14 =	vld.idx.msk [tilespmem:v9+s20+$0x0], $0xffff  }
0x3c8: {  	v15 =	vor.u32 $0x80, v9;
	_ =	sdelay $0x3  }
0x3c9: {  	[tilespmem:v12+s19+$0x0] =	vst.idx.msk $0xffff, v14  }
0x3ca: {  	v54 =	vor.u32 $0x1, v12;
	v14 =	vld.idx.msk [tilespmem:v15+s20+$0x0], $0xffff  }
0x3cb: {  	v16 =	vor.u32 $0x100, v9;
	_ =	sdelay $0x3  }
0x3cc: {  	[tilespmem:v54+s19+$0x0] =	vst.idx.msk $0xffff, v14  }
0x3cd: {  	v55 =	vor.u32 $0x2, v12;
	v14 =	vld.idx.msk [tilespmem:v16+s20+$0x0], $0xffff  }
0x3ce: {  	v56 =	vor.u32 $0x180, v9;
	_ =	sdelay $0x3  }
0x3cf: {  	[tilespmem:v55+s19+$0x0] =	vst.idx.msk $0xffff, v14  }
0x3d0: {  	v57 =	vor.u32 $0x3, v12;
	v14 =	vld.idx.msk [tilespmem:v56+s20+$0x0], $0xffff  }
0x3d1: {  	v58 =	vor.u32 $0x200, v9;
	_ =	sdelay $0x3  }
0x3d2: {  	[tilespmem:v57+s19+$0x0] =	vst.idx.msk $0xffff, v14  }
0x3d3: {  	v59 =	vor.u32 $0x4, v12;
	v14 =	vld.idx.msk [tilespmem:v58+s20+$0x0], $0xffff  }
0x3d4: {  	v60 =	vor.u32 $0x280, v9;
	_ =	sdelay $0x3  }
0x3d5: {  	[tilespmem:v59+s19+$0x0] =	vst.idx.msk $0xffff, v14  }
0x3d6: {  	v61 =	vor.u32 $0x5, v12;
	v14 =	vld.idx.msk [tilespmem:v60+s20+$0x0], $0xffff  }
0x3d7: {  	v62 =	vor.u32 $0x300, v9;
	_ =	sdelay $0x3  }
0x3d8: {  	[tilespmem:v61+s19+$0x0] =	vst.idx.msk $0xffff, v14  }
0x3d9: {  	v11 =	vor.u32 v11, v13;
	v16 =	vor.u32 $0x6, v12;
	v63 =	vld.idx.msk [tilespmem:v62+s20+$0x0], $0xffff  }
0x3da: {  	v11 =	vor.u32 $0x380, v11;
	_ =	sdelay $0x3  }
0x3db: {  	[tilespmem:v16+s19+$0x0] =	vst.idx.msk $0xffff, v63  }
0x3dc: {  	v17 =	vor.u32 $0x7, v12;
	v11 =	vld.idx.msk [tilespmem:v11+s20+$0x0], $0xffff  }
0x3dd: {  	v18 =	vadd.s32 $0x1400, v9;
	_ =	sdelay $0x3  }
0x3de: {  	[tilespmem:v17+s19+$0x0] =	vst.idx.msk $0xffff, v11  }
0x3df: {  	v19 =	vor.u32 $0x8, v12;
	v11 =	vld.idx.msk [tilespmem:v18+s20+$0x0], $0xffff  }
0x3e0: {  	v20 =	vadd.s32 $0x1480, v9;
	_ =	sdelay $0x3  }
0x3e1: {  	[tilespmem:v19+s19+$0x0] =	vst.idx.msk $0xffff, v11  }
0x3e2: {  	v21 =	vor.u32 $0x9, v12;
	v11 =	vld.idx.msk [tilespmem:v20+s20+$0x0], $0xffff  }
0x3e3: {  	v22 =	vadd.s32 $0x1500, v9;
	_ =	sdelay $0x3  }
0x3e4: {  	[tilespmem:v21+s19+$0x0] =	vst.idx.msk $0xffff, v11  }
0x3e5: {  	v23 =	vor.u32 $0xA, v12;
	v11 =	vld.idx.msk [tilespmem:v22+s20+$0x0], $0xffff  }
0x3e6: {  	v24 =	vadd.s32 $0x1580, v9;
	_ =	sdelay $0x3  }
0x3e7: {  	[tilespmem:v23+s19+$0x0] =	vst.idx.msk $0xffff, v11  }
0x3e8: {  	v25 =	vor.u32 $0xB, v12;
	v11 =	vld.idx.msk [tilespmem:v24+s20+$0x0], $0xffff  }
0x3e9: {  	v26 =	vadd.s32 $0x1600, v9;
	_ =	sdelay $0x3  }
0x3ea: {  	[tilespmem:v25+s19+$0x0] =	vst.idx.msk $0xffff, v11  }
0x3eb: {  	v27 =	vor.u32 $0xC, v12;
	v11 =	vld.idx.msk [tilespmem:v26+s20+$0x0], $0xffff  }
0x3ec: {  	v28 =	vadd.s32 $0x1680, v9;
	_ =	sdelay $0x3  }
0x3ed: {  	[tilespmem:v27+s19+$0x0] =	vst.idx.msk $0xffff, v11  }
0x3ee: {  	v29 =	vor.u32 $0xD, v12;
	v11 =	vld.idx.msk [tilespmem:v28+s20+$0x0], $0xffff  }
0x3ef: {  	v30 =	vadd.s32 $0x1700, v9;
	_ =	sdelay $0x3  }
0x3f0: {  	[tilespmem:v29+s19+$0x0] =	vst.idx.msk $0xffff, v11  }
0x3f1: {  	v31 =	vor.u32 $0xE, v12;
	v11 =	vld.idx.msk [tilespmem:v30+s20+$0x0], $0xffff  }
0x3f2: {  	v32 =	vadd.s32 $0x1780, v9;
	_ =	sdelay $0x3  }
0x3f3: {  	[tilespmem:v31+s19+$0x0] =	vst.idx.msk $0xffff, v11  }
0x3f4: {  	v33 =	vor.u32 $0xF, v12;
	v11 =	vld.idx.msk [tilespmem:v32+s20+$0x0], $0xffff  }
0x3f5: {  	v34 =	vadd.s32 $0x2800, v9;
	_ =	sdelay $0x3  }
0x3f6: {  	[tilespmem:v33+s19+$0x0] =	vst.idx.msk $0xffff, v11  }
0x3f7: {  	v35 =	vor.u32 $0x10, v12;
	v11 =	vld.idx.msk [tilespmem:v34+s20+$0x0], $0xffff  }
0x3f8: {  	v36 =	vadd.s32 $0x2880, v9;
	_ =	sdelay $0x3  }
0x3f9: {  	[tilespmem:v35+s19+$0x0] =	vst.idx.msk $0xffff, v11  }
0x3fa: {  	v37 =	vor.u32 $0x11, v12;
	v11 =	vld.idx.msk [tilespmem:v36+s20+$0x0], $0xffff  }
0x3fb: {  	v38 =	vadd.s32 $0x2900, v9;
	_ =	sdelay $0x3  }
0x3fc: {  	[tilespmem:v37+s19+$0x0] =	vst.idx.msk $0xffff, v11  }
0x3fd: {  	v39 =	vor.u32 $0x12, v12;
	v11 =	vld.idx.msk [tilespmem:v38+s20+$0x0], $0xffff  }
0x3fe: {  	v40 =	vadd.s32 $0x2980, v9;
	_ =	sdelay $0x3  }
0x3ff: {  	[tilespmem:v39+s19+$0x0] =	vst.idx.msk $0xffff, v11  }
0x400: {  	v41 =	vor.u32 $0x13, v12;
	v11 =	vld.idx.msk [tilespmem:v40+s20+$0x0], $0xffff  }
0x401: {  	v42 =	vadd.s32 $0x2A00, v9;
	_ =	sdelay $0x3  }
0x402: {  	[tilespmem:v41+s19+$0x0] =	vst.idx.msk $0xffff, v11  }
0x403: {  	v43 =	vor.u32 $0x14, v12;
	v11 =	vld.idx.msk [tilespmem:v42+s20+$0x0], $0xffff  }
0x404: {  	v44 =	vadd.s32 $0x2A80, v9;
	_ =	sdelay $0x3  }
0x405: {  	[tilespmem:v43+s19+$0x0] =	vst.idx.msk $0xffff, v11  }
0x406: {  	v45 =	vor.u32 $0x15, v12;
	v11 =	vld.idx.msk [tilespmem:v44+s20+$0x0], $0xffff  }
0x407: {  	v46 =	vadd.s32 $0x2B00, v9;
	_ =	sdelay $0x3  }
0x408: {  	[tilespmem:v45+s19+$0x0] =	vst.idx.msk $0xffff, v11  }
0x409: {  	v47 =	vor.u32 $0x16, v12;
	v11 =	vld.idx.msk [tilespmem:v46+s20+$0x0], $0xffff  }
0x40a: {  	v48 =	vadd.s32 $0x2B80, v9;
	_ =	sdelay $0x3  }
0x40b: {  	[tilespmem:v47+s19+$0x0] =	vst.idx.msk $0xffff, v11  }
0x40c: {  	v49 =	vor.u32 $0x17, v12;
	v11 =	vld.idx.msk [tilespmem:v48+s20+$0x0], $0xffff  }
0x40d: {  	v50 =	vadd.s32 $0x3C00, v9;
	_ =	sdelay $0x3  }
0x40e: {  	[tilespmem:v49+s19+$0x0] =	vst.idx.msk $0xffff, v11  }
0x40f: {  	v51 =	vor.u32 $0x18, v12;
	v11 =	vld.idx.msk [tilespmem:v50+s20+$0x0], $0xffff  }
0x410: {  	v52 =	vadd.s32 $0x3C80, v9;
	_ =	sdelay $0x3  }
0x411: {  	[tilespmem:v51+s19+$0x0] =	vst.idx.msk $0xffff, v11  }
0x412: {  	v53 =	vor.u32 $0x19, v12;
	v11 =	vld.idx.msk [tilespmem:v52+s20+$0x0], $0xffff  }
0x413: {  	v54 =	vadd.s32 $0x3D00, v9;
	_ =	sdelay $0x3  }
0x414: {  	[tilespmem:v53+s19+$0x0] =	vst.idx.msk $0xffff, v11  }
0x415: {  	v55 =	vor.u32 $0x1A, v12;
	v11 =	vld.idx.msk [tilespmem:v54+s20+$0x0], $0xffff  }
0x416: {  	v56 =	vadd.s32 $0x3D80, v9;
	_ =	sdelay $0x3  }
0x417: {  	[tilespmem:v55+s19+$0x0] =	vst.idx.msk $0xffff, v11  }
0x418: {  	v57 =	vor.u32 $0x1B, v12;
	v11 =	vld.idx.msk [tilespmem:v56+s20+$0x0], $0xffff  }
0x419: {  	v58 =	vadd.s32 $0x3E00, v9;
	_ =	sdelay $0x3  }
0x41a: {  	[tilespmem:v57+s19+$0x0] =	vst.idx.msk $0xffff, v11  }
0x41b: {  	v59 =	vor.u32 $0x1C, v12;
	v11 =	vld.idx.msk [tilespmem:v58+s20+$0x0], $0xffff  }
0x41c: {  	v60 =	vadd.s32 $0x3E80, v9;
	_ =	sdelay $0x3  }
0x41d: {  	[tilespmem:v59+s19+$0x0] =	vst.idx.msk $0xffff, v11  }
0x41e: {  	v61 =	vor.u32 $0x1D, v12;
	v11 =	vld.idx.msk [tilespmem:v60+s20+$0x0], $0xffff  }
0x41f: {  	v62 =	vadd.s32 $0x3F00, v9;
	_ =	sdelay $0x3  }
0x420: {  	[tilespmem:v61+s19+$0x0] =	vst.idx.msk $0xffff, v11  }
0x421: {  	v63 =	vor.u32 $0x1E, v12;
	v11 =	vld.idx.msk [tilespmem:v62+s20+$0x0], $0xffff  }
0x422: {  	v9 =	vadd.s32 $0x3F80, v9;
	_ =	sdelay $0x3  }
0x423: {  	[tilespmem:v63+s19+$0x0] =	vst.idx.msk $0xffff, v11  }
0x424: {  	v10 =	vand.u32 $0x3FFF, v10;
	v11 =	vor.u32 $0x1F, v12;
	v9 =	vld.idx.msk [tilespmem:v9+s20+$0x0], $0xffff  }
0x425: {  	v10 =	vnsel vm2, $0x4010, v10  }
.Ltmp21:
0x426: {  	_ = 	snop;
	(pc) =	sbr.rel .LBB2_30-.Ltmp21, $4  }
0x427: {  	s31 =	sshll.u32 s24, $0xD  }
0x428: {  	s0 =	sshra.s32 s31, $0x2  }
0x429: {  	s23 =	sadd.s32 $0x1, s23;
	s0 =	sadd.s32 $0x1D980, s0;
	[tilespmem:v11+s19+$0x0] =	vst.idx.msk $0xffff, v9  }
0x42a: {  	[hbm4b:s4+s5] =	stream.indirect_vreg.scatter [tilespmem:s0], [sflag:$0x2], $0x80, v10, vm0, $0xb8;
	[tilespmem:$0x1E980] =	vst v63  }
.LBB2_27:
0x42b: {  	v9 =	vld [tilespmem:s25+$0x0];
	_ =	sdelay $0x4  }
0x42c: {  	v10 =	vand.u32 $0xFFFFFC00, v9  }
0x42d: {  	v9 =	vand.u32 $0x3FF, v9;
	vm2 =	veq.s32 v10, $0xF4000  }
0x42e: {  	v10 =	vnsel vm2, $0x0, v9  }
0x42f: {  	s0 =	sshrl.u32 s23, $0x1F;
	v9 =	vshll.u32 v10, $0x3  }
0x430: {  	s0 =	sadd.s32 s0, s23;
	v11 =	vand.u32 $0x7F, v10;
	v12 =	vand.u32 $0x1C00, v9  }
0x431: {  	p1 =	slt.s32 s23, $0x2;
	s0 =	sand.u32 $0xFFFFFFFE, s0;
	v9 =	vor.u32 v11, v12  }
0x432: {  	s26 =	simm.s32 @!p1 $0x2;
	s24 =	ssub.s32 s23, s0  }
0x433: {  	_ =	swait.ge @!p1 [sflag:s26], $0x800;
	s0 =	sshll.u32 s24, $0x4  }
0x434: {  	[sflag:s26] =	ssyncset.done @!p1 $0x0;
	v11 =	vmov s0  }
0x435: {  	[sflag:s26] =	ssyncadd.s32 @!p1 $0xFFFFF800;
	v11 =	vshll.u32 v11, $0x7  }
0x436: {  	v11 =	vor.u32 v8, v11;
	v13 =	vld.idx.msk [tilespmem:v9+s20+$0x0], $0xffff  }
0x437: {  	v14 =	vor.u32 $0x80, v9;
	_ =	sdelay $0x3  }
0x438: {  	[tilespmem:v11+s19+$0x0] =	vst.idx.msk $0xffff, v13  }
0x439: {  	v54 =	vor.u32 $0x1, v11;
	v13 =	vld.idx.msk [tilespmem:v14+s20+$0x0], $0xffff  }
0x43a: {  	v15 =	vor.u32 $0x100, v9;
	_ =	sdelay $0x3  }
0x43b: {  	[tilespmem:v54+s19+$0x0] =	vst.idx.msk $0xffff, v13  }
0x43c: {  	v55 =	vor.u32 $0x2, v11;
	v13 =	vld.idx.msk [tilespmem:v15+s20+$0x0], $0xffff  }
0x43d: {  	v56 =	vor.u32 $0x180, v9;
	_ =	sdelay $0x3  }
0x43e: {  	[tilespmem:v55+s19+$0x0] =	vst.idx.msk $0xffff, v13  }
0x43f: {  	v57 =	vor.u32 $0x3, v11;
	v13 =	vld.idx.msk [tilespmem:v56+s20+$0x0], $0xffff  }
0x440: {  	v58 =	vor.u32 $0x200, v9;
	_ =	sdelay $0x3  }
0x441: {  	[tilespmem:v57+s19+$0x0] =	vst.idx.msk $0xffff, v13  }
0x442: {  	v59 =	vor.u32 $0x4, v11;
	v13 =	vld.idx.msk [tilespmem:v58+s20+$0x0], $0xffff  }
0x443: {  	v60 =	vor.u32 $0x280, v9;
	_ =	sdelay $0x3  }
0x444: {  	[tilespmem:v59+s19+$0x0] =	vst.idx.msk $0xffff, v13  }
0x445: {  	v61 =	vor.u32 $0x5, v11;
	v13 =	vld.idx.msk [tilespmem:v60+s20+$0x0], $0xffff  }
0x446: {  	v62 =	vor.u32 $0x300, v9;
	_ =	sdelay $0x3  }
0x447: {  	[tilespmem:v61+s19+$0x0] =	vst.idx.msk $0xffff, v13  }
0x448: {  	v10 =	vor.u32 v10, v12;
	v16 =	vor.u32 $0x6, v11;
	v63 =	vld.idx.msk [tilespmem:v62+s20+$0x0], $0xffff  }
0x449: {  	v10 =	vor.u32 $0x380, v10;
	_ =	sdelay $0x3  }
0x44a: {  	[tilespmem:v16+s19+$0x0] =	vst.idx.msk $0xffff, v63  }
0x44b: {  	v17 =	vor.u32 $0x7, v11;
	v10 =	vld.idx.msk [tilespmem:v10+s20+$0x0], $0xffff  }
0x44c: {  	v18 =	vadd.s32 $0x1400, v9;
	_ =	sdelay $0x3  }
0x44d: {  	[tilespmem:v17+s19+$0x0] =	vst.idx.msk $0xffff, v10  }
0x44e: {  	v19 =	vor.u32 $0x8, v11;
	v10 =	vld.idx.msk [tilespmem:v18+s20+$0x0], $0xffff  }
0x44f: {  	v20 =	vadd.s32 $0x1480, v9;
	_ =	sdelay $0x3  }
0x450: {  	[tilespmem:v19+s19+$0x0] =	vst.idx.msk $0xffff, v10  }
0x451: {  	v21 =	vor.u32 $0x9, v11;
	v10 =	vld.idx.msk [tilespmem:v20+s20+$0x0], $0xffff  }
0x452: {  	v22 =	vadd.s32 $0x1500, v9;
	_ =	sdelay $0x3  }
0x453: {  	[tilespmem:v21+s19+$0x0] =	vst.idx.msk $0xffff, v10  }
0x454: {  	v23 =	vor.u32 $0xA, v11;
	v10 =	vld.idx.msk [tilespmem:v22+s20+$0x0], $0xffff  }
0x455: {  	v24 =	vadd.s32 $0x1580, v9;
	_ =	sdelay $0x3  }
0x456: {  	[tilespmem:v23+s19+$0x0] =	vst.idx.msk $0xffff, v10  }
0x457: {  	v25 =	vor.u32 $0xB, v11;
	v10 =	vld.idx.msk [tilespmem:v24+s20+$0x0], $0xffff  }
0x458: {  	v26 =	vadd.s32 $0x1600, v9;
	_ =	sdelay $0x3  }
0x459: {  	[tilespmem:v25+s19+$0x0] =	vst.idx.msk $0xffff, v10  }
0x45a: {  	v27 =	vor.u32 $0xC, v11;
	v10 =	vld.idx.msk [tilespmem:v26+s20+$0x0], $0xffff  }
0x45b: {  	v28 =	vadd.s32 $0x1680, v9;
	_ =	sdelay $0x3  }
0x45c: {  	[tilespmem:v27+s19+$0x0] =	vst.idx.msk $0xffff, v10  }
0x45d: {  	v29 =	vor.u32 $0xD, v11;
	v10 =	vld.idx.msk [tilespmem:v28+s20+$0x0], $0xffff  }
0x45e: {  	v30 =	vadd.s32 $0x1700, v9;
	_ =	sdelay $0x3  }
0x45f: {  	[tilespmem:v29+s19+$0x0] =	vst.idx.msk $0xffff, v10  }
0x460: {  	v31 =	vor.u32 $0xE, v11;
	v10 =	vld.idx.msk [tilespmem:v30+s20+$0x0], $0xffff  }
0x461: {  	v32 =	vadd.s32 $0x1780, v9;
	_ =	sdelay $0x3  }
0x462: {  	[tilespmem:v31+s19+$0x0] =	vst.idx.msk $0xffff, v10  }
0x463: {  	v33 =	vor.u32 $0xF, v11;
	v10 =	vld.idx.msk [tilespmem:v32+s20+$0x0], $0xffff  }
0x464: {  	v34 =	vadd.s32 $0x2800, v9;
	_ =	sdelay $0x3  }
0x465: {  	[tilespmem:v33+s19+$0x0] =	vst.idx.msk $0xffff, v10  }
0x466: {  	v35 =	vor.u32 $0x10, v11;
	v10 =	vld.idx.msk [tilespmem:v34+s20+$0x0], $0xffff  }
0x467: {  	v36 =	vadd.s32 $0x2880, v9;
	_ =	sdelay $0x3  }
0x468: {  	[tilespmem:v35+s19+$0x0] =	vst.idx.msk $0xffff, v10  }
0x469: {  	v37 =	vor.u32 $0x11, v11;
	v10 =	vld.idx.msk [tilespmem:v36+s20+$0x0], $0xffff  }
0x46a: {  	v38 =	vadd.s32 $0x2900, v9;
	_ =	sdelay $0x3  }
0x46b: {  	[tilespmem:v37+s19+$0x0] =	vst.idx.msk $0xffff, v10  }
0x46c: {  	v39 =	vor.u32 $0x12, v11;
	v10 =	vld.idx.msk [tilespmem:v38+s20+$0x0], $0xffff  }
0x46d: {  	v40 =	vadd.s32 $0x2980, v9;
	_ =	sdelay $0x3  }
0x46e: {  	[tilespmem:v39+s19+$0x0] =	vst.idx.msk $0xffff, v10  }
0x46f: {  	v41 =	vor.u32 $0x13, v11;
	v10 =	vld.idx.msk [tilespmem:v40+s20+$0x0], $0xffff  }
0x470: {  	v42 =	vadd.s32 $0x2A00, v9;
	_ =	sdelay $0x3  }
0x471: {  	[tilespmem:v41+s19+$0x0] =	vst.idx.msk $0xffff, v10  }
0x472: {  	v43 =	vor.u32 $0x14, v11;
	v10 =	vld.idx.msk [tilespmem:v42+s20+$0x0], $0xffff  }
0x473: {  	v44 =	vadd.s32 $0x2A80, v9;
	_ =	sdelay $0x3  }
0x474: {  	[tilespmem:v43+s19+$0x0] =	vst.idx.msk $0xffff, v10  }
0x475: {  	v45 =	vor.u32 $0x15, v11;
	v10 =	vld.idx.msk [tilespmem:v44+s20+$0x0], $0xffff  }
0x476: {  	v46 =	vadd.s32 $0x2B00, v9;
	_ =	sdelay $0x3  }
0x477: {  	[tilespmem:v45+s19+$0x0] =	vst.idx.msk $0xffff, v10  }
0x478: {  	v47 =	vor.u32 $0x16, v11;
	v10 =	vld.idx.msk [tilespmem:v46+s20+$0x0], $0xffff  }
0x479: {  	v48 =	vadd.s32 $0x2B80, v9;
	_ =	sdelay $0x3  }
0x47a: {  	[tilespmem:v47+s19+$0x0] =	vst.idx.msk $0xffff, v10  }
0x47b: {  	v49 =	vor.u32 $0x17, v11;
	v10 =	vld.idx.msk [tilespmem:v48+s20+$0x0], $0xffff  }
0x47c: {  	v50 =	vadd.s32 $0x3C00, v9;
	_ =	sdelay $0x3  }
0x47d: {  	[tilespmem:v49+s19+$0x0] =	vst.idx.msk $0xffff, v10  }
0x47e: {  	v51 =	vor.u32 $0x18, v11;
	v10 =	vld.idx.msk [tilespmem:v50+s20+$0x0], $0xffff  }
0x47f: {  	v52 =	vadd.s32 $0x3C80, v9;
	_ =	sdelay $0x3  }
0x480: {  	[tilespmem:v51+s19+$0x0] =	vst.idx.msk $0xffff, v10  }
0x481: {  	v53 =	vor.u32 $0x19, v11;
	v10 =	vld.idx.msk [tilespmem:v52+s20+$0x0], $0xffff  }
0x482: {  	v54 =	vadd.s32 $0x3D00, v9;
	_ =	sdelay $0x3  }
0x483: {  	[tilespmem:v53+s19+$0x0] =	vst.idx.msk $0xffff, v10  }
0x484: {  	v55 =	vor.u32 $0x1A, v11;
	v10 =	vld.idx.msk [tilespmem:v54+s20+$0x0], $0xffff  }
0x485: {  	v56 =	vadd.s32 $0x3D80, v9;
	_ =	sdelay $0x3  }
0x486: {  	[tilespmem:v55+s19+$0x0] =	vst.idx.msk $0xffff, v10  }
0x487: {  	v57 =	vor.u32 $0x1B, v11;
	v10 =	vld.idx.msk [tilespmem:v56+s20+$0x0], $0xffff  }
0x488: {  	v58 =	vadd.s32 $0x3E00, v9;
	_ =	sdelay $0x3  }
0x489: {  	[tilespmem:v57+s19+$0x0] =	vst.idx.msk $0xffff, v10  }
0x48a: {  	v59 =	vor.u32 $0x1C, v11;
	v10 =	vld.idx.msk [tilespmem:v58+s20+$0x0], $0xffff  }
0x48b: {  	v60 =	vadd.s32 $0x3E80, v9;
	_ =	sdelay $0x3  }
0x48c: {  	[tilespmem:v59+s19+$0x0] =	vst.idx.msk $0xffff, v10  }
0x48d: {  	v61 =	vor.u32 $0x1D, v11;
	v10 =	vld.idx.msk [tilespmem:v60+s20+$0x0], $0xffff  }
0x48e: {  	v62 =	vadd.s32 $0x3F00, v9;
	_ =	sdelay $0x3  }
0x48f: {  	[tilespmem:v61+s19+$0x0] =	vst.idx.msk $0xffff, v10  }
0x490: {  	v63 =	vor.u32 $0x1E, v11;
	v10 =	vld.idx.msk [tilespmem:v62+s20+$0x0], $0xffff  }
0x491: {  	v9 =	vadd.s32 $0x3F80, v9;
	_ =	sdelay $0x3  }
0x492: {  	[tilespmem:v63+s19+$0x0] =	vst.idx.msk $0xffff, v10  }
0x493: {  	v11 =	vor.u32 $0x1F, v11;
	v10 =	vld.idx.msk [tilespmem:v9+s20+$0x0], $0xffff;
	v9 =	vor.u32 s25, v3  }
0x494: {  	v9 =	vnsel vm2, $0x4010, v9;
	_ =	sdelay $0x1  }
0x495: {  	s31 =	sshll.u32 s24, $0xD  }
0x496: {  	s23 =	sadd.s32 $0x1, s23;
	s0 =	sshra.s32 s31, $0x2  }
0x497: {  	s24 =	simm.s32 $0x10;
	s26 =	sadd.s32 $0x1D980, s0;
	s25 =	simm.s32 $0x10;
	[tilespmem:v11+s19+$0x0] =	vst.idx.msk $0xffff, v10  }
.LBB2_28:
0x498: {  	[hbm4b:s4+s5] =	stream.indirect_vreg.scatter [tilespmem:s26], [sflag:$0x2], $0x80, v9, vm0, $0xb8;
	[tilespmem:$0x1E980] =	vst v63  }
0x499: {  	s26 =	smov.u32 s25;
	s25 =	sadd.s32 $0x10, s25;
	v9 =	vld [tilespmem:s24+$0x0]  }
0x49a: {  	p1 =	sne.s32 s25, $0x4000;
	_ =	sdelay $0x3  }
0x49b: {  	v10 =	vand.u32 $0xFFFFFC00, v9  }
0x49c: {  	v9 =	vand.u32 $0x3FF, v9;
	vm2 =	veq.s32 v10, $0xF4000  }
0x49d: {  	v10 =	vnsel vm2, $0x0, v9  }
0x49e: {  	v9 =	vshll.u32 v10, $0x3  }
0x49f: {  	s0 =	sshrl.u32 s23, $0x1F;
	v11 =	vand.u32 $0x7F, v10;
	v12 =	vand.u32 $0x1C00, v9  }
0x4a0: {  	p2 =	slt.s32 s23, $0x2;
	s0 =	sadd.s32 s0, s23;
	v9 =	vor.u32 v11, v12;
	v11 =	vor.u32 v10, v12  }
0x4a1: {  	s28 =	simm.s32 @!p2 $0x2;
	s0 =	sand.u32 $0xFFFFFFFE, s0  }
0x4a2: {  	s0 =	ssub.s32 s23, s0;
	_ =	swait.ge @!p2 [sflag:s28], $0x800  }
0x4a3: {  	s29 =	sshll.u32 s0, $0x4;
	s0 =	sshll.u32 s0, $0xD;
	[sflag:s28] =	ssyncset.done @!p2 $0x0  }
0x4a4: {  	v10 =	vmov s29;
	[sflag:s28] =	ssyncadd.s32 @!p2 $0xFFFFF800;
	s28 =	sshra.s32 s0, $0x2  }
0x4a5: {  	v10 =	vshll.u32 v10, $0x7;
	v12 =	vld.idx.msk [tilespmem:v9+s20+$0x0], $0xffff  }
0x4a6: {  	v10 =	vor.u32 v8, v10  }
0x4a7: {  	v13 =	vor.u32 $0x80, v9;
	_ =	sdelay $0x3  }
0x4a8: {  	[tilespmem:v10+s19+$0x0] =	vst.idx.msk $0xffff, v12  }
0x4a9: {  	v12 =	vld.idx.msk [tilespmem:v13+s20+$0x0], $0xffff  }
0x4aa: {  	v13 =	vor.u32 $0x1, v10  }
0x4ab: {  	v14 =	vor.u32 $0x100, v9;
	_ =	sdelay $0x3  }
0x4ac: {  	[tilespmem:v13+s19+$0x0] =	vst.idx.msk $0xffff, v12  }
0x4ad: {  	v12 =	vld.idx.msk [tilespmem:v14+s20+$0x0], $0xffff  }
0x4ae: {  	v13 =	vor.u32 $0x2, v10  }
0x4af: {  	v14 =	vor.u32 $0x180, v9;
	_ =	sdelay $0x3  }
0x4b0: {  	[tilespmem:v13+s19+$0x0] =	vst.idx.msk $0xffff, v12  }
0x4b1: {  	v12 =	vld.idx.msk [tilespmem:v14+s20+$0x0], $0xffff  }
0x4b2: {  	v13 =	vor.u32 $0x3, v10  }
0x4b3: {  	v14 =	vor.u32 $0x200, v9;
	_ =	sdelay $0x3  }
0x4b4: {  	[tilespmem:v13+s19+$0x0] =	vst.idx.msk $0xffff, v12  }
0x4b5: {  	v12 =	vld.idx.msk [tilespmem:v14+s20+$0x0], $0xffff  }
0x4b6: {  	v13 =	vor.u32 $0x4, v10  }
0x4b7: {  	v14 =	vor.u32 $0x280, v9;
	_ =	sdelay $0x3  }
0x4b8: {  	[tilespmem:v13+s19+$0x0] =	vst.idx.msk $0xffff, v12  }
0x4b9: {  	v12 =	vld.idx.msk [tilespmem:v14+s20+$0x0], $0xffff  }
0x4ba: {  	v13 =	vor.u32 $0x5, v10  }
0x4bb: {  	v14 =	vor.u32 $0x300, v9;
	_ =	sdelay $0x3  }
0x4bc: {  	[tilespmem:v13+s19+$0x0] =	vst.idx.msk $0xffff, v12  }
0x4bd: {  	v12 =	vld.idx.msk [tilespmem:v14+s20+$0x0], $0xffff  }
0x4be: {  	v13 =	vor.u32 $0x6, v10  }
0x4bf: {  	v11 =	vor.u32 $0x380, v11;
	_ =	sdelay $0x3  }
0x4c0: {  	[tilespmem:v13+s19+$0x0] =	vst.idx.msk $0xffff, v12  }
0x4c1: {  	v11 =	vld.idx.msk [tilespmem:v11+s20+$0x0], $0xffff  }
0x4c2: {  	v12 =	vor.u32 $0x7, v10  }
0x4c3: {  	v13 =	vadd.s32 $0x1400, v9;
	_ =	sdelay $0x3  }
0x4c4: {  	[tilespmem:v12+s19+$0x0] =	vst.idx.msk $0xffff, v11  }
0x4c5: {  	v11 =	vld.idx.msk [tilespmem:v13+s20+$0x0], $0xffff  }
0x4c6: {  	v12 =	vor.u32 $0x8, v10  }
0x4c7: {  	v13 =	vadd.s32 $0x1480, v9;
	_ =	sdelay $0x3  }
0x4c8: {  	[tilespmem:v12+s19+$0x0] =	vst.idx.msk $0xffff, v11  }
0x4c9: {  	v11 =	vld.idx.msk [tilespmem:v13+s20+$0x0], $0xffff  }
0x4ca: {  	v12 =	vor.u32 $0x9, v10  }
0x4cb: {  	v13 =	vadd.s32 $0x1500, v9;
	_ =	sdelay $0x3  }
0x4cc: {  	[tilespmem:v12+s19+$0x0] =	vst.idx.msk $0xffff, v11  }
0x4cd: {  	v11 =	vld.idx.msk [tilespmem:v13+s20+$0x0], $0xffff  }
0x4ce: {  	v12 =	vor.u32 $0xA, v10  }
0x4cf: {  	v13 =	vadd.s32 $0x1580, v9;
	_ =	sdelay $0x3  }
0x4d0: {  	[tilespmem:v12+s19+$0x0] =	vst.idx.msk $0xffff, v11  }
0x4d1: {  	v11 =	vld.idx.msk [tilespmem:v13+s20+$0x0], $0xffff  }
0x4d2: {  	v12 =	vor.u32 $0xB, v10  }
0x4d3: {  	v13 =	vadd.s32 $0x1600, v9;
	_ =	sdelay $0x3  }
0x4d4: {  	[tilespmem:v12+s19+$0x0] =	vst.idx.msk $0xffff, v11  }
0x4d5: {  	v11 =	vld.idx.msk [tilespmem:v13+s20+$0x0], $0xffff  }
0x4d6: {  	v12 =	vor.u32 $0xC, v10  }
0x4d7: {  	v13 =	vadd.s32 $0x1680, v9;
	_ =	sdelay $0x3  }
0x4d8: {  	[tilespmem:v12+s19+$0x0] =	vst.idx.msk $0xffff, v11  }
0x4d9: {  	v11 =	vld.idx.msk [tilespmem:v13+s20+$0x0], $0xffff  }
0x4da: {  	v12 =	vor.u32 $0xD, v10  }
0x4db: {  	v13 =	vadd.s32 $0x1700, v9;
	_ =	sdelay $0x3  }
0x4dc: {  	[tilespmem:v12+s19+$0x0] =	vst.idx.msk $0xffff, v11  }
0x4dd: {  	v11 =	vld.idx.msk [tilespmem:v13+s20+$0x0], $0xffff  }
0x4de: {  	v12 =	vor.u32 $0xE, v10  }
0x4df: {  	v13 =	vadd.s32 $0x1780, v9;
	_ =	sdelay $0x3  }
0x4e0: {  	[tilespmem:v12+s19+$0x0] =	vst.idx.msk $0xffff, v11  }
0x4e1: {  	v11 =	vld.idx.msk [tilespmem:v13+s20+$0x0], $0xffff  }
0x4e2: {  	v12 =	vor.u32 $0xF, v10  }
0x4e3: {  	v13 =	vadd.s32 $0x2800, v9;
	_ =	sdelay $0x3  }
0x4e4: {  	[tilespmem:v12+s19+$0x0] =	vst.idx.msk $0xffff, v11  }
0x4e5: {  	v11 =	vld.idx.msk [tilespmem:v13+s20+$0x0], $0xffff  }
0x4e6: {  	v12 =	vor.u32 $0x10, v10  }
0x4e7: {  	v13 =	vadd.s32 $0x2880, v9;
	_ =	sdelay $0x3  }
0x4e8: {  	[tilespmem:v12+s19+$0x0] =	vst.idx.msk $0xffff, v11  }
0x4e9: {  	v11 =	vld.idx.msk [tilespmem:v13+s20+$0x0], $0xffff  }
0x4ea: {  	v12 =	vor.u32 $0x11, v10  }
0x4eb: {  	v13 =	vadd.s32 $0x2900, v9;
	_ =	sdelay $0x3  }
0x4ec: {  	[tilespmem:v12+s19+$0x0] =	vst.idx.msk $0xffff, v11  }
0x4ed: {  	v11 =	vld.idx.msk [tilespmem:v13+s20+$0x0], $0xffff  }
0x4ee: {  	v12 =	vor.u32 $0x12, v10  }
0x4ef: {  	v13 =	vadd.s32 $0x2980, v9;
	_ =	sdelay $0x3  }
0x4f0: {  	[tilespmem:v12+s19+$0x0] =	vst.idx.msk $0xffff, v11  }
0x4f1: {  	v11 =	vld.idx.msk [tilespmem:v13+s20+$0x0], $0xffff  }
0x4f2: {  	v12 =	vor.u32 $0x13, v10  }
0x4f3: {  	v13 =	vadd.s32 $0x2A00, v9;
	_ =	sdelay $0x3  }
0x4f4: {  	[tilespmem:v12+s19+$0x0] =	vst.idx.msk $0xffff, v11  }
0x4f5: {  	v11 =	vld.idx.msk [tilespmem:v13+s20+$0x0], $0xffff  }
0x4f6: {  	v12 =	vor.u32 $0x14, v10  }
0x4f7: {  	v13 =	vadd.s32 $0x2A80, v9;
	_ =	sdelay $0x3  }
0x4f8: {  	[tilespmem:v12+s19+$0x0] =	vst.idx.msk $0xffff, v11  }
0x4f9: {  	v11 =	vld.idx.msk [tilespmem:v13+s20+$0x0], $0xffff  }
0x4fa: {  	v12 =	vor.u32 $0x15, v10  }
0x4fb: {  	v13 =	vadd.s32 $0x2B00, v9;
	_ =	sdelay $0x3  }
0x4fc: {  	[tilespmem:v12+s19+$0x0] =	vst.idx.msk $0xffff, v11  }
0x4fd: {  	v11 =	vld.idx.msk [tilespmem:v13+s20+$0x0], $0xffff  }
0x4fe: {  	v12 =	vor.u32 $0x16, v10  }
0x4ff: {  	v13 =	vadd.s32 $0x2B80, v9;
	_ =	sdelay $0x3  }
0x500: {  	[tilespmem:v12+s19+$0x0] =	vst.idx.msk $0xffff, v11  }
0x501: {  	v11 =	vld.idx.msk [tilespmem:v13+s20+$0x0], $0xffff  }
0x502: {  	v12 =	vor.u32 $0x17, v10  }
0x503: {  	v13 =	vadd.s32 $0x3C00, v9;
	_ =	sdelay $0x3  }
0x504: {  	[tilespmem:v12+s19+$0x0] =	vst.idx.msk $0xffff, v11  }
0x505: {  	v11 =	vld.idx.msk [tilespmem:v13+s20+$0x0], $0xffff  }
0x506: {  	v12 =	vor.u32 $0x18, v10  }
0x507: {  	v13 =	vadd.s32 $0x3C80, v9;
	_ =	sdelay $0x3  }
0x508: {  	[tilespmem:v12+s19+$0x0] =	vst.idx.msk $0xffff, v11  }
0x509: {  	v11 =	vld.idx.msk [tilespmem:v13+s20+$0x0], $0xffff  }
0x50a: {  	v12 =	vor.u32 $0x19, v10  }
0x50b: {  	v13 =	vadd.s32 $0x3D00, v9;
	_ =	sdelay $0x3  }
0x50c: {  	[tilespmem:v12+s19+$0x0] =	vst.idx.msk $0xffff, v11  }
0x50d: {  	v11 =	vld.idx.msk [tilespmem:v13+s20+$0x0], $0xffff  }
0x50e: {  	v12 =	vor.u32 $0x1A, v10  }
0x50f: {  	v13 =	vadd.s32 $0x3D80, v9;
	_ =	sdelay $0x3  }
0x510: {  	[tilespmem:v12+s19+$0x0] =	vst.idx.msk $0xffff, v11  }
0x511: {  	v11 =	vld.idx.msk [tilespmem:v13+s20+$0x0], $0xffff  }
0x512: {  	v12 =	vor.u32 $0x1B, v10  }
0x513: {  	v13 =	vadd.s32 $0x3E00, v9;
	_ =	sdelay $0x3  }
0x514: {  	[tilespmem:v12+s19+$0x0] =	vst.idx.msk $0xffff, v11  }
0x515: {  	v11 =	vld.idx.msk [tilespmem:v13+s20+$0x0], $0xffff  }
0x516: {  	v12 =	vor.u32 $0x1C, v10  }
0x517: {  	v13 =	vadd.s32 $0x3E80, v9;
	_ =	sdelay $0x3  }
0x518: {  	[tilespmem:v12+s19+$0x0] =	vst.idx.msk $0xffff, v11  }
0x519: {  	v11 =	vld.idx.msk [tilespmem:v13+s20+$0x0], $0xffff  }
0x51a: {  	v12 =	vor.u32 $0x1D, v10  }
0x51b: {  	v13 =	vadd.s32 $0x3F00, v9;
	_ =	sdelay $0x3  }
0x51c: {  	[tilespmem:v12+s19+$0x0] =	vst.idx.msk $0xffff, v11  }
0x51d: {  	v11 =	vld.idx.msk [tilespmem:v13+s20+$0x0], $0xffff  }
0x51e: {  	v12 =	vor.u32 $0x1E, v10  }
0x51f: {  	v9 =	vadd.s32 $0x3F80, v9;
	_ =	sdelay $0x3  }
0x520: {  	[tilespmem:v12+s19+$0x0] =	vst.idx.msk $0xffff, v11  }
0x521: {  	v11 =	vld.idx.msk [tilespmem:v9+s20+$0x0], $0xffff  }
0x522: {  	v10 =	vor.u32 $0x1F, v10;
	v9 =	vor.u32 s26, v3  }
.Ltmp22:
0x523: {  	v9 =	vnsel vm2, $0x4010, v9;
	(pc) =	sbr.rel @p1 .LBB2_28-.Ltmp22, $2  }
0x524: {  	_ =	sdelay $0x2  }
0x525: {  	s24 =	sadd.s32 $0x10, s24;
	s23 =	sadd.s32 $0x1, s23;
	s26 =	sadd.s32 $0x1D980, s28;
	[tilespmem:v10+s19+$0x0] =	vst.idx.msk $0xffff, v11  }
0x526: {  	_ =	sdelay $0x3  }
0x527: {  	[hbm4b:s4+s5] =	stream.indirect_vreg.scatter [tilespmem:s26], [sflag:$0x2], $0x80, v9, vm0, $0xb8;
	[tilespmem:$0x1E980] =	vst v63  }
.LBB2_30:
0x528: {  	p1 =	slt.s32 s23, $0x1  }
.Ltmp23:
0x529: {  	_ = 	snop;
	(pc) =	sbr.rel @p1 .LBB2_34-.Ltmp23, $1  }
0x52a: {  	_ =	sdelay $0x3  }
0x52b: {  	p1 =	slt.s32 s23, $0x2  }
0x52c: {  	s23 =	simm.s32 @!p1 $0x2  }
0x52d: {  	p1 =	sne.s32 s23, $0x1  }
.Ltmp24:
0x52e: {  	_ = 	snop;
	(pc) =	sbr.rel @!p1 .LBB2_33-.Ltmp24, $3  }
0x52f: {  	_ =	sdelay $0x1  }
0x530: {  	_ =	swait.ge [sflag:s21], $0x800  }
0x531: {  	[sflag:s21] =	ssyncset.done $0x0;
	s23 =	sadd.s32 $0xFFFFFFFF, s23  }
.LBB2_32:
0x532: {  	p1 =	sne.s32 s23, $0x1;
	s23 =	sadd.s32 $0xFFFFFFFF, s23;
	[sflag:s21] =	ssyncadd.s32 $0xFFFFF800  }
.Ltmp25:
0x533: {  	(pc) =	sbr.rel @p1 .LBB2_32-.Ltmp25, $3  }
0x534: {  	_ =	sdelay $0x1  }
0x535: {  	_ =	swait.ge [sflag:s21], $0x800  }
0x536: {  	[sflag:s21] =	ssyncset.done $0x0  }
.Ltmp26:
0x537: {  	_ = 	snop;
	(pc) =	sbr.rel .LBB2_33-.Ltmp26, $1  }
0x538: {  	_ =	sdelay $0x3  }
.LBB2_21:
.Ltmp27:
0x539: {  	(pc) =	sbr.rel .LBB2_26-.Ltmp27, $2  }
0x53a: {  	_ =	sdelay $0x2  }
0x53b: {  	s28 =	smov.u32 s23  }
.LBB2_23:
.Ltmp28:
0x53c: {  	(pc) =	sbr.rel .LBB2_26-.Ltmp28, $2  }
0x53d: {  	_ =	sdelay $0x2  }
0x53e: {  	s28 =	smov.u32 s23;
	s29 =	simm.s32 $0x10  }
.LBB2_35:
0x53f: {  	_ =	sfence.sel $0x180000  }
0x540: {  	[bflag:$0x0] =	sbarrier.arrive $0xFFFF  }
0x541: {  	_ =	strace $0x90000047  }
0x542: {  	[bflag:$0x2] =	sbarrier.arrive $0xFFFF  }
0x543: {  	p0 =	sne.s32 s6, $0x0;
	s0 =	rddreg [dreg:$0x4]  }
0x544: {  	s0 =	sadd.s32 @!p0 $0x100000, s0  }
0x545: {  	[sflag:s0] =	ssyncadd.tile.s32 @!p0 $0x1;
	_ =	shalt  }
.Lfunc_end2:
_tile_overlayer_lowered:
.L_overlay_start_2:
0x546: {  	(tag) =	ssettag $0x2  }
0x547: {  	s0 =	rddreg [dreg:$0x0];
	s2 =	stileid.u32  }
0x548: {  	s1 =	rddreg [dreg:$0x1];
	p0 =	sne.s32 s2, $0x0  }
0x549: {  	s3 =	rddreg [dreg:$0x2];
	[bflag:$0x3] =	sbarrier.arrive $0xFFFF;
	s2 =	simm.s32 @!p0 $0x1C03  }
0x54a: {  	[timem:s3], [sflag:s2] =	dma.local @!p0 [hbm:s0], s1  }
0x54b: {  	s0 =	simm.s32 @!p0 $0x3  }
0x54c: {  	_ =	swait.ge @!p0 [sflag:s0], s1  }
0x54d: {  	s1 =	ssub.s32 @!p0 $0x0, s1;
	[sflag:s0] =	ssyncset.done @!p0 $0x0  }
0x54e: {  	[sflag:s0] =	ssyncadd.s32 @!p0 s1  }
0x54f: {  	[bflag:$0x3] =	sbarrier.arrive $0xFFFF  }
0x550: {  	_ =	shalt  }

</sc_bundles>
